<compile_context>
chip_gen: v7x
topology: tpu7x:2x2x1
jax: 0.10.2.dev20260603
libtpu: 0.0.44.dev20260713+nightly
codegen_flags: <defaults>
</compile_context>

<pallas_src>
import functools

import jax
import jax.numpy as jnp
from jax import lax
from jax.experimental import pallas as pl
from jax.experimental.pallas import tpu as pltpu
from jax.experimental.pallas import tpu_sc as plsc

NC = 2
NS = 16
NW = NC * NS
L = 16
CHUNK = 80
BR = 25


def _make_sc_segment_sum(n, npad, d, nb, with_deg):
  rpt = npad // NS

  mesh = plsc.VectorSubcoreMesh(core_axis_name="c", subcore_axis_name="s")

  out_type = [jax.ShapeDtypeStruct((NC, npad, d), jnp.float32)]
  if with_deg:
    out_type.append(jax.ShapeDtypeStruct((NW, npad), jnp.float32))

  assert rpt % CHUNK == 0

  scratch = [
      pltpu.VMEM((2, BR, CHUNK), jnp.int32),
      pltpu.VMEM((2, BR, CHUNK), jnp.int32),
      pltpu.VMEM((CHUNK, d), jnp.float32),
      pltpu.VMEM((CHUNK, d), jnp.float32),
      pltpu.VMEM_SHARED((npad, d), jnp.float32),
      pltpu.SemaphoreType.DMA,
      pltpu.SemaphoreType.DMA,
      pltpu.SemaphoreType.DMA,
      pltpu.SemaphoreType.DMA,
  ]
  if with_deg:
    scratch.append(pltpu.VMEM((npad,), jnp.float32))

  def body(x_hbm, src_hbm, dst_hbm, zrows_hbm, zdeg_hbm,
           s_out, deg_out, src_v, dst_v, rows_v0, rows_v1, acc_sh,
           gsem0, gsem1, isem, xsem, degp):
    c = lax.axis_index("c")
    s = lax.axis_index("s")
    wid = c * NS + s

    pltpu.sync_copy(zrows_hbm, rows_v0)

    def zstep(r, carry):
      pltpu.sync_copy(rows_v0, acc_sh.at[pl.ds(s * rpt + r * CHUNK, CHUNK)])
      return carry

    lax.fori_loop(0, rpt // CHUNK, zstep, 0)
    if with_deg:
      pltpu.sync_copy(zdeg_hbm, degp)

    plsc.subcore_barrier()

    ones16 = jnp.full((L,), 1.0, jnp.float32)

    pltpu.sync_copy(src_hbm.at[wid, 0], src_v.at[0])
    pltpu.sync_copy(dst_hbm.at[wid, 0], dst_v.at[0])

    for b in range(nb):
      sv = src_v.at[b % 2]
      dv = dst_v.at[b % 2]
      if b + 1 < nb:
        pltpu.async_copy(src_hbm.at[wid, b + 1], src_v.at[(b + 1) % 2], isem)
        pltpu.async_copy(dst_hbm.at[wid, b + 1], dst_v.at[(b + 1) % 2], isem)

      def deg_add(j, dv=dv):
        if with_deg:
          for k in range(CHUNK // L):
            idx = dv[j, pl.ds(k * L, L)]
            plsc.addupdate_scatter(degp, [idx], ones16)

      pltpu.async_copy(x_hbm.at[sv.at[0]], rows_v0, gsem0)

      def pair(j2, carry2, sv=sv, dv=dv, deg_add=deg_add):
        j = 2 * j2

        @pl.when(j + 1 < BR)
        def _():
          pltpu.async_copy(x_hbm.at[sv.at[j + 1]], rows_v1, gsem1)

        pltpu.make_async_copy(x_hbm.at[sv.at[j]], rows_v0, gsem0).wait()
        pltpu.sync_copy(rows_v0, acc_sh.at[dv.at[j]], add=True)
        deg_add(j)

        @pl.when(j + 2 < BR)
        def _():
          pltpu.async_copy(x_hbm.at[sv.at[j + 2]], rows_v0, gsem0)

        @pl.when(j + 1 < BR)
        def _():
          pltpu.make_async_copy(
              x_hbm.at[sv.at[j + 1]], rows_v1, gsem1).wait()
          pltpu.sync_copy(rows_v1, acc_sh.at[dv.at[j + 1]], add=True)
          deg_add(j + 1)

        return carry2

      lax.fori_loop(0, (BR + 1) // 2, pair, 0)

      if b + 1 < nb:
        pltpu.make_async_copy(
            src_hbm.at[wid, b + 1], src_v.at[(b + 1) % 2], isem).wait()
        pltpu.make_async_copy(
            dst_hbm.at[wid, b + 1], dst_v.at[(b + 1) % 2], isem).wait()

    if with_deg:
      pltpu.sync_copy(degp, deg_out.at[wid])

    plsc.subcore_barrier()

    pltpu.sync_copy(acc_sh.at[pl.ds(s * rpt, rpt)],
                    s_out.at[c, pl.ds(s * rpt, rpt)])

  cp = pltpu.CompilerParams(needs_layout_passes=False)
  if with_deg:
    def body_wd(x_hbm, src_hbm, dst_hbm, zr, zd, s_out, deg_out,
                src_v, dst_v, rows_v0, rows_v1, acc_sh,
                gsem0, gsem1, isem, xsem, degp):
      body(x_hbm, src_hbm, dst_hbm, zr, zd, s_out, deg_out,
           src_v, dst_v, rows_v0, rows_v1, acc_sh,
           gsem0, gsem1, isem, xsem, degp)
    fn = pl.kernel(body_wd, out_type=tuple(out_type), mesh=mesh,
                   compiler_params=cp, scratch_types=scratch)
  else:
    def body_nd(x_hbm, src_hbm, dst_hbm, zr, zd, s_out,
                src_v, dst_v, rows_v0, rows_v1, acc_sh,
                gsem0, gsem1, isem, xsem):
      body(x_hbm, src_hbm, dst_hbm, zr, zd, s_out, None,
           src_v, dst_v, rows_v0, rows_v1, acc_sh,
           gsem0, gsem1, isem, xsem, None)
    fn = pl.kernel(body_nd, out_type=tuple(out_type), mesh=mesh,
                   compiler_params=cp, scratch_types=scratch)
  return fn


def _tc_layer1(s0_ref, s1_ref, d_ref, x_ref, wl_ref, bl_ref, wr_ref,
               o_ref, dsum_ref, *, bn):
  pid = pl.program_id(0)
  deg = jnp.sum(d_ref[:, pl.ds(pid * bn, bn)], axis=0)[:, None]
  dsum_ref[...] = jnp.maximum(deg, 1.0)
  agg = (s0_ref[...] + s1_ref[...]) / jnp.maximum(deg, 1.0)
  z = lax.dot_general(agg, wl_ref[...], (((1,), (1,)), ((), ())),
                      preferred_element_type=jnp.float32)
  z = z + bl_ref[...]
  z = z + lax.dot_general(x_ref[...], wr_ref[...], (((1,), (1,)), ((), ())),
                          preferred_element_type=jnp.float32)
  o_ref[...] = jnp.maximum(z, 0.0)


def _tc_layer2(s0_ref, s1_ref, d_ref, x_ref, wl_ref, bl_ref, wr_ref, o_ref):
  agg = (s0_ref[...] + s1_ref[...]) / d_ref[...]
  z = lax.dot_general(agg, wl_ref[...], (((1,), (1,)), ((), ())),
                      preferred_element_type=jnp.float32)
  z = z + bl_ref[...]
  z = z + lax.dot_general(x_ref[...], wr_ref[...], (((1,), (1,)), ((), ())),
                          preferred_element_type=jnp.float32)
  m = jnp.max(z, axis=1, keepdims=True)
  lse = jnp.log(jnp.sum(jnp.exp(z - m), axis=1, keepdims=True)) + m
  o_ref[...] = z - lse


def _tc_call1(s_parts, deg_parts, x, wl, bl, wr, bn):
  n, d = x.shape
  npad = deg_parts.shape[1]
  grid = ((n + bn - 1) // bn,)
  row_spec = pl.BlockSpec((bn, d), lambda i: (i, 0))
  deg_spec = pl.BlockSpec((NW, npad), lambda i: (0, 0))
  w_spec = pl.BlockSpec((d, d), lambda i: (0, 0))
  b_spec = pl.BlockSpec((1, d), lambda i: (0, 0))
  dsum_spec = pl.BlockSpec((bn, 1), lambda i: (i, 0))
  return pl.pallas_call(
      functools.partial(_tc_layer1, bn=bn),
      grid=grid,
      in_specs=[row_spec, row_spec, deg_spec, row_spec,
                w_spec, b_spec, w_spec],
      out_specs=(row_spec, dsum_spec),
      out_shape=(jax.ShapeDtypeStruct((n, d), jnp.float32),
                 jax.ShapeDtypeStruct((grid[0] * bn, 1), jnp.float32)),
  )(s_parts[0], s_parts[1], deg_parts, x, wl, bl.reshape(1, d), wr)


def _tc_call2(s_parts, dsum, x, wl, bl, wr, bn):
  n, d = x.shape
  grid = ((n + bn - 1) // bn,)
  row_spec = pl.BlockSpec((bn, d), lambda i: (i, 0))
  dsum_spec = pl.BlockSpec((bn, 1), lambda i: (i, 0))
  w_spec = pl.BlockSpec((d, d), lambda i: (0, 0))
  b_spec = pl.BlockSpec((1, d), lambda i: (0, 0))
  return pl.pallas_call(
      _tc_layer2,
      grid=grid,
      in_specs=[row_spec, row_spec, dsum_spec, row_spec,
                w_spec, b_spec, w_spec],
      out_specs=row_spec,
      out_shape=jax.ShapeDtypeStruct((n, d), jnp.float32),
  )(s_parts[0], s_parts[1], dsum, x, wl, bl.reshape(1, d), wr)


@jax.jit
def kernel(x, edge_index, Wl1, bl1, Wr1, Wl2, bl2, Wr2):
  n, d = x.shape
  e = edge_index.shape[1]
  epb = BR * CHUNK
  assert e % (NW * epb) == 0
  nb = e // (NW * epb)
  bn = 5120
  npad = ((n + bn - 1) // bn) * bn
  assert npad % (8 * NS) == 0

  ei = edge_index.astype(jnp.int32)
  src4 = ei[0].reshape(NW, nb, BR, CHUNK)
  dst4 = ei[1].reshape(NW, nb, BR, CHUNK)

  zrows = jnp.zeros((CHUNK, d), jnp.float32)
  zdeg = jnp.zeros((npad,), jnp.float32)

  sc_l1 = _make_sc_segment_sum(n, npad, d, nb, with_deg=True)
  sc_l2 = _make_sc_segment_sum(n, npad, d, nb, with_deg=False)

  s1_parts, deg_parts = sc_l1(x, src4, dst4, zrows, zdeg)
  h, dsum = _tc_call1(s1_parts, deg_parts, x, Wl1, bl1, Wr1, bn)

  (s2_parts,) = sc_l2(h, src4, dst4, zrows, zdeg)
  out = _tc_call2(s2_parts, dsum, h, Wl2, bl2, Wr2, bn)
  return out

# --- scband reference (transcript-rebuilt; emitter-appended) ---
"""Pipeline reference for scband-graph-sagemodel-68676527063150 (READ-ONLY COPY).

The authoritative reference and input builder live on the scoring server;
editing this copy changes nothing except your own understanding.
"""

import jax, jax.numpy as jnp
import numpy as np

N = 10000
E = 320000
D_IN = 128
D_H = 128
D_OUT = 128


def setup_inputs(seed: int = 0) -> dict:
    key = jax.random.key(seed)
    ks = jax.random.split(key, 8)
    x = jax.random.normal(ks[0], (N, D_IN), dtype=jnp.float32)
    edge_index = jax.random.randint(ks[1], (2, E), 0, N, dtype=jnp.int64)
    s1 = 1.0 / np.sqrt(D_IN)
    s2 = 1.0 / np.sqrt(D_H)
    Wl1 = jax.random.uniform(ks[2], (D_H, D_IN), jnp.float32, -s1, s1)
    bl1 = jnp.zeros((D_H,), jnp.float32)
    Wr1 = jax.random.uniform(ks[3], (D_H, D_IN), jnp.float32, -s1, s1)
    Wl2 = jax.random.uniform(ks[4], (D_OUT, D_H), jnp.float32, -s2, s2)
    bl2 = jnp.zeros((D_OUT,), jnp.float32)
    Wr2 = jax.random.uniform(ks[5], (D_OUT, D_H), jnp.float32, -s2, s2)
    return {"x": x, "edge_index": edge_index, "Wl1": Wl1, "bl1": bl1, "Wr1": Wr1, "Wl2": Wl2, "bl2": bl2, "Wr2": Wr2}


def _sage_conv(x, edge_index, Wl, bl, Wr):
    src = edge_index[0]
    dst = edge_index[1]
    msgs = jnp.take(x, src, axis=0)
    agg = jax.ops.segment_sum(msgs, dst, num_segments=N)
    deg = jax.ops.segment_sum(jnp.ones((msgs.shape[0],), dtype=x.dtype), dst, num_segments=N)
    agg = agg / jnp.clip(deg, 1.0, None)[:, None]
    return agg @ Wl.T + bl + x @ Wr.T


def reference(x, edge_index, Wl1, bl1, Wr1, Wl2, bl2, Wr2):
    h = _sage_conv(x, edge_index, Wl1, bl1, Wr1)
    h = jax.nn.relu(h)
    # dropout p=0.5 is identity in eval mode
    h = _sage_conv(h, edge_index, Wl2, bl2, Wr2)
    return jax.nn.log_softmax(h, axis=1)

if __name__ == "__main__":
    import jax
    _d = setup_inputs()
    print(jax.jit(kernel)(*tuple(_d.values())))

</pallas_src>

<mosaic_0001>
#map = affine_map<(d0, d1) -> (0, 0)>
#map1 = affine_map<(d0, d1) -> (0, 0, 0, 0)>
#map2 = affine_map<(d0, d1) -> (0)>
#map3 = affine_map<(d0, d1) -> (0, 0, 0)>
module attributes {stable_mosaic.version = 14 : i64} {
  func.func @body_wd(%arg0: i32, %arg1: i32, %arg2: memref<10000x128xf32, #tpu.memory_space<hbm>>, %arg3: memref<32x5x25x80xi32, #tpu.memory_space<hbm>>, %arg4: memref<32x5x25x80xi32, #tpu.memory_space<hbm>>, %arg5: memref<80x128xf32, #tpu.memory_space<hbm>>, %arg6: memref<10240xf32, #tpu.memory_space<hbm>>, %arg7: memref<2x10240x128xf32, #tpu.memory_space<hbm>>, %arg8: memref<32x10240xf32, #tpu.memory_space<hbm>>, %arg9: memref<2x25x80xi32, #tpu.memory_space<vmem>>, %arg10: memref<2x25x80xi32, #tpu.memory_space<vmem>>, %arg11: memref<80x128xf32, #tpu.memory_space<vmem>>, %arg12: memref<80x128xf32, #tpu.memory_space<vmem>>, %arg13: memref<10240x128xf32, #tpu.memory_space<vmem_shared>>, %arg14: memref<!tpu.dma_semaphore, #tpu.memory_space<semaphore_mem>>, %arg15: memref<!tpu.dma_semaphore, #tpu.memory_space<semaphore_mem>>, %arg16: memref<!tpu.dma_semaphore, #tpu.memory_space<semaphore_mem>>, %arg17: memref<!tpu.dma_semaphore, #tpu.memory_space<semaphore_mem>>, %arg18: memref<10240xf32, #tpu.memory_space<vmem>>) attributes {dimension_semantics = [#tpu.dimension_semantics<core_parallel>, #tpu.dimension_semantics<subcore_parallel>], iteration_bounds = array<i64: 2, 16>, scalar_prefetch = 0 : i64, scratch_operands = 10 : i64, tpu.core_type = #tpu.core_type<sc_vector_subcore>, window_params = [{transform_indices = #map}, {transform_indices = #map1}, {transform_indices = #map1}, {transform_indices = #map}, {transform_indices = #map2}, {transform_indices = #map3}, {transform_indices = #map}]} {
    %mul3A = arith.constant 16 : i32
    %mul3A_0 = arith.muli %arg0, %mul3A : i32
    %add3A = arith.addi %mul3A_0, %arg1 : i32
    "tpu.region"() ({
      %run_scoped3A_401 = tpu.sem_alloc : memref<!tpu.dma_semaphore, #tpu.memory_space<semaphore_mem>>
      tpu.enqueue_dma source(%arg5 : memref<80x128xf32, #tpu.memory_space<hbm>>) target(%arg11 : memref<80x128xf32, #tpu.memory_space<vmem>>) target_semaphore(%run_scoped3A_401 : memref<!tpu.dma_semaphore, #tpu.memory_space<semaphore_mem>>)
      tpu.wait_dma2 semaphore(%run_scoped3A_401 : memref<!tpu.dma_semaphore, #tpu.memory_space<semaphore_mem>>) src(%arg5 : memref<80x128xf32, #tpu.memory_space<hbm>>) dst(%arg11 : memref<80x128xf32, #tpu.memory_space<vmem>>)
      tpu.yield
    }) : () -> ()
    %scan3A = arith.constant 0 : i32
    %scan3A_1 = arith.constant 0 : i32
    %scan3A_2 = arith.constant 8 : i32
    %scan3A_3 = arith.addi %scan3A_1, %scan3A_2 : i32
    %scan3A_4 = arith.constant 1 : i32
    scf.for %scan3A_401 = %scan3A_1 to %scan3A_3 step %scan3A_4  : i32 {
      %mul3A_402 = arith.constant 640 : i32
      %mul3A_403 = arith.muli %arg1, %mul3A_402 : i32
      %mul3A_404 = arith.constant 80 : i32
      %mul3A_405 = arith.muli %scan3A_401, %mul3A_404 : i32
      %add3A_406 = arith.addi %mul3A_403, %mul3A_405 : i32
      "tpu.region"() ({
        %run_scoped3A_407 = tpu.sem_alloc : memref<!tpu.dma_semaphore, #tpu.memory_space<semaphore_mem>>
        %dma_start3A_408 = arith.constant 0 : i32
        %dma_start3A_409 = tpu.memref_slice %arg13[%add3A_406, %dma_start3A_408] : memref<10240x128xf32, #tpu.memory_space<vmem_shared>> -> memref<80x128xf32, #tpu.memory_space<vmem_shared>>
        %dma_start3A_410 = arith.constant 0 : i32
        %dma_start3A_411 = tpu.memref_slice %arg13[%add3A_406, %dma_start3A_410] : memref<10240x128xf32, #tpu.memory_space<vmem_shared>> -> memref<80x128xf32, #tpu.memory_space<vmem_shared>>
        tpu.enqueue_dma source(%arg11 : memref<80x128xf32, #tpu.memory_space<vmem>>) target(%dma_start3A_411 : memref<80x128xf32, #tpu.memory_space<vmem_shared>>) target_semaphore(%run_scoped3A_407 : memref<!tpu.dma_semaphore, #tpu.memory_space<semaphore_mem>>)
        %dma_wait3A_412 = arith.constant 0 : i32
        %dma_wait3A_413 = tpu.memref_slice %arg13[%add3A_406, %dma_wait3A_412] : memref<10240x128xf32, #tpu.memory_space<vmem_shared>> -> memref<80x128xf32, #tpu.memory_space<vmem_shared>>
        %dma_wait3A_414 = arith.constant 0 : i32
        %dma_wait3A_415 = tpu.memref_slice %arg13[%add3A_406, %dma_wait3A_414] : memref<10240x128xf32, #tpu.memory_space<vmem_shared>> -> memref<80x128xf32, #tpu.memory_space<vmem_shared>>
        tpu.wait_dma2 semaphore(%run_scoped3A_407 : memref<!tpu.dma_semaphore, #tpu.memory_space<semaphore_mem>>) src(%arg11 : memref<80x128xf32, #tpu.memory_space<vmem>>) dst(%dma_wait3A_415 : memref<80x128xf32, #tpu.memory_space<vmem_shared>>)
        tpu.yield
      }) : () -> ()
    }
    %scan3A_5 = arith.constant 8 : i32
    "tpu.region"() ({
      %run_scoped3A_401 = tpu.sem_alloc : memref<!tpu.dma_semaphore, #tpu.memory_space<semaphore_mem>>
      tpu.enqueue_dma source(%arg6 : memref<10240xf32, #tpu.memory_space<hbm>>) target(%arg18 : memref<10240xf32, #tpu.memory_space<vmem>>) target_semaphore(%run_scoped3A_401 : memref<!tpu.dma_semaphore, #tpu.memory_space<semaphore_mem>>)
      tpu.wait_dma2 semaphore(%run_scoped3A_401 : memref<!tpu.dma_semaphore, #tpu.memory_space<semaphore_mem>>) src(%arg6 : memref<10240xf32, #tpu.memory_space<hbm>>) dst(%arg18 : memref<10240xf32, #tpu.memory_space<vmem>>)
      tpu.yield
    }) : () -> ()
    %barrier3A = arith.constant 0 : index
    tpu.barrier barrier_id(%barrier3A)
    %broadcast_in_dim3A = arith.constant 1.000000e+00 : f32
    %broadcast_in_dim3A_6 = vector.broadcast %broadcast_in_dim3A : f32 to vector<16xf32>
    %run_scoped3A = arith.constant 0 : i32
    %run_scoped3A_7 = arith.constant 0 : i32
    "tpu.region"() ({
      %run_scoped3A_401 = tpu.sem_alloc : memref<!tpu.dma_semaphore, #tpu.memory_space<semaphore_mem>>
      %dma_start3A_402 = arith.constant 0 : i32
      %dma_start3A_403 = arith.constant 0 : i32
      %dma_start3A_404 = tpu.memref_slice %arg9[%run_scoped3A_7, %dma_start3A_402, %dma_start3A_403] : memref<2x25x80xi32, #tpu.memory_space<vmem>> -> memref<1x25x80xi32, #tpu.memory_space<vmem>>
      %dma_start3A_405 = tpu.memref_squeeze %dma_start3A_404 : memref<1x25x80xi32, #tpu.memory_space<vmem>> -> memref<25x80xi32, #tpu.memory_space<vmem>>
      %dma_start3A_406 = arith.constant 0 : i32
      %dma_start3A_407 = arith.constant 0 : i32
      %dma_start3A_408 = tpu.memref_slice %arg3[%add3A, %run_scoped3A, %dma_start3A_406, %dma_start3A_407] : memref<32x5x25x80xi32, #tpu.memory_space<hbm>> -> memref<1x1x25x80xi32, #tpu.memory_space<hbm>>
      %dma_start3A_409 = tpu.memref_squeeze %dma_start3A_408 : memref<1x1x25x80xi32, #tpu.memory_space<hbm>> -> memref<25x80xi32, #tpu.memory_space<hbm>>
      %dma_start3A_410 = arith.constant 0 : i32
      %dma_start3A_411 = arith.constant 0 : i32
      %dma_start3A_412 = tpu.memref_slice %arg9[%run_scoped3A_7, %dma_start3A_410, %dma_start3A_411] : memref<2x25x80xi32, #tpu.memory_space<vmem>> -> memref<1x25x80xi32, #tpu.memory_space<vmem>>
      %dma_start3A_413 = tpu.memref_squeeze %dma_start3A_412 : memref<1x25x80xi32, #tpu.memory_space<vmem>> -> memref<25x80xi32, #tpu.memory_space<vmem>>
      %dma_start3A_414 = arith.constant 0 : i32
      %dma_start3A_415 = arith.constant 0 : i32
      %dma_start3A_416 = tpu.memref_slice %arg3[%add3A, %run_scoped3A, %dma_start3A_414, %dma_start3A_415] : memref<32x5x25x80xi32, #tpu.memory_space<hbm>> -> memref<1x1x25x80xi32, #tpu.memory_space<hbm>>
      %dma_start3A_417 = tpu.memref_squeeze %dma_start3A_416 : memref<1x1x25x80xi32, #tpu.memory_space<hbm>> -> memref<25x80xi32, #tpu.memory_space<hbm>>
      tpu.enqueue_dma source(%dma_start3A_417 : memref<25x80xi32, #tpu.memory_space<hbm>>) target(%dma_start3A_413 : memref<25x80xi32, #tpu.memory_space<vmem>>) target_semaphore(%run_scoped3A_401 : memref<!tpu.dma_semaphore, #tpu.memory_space<semaphore_mem>>)
      %dma_wait3A_418 = arith.constant 0 : i32
      %dma_wait3A_419 = arith.constant 0 : i32
      %dma_wait3A_420 = tpu.memref_slice %arg9[%run_scoped3A_7, %dma_wait3A_418, %dma_wait3A_419] : memref<2x25x80xi32, #tpu.memory_space<vmem>> -> memref<1x25x80xi32, #tpu.memory_space<vmem>>
      %dma_wait3A_421 = tpu.memref_squeeze %dma_wait3A_420 : memref<1x25x80xi32, #tpu.memory_space<vmem>> -> memref<25x80xi32, #tpu.memory_space<vmem>>
      %dma_wait3A_422 = arith.constant 0 : i32
      %dma_wait3A_423 = arith.constant 0 : i32
      %dma_wait3A_424 = tpu.memref_slice %arg3[%add3A, %run_scoped3A, %dma_wait3A_422, %dma_wait3A_423] : memref<32x5x25x80xi32, #tpu.memory_space<hbm>> -> memref<1x1x25x80xi32, #tpu.memory_space<hbm>>
      %dma_wait3A_425 = tpu.memref_squeeze %dma_wait3A_424 : memref<1x1x25x80xi32, #tpu.memory_space<hbm>> -> memref<25x80xi32, #tpu.memory_space<hbm>>
      %dma_wait3A_426 = arith.constant 0 : i32
      %dma_wait3A_427 = arith.constant 0 : i32
      %dma_wait3A_428 = tpu.memref_slice %arg9[%run_scoped3A_7, %dma_wait3A_426, %dma_wait3A_427] : memref<2x25x80xi32, #tpu.memory_space<vmem>> -> memref<1x25x80xi32, #tpu.memory_space<vmem>>
      %dma_wait3A_429 = tpu.memref_squeeze %dma_wait3A_428 : memref<1x25x80xi32, #tpu.memory_space<vmem>> -> memref<25x80xi32, #tpu.memory_space<vmem>>
      %dma_wait3A_430 = arith.constant 0 : i32
      %dma_wait3A_431 = arith.constant 0 : i32
      %dma_wait3A_432 = tpu.memref_slice %arg3[%add3A, %run_scoped3A, %dma_wait3A_430, %dma_wait3A_431] : memref<32x5x25x80xi32, #tpu.memory_space<hbm>> -> memref<1x1x25x80xi32, #tpu.memory_space<hbm>>
      %dma_wait3A_433 = tpu.memref_squeeze %dma_wait3A_432 : memref<1x1x25x80xi32, #tpu.memory_space<hbm>> -> memref<25x80xi32, #tpu.memory_space<hbm>>
      tpu.wait_dma2 semaphore(%run_scoped3A_401 : memref<!tpu.dma_semaphore, #tpu.memory_space<semaphore_mem>>) src(%dma_wait3A_433 : memref<25x80xi32, #tpu.memory_space<hbm>>) dst(%dma_wait3A_429 : memref<25x80xi32, #tpu.memory_space<vmem>>)
      tpu.yield
    }) : () -> ()
    %run_scoped3A_8 = arith.constant 0 : i32
    %run_scoped3A_9 = arith.constant 0 : i32
    "tpu.region"() ({
      %run_scoped3A_401 = tpu.sem_alloc : memref<!tpu.dma_semaphore, #tpu.memory_space<semaphore_mem>>
      %dma_start3A_402 = arith.constant 0 : i32
      %dma_start3A_403 = arith.constant 0 : i32
      %dma_start3A_404 = tpu.memref_slice %arg10[%run_scoped3A_9, %dma_start3A_402, %dma_start3A_403] : memref<2x25x80xi32, #tpu.memory_space<vmem>> -> memref<1x25x80xi32, #tpu.memory_space<vmem>>
      %dma_start3A_405 = tpu.memref_squeeze %dma_start3A_404 : memref<1x25x80xi32, #tpu.memory_space<vmem>> -> memref<25x80xi32, #tpu.memory_space<vmem>>
      %dma_start3A_406 = arith.constant 0 : i32
      %dma_start3A_407 = arith.constant 0 : i32
      %dma_start3A_408 = tpu.memref_slice %arg4[%add3A, %run_scoped3A_8, %dma_start3A_406, %dma_start3A_407] : memref<32x5x25x80xi32, #tpu.memory_space<hbm>> -> memref<1x1x25x80xi32, #tpu.memory_space<hbm>>
      %dma_start3A_409 = tpu.memref_squeeze %dma_start3A_408 : memref<1x1x25x80xi32, #tpu.memory_space<hbm>> -> memref<25x80xi32, #tpu.memory_space<hbm>>
      %dma_start3A_410 = arith.constant 0 : i32
      %dma_start3A_411 = arith.constant 0 : i32
      %dma_start3A_412 = tpu.memref_slice %arg10[%run_scoped3A_9, %dma_start3A_410, %dma_start3A_411] : memref<2x25x80xi32, #tpu.memory_space<vmem>> -> memref<1x25x80xi32, #tpu.memory_space<vmem>>
      %dma_start3A_413 = tpu.memref_squeeze %dma_start3A_412 : memref<1x25x80xi32, #tpu.memory_space<vmem>> -> memref<25x80xi32, #tpu.memory_space<vmem>>
      %dma_start3A_414 = arith.constant 0 : i32
      %dma_start3A_415 = arith.constant 0 : i32
      %dma_start3A_416 = tpu.memref_slice %arg4[%add3A, %run_scoped3A_8, %dma_start3A_414, %dma_start3A_415] : memref<32x5x25x80xi32, #tpu.memory_space<hbm>> -> memref<1x1x25x80xi32, #tpu.memory_space<hbm>>
      %dma_start3A_417 = tpu.memref_squeeze %dma_start3A_416 : memref<1x1x25x80xi32, #tpu.memory_space<hbm>> -> memref<25x80xi32, #tpu.memory_space<hbm>>
      tpu.enqueue_dma source(%dma_start3A_417 : memref<25x80xi32, #tpu.memory_space<hbm>>) target(%dma_start3A_413 : memref<25x80xi32, #tpu.memory_space<vmem>>) target_semaphore(%run_scoped3A_401 : memref<!tpu.dma_semaphore, #tpu.memory_space<semaphore_mem>>)
      %dma_wait3A_418 = arith.constant 0 : i32
      %dma_wait3A_419 = arith.constant 0 : i32
      %dma_wait3A_420 = tpu.memref_slice %arg10[%run_scoped3A_9, %dma_wait3A_418, %dma_wait3A_419] : memref<2x25x80xi32, #tpu.memory_space<vmem>> -> memref<1x25x80xi32, #tpu.memory_space<vmem>>
      %dma_wait3A_421 = tpu.memref_squeeze %dma_wait3A_420 : memref<1x25x80xi32, #tpu.memory_space<vmem>> -> memref<25x80xi32, #tpu.memory_space<vmem>>
      %dma_wait3A_422 = arith.constant 0 : i32
      %dma_wait3A_423 = arith.constant 0 : i32
      %dma_wait3A_424 = tpu.memref_slice %arg4[%add3A, %run_scoped3A_8, %dma_wait3A_422, %dma_wait3A_423] : memref<32x5x25x80xi32, #tpu.memory_space<hbm>> -> memref<1x1x25x80xi32, #tpu.memory_space<hbm>>
      %dma_wait3A_425 = tpu.memref_squeeze %dma_wait3A_424 : memref<1x1x25x80xi32, #tpu.memory_space<hbm>> -> memref<25x80xi32, #tpu.memory_space<hbm>>
      %dma_wait3A_426 = arith.constant 0 : i32
      %dma_wait3A_427 = arith.constant 0 : i32
      %dma_wait3A_428 = tpu.memref_slice %arg10[%run_scoped3A_9, %dma_wait3A_426, %dma_wait3A_427] : memref<2x25x80xi32, #tpu.memory_space<vmem>> -> memref<1x25x80xi32, #tpu.memory_space<vmem>>
      %dma_wait3A_429 = tpu.memref_squeeze %dma_wait3A_428 : memref<1x25x80xi32, #tpu.memory_space<vmem>> -> memref<25x80xi32, #tpu.memory_space<vmem>>
      %dma_wait3A_430 = arith.constant 0 : i32
      %dma_wait3A_431 = arith.constant 0 : i32
      %dma_wait3A_432 = tpu.memref_slice %arg4[%add3A, %run_scoped3A_8, %dma_wait3A_430, %dma_wait3A_431] : memref<32x5x25x80xi32, #tpu.memory_space<hbm>> -> memref<1x1x25x80xi32, #tpu.memory_space<hbm>>
      %dma_wait3A_433 = tpu.memref_squeeze %dma_wait3A_432 : memref<1x1x25x80xi32, #tpu.memory_space<hbm>> -> memref<25x80xi32, #tpu.memory_space<hbm>>
      tpu.wait_dma2 semaphore(%run_scoped3A_401 : memref<!tpu.dma_semaphore, #tpu.memory_space<semaphore_mem>>) src(%dma_wait3A_433 : memref<25x80xi32, #tpu.memory_space<hbm>>) dst(%dma_wait3A_429 : memref<25x80xi32, #tpu.memory_space<vmem>>)
      tpu.yield
    }) : () -> ()
    %dma_start3A = arith.constant 1 : i32
    %dma_start3A_10 = arith.constant 1 : i32
    %dma_start3A_11 = arith.constant 0 : i32
    %dma_start3A_12 = arith.constant 0 : i32
    %dma_start3A_13 = tpu.memref_slice %arg9[%dma_start3A_10, %dma_start3A_11, %dma_start3A_12] : memref<2x25x80xi32, #tpu.memory_space<vmem>> -> memref<1x25x80xi32, #tpu.memory_space<vmem>>
    %dma_start3A_14 = tpu.memref_squeeze %dma_start3A_13 : memref<1x25x80xi32, #tpu.memory_space<vmem>> -> memref<25x80xi32, #tpu.memory_space<vmem>>
    %dma_start3A_15 = arith.constant 0 : i32
    %dma_start3A_16 = arith.constant 0 : i32
    %dma_start3A_17 = tpu.memref_slice %arg3[%add3A, %dma_start3A, %dma_start3A_15, %dma_start3A_16] : memref<32x5x25x80xi32, #tpu.memory_space<hbm>> -> memref<1x1x25x80xi32, #tpu.memory_space<hbm>>
    %dma_start3A_18 = tpu.memref_squeeze %dma_start3A_17 : memref<1x1x25x80xi32, #tpu.memory_space<hbm>> -> memref<25x80xi32, #tpu.memory_space<hbm>>
    %dma_start3A_19 = arith.constant 0 : i32
    %dma_start3A_20 = arith.constant 0 : i32
    %dma_start3A_21 = tpu.memref_slice %arg9[%dma_start3A_10, %dma_start3A_19, %dma_start3A_20] : memref<2x25x80xi32, #tpu.memory_space<vmem>> -> memref<1x25x80xi32, #tpu.memory_space<vmem>>
    %dma_start3A_22 = tpu.memref_squeeze %dma_start3A_21 : memref<1x25x80xi32, #tpu.memory_space<vmem>> -> memref<25x80xi32, #tpu.memory_space<vmem>>
    %dma_start3A_23 = arith.constant 0 : i32
    %dma_start3A_24 = arith.constant 0 : i32
    %dma_start3A_25 = tpu.memref_slice %arg3[%add3A, %dma_start3A, %dma_start3A_23, %dma_start3A_24] : memref<32x5x25x80xi32, #tpu.memory_space<hbm>> -> memref<1x1x25x80xi32, #tpu.memory_space<hbm>>
    %dma_start3A_26 = tpu.memref_squeeze %dma_start3A_25 : memref<1x1x25x80xi32, #tpu.memory_space<hbm>> -> memref<25x80xi32, #tpu.memory_space<hbm>>
    tpu.enqueue_dma source(%dma_start3A_26 : memref<25x80xi32, #tpu.memory_space<hbm>>) target(%dma_start3A_22 : memref<25x80xi32, #tpu.memory_space<vmem>>) target_semaphore(%arg16 : memref<!tpu.dma_semaphore, #tpu.memory_space<semaphore_mem>>)
    %dma_start3A_27 = arith.constant 1 : i32
    %dma_start3A_28 = arith.constant 1 : i32
    %dma_start3A_29 = arith.constant 0 : i32
    %dma_start3A_30 = arith.constant 0 : i32
    %dma_start3A_31 = tpu.memref_slice %arg10[%dma_start3A_28, %dma_start3A_29, %dma_start3A_30] : memref<2x25x80xi32, #tpu.memory_space<vmem>> -> memref<1x25x80xi32, #tpu.memory_space<vmem>>
    %dma_start3A_32 = tpu.memref_squeeze %dma_start3A_31 : memref<1x25x80xi32, #tpu.memory_space<vmem>> -> memref<25x80xi32, #tpu.memory_space<vmem>>
    %dma_start3A_33 = arith.constant 0 : i32
    %dma_start3A_34 = arith.constant 0 : i32
    %dma_start3A_35 = tpu.memref_slice %arg4[%add3A, %dma_start3A_27, %dma_start3A_33, %dma_start3A_34] : memref<32x5x25x80xi32, #tpu.memory_space<hbm>> -> memref<1x1x25x80xi32, #tpu.memory_space<hbm>>
    %dma_start3A_36 = tpu.memref_squeeze %dma_start3A_35 : memref<1x1x25x80xi32, #tpu.memory_space<hbm>> -> memref<25x80xi32, #tpu.memory_space<hbm>>
    %dma_start3A_37 = arith.constant 0 : i32
    %dma_start3A_38 = arith.constant 0 : i32
    %dma_start3A_39 = tpu.memref_slice %arg10[%dma_start3A_28, %dma_start3A_37, %dma_start3A_38] : memref<2x25x80xi32, #tpu.memory_space<vmem>> -> memref<1x25x80xi32, #tpu.memory_space<vmem>>
    %dma_start3A_40 = tpu.memref_squeeze %dma_start3A_39 : memref<1x25x80xi32, #tpu.memory_space<vmem>> -> memref<25x80xi32, #tpu.memory_space<vmem>>
    %dma_start3A_41 = arith.constant 0 : i32
    %dma_start3A_42 = arith.constant 0 : i32
    %dma_start3A_43 = tpu.memref_slice %arg4[%add3A, %dma_start3A_27, %dma_start3A_41, %dma_start3A_42] : memref<32x5x25x80xi32, #tpu.memory_space<hbm>> -> memref<1x1x25x80xi32, #tpu.memory_space<hbm>>
    %dma_start3A_44 = tpu.memref_squeeze %dma_start3A_43 : memref<1x1x25x80xi32, #tpu.memory_space<hbm>> -> memref<25x80xi32, #tpu.memory_space<hbm>>
    tpu.enqueue_dma source(%dma_start3A_44 : memref<25x80xi32, #tpu.memory_space<hbm>>) target(%dma_start3A_40 : memref<25x80xi32, #tpu.memory_space<vmem>>) target_semaphore(%arg16 : memref<!tpu.dma_semaphore, #tpu.memory_space<semaphore_mem>>)
    %dma_start3A_45 = arith.constant 0 : i32
    %dma_start3A_46 = arith.constant 0 : i32
    %dma_start3A_47 = arith.constant 0 : i32
    %dma_start3A_48 = arith.constant 0 : i32
    %dma_start3A_49 = tpu.memref_slice %arg9[%dma_start3A_45, %dma_start3A_47, %dma_start3A_48] : memref<2x25x80xi32, #tpu.memory_space<vmem>> -> memref<1x25x80xi32, #tpu.memory_space<vmem>>
    %dma_start3A_50 = tpu.memref_squeeze %dma_start3A_49 : memref<1x25x80xi32, #tpu.memory_space<vmem>> -> memref<25x80xi32, #tpu.memory_space<vmem>>
    %dma_start3A_51 = arith.constant 0 : i32
    %dma_start3A_52 = tpu.memref_slice %dma_start3A_50[%dma_start3A_46, %dma_start3A_51] : memref<25x80xi32, #tpu.memory_space<vmem>> -> memref<1x80xi32, #tpu.memory_space<vmem>>
    %dma_start3A_53 = tpu.memref_squeeze %dma_start3A_52 : memref<1x80xi32, #tpu.memory_space<vmem>> -> memref<80xi32, #tpu.memory_space<vmem>>
    %dma_start3A_54 = arith.constant 0 : i32
    %dma_start3A_55 = arith.constant 0 : i32
    %dma_start3A_56 = tpu.memref_slice %arg2[%dma_start3A_54, %dma_start3A_55] : memref<10000x128xf32, #tpu.memory_space<hbm>> -> memref<10000x128xf32, #tpu.memory_space<hbm>>
    tpu.enqueue_indirect_dma source(%dma_start3A_56 : memref<10000x128xf32, #tpu.memory_space<hbm>>) target(%arg11 : memref<80x128xf32, #tpu.memory_space<vmem>>) offsets(%dma_start3A_53 : memref<80xi32, #tpu.memory_space<vmem>>) semaphore(%arg14 : memref<!tpu.dma_semaphore, #tpu.memory_space<semaphore_mem>>)
    %scan3A_57 = arith.constant 0 : i32
    %scan3A_58 = arith.constant 0 : i32
    %scan3A_59 = arith.constant 0 : i32
    %scan3A_60 = arith.constant 0 : i32
    %scan3A_61 = arith.constant 13 : i32
    %scan3A_62 = arith.addi %scan3A_60, %scan3A_61 : i32
    %scan3A_63 = arith.constant 1 : i32
    scf.for %scan3A_401 = %scan3A_60 to %scan3A_62 step %scan3A_63  : i32 {
      %mul3A_402 = arith.constant 2 : i32
      %mul3A_403 = arith.muli %mul3A_402, %scan3A_401 : i32
      %add3A_404 = arith.constant 1 : i32
      %add3A_405 = arith.addi %mul3A_403, %add3A_404 : i32
      %lt3A = arith.constant 25 : i32
      %lt3A_406 = arith.cmpi slt, %add3A_405, %lt3A : i32
      %convert_element_type3A = arith.extui %lt3A_406 : i1 to i32
      %cond3A = arith.constant 0 : i32
      %cond3A_407 = arith.cmpi ne, %convert_element_type3A, %cond3A : i32
      scf.if %cond3A_407 {
        %add3A_466 = arith.constant 1 : i32
        %add3A_467 = arith.addi %mul3A_403, %add3A_466 : i32
        %dma_start3A_468 = arith.constant 0 : i32
        %dma_start3A_469 = arith.constant 0 : i32
        %dma_start3A_470 = tpu.memref_slice %arg9[%scan3A_58, %dma_start3A_468, %dma_start3A_469] : memref<2x25x80xi32, #tpu.memory_space<vmem>> -> memref<1x25x80xi32, #tpu.memory_space<vmem>>
        %dma_start3A_471 = tpu.memref_squeeze %dma_start3A_470 : memref<1x25x80xi32, #tpu.memory_space<vmem>> -> memref<25x80xi32, #tpu.memory_space<vmem>>
        %dma_start3A_472 = arith.constant 0 : i32
        %dma_start3A_473 = tpu.memref_slice %dma_start3A_471[%add3A_467, %dma_start3A_472] : memref<25x80xi32, #tpu.memory_space<vmem>> -> memref<1x80xi32, #tpu.memory_space<vmem>>
        %dma_start3A_474 = tpu.memref_squeeze %dma_start3A_473 : memref<1x80xi32, #tpu.memory_space<vmem>> -> memref<80xi32, #tpu.memory_space<vmem>>
        %dma_start3A_475 = arith.constant 0 : i32
        %dma_start3A_476 = arith.constant 0 : i32
        %dma_start3A_477 = tpu.memref_slice %arg2[%dma_start3A_475, %dma_start3A_476] : memref<10000x128xf32, #tpu.memory_space<hbm>> -> memref<10000x128xf32, #tpu.memory_space<hbm>>
        tpu.enqueue_indirect_dma source(%dma_start3A_477 : memref<10000x128xf32, #tpu.memory_space<hbm>>) target(%arg12 : memref<80x128xf32, #tpu.memory_space<vmem>>) offsets(%dma_start3A_474 : memref<80xi32, #tpu.memory_space<vmem>>) semaphore(%arg15 : memref<!tpu.dma_semaphore, #tpu.memory_space<semaphore_mem>>)
      } else {
      }
      %dma_wait3A_408 = arith.constant 0 : i32
      %dma_wait3A_409 = arith.constant 0 : i32
      %dma_wait3A_410 = tpu.memref_slice %arg9[%scan3A_58, %dma_wait3A_408, %dma_wait3A_409] : memref<2x25x80xi32, #tpu.memory_space<vmem>> -> memref<1x25x80xi32, #tpu.memory_space<vmem>>
      %dma_wait3A_411 = tpu.memref_squeeze %dma_wait3A_410 : memref<1x25x80xi32, #tpu.memory_space<vmem>> -> memref<25x80xi32, #tpu.memory_space<vmem>>
      %dma_wait3A_412 = arith.constant 0 : i32
      %dma_wait3A_413 = tpu.memref_slice %dma_wait3A_411[%mul3A_403, %dma_wait3A_412] : memref<25x80xi32, #tpu.memory_space<vmem>> -> memref<1x80xi32, #tpu.memory_space<vmem>>
      %dma_wait3A_414 = tpu.memref_squeeze %dma_wait3A_413 : memref<1x80xi32, #tpu.memory_space<vmem>> -> memref<80xi32, #tpu.memory_space<vmem>>
      %dma_wait3A_415 = arith.constant 0 : i32
      %dma_wait3A_416 = arith.constant 0 : i32
      %dma_wait3A_417 = tpu.memref_slice %arg2[%dma_wait3A_415, %dma_wait3A_416] : memref<10000x128xf32, #tpu.memory_space<hbm>> -> memref<10000x128xf32, #tpu.memory_space<hbm>>
      tpu.wait_indirect_dma semaphore(%arg14 : memref<!tpu.dma_semaphore, #tpu.memory_space<semaphore_mem>>) src(%dma_wait3A_417 : memref<10000x128xf32, #tpu.memory_space<hbm>>) dst(%arg11 : memref<80x128xf32, #tpu.memory_space<vmem>>)
      "tpu.region"() ({
        %run_scoped3A_466 = tpu.sem_alloc : memref<!tpu.dma_semaphore, #tpu.memory_space<semaphore_mem>>
        %dma_start3A_467 = arith.constant 0 : i32
        %dma_start3A_468 = arith.constant 0 : i32
        %dma_start3A_469 = tpu.memref_slice %arg10[%scan3A_59, %dma_start3A_467, %dma_start3A_468] : memref<2x25x80xi32, #tpu.memory_space<vmem>> -> memref<1x25x80xi32, #tpu.memory_space<vmem>>
        %dma_start3A_470 = tpu.memref_squeeze %dma_start3A_469 : memref<1x25x80xi32, #tpu.memory_space<vmem>> -> memref<25x80xi32, #tpu.memory_space<vmem>>
        %dma_start3A_471 = arith.constant 0 : i32
        %dma_start3A_472 = tpu.memref_slice %dma_start3A_470[%mul3A_403, %dma_start3A_471] : memref<25x80xi32, #tpu.memory_space<vmem>> -> memref<1x80xi32, #tpu.memory_space<vmem>>
        %dma_start3A_473 = tpu.memref_squeeze %dma_start3A_472 : memref<1x80xi32, #tpu.memory_space<vmem>> -> memref<80xi32, #tpu.memory_space<vmem>>
        %dma_start3A_474 = arith.constant 0 : i32
        %dma_start3A_475 = arith.constant 0 : i32
        %dma_start3A_476 = tpu.memref_slice %arg13[%dma_start3A_474, %dma_start3A_475] : memref<10240x128xf32, #tpu.memory_space<vmem_shared>> -> memref<10240x128xf32, #tpu.memory_space<vmem_shared>>
        tpu.enqueue_indirect_dma source(%arg11 : memref<80x128xf32, #tpu.memory_space<vmem>>) target(%dma_start3A_476 : memref<10240x128xf32, #tpu.memory_space<vmem_shared>>) offsets(%dma_start3A_473 : memref<80xi32, #tpu.memory_space<vmem>>) semaphore(%run_scoped3A_466 : memref<!tpu.dma_semaphore, #tpu.memory_space<semaphore_mem>>) {add = true}
        %dma_wait3A_477 = arith.constant 0 : i32
        %dma_wait3A_478 = arith.constant 0 : i32
        %dma_wait3A_479 = tpu.memref_slice %arg10[%scan3A_59, %dma_wait3A_477, %dma_wait3A_478] : memref<2x25x80xi32, #tpu.memory_space<vmem>> -> memref<1x25x80xi32, #tpu.memory_space<vmem>>
        %dma_wait3A_480 = tpu.memref_squeeze %dma_wait3A_479 : memref<1x25x80xi32, #tpu.memory_space<vmem>> -> memref<25x80xi32, #tpu.memory_space<vmem>>
        %dma_wait3A_481 = arith.constant 0 : i32
        %dma_wait3A_482 = tpu.memref_slice %dma_wait3A_480[%mul3A_403, %dma_wait3A_481] : memref<25x80xi32, #tpu.memory_space<vmem>> -> memref<1x80xi32, #tpu.memory_space<vmem>>
        %dma_wait3A_483 = tpu.memref_squeeze %dma_wait3A_482 : memref<1x80xi32, #tpu.memory_space<vmem>> -> memref<80xi32, #tpu.memory_space<vmem>>
        %dma_wait3A_484 = arith.constant 0 : i32
        %dma_wait3A_485 = arith.constant 0 : i32
        %dma_wait3A_486 = tpu.memref_slice %arg13[%dma_wait3A_484, %dma_wait3A_485] : memref<10240x128xf32, #tpu.memory_space<vmem_shared>> -> memref<10240x128xf32, #tpu.memory_space<vmem_shared>>
        tpu.wait_indirect_dma semaphore(%run_scoped3A_466 : memref<!tpu.dma_semaphore, #tpu.memory_space<semaphore_mem>>) src(%arg11 : memref<80x128xf32, #tpu.memory_space<vmem>>) dst(%dma_wait3A_486 : memref<10240x128xf32, #tpu.memory_space<vmem_shared>>)
        tpu.yield
      }) : () -> ()
      %get3A = arith.constant 0 : i32
      %get3A_418 = arith.constant 0 : i32
      %get3A_419 = tpu.memref_slice %arg10[%scan3A_59, %get3A, %get3A_418] : memref<2x25x80xi32, #tpu.memory_space<vmem>> -> memref<1x25x80xi32, #tpu.memory_space<vmem>>
      %get3A_420 = tpu.memref_squeeze %get3A_419 : memref<1x25x80xi32, #tpu.memory_space<vmem>> -> memref<25x80xi32, #tpu.memory_space<vmem>>
      %get3A_421 = arith.index_cast %mul3A_403 : i32 to index
      %get3A_422 = arith.constant 0 : index
      %get3A_423 = tpu.vector_load %get3A_420[%get3A_421, %get3A_422] {strides = array<i32>} : memref<25x80xi32, #tpu.memory_space<vmem>>, vector<16xi32>,
      tpu.vector_store_idx %arg18[%get3A_423], %broadcast_in_dim3A_6 {add = true} : memref<10240xf32, #tpu.memory_space<vmem>>[vector<16xi32>], vector<16xf32>,
      %get3A_424 = arith.constant 0 : i32
      %get3A_425 = arith.constant 0 : i32
      %get3A_426 = tpu.memref_slice %arg10[%scan3A_59, %get3A_424, %get3A_425] : memref<2x25x80xi32, #tpu.memory_space<vmem>> -> memref<1x25x80xi32, #tpu.memory_space<vmem>>
      %get3A_427 = tpu.memref_squeeze %get3A_426 : memref<1x25x80xi32, #tpu.memory_space<vmem>> -> memref<25x80xi32, #tpu.memory_space<vmem>>
      %get3A_428 = arith.index_cast %mul3A_403 : i32 to index
      %get3A_429 = arith.constant 16 : index
      %get3A_430 = tpu.vector_load %get3A_427[%get3A_428, %get3A_429] {strides = array<i32>} : memref<25x80xi32, #tpu.memory_space<vmem>>, vector<16xi32>,
      tpu.vector_store_idx %arg18[%get3A_430], %broadcast_in_dim3A_6 {add = true} : memref<10240xf32, #tpu.memory_space<vmem>>[vector<16xi32>], vector<16xf32>,
      %get3A_431 = arith.constant 0 : i32
      %get3A_432 = arith.constant 0 : i32
      %get3A_433 = tpu.memref_slice %arg10[%scan3A_59, %get3A_431, %get3A_432] : memref<2x25x80xi32, #tpu.memory_space<vmem>> -> memref<1x25x80xi32, #tpu.memory_space<vmem>>
      %get3A_434 = tpu.memref_squeeze %get3A_433 : memref<1x25x80xi32, #tpu.memory_space<vmem>> -> memref<25x80xi32, #tpu.memory_space<vmem>>
      %get3A_435 = arith.index_cast %mul3A_403 : i32 to index
      %get3A_436 = arith.constant 32 : index
      %get3A_437 = tpu.vector_load %get3A_434[%get3A_435, %get3A_436] {strides = array<i32>} : memref<25x80xi32, #tpu.memory_space<vmem>>, vector<16xi32>,
      tpu.vector_store_idx %arg18[%get3A_437], %broadcast_in_dim3A_6 {add = true} : memref<10240xf32, #tpu.memory_space<vmem>>[vector<16xi32>], vector<16xf32>,
      %get3A_438 = arith.constant 0 : i32
      %get3A_439 = arith.constant 0 : i32
      %get3A_440 = tpu.memref_slice %arg10[%scan3A_59, %get3A_438, %get3A_439] : memref<2x25x80xi32, #tpu.memory_space<vmem>> -> memref<1x25x80xi32, #tpu.memory_space<vmem>>
      %get3A_441 = tpu.memref_squeeze %get3A_440 : memref<1x25x80xi32, #tpu.memory_space<vmem>> -> memref<25x80xi32, #tpu.memory_space<vmem>>
      %get3A_442 = arith.index_cast %mul3A_403 : i32 to index
      %get3A_443 = arith.constant 48 : index
      %get3A_444 = tpu.vector_load %get3A_441[%get3A_442, %get3A_443] {strides = array<i32>} : memref<25x80xi32, #tpu.memory_space<vmem>>, vector<16xi32>,
      tpu.vector_store_idx %arg18[%get3A_444], %broadcast_in_dim3A_6 {add = true} : memref<10240xf32, #tpu.memory_space<vmem>>[vector<16xi32>], vector<16xf32>,
      %get3A_445 = arith.constant 0 : i32
      %get3A_446 = arith.constant 0 : i32
      %get3A_447 = tpu.memref_slice %arg10[%scan3A_59, %get3A_445, %get3A_446] : memref<2x25x80xi32, #tpu.memory_space<vmem>> -> memref<1x25x80xi32, #tpu.memory_space<vmem>>
      %get3A_448 = tpu.memref_squeeze %get3A_447 : memref<1x25x80xi32, #tpu.memory_space<vmem>> -> memref<25x80xi32, #tpu.memory_space<vmem>>
      %get3A_449 = arith.index_cast %mul3A_403 : i32 to index
      %get3A_450 = arith.constant 64 : index
      %get3A_451 = tpu.vector_load %get3A_448[%get3A_449, %get3A_450] {strides = array<i32>} : memref<25x80xi32, #tpu.memory_space<vmem>>, vector<16xi32>,
      tpu.vector_store_idx %arg18[%get3A_451], %broadcast_in_dim3A_6 {add = true} : memref<10240xf32, #tpu.memory_space<vmem>>[vector<16xi32>], vector<16xf32>,
      %add3A_452 = arith.constant 2 : i32
      %add3A_453 = arith.addi %mul3A_403, %add3A_452 : i32
      %lt3A_454 = arith.constant 25 : i32
      %lt3A_455 = arith.cmpi slt, %add3A_453, %lt3A_454 : i32
      %convert_element_type3A_456 = arith.extui %lt3A_455 : i1 to i32
      %cond3A_457 = arith.constant 0 : i32
      %cond3A_458 = arith.cmpi ne, %convert_element_type3A_456, %cond3A_457 : i32
      scf.if %cond3A_458 {
        %add3A_466 = arith.constant 2 : i32
        %add3A_467 = arith.addi %mul3A_403, %add3A_466 : i32
        %dma_start3A_468 = arith.constant 0 : i32
        %dma_start3A_469 = arith.constant 0 : i32
        %dma_start3A_470 = tpu.memref_slice %arg9[%scan3A_58, %dma_start3A_468, %dma_start3A_469] : memref<2x25x80xi32, #tpu.memory_space<vmem>> -> memref<1x25x80xi32, #tpu.memory_space<vmem>>
        %dma_start3A_471 = tpu.memref_squeeze %dma_start3A_470 : memref<1x25x80xi32, #tpu.memory_space<vmem>> -> memref<25x80xi32, #tpu.memory_space<vmem>>
        %dma_start3A_472 = arith.constant 0 : i32
        %dma_start3A_473 = tpu.memref_slice %dma_start3A_471[%add3A_467, %dma_start3A_472] : memref<25x80xi32, #tpu.memory_space<vmem>> -> memref<1x80xi32, #tpu.memory_space<vmem>>
        %dma_start3A_474 = tpu.memref_squeeze %dma_start3A_473 : memref<1x80xi32, #tpu.memory_space<vmem>> -> memref<80xi32, #tpu.memory_space<vmem>>
        %dma_start3A_475 = arith.constant 0 : i32
        %dma_start3A_476 = arith.constant 0 : i32
        %dma_start3A_477 = tpu.memref_slice %arg2[%dma_start3A_475, %dma_start3A_476] : memref<10000x128xf32, #tpu.memory_space<hbm>> -> memref<10000x128xf32, #tpu.memory_space<hbm>>
        tpu.enqueue_indirect_dma source(%dma_start3A_477 : memref<10000x128xf32, #tpu.memory_space<hbm>>) target(%arg11 : memref<80x128xf32, #tpu.memory_space<vmem>>) offsets(%dma_start3A_474 : memref<80xi32, #tpu.memory_space<vmem>>) semaphore(%arg14 : memref<!tpu.dma_semaphore, #tpu.memory_space<semaphore_mem>>)
      } else {
      }
      %add3A_459 = arith.constant 1 : i32
      %add3A_460 = arith.addi %mul3A_403, %add3A_459 : i32
      %lt3A_461 = arith.constant 25 : i32
      %lt3A_462 = arith.cmpi slt, %add3A_460, %lt3A_461 : i32
      %convert_element_type3A_463 = arith.extui %lt3A_462 : i1 to i32
      %cond3A_464 = arith.constant 0 : i32
      %cond3A_465 = arith.cmpi ne, %convert_element_type3A_463, %cond3A_464 : i32
      scf.if %cond3A_465 {
        %add3A_466 = arith.constant 1 : i32
        %add3A_467 = arith.addi %mul3A_403, %add3A_466 : i32
        %dma_wait3A_468 = arith.constant 0 : i32
        %dma_wait3A_469 = arith.constant 0 : i32
        %dma_wait3A_470 = tpu.memref_slice %arg9[%scan3A_58, %dma_wait3A_468, %dma_wait3A_469] : memref<2x25x80xi32, #tpu.memory_space<vmem>> -> memref<1x25x80xi32, #tpu.memory_space<vmem>>
        %dma_wait3A_471 = tpu.memref_squeeze %dma_wait3A_470 : memref<1x25x80xi32, #tpu.memory_space<vmem>> -> memref<25x80xi32, #tpu.memory_space<vmem>>
        %dma_wait3A_472 = arith.constant 0 : i32
        %dma_wait3A_473 = tpu.memref_slice %dma_wait3A_471[%add3A_467, %dma_wait3A_472] : memref<25x80xi32, #tpu.memory_space<vmem>> -> memref<1x80xi32, #tpu.memory_space<vmem>>
        %dma_wait3A_474 = tpu.memref_squeeze %dma_wait3A_473 : memref<1x80xi32, #tpu.memory_space<vmem>> -> memref<80xi32, #tpu.memory_space<vmem>>
        %dma_wait3A_475 = arith.constant 0 : i32
        %dma_wait3A_476 = arith.constant 0 : i32
        %dma_wait3A_477 = tpu.memref_slice %arg2[%dma_wait3A_475, %dma_wait3A_476] : memref<10000x128xf32, #tpu.memory_space<hbm>> -> memref<10000x128xf32, #tpu.memory_space<hbm>>
        tpu.wait_indirect_dma semaphore(%arg15 : memref<!tpu.dma_semaphore, #tpu.memory_space<semaphore_mem>>) src(%dma_wait3A_477 : memref<10000x128xf32, #tpu.memory_space<hbm>>) dst(%arg12 : memref<80x128xf32, #tpu.memory_space<vmem>>)
        %add3A_478 = arith.constant 1 : i32
        %add3A_479 = arith.addi %mul3A_403, %add3A_478 : i32
        "tpu.region"() ({
          %run_scoped3A_517 = tpu.sem_alloc : memref<!tpu.dma_semaphore, #tpu.memory_space<semaphore_mem>>
          %dma_start3A_518 = arith.constant 0 : i32
          %dma_start3A_519 = arith.constant 0 : i32
          %dma_start3A_520 = tpu.memref_slice %arg10[%scan3A_59, %dma_start3A_518, %dma_start3A_519] : memref<2x25x80xi32, #tpu.memory_space<vmem>> -> memref<1x25x80xi32, #tpu.memory_space<vmem>>
          %dma_start3A_521 = tpu.memref_squeeze %dma_start3A_520 : memref<1x25x80xi32, #tpu.memory_space<vmem>> -> memref<25x80xi32, #tpu.memory_space<vmem>>
          %dma_start3A_522 = arith.constant 0 : i32
          %dma_start3A_523 = tpu.memref_slice %dma_start3A_521[%add3A_479, %dma_start3A_522] : memref<25x80xi32, #tpu.memory_space<vmem>> -> memref<1x80xi32, #tpu.memory_space<vmem>>
          %dma_start3A_524 = tpu.memref_squeeze %dma_start3A_523 : memref<1x80xi32, #tpu.memory_space<vmem>> -> memref<80xi32, #tpu.memory_space<vmem>>
          %dma_start3A_525 = arith.constant 0 : i32
          %dma_start3A_526 = arith.constant 0 : i32
          %dma_start3A_527 = tpu.memref_slice %arg13[%dma_start3A_525, %dma_start3A_526] : memref<10240x128xf32, #tpu.memory_space<vmem_shared>> -> memref<10240x128xf32, #tpu.memory_space<vmem_shared>>
          tpu.enqueue_indirect_dma source(%arg12 : memref<80x128xf32, #tpu.memory_space<vmem>>) target(%dma_start3A_527 : memref<10240x128xf32, #tpu.memory_space<vmem_shared>>) offsets(%dma_start3A_524 : memref<80xi32, #tpu.memory_space<vmem>>) semaphore(%run_scoped3A_517 : memref<!tpu.dma_semaphore, #tpu.memory_space<semaphore_mem>>) {add = true}
          %dma_wait3A_528 = arith.constant 0 : i32
          %dma_wait3A_529 = arith.constant 0 : i32
          %dma_wait3A_530 = tpu.memref_slice %arg10[%scan3A_59, %dma_wait3A_528, %dma_wait3A_529] : memref<2x25x80xi32, #tpu.memory_space<vmem>> -> memref<1x25x80xi32, #tpu.memory_space<vmem>>
          %dma_wait3A_531 = tpu.memref_squeeze %dma_wait3A_530 : memref<1x25x80xi32, #tpu.memory_space<vmem>> -> memref<25x80xi32, #tpu.memory_space<vmem>>
          %dma_wait3A_532 = arith.constant 0 : i32
          %dma_wait3A_533 = tpu.memref_slice %dma_wait3A_531[%add3A_479, %dma_wait3A_532] : memref<25x80xi32, #tpu.memory_space<vmem>> -> memref<1x80xi32, #tpu.memory_space<vmem>>
          %dma_wait3A_534 = tpu.memref_squeeze %dma_wait3A_533 : memref<1x80xi32, #tpu.memory_space<vmem>> -> memref<80xi32, #tpu.memory_space<vmem>>
          %dma_wait3A_535 = arith.constant 0 : i32
          %dma_wait3A_536 = arith.constant 0 : i32
          %dma_wait3A_537 = tpu.memref_slice %arg13[%dma_wait3A_535, %dma_wait3A_536] : memref<10240x128xf32, #tpu.memory_space<vmem_shared>> -> memref<10240x128xf32, #tpu.memory_space<vmem_shared>>
          tpu.wait_indirect_dma semaphore(%run_scoped3A_517 : memref<!tpu.dma_semaphore, #tpu.memory_space<semaphore_mem>>) src(%arg12 : memref<80x128xf32, #tpu.memory_space<vmem>>) dst(%dma_wait3A_537 : memref<10240x128xf32, #tpu.memory_space<vmem_shared>>)
          tpu.yield
        }) : () -> ()
        %add3A_480 = arith.constant 1 : i32
        %add3A_481 = arith.addi %mul3A_403, %add3A_480 : i32
        %get3A_482 = arith.constant 0 : i32
        %get3A_483 = arith.constant 0 : i32
        %get3A_484 = tpu.memref_slice %arg10[%scan3A_59, %get3A_482, %get3A_483] : memref<2x25x80xi32, #tpu.memory_space<vmem>> -> memref<1x25x80xi32, #tpu.memory_space<vmem>>
        %get3A_485 = tpu.memref_squeeze %get3A_484 : memref<1x25x80xi32, #tpu.memory_space<vmem>> -> memref<25x80xi32, #tpu.memory_space<vmem>>
        %get3A_486 = arith.index_cast %add3A_481 : i32 to index
        %get3A_487 = arith.constant 0 : index
        %get3A_488 = tpu.vector_load %get3A_485[%get3A_486, %get3A_487] {strides = array<i32>} : memref<25x80xi32, #tpu.memory_space<vmem>>, vector<16xi32>,
        tpu.vector_store_idx %arg18[%get3A_488], %broadcast_in_dim3A_6 {add = true} : memref<10240xf32, #tpu.memory_space<vmem>>[vector<16xi32>], vector<16xf32>,
        %get3A_489 = arith.constant 0 : i32
        %get3A_490 = arith.constant 0 : i32
        %get3A_491 = tpu.memref_slice %arg10[%scan3A_59, %get3A_489, %get3A_490] : memref<2x25x80xi32, #tpu.memory_space<vmem>> -> memref<1x25x80xi32, #tpu.memory_space<vmem>>
        %get3A_492 = tpu.memref_squeeze %get3A_491 : memref<1x25x80xi32, #tpu.memory_space<vmem>> -> memref<25x80xi32, #tpu.memory_space<vmem>>
        %get3A_493 = arith.index_cast %add3A_481 : i32 to index
        %get3A_494 = arith.constant 16 : index
        %get3A_495 = tpu.vector_load %get3A_492[%get3A_493, %get3A_494] {strides = array<i32>} : memref<25x80xi32, #tpu.memory_space<vmem>>, vector<16xi32>,
        tpu.vector_store_idx %arg18[%get3A_495], %broadcast_in_dim3A_6 {add = true} : memref<10240xf32, #tpu.memory_space<vmem>>[vector<16xi32>], vector<16xf32>,
        %get3A_496 = arith.constant 0 : i32
        %get3A_497 = arith.constant 0 : i32
        %get3A_498 = tpu.memref_slice %arg10[%scan3A_59, %get3A_496, %get3A_497] : memref<2x25x80xi32, #tpu.memory_space<vmem>> -> memref<1x25x80xi32, #tpu.memory_space<vmem>>
        %get3A_499 = tpu.memref_squeeze %get3A_498 : memref<1x25x80xi32, #tpu.memory_space<vmem>> -> memref<25x80xi32, #tpu.memory_space<vmem>>
        %get3A_500 = arith.index_cast %add3A_481 : i32 to index
        %get3A_501 = arith.constant 32 : index
        %get3A_502 = tpu.vector_load %get3A_499[%get3A_500, %get3A_501] {strides = array<i32>} : memref<25x80xi32, #tpu.memory_space<vmem>>, vector<16xi32>,
        tpu.vector_store_idx %arg18[%get3A_502], %broadcast_in_dim3A_6 {add = true} : memref<10240xf32, #tpu.memory_space<vmem>>[vector<16xi32>], vector<16xf32>,
        %get3A_503 = arith.constant 0 : i32
        %get3A_504 = arith.constant 0 : i32
        %get3A_505 = tpu.memref_slice %arg10[%scan3A_59, %get3A_503, %get3A_504] : memref<2x25x80xi32, #tpu.memory_space<vmem>> -> memref<1x25x80xi32, #tpu.memory_space<vmem>>
        %get3A_506 = tpu.memref_squeeze %get3A_505 : memref<1x25x80xi32, #tpu.memory_space<vmem>> -> memref<25x80xi32, #tpu.memory_space<vmem>>
        %get3A_507 = arith.index_cast %add3A_481 : i32 to index
        %get3A_508 = arith.constant 48 : index
        %get3A_509 = tpu.vector_load %get3A_506[%get3A_507, %get3A_508] {strides = array<i32>} : memref<25x80xi32, #tpu.memory_space<vmem>>, vector<16xi32>,
        tpu.vector_store_idx %arg18[%get3A_509], %broadcast_in_dim3A_6 {add = true} : memref<10240xf32, #tpu.memory_space<vmem>>[vector<16xi32>], vector<16xf32>,
        %get3A_510 = arith.constant 0 : i32
        %get3A_511 = arith.constant 0 : i32
        %get3A_512 = tpu.memref_slice %arg10[%scan3A_59, %get3A_510, %get3A_511] : memref<2x25x80xi32, #tpu.memory_space<vmem>> -> memref<1x25x80xi32, #tpu.memory_space<vmem>>
        %get3A_513 = tpu.memref_squeeze %get3A_512 : memref<1x25x80xi32, #tpu.memory_space<vmem>> -> memref<25x80xi32, #tpu.memory_space<vmem>>
        %get3A_514 = arith.index_cast %add3A_481 : i32 to index
        %get3A_515 = arith.constant 64 : index
        %get3A_516 = tpu.vector_load %get3A_513[%get3A_514, %get3A_515] {strides = array<i32>} : memref<25x80xi32, #tpu.memory_space<vmem>>, vector<16xi32>,
        tpu.vector_store_idx %arg18[%get3A_516], %broadcast_in_dim3A_6 {add = true} : memref<10240xf32, #tpu.memory_space<vmem>>[vector<16xi32>], vector<16xf32>,
      } else {
      }
    }
    %scan3A_64 = arith.constant 13 : i32
    %dma_wait3A = arith.constant 1 : i32
    %dma_wait3A_65 = arith.constant 1 : i32
    %dma_wait3A_66 = arith.constant 0 : i32
    %dma_wait3A_67 = arith.constant 0 : i32
    %dma_wait3A_68 = tpu.memref_slice %arg9[%dma_wait3A_65, %dma_wait3A_66, %dma_wait3A_67] : memref<2x25x80xi32, #tpu.memory_space<vmem>> -> memref<1x25x80xi32, #tpu.memory_space<vmem>>
    %dma_wait3A_69 = tpu.memref_squeeze %dma_wait3A_68 : memref<1x25x80xi32, #tpu.memory_space<vmem>> -> memref<25x80xi32, #tpu.memory_space<vmem>>
    %dma_wait3A_70 = arith.constant 0 : i32
    %dma_wait3A_71 = arith.constant 0 : i32
    %dma_wait3A_72 = tpu.memref_slice %arg3[%add3A, %dma_wait3A, %dma_wait3A_70, %dma_wait3A_71] : memref<32x5x25x80xi32, #tpu.memory_space<hbm>> -> memref<1x1x25x80xi32, #tpu.memory_space<hbm>>
    %dma_wait3A_73 = tpu.memref_squeeze %dma_wait3A_72 : memref<1x1x25x80xi32, #tpu.memory_space<hbm>> -> memref<25x80xi32, #tpu.memory_space<hbm>>
    %dma_wait3A_74 = arith.constant 0 : i32
    %dma_wait3A_75 = arith.constant 0 : i32
    %dma_wait3A_76 = tpu.memref_slice %arg9[%dma_wait3A_65, %dma_wait3A_74, %dma_wait3A_75] : memref<2x25x80xi32, #tpu.memory_space<vmem>> -> memref<1x25x80xi32, #tpu.memory_space<vmem>>
    %dma_wait3A_77 = tpu.memref_squeeze %dma_wait3A_76 : memref<1x25x80xi32, #tpu.memory_space<vmem>> -> memref<25x80xi32, #tpu.memory_space<vmem>>
    %dma_wait3A_78 = arith.constant 0 : i32
    %dma_wait3A_79 = arith.constant 0 : i32
    %dma_wait3A_80 = tpu.memref_slice %arg3[%add3A, %dma_wait3A, %dma_wait3A_78, %dma_wait3A_79] : memref<32x5x25x80xi32, #tpu.memory_space<hbm>> -> memref<1x1x25x80xi32, #tpu.memory_space<hbm>>
    %dma_wait3A_81 = tpu.memref_squeeze %dma_wait3A_80 : memref<1x1x25x80xi32, #tpu.memory_space<hbm>> -> memref<25x80xi32, #tpu.memory_space<hbm>>
    tpu.wait_dma2 semaphore(%arg16 : memref<!tpu.dma_semaphore, #tpu.memory_space<semaphore_mem>>) src(%dma_wait3A_81 : memref<25x80xi32, #tpu.memory_space<hbm>>) dst(%dma_wait3A_77 : memref<25x80xi32, #tpu.memory_space<vmem>>)
    %dma_wait3A_82 = arith.constant 1 : i32
    %dma_wait3A_83 = arith.constant 1 : i32
    %dma_wait3A_84 = arith.constant 0 : i32
    %dma_wait3A_85 = arith.constant 0 : i32
    %dma_wait3A_86 = tpu.memref_slice %arg10[%dma_wait3A_83, %dma_wait3A_84, %dma_wait3A_85] : memref<2x25x80xi32, #tpu.memory_space<vmem>> -> memref<1x25x80xi32, #tpu.memory_space<vmem>>
    %dma_wait3A_87 = tpu.memref_squeeze %dma_wait3A_86 : memref<1x25x80xi32, #tpu.memory_space<vmem>> -> memref<25x80xi32, #tpu.memory_space<vmem>>
    %dma_wait3A_88 = arith.constant 0 : i32
    %dma_wait3A_89 = arith.constant 0 : i32
    %dma_wait3A_90 = tpu.memref_slice %arg4[%add3A, %dma_wait3A_82, %dma_wait3A_88, %dma_wait3A_89] : memref<32x5x25x80xi32, #tpu.memory_space<hbm>> -> memref<1x1x25x80xi32, #tpu.memory_space<hbm>>
    %dma_wait3A_91 = tpu.memref_squeeze %dma_wait3A_90 : memref<1x1x25x80xi32, #tpu.memory_space<hbm>> -> memref<25x80xi32, #tpu.memory_space<hbm>>
    %dma_wait3A_92 = arith.constant 0 : i32
    %dma_wait3A_93 = arith.constant 0 : i32
    %dma_wait3A_94 = tpu.memref_slice %arg10[%dma_wait3A_83, %dma_wait3A_92, %dma_wait3A_93] : memref<2x25x80xi32, #tpu.memory_space<vmem>> -> memref<1x25x80xi32, #tpu.memory_space<vmem>>
    %dma_wait3A_95 = tpu.memref_squeeze %dma_wait3A_94 : memref<1x25x80xi32, #tpu.memory_space<vmem>> -> memref<25x80xi32, #tpu.memory_space<vmem>>
    %dma_wait3A_96 = arith.constant 0 : i32
    %dma_wait3A_97 = arith.constant 0 : i32
    %dma_wait3A_98 = tpu.memref_slice %arg4[%add3A, %dma_wait3A_82, %dma_wait3A_96, %dma_wait3A_97] : memref<32x5x25x80xi32, #tpu.memory_space<hbm>> -> memref<1x1x25x80xi32, #tpu.memory_space<hbm>>
    %dma_wait3A_99 = tpu.memref_squeeze %dma_wait3A_98 : memref<1x1x25x80xi32, #tpu.memory_space<hbm>> -> memref<25x80xi32, #tpu.memory_space<hbm>>
    tpu.wait_dma2 semaphore(%arg16 : memref<!tpu.dma_semaphore, #tpu.memory_space<semaphore_mem>>) src(%dma_wait3A_99 : memref<25x80xi32, #tpu.memory_space<hbm>>) dst(%dma_wait3A_95 : memref<25x80xi32, #tpu.memory_space<vmem>>)
    %dma_start3A_100 = arith.constant 2 : i32
    %dma_start3A_101 = arith.constant 0 : i32
    %dma_start3A_102 = arith.constant 0 : i32
    %dma_start3A_103 = arith.constant 0 : i32
    %dma_start3A_104 = tpu.memref_slice %arg9[%dma_start3A_101, %dma_start3A_102, %dma_start3A_103] : memref<2x25x80xi32, #tpu.memory_space<vmem>> -> memref<1x25x80xi32, #tpu.memory_space<vmem>>
    %dma_start3A_105 = tpu.memref_squeeze %dma_start3A_104 : memref<1x25x80xi32, #tpu.memory_space<vmem>> -> memref<25x80xi32, #tpu.memory_space<vmem>>
    %dma_start3A_106 = arith.constant 0 : i32
    %dma_start3A_107 = arith.constant 0 : i32
    %dma_start3A_108 = tpu.memref_slice %arg3[%add3A, %dma_start3A_100, %dma_start3A_106, %dma_start3A_107] : memref<32x5x25x80xi32, #tpu.memory_space<hbm>> -> memref<1x1x25x80xi32, #tpu.memory_space<hbm>>
    %dma_start3A_109 = tpu.memref_squeeze %dma_start3A_108 : memref<1x1x25x80xi32, #tpu.memory_space<hbm>> -> memref<25x80xi32, #tpu.memory_space<hbm>>
    %dma_start3A_110 = arith.constant 0 : i32
    %dma_start3A_111 = arith.constant 0 : i32
    %dma_start3A_112 = tpu.memref_slice %arg9[%dma_start3A_101, %dma_start3A_110, %dma_start3A_111] : memref<2x25x80xi32, #tpu.memory_space<vmem>> -> memref<1x25x80xi32, #tpu.memory_space<vmem>>
    %dma_start3A_113 = tpu.memref_squeeze %dma_start3A_112 : memref<1x25x80xi32, #tpu.memory_space<vmem>> -> memref<25x80xi32, #tpu.memory_space<vmem>>
    %dma_start3A_114 = arith.constant 0 : i32
    %dma_start3A_115 = arith.constant 0 : i32
    %dma_start3A_116 = tpu.memref_slice %arg3[%add3A, %dma_start3A_100, %dma_start3A_114, %dma_start3A_115] : memref<32x5x25x80xi32, #tpu.memory_space<hbm>> -> memref<1x1x25x80xi32, #tpu.memory_space<hbm>>
    %dma_start3A_117 = tpu.memref_squeeze %dma_start3A_116 : memref<1x1x25x80xi32, #tpu.memory_space<hbm>> -> memref<25x80xi32, #tpu.memory_space<hbm>>
    tpu.enqueue_dma source(%dma_start3A_117 : memref<25x80xi32, #tpu.memory_space<hbm>>) target(%dma_start3A_113 : memref<25x80xi32, #tpu.memory_space<vmem>>) target_semaphore(%arg16 : memref<!tpu.dma_semaphore, #tpu.memory_space<semaphore_mem>>)
    %dma_start3A_118 = arith.constant 2 : i32
    %dma_start3A_119 = arith.constant 0 : i32
    %dma_start3A_120 = arith.constant 0 : i32
    %dma_start3A_121 = arith.constant 0 : i32
    %dma_start3A_122 = tpu.memref_slice %arg10[%dma_start3A_119, %dma_start3A_120, %dma_start3A_121] : memref<2x25x80xi32, #tpu.memory_space<vmem>> -> memref<1x25x80xi32, #tpu.memory_space<vmem>>
    %dma_start3A_123 = tpu.memref_squeeze %dma_start3A_122 : memref<1x25x80xi32, #tpu.memory_space<vmem>> -> memref<25x80xi32, #tpu.memory_space<vmem>>
    %dma_start3A_124 = arith.constant 0 : i32
    %dma_start3A_125 = arith.constant 0 : i32
    %dma_start3A_126 = tpu.memref_slice %arg4[%add3A, %dma_start3A_118, %dma_start3A_124, %dma_start3A_125] : memref<32x5x25x80xi32, #tpu.memory_space<hbm>> -> memref<1x1x25x80xi32, #tpu.memory_space<hbm>>
    %dma_start3A_127 = tpu.memref_squeeze %dma_start3A_126 : memref<1x1x25x80xi32, #tpu.memory_space<hbm>> -> memref<25x80xi32, #tpu.memory_space<hbm>>
    %dma_start3A_128 = arith.constant 0 : i32
    %dma_start3A_129 = arith.constant 0 : i32
    %dma_start3A_130 = tpu.memref_slice %arg10[%dma_start3A_119, %dma_start3A_128, %dma_start3A_129] : memref<2x25x80xi32, #tpu.memory_space<vmem>> -> memref<1x25x80xi32, #tpu.memory_space<vmem>>
    %dma_start3A_131 = tpu.memref_squeeze %dma_start3A_130 : memref<1x25x80xi32, #tpu.memory_space<vmem>> -> memref<25x80xi32, #tpu.memory_space<vmem>>
    %dma_start3A_132 = arith.constant 0 : i32
    %dma_start3A_133 = arith.constant 0 : i32
    %dma_start3A_134 = tpu.memref_slice %arg4[%add3A, %dma_start3A_118, %dma_start3A_132, %dma_start3A_133] : memref<32x5x25x80xi32, #tpu.memory_space<hbm>> -> memref<1x1x25x80xi32, #tpu.memory_space<hbm>>
    %dma_start3A_135 = tpu.memref_squeeze %dma_start3A_134 : memref<1x1x25x80xi32, #tpu.memory_space<hbm>> -> memref<25x80xi32, #tpu.memory_space<hbm>>
    tpu.enqueue_dma source(%dma_start3A_135 : memref<25x80xi32, #tpu.memory_space<hbm>>) target(%dma_start3A_131 : memref<25x80xi32, #tpu.memory_space<vmem>>) target_semaphore(%arg16 : memref<!tpu.dma_semaphore, #tpu.memory_space<semaphore_mem>>)
    %dma_start3A_136 = arith.constant 1 : i32
    %dma_start3A_137 = arith.constant 0 : i32
    %dma_start3A_138 = arith.constant 0 : i32
    %dma_start3A_139 = arith.constant 0 : i32
    %dma_start3A_140 = tpu.memref_slice %arg9[%dma_start3A_136, %dma_start3A_138, %dma_start3A_139] : memref<2x25x80xi32, #tpu.memory_space<vmem>> -> memref<1x25x80xi32, #tpu.memory_space<vmem>>
    %dma_start3A_141 = tpu.memref_squeeze %dma_start3A_140 : memref<1x25x80xi32, #tpu.memory_space<vmem>> -> memref<25x80xi32, #tpu.memory_space<vmem>>
    %dma_start3A_142 = arith.constant 0 : i32
    %dma_start3A_143 = tpu.memref_slice %dma_start3A_141[%dma_start3A_137, %dma_start3A_142] : memref<25x80xi32, #tpu.memory_space<vmem>> -> memref<1x80xi32, #tpu.memory_space<vmem>>
    %dma_start3A_144 = tpu.memref_squeeze %dma_start3A_143 : memref<1x80xi32, #tpu.memory_space<vmem>> -> memref<80xi32, #tpu.memory_space<vmem>>
    %dma_start3A_145 = arith.constant 0 : i32
    %dma_start3A_146 = arith.constant 0 : i32
    %dma_start3A_147 = tpu.memref_slice %arg2[%dma_start3A_145, %dma_start3A_146] : memref<10000x128xf32, #tpu.memory_space<hbm>> -> memref<10000x128xf32, #tpu.memory_space<hbm>>
    tpu.enqueue_indirect_dma source(%dma_start3A_147 : memref<10000x128xf32, #tpu.memory_space<hbm>>) target(%arg11 : memref<80x128xf32, #tpu.memory_space<vmem>>) offsets(%dma_start3A_144 : memref<80xi32, #tpu.memory_space<vmem>>) semaphore(%arg14 : memref<!tpu.dma_semaphore, #tpu.memory_space<semaphore_mem>>)
    %scan3A_148 = arith.constant 0 : i32
    %scan3A_149 = arith.constant 1 : i32
    %scan3A_150 = arith.constant 1 : i32
    %scan3A_151 = arith.constant 0 : i32
    %scan3A_152 = arith.constant 13 : i32
    %scan3A_153 = arith.addi %scan3A_151, %scan3A_152 : i32
    %scan3A_154 = arith.constant 1 : i32
    scf.for %scan3A_401 = %scan3A_151 to %scan3A_153 step %scan3A_154  : i32 {
      %mul3A_402 = arith.constant 2 : i32
      %mul3A_403 = arith.muli %mul3A_402, %scan3A_401 : i32
      %add3A_404 = arith.constant 1 : i32
      %add3A_405 = arith.addi %mul3A_403, %add3A_404 : i32
      %lt3A = arith.constant 25 : i32
      %lt3A_406 = arith.cmpi slt, %add3A_405, %lt3A : i32
      %convert_element_type3A = arith.extui %lt3A_406 : i1 to i32
      %cond3A = arith.constant 0 : i32
      %cond3A_407 = arith.cmpi ne, %convert_element_type3A, %cond3A : i32
      scf.if %cond3A_407 {
        %add3A_466 = arith.constant 1 : i32
        %add3A_467 = arith.addi %mul3A_403, %add3A_466 : i32
        %dma_start3A_468 = arith.constant 0 : i32
        %dma_start3A_469 = arith.constant 0 : i32
        %dma_start3A_470 = tpu.memref_slice %arg9[%scan3A_149, %dma_start3A_468, %dma_start3A_469] : memref<2x25x80xi32, #tpu.memory_space<vmem>> -> memref<1x25x80xi32, #tpu.memory_space<vmem>>
        %dma_start3A_471 = tpu.memref_squeeze %dma_start3A_470 : memref<1x25x80xi32, #tpu.memory_space<vmem>> -> memref<25x80xi32, #tpu.memory_space<vmem>>
        %dma_start3A_472 = arith.constant 0 : i32
        %dma_start3A_473 = tpu.memref_slice %dma_start3A_471[%add3A_467, %dma_start3A_472] : memref<25x80xi32, #tpu.memory_space<vmem>> -> memref<1x80xi32, #tpu.memory_space<vmem>>
        %dma_start3A_474 = tpu.memref_squeeze %dma_start3A_473 : memref<1x80xi32, #tpu.memory_space<vmem>> -> memref<80xi32, #tpu.memory_space<vmem>>
        %dma_start3A_475 = arith.constant 0 : i32
        %dma_start3A_476 = arith.constant 0 : i32
        %dma_start3A_477 = tpu.memref_slice %arg2[%dma_start3A_475, %dma_start3A_476] : memref<10000x128xf32, #tpu.memory_space<hbm>> -> memref<10000x128xf32, #tpu.memory_space<hbm>>
        tpu.enqueue_indirect_dma source(%dma_start3A_477 : memref<10000x128xf32, #tpu.memory_space<hbm>>) target(%arg12 : memref<80x128xf32, #tpu.memory_space<vmem>>) offsets(%dma_start3A_474 : memref<80xi32, #tpu.memory_space<vmem>>) semaphore(%arg15 : memref<!tpu.dma_semaphore, #tpu.memory_space<semaphore_mem>>)
      } else {
      }
      %dma_wait3A_408 = arith.constant 0 : i32
      %dma_wait3A_409 = arith.constant 0 : i32
      %dma_wait3A_410 = tpu.memref_slice %arg9[%scan3A_149, %dma_wait3A_408, %dma_wait3A_409] : memref<2x25x80xi32, #tpu.memory_space<vmem>> -> memref<1x25x80xi32, #tpu.memory_space<vmem>>
      %dma_wait3A_411 = tpu.memref_squeeze %dma_wait3A_410 : memref<1x25x80xi32, #tpu.memory_space<vmem>> -> memref<25x80xi32, #tpu.memory_space<vmem>>
      %dma_wait3A_412 = arith.constant 0 : i32
      %dma_wait3A_413 = tpu.memref_slice %dma_wait3A_411[%mul3A_403, %dma_wait3A_412] : memref<25x80xi32, #tpu.memory_space<vmem>> -> memref<1x80xi32, #tpu.memory_space<vmem>>
      %dma_wait3A_414 = tpu.memref_squeeze %dma_wait3A_413 : memref<1x80xi32, #tpu.memory_space<vmem>> -> memref<80xi32, #tpu.memory_space<vmem>>
      %dma_wait3A_415 = arith.constant 0 : i32
      %dma_wait3A_416 = arith.constant 0 : i32
      %dma_wait3A_417 = tpu.memref_slice %arg2[%dma_wait3A_415, %dma_wait3A_416] : memref<10000x128xf32, #tpu.memory_space<hbm>> -> memref<10000x128xf32, #tpu.memory_space<hbm>>
      tpu.wait_indirect_dma semaphore(%arg14 : memref<!tpu.dma_semaphore, #tpu.memory_space<semaphore_mem>>) src(%dma_wait3A_417 : memref<10000x128xf32, #tpu.memory_space<hbm>>) dst(%arg11 : memref<80x128xf32, #tpu.memory_space<vmem>>)
      "tpu.region"() ({
        %run_scoped3A_466 = tpu.sem_alloc : memref<!tpu.dma_semaphore, #tpu.memory_space<semaphore_mem>>
        %dma_start3A_467 = arith.constant 0 : i32
        %dma_start3A_468 = arith.constant 0 : i32
        %dma_start3A_469 = tpu.memref_slice %arg10[%scan3A_150, %dma_start3A_467, %dma_start3A_468] : memref<2x25x80xi32, #tpu.memory_space<vmem>> -> memref<1x25x80xi32, #tpu.memory_space<vmem>>
        %dma_start3A_470 = tpu.memref_squeeze %dma_start3A_469 : memref<1x25x80xi32, #tpu.memory_space<vmem>> -> memref<25x80xi32, #tpu.memory_space<vmem>>
        %dma_start3A_471 = arith.constant 0 : i32
        %dma_start3A_472 = tpu.memref_slice %dma_start3A_470[%mul3A_403, %dma_start3A_471] : memref<25x80xi32, #tpu.memory_space<vmem>> -> memref<1x80xi32, #tpu.memory_space<vmem>>
        %dma_start3A_473 = tpu.memref_squeeze %dma_start3A_472 : memref<1x80xi32, #tpu.memory_space<vmem>> -> memref<80xi32, #tpu.memory_space<vmem>>
        %dma_start3A_474 = arith.constant 0 : i32
        %dma_start3A_475 = arith.constant 0 : i32
        %dma_start3A_476 = tpu.memref_slice %arg13[%dma_start3A_474, %dma_start3A_475] : memref<10240x128xf32, #tpu.memory_space<vmem_shared>> -> memref<10240x128xf32, #tpu.memory_space<vmem_shared>>
        tpu.enqueue_indirect_dma source(%arg11 : memref<80x128xf32, #tpu.memory_space<vmem>>) target(%dma_start3A_476 : memref<10240x128xf32, #tpu.memory_space<vmem_shared>>) offsets(%dma_start3A_473 : memref<80xi32, #tpu.memory_space<vmem>>) semaphore(%run_scoped3A_466 : memref<!tpu.dma_semaphore, #tpu.memory_space<semaphore_mem>>) {add = true}
        %dma_wait3A_477 = arith.constant 0 : i32
        %dma_wait3A_478 = arith.constant 0 : i32
        %dma_wait3A_479 = tpu.memref_slice %arg10[%scan3A_150, %dma_wait3A_477, %dma_wait3A_478] : memref<2x25x80xi32, #tpu.memory_space<vmem>> -> memref<1x25x80xi32, #tpu.memory_space<vmem>>
        %dma_wait3A_480 = tpu.memref_squeeze %dma_wait3A_479 : memref<1x25x80xi32, #tpu.memory_space<vmem>> -> memref<25x80xi32, #tpu.memory_space<vmem>>
        %dma_wait3A_481 = arith.constant 0 : i32
        %dma_wait3A_482 = tpu.memref_slice %dma_wait3A_480[%mul3A_403, %dma_wait3A_481] : memref<25x80xi32, #tpu.memory_space<vmem>> -> memref<1x80xi32, #tpu.memory_space<vmem>>
        %dma_wait3A_483 = tpu.memref_squeeze %dma_wait3A_482 : memref<1x80xi32, #tpu.memory_space<vmem>> -> memref<80xi32, #tpu.memory_space<vmem>>
        %dma_wait3A_484 = arith.constant 0 : i32
        %dma_wait3A_485 = arith.constant 0 : i32
        %dma_wait3A_486 = tpu.memref_slice %arg13[%dma_wait3A_484, %dma_wait3A_485] : memref<10240x128xf32, #tpu.memory_space<vmem_shared>> -> memref<10240x128xf32, #tpu.memory_space<vmem_shared>>
        tpu.wait_indirect_dma semaphore(%run_scoped3A_466 : memref<!tpu.dma_semaphore, #tpu.memory_space<semaphore_mem>>) src(%arg11 : memref<80x128xf32, #tpu.memory_space<vmem>>) dst(%dma_wait3A_486 : memref<10240x128xf32, #tpu.memory_space<vmem_shared>>)
        tpu.yield
      }) : () -> ()
      %get3A = arith.constant 0 : i32
      %get3A_418 = arith.constant 0 : i32
      %get3A_419 = tpu.memref_slice %arg10[%scan3A_150, %get3A, %get3A_418] : memref<2x25x80xi32, #tpu.memory_space<vmem>> -> memref<1x25x80xi32, #tpu.memory_space<vmem>>
      %get3A_420 = tpu.memref_squeeze %get3A_419 : memref<1x25x80xi32, #tpu.memory_space<vmem>> -> memref<25x80xi32, #tpu.memory_space<vmem>>
      %get3A_421 = arith.index_cast %mul3A_403 : i32 to index
      %get3A_422 = arith.constant 0 : index
      %get3A_423 = tpu.vector_load %get3A_420[%get3A_421, %get3A_422] {strides = array<i32>} : memref<25x80xi32, #tpu.memory_space<vmem>>, vector<16xi32>,
      tpu.vector_store_idx %arg18[%get3A_423], %broadcast_in_dim3A_6 {add = true} : memref<10240xf32, #tpu.memory_space<vmem>>[vector<16xi32>], vector<16xf32>,
      %get3A_424 = arith.constant 0 : i32
      %get3A_425 = arith.constant 0 : i32
      %get3A_426 = tpu.memref_slice %arg10[%scan3A_150, %get3A_424, %get3A_425] : memref<2x25x80xi32, #tpu.memory_space<vmem>> -> memref<1x25x80xi32, #tpu.memory_space<vmem>>
      %get3A_427 = tpu.memref_squeeze %get3A_426 : memref<1x25x80xi32, #tpu.memory_space<vmem>> -> memref<25x80xi32, #tpu.memory_space<vmem>>
      %get3A_428 = arith.index_cast %mul3A_403 : i32 to index
      %get3A_429 = arith.constant 16 : index
      %get3A_430 = tpu.vector_load %get3A_427[%get3A_428, %get3A_429] {strides = array<i32>} : memref<25x80xi32, #tpu.memory_space<vmem>>, vector<16xi32>,
      tpu.vector_store_idx %arg18[%get3A_430], %broadcast_in_dim3A_6 {add = true} : memref<10240xf32, #tpu.memory_space<vmem>>[vector<16xi32>], vector<16xf32>,
      %get3A_431 = arith.constant 0 : i32
      %get3A_432 = arith.constant 0 : i32
      %get3A_433 = tpu.memref_slice %arg10[%scan3A_150, %get3A_431, %get3A_432] : memref<2x25x80xi32, #tpu.memory_space<vmem>> -> memref<1x25x80xi32, #tpu.memory_space<vmem>>
      %get3A_434 = tpu.memref_squeeze %get3A_433 : memref<1x25x80xi32, #tpu.memory_space<vmem>> -> memref<25x80xi32, #tpu.memory_space<vmem>>
      %get3A_435 = arith.index_cast %mul3A_403 : i32 to index
      %get3A_436 = arith.constant 32 : index
      %get3A_437 = tpu.vector_load %get3A_434[%get3A_435, %get3A_436] {strides = array<i32>} : memref<25x80xi32, #tpu.memory_space<vmem>>, vector<16xi32>,
      tpu.vector_store_idx %arg18[%get3A_437], %broadcast_in_dim3A_6 {add = true} : memref<10240xf32, #tpu.memory_space<vmem>>[vector<16xi32>], vector<16xf32>,
      %get3A_438 = arith.constant 0 : i32
      %get3A_439 = arith.constant 0 : i32
      %get3A_440 = tpu.memref_slice %arg10[%scan3A_150, %get3A_438, %get3A_439] : memref<2x25x80xi32, #tpu.memory_space<vmem>> -> memref<1x25x80xi32, #tpu.memory_space<vmem>>
      %get3A_441 = tpu.memref_squeeze %get3A_440 : memref<1x25x80xi32, #tpu.memory_space<vmem>> -> memref<25x80xi32, #tpu.memory_space<vmem>>
      %get3A_442 = arith.index_cast %mul3A_403 : i32 to index
      %get3A_443 = arith.constant 48 : index
      %get3A_444 = tpu.vector_load %get3A_441[%get3A_442, %get3A_443] {strides = array<i32>} : memref<25x80xi32, #tpu.memory_space<vmem>>, vector<16xi32>,
      tpu.vector_store_idx %arg18[%get3A_444], %broadcast_in_dim3A_6 {add = true} : memref<10240xf32, #tpu.memory_space<vmem>>[vector<16xi32>], vector<16xf32>,
      %get3A_445 = arith.constant 0 : i32
      %get3A_446 = arith.constant 0 : i32
      %get3A_447 = tpu.memref_slice %arg10[%scan3A_150, %get3A_445, %get3A_446] : memref<2x25x80xi32, #tpu.memory_space<vmem>> -> memref<1x25x80xi32, #tpu.memory_space<vmem>>
      %get3A_448 = tpu.memref_squeeze %get3A_447 : memref<1x25x80xi32, #tpu.memory_space<vmem>> -> memref<25x80xi32, #tpu.memory_space<vmem>>
      %get3A_449 = arith.index_cast %mul3A_403 : i32 to index
      %get3A_450 = arith.constant 64 : index
      %get3A_451 = tpu.vector_load %get3A_448[%get3A_449, %get3A_450] {strides = array<i32>} : memref<25x80xi32, #tpu.memory_space<vmem>>, vector<16xi32>,
      tpu.vector_store_idx %arg18[%get3A_451], %broadcast_in_dim3A_6 {add = true} : memref<10240xf32, #tpu.memory_space<vmem>>[vector<16xi32>], vector<16xf32>,
      %add3A_452 = arith.constant 2 : i32
      %add3A_453 = arith.addi %mul3A_403, %add3A_452 : i32
      %lt3A_454 = arith.constant 25 : i32
      %lt3A_455 = arith.cmpi slt, %add3A_453, %lt3A_454 : i32
      %convert_element_type3A_456 = arith.extui %lt3A_455 : i1 to i32
      %cond3A_457 = arith.constant 0 : i32
      %cond3A_458 = arith.cmpi ne, %convert_element_type3A_456, %cond3A_457 : i32
      scf.if %cond3A_458 {
        %add3A_466 = arith.constant 2 : i32
        %add3A_467 = arith.addi %mul3A_403, %add3A_466 : i32
        %dma_start3A_468 = arith.constant 0 : i32
        %dma_start3A_469 = arith.constant 0 : i32
        %dma_start3A_470 = tpu.memref_slice %arg9[%scan3A_149, %dma_start3A_468, %dma_start3A_469] : memref<2x25x80xi32, #tpu.memory_space<vmem>> -> memref<1x25x80xi32, #tpu.memory_space<vmem>>
        %dma_start3A_471 = tpu.memref_squeeze %dma_start3A_470 : memref<1x25x80xi32, #tpu.memory_space<vmem>> -> memref<25x80xi32, #tpu.memory_space<vmem>>
        %dma_start3A_472 = arith.constant 0 : i32
        %dma_start3A_473 = tpu.memref_slice %dma_start3A_471[%add3A_467, %dma_start3A_472] : memref<25x80xi32, #tpu.memory_space<vmem>> -> memref<1x80xi32, #tpu.memory_space<vmem>>
        %dma_start3A_474 = tpu.memref_squeeze %dma_start3A_473 : memref<1x80xi32, #tpu.memory_space<vmem>> -> memref<80xi32, #tpu.memory_space<vmem>>
        %dma_start3A_475 = arith.constant 0 : i32
        %dma_start3A_476 = arith.constant 0 : i32
        %dma_start3A_477 = tpu.memref_slice %arg2[%dma_start3A_475, %dma_start3A_476] : memref<10000x128xf32, #tpu.memory_space<hbm>> -> memref<10000x128xf32, #tpu.memory_space<hbm>>
        tpu.enqueue_indirect_dma source(%dma_start3A_477 : memref<10000x128xf32, #tpu.memory_space<hbm>>) target(%arg11 : memref<80x128xf32, #tpu.memory_space<vmem>>) offsets(%dma_start3A_474 : memref<80xi32, #tpu.memory_space<vmem>>) semaphore(%arg14 : memref<!tpu.dma_semaphore, #tpu.memory_space<semaphore_mem>>)
      } else {
      }
      %add3A_459 = arith.constant 1 : i32
      %add3A_460 = arith.addi %mul3A_403, %add3A_459 : i32
      %lt3A_461 = arith.constant 25 : i32
      %lt3A_462 = arith.cmpi slt, %add3A_460, %lt3A_461 : i32
      %convert_element_type3A_463 = arith.extui %lt3A_462 : i1 to i32
      %cond3A_464 = arith.constant 0 : i32
      %cond3A_465 = arith.cmpi ne, %convert_element_type3A_463, %cond3A_464 : i32
      scf.if %cond3A_465 {
        %add3A_466 = arith.constant 1 : i32
        %add3A_467 = arith.addi %mul3A_403, %add3A_466 : i32
        %dma_wait3A_468 = arith.constant 0 : i32
        %dma_wait3A_469 = arith.constant 0 : i32
        %dma_wait3A_470 = tpu.memref_slice %arg9[%scan3A_149, %dma_wait3A_468, %dma_wait3A_469] : memref<2x25x80xi32, #tpu.memory_space<vmem>> -> memref<1x25x80xi32, #tpu.memory_space<vmem>>
        %dma_wait3A_471 = tpu.memref_squeeze %dma_wait3A_470 : memref<1x25x80xi32, #tpu.memory_space<vmem>> -> memref<25x80xi32, #tpu.memory_space<vmem>>
        %dma_wait3A_472 = arith.constant 0 : i32
        %dma_wait3A_473 = tpu.memref_slice %dma_wait3A_471[%add3A_467, %dma_wait3A_472] : memref<25x80xi32, #tpu.memory_space<vmem>> -> memref<1x80xi32, #tpu.memory_space<vmem>>
        %dma_wait3A_474 = tpu.memref_squeeze %dma_wait3A_473 : memref<1x80xi32, #tpu.memory_space<vmem>> -> memref<80xi32, #tpu.memory_space<vmem>>
        %dma_wait3A_475 = arith.constant 0 : i32
        %dma_wait3A_476 = arith.constant 0 : i32
        %dma_wait3A_477 = tpu.memref_slice %arg2[%dma_wait3A_475, %dma_wait3A_476] : memref<10000x128xf32, #tpu.memory_space<hbm>> -> memref<10000x128xf32, #tpu.memory_space<hbm>>
        tpu.wait_indirect_dma semaphore(%arg15 : memref<!tpu.dma_semaphore, #tpu.memory_space<semaphore_mem>>) src(%dma_wait3A_477 : memref<10000x128xf32, #tpu.memory_space<hbm>>) dst(%arg12 : memref<80x128xf32, #tpu.memory_space<vmem>>)
        %add3A_478 = arith.constant 1 : i32
        %add3A_479 = arith.addi %mul3A_403, %add3A_478 : i32
        "tpu.region"() ({
          %run_scoped3A_517 = tpu.sem_alloc : memref<!tpu.dma_semaphore, #tpu.memory_space<semaphore_mem>>
          %dma_start3A_518 = arith.constant 0 : i32
          %dma_start3A_519 = arith.constant 0 : i32
          %dma_start3A_520 = tpu.memref_slice %arg10[%scan3A_150, %dma_start3A_518, %dma_start3A_519] : memref<2x25x80xi32, #tpu.memory_space<vmem>> -> memref<1x25x80xi32, #tpu.memory_space<vmem>>
          %dma_start3A_521 = tpu.memref_squeeze %dma_start3A_520 : memref<1x25x80xi32, #tpu.memory_space<vmem>> -> memref<25x80xi32, #tpu.memory_space<vmem>>
          %dma_start3A_522 = arith.constant 0 : i32
          %dma_start3A_523 = tpu.memref_slice %dma_start3A_521[%add3A_479, %dma_start3A_522] : memref<25x80xi32, #tpu.memory_space<vmem>> -> memref<1x80xi32, #tpu.memory_space<vmem>>
          %dma_start3A_524 = tpu.memref_squeeze %dma_start3A_523 : memref<1x80xi32, #tpu.memory_space<vmem>> -> memref<80xi32, #tpu.memory_space<vmem>>
          %dma_start3A_525 = arith.constant 0 : i32
          %dma_start3A_526 = arith.constant 0 : i32
          %dma_start3A_527 = tpu.memref_slice %arg13[%dma_start3A_525, %dma_start3A_526] : memref<10240x128xf32, #tpu.memory_space<vmem_shared>> -> memref<10240x128xf32, #tpu.memory_space<vmem_shared>>
          tpu.enqueue_indirect_dma source(%arg12 : memref<80x128xf32, #tpu.memory_space<vmem>>) target(%dma_start3A_527 : memref<10240x128xf32, #tpu.memory_space<vmem_shared>>) offsets(%dma_start3A_524 : memref<80xi32, #tpu.memory_space<vmem>>) semaphore(%run_scoped3A_517 : memref<!tpu.dma_semaphore, #tpu.memory_space<semaphore_mem>>) {add = true}
          %dma_wait3A_528 = arith.constant 0 : i32
          %dma_wait3A_529 = arith.constant 0 : i32
          %dma_wait3A_530 = tpu.memref_slice %arg10[%scan3A_150, %dma_wait3A_528, %dma_wait3A_529] : memref<2x25x80xi32, #tpu.memory_space<vmem>> -> memref<1x25x80xi32, #tpu.memory_space<vmem>>
          %dma_wait3A_531 = tpu.memref_squeeze %dma_wait3A_530 : memref<1x25x80xi32, #tpu.memory_space<vmem>> -> memref<25x80xi32, #tpu.memory_space<vmem>>
          %dma_wait3A_532 = arith.constant 0 : i32
          %dma_wait3A_533 = tpu.memref_slice %dma_wait3A_531[%add3A_479, %dma_wait3A_532] : memref<25x80xi32, #tpu.memory_space<vmem>> -> memref<1x80xi32, #tpu.memory_space<vmem>>
          %dma_wait3A_534 = tpu.memref_squeeze %dma_wait3A_533 : memref<1x80xi32, #tpu.memory_space<vmem>> -> memref<80xi32, #tpu.memory_space<vmem>>
          %dma_wait3A_535 = arith.constant 0 : i32
          %dma_wait3A_536 = arith.constant 0 : i32
          %dma_wait3A_537 = tpu.memref_slice %arg13[%dma_wait3A_535, %dma_wait3A_536] : memref<10240x128xf32, #tpu.memory_space<vmem_shared>> -> memref<10240x128xf32, #tpu.memory_space<vmem_shared>>
          tpu.wait_indirect_dma semaphore(%run_scoped3A_517 : memref<!tpu.dma_semaphore, #tpu.memory_space<semaphore_mem>>) src(%arg12 : memref<80x128xf32, #tpu.memory_space<vmem>>) dst(%dma_wait3A_537 : memref<10240x128xf32, #tpu.memory_space<vmem_shared>>)
          tpu.yield
        }) : () -> ()
        %add3A_480 = arith.constant 1 : i32
        %add3A_481 = arith.addi %mul3A_403, %add3A_480 : i32
        %get3A_482 = arith.constant 0 : i32
        %get3A_483 = arith.constant 0 : i32
        %get3A_484 = tpu.memref_slice %arg10[%scan3A_150, %get3A_482, %get3A_483] : memref<2x25x80xi32, #tpu.memory_space<vmem>> -> memref<1x25x80xi32, #tpu.memory_space<vmem>>
        %get3A_485 = tpu.memref_squeeze %get3A_484 : memref<1x25x80xi32, #tpu.memory_space<vmem>> -> memref<25x80xi32, #tpu.memory_space<vmem>>
        %get3A_486 = arith.index_cast %add3A_481 : i32 to index
        %get3A_487 = arith.constant 0 : index
        %get3A_488 = tpu.vector_load %get3A_485[%get3A_486, %get3A_487] {strides = array<i32>} : memref<25x80xi32, #tpu.memory_space<vmem>>, vector<16xi32>,
        tpu.vector_store_idx %arg18[%get3A_488], %broadcast_in_dim3A_6 {add = true} : memref<10240xf32, #tpu.memory_space<vmem>>[vector<16xi32>], vector<16xf32>,
        %get3A_489 = arith.constant 0 : i32
        %get3A_490 = arith.constant 0 : i32
        %get3A_491 = tpu.memref_slice %arg10[%scan3A_150, %get3A_489, %get3A_490] : memref<2x25x80xi32, #tpu.memory_space<vmem>> -> memref<1x25x80xi32, #tpu.memory_space<vmem>>
        %get3A_492 = tpu.memref_squeeze %get3A_491 : memref<1x25x80xi32, #tpu.memory_space<vmem>> -> memref<25x80xi32, #tpu.memory_space<vmem>>
        %get3A_493 = arith.index_cast %add3A_481 : i32 to index
        %get3A_494 = arith.constant 16 : index
        %get3A_495 = tpu.vector_load %get3A_492[%get3A_493, %get3A_494] {strides = array<i32>} : memref<25x80xi32, #tpu.memory_space<vmem>>, vector<16xi32>,
        tpu.vector_store_idx %arg18[%get3A_495], %broadcast_in_dim3A_6 {add = true} : memref<10240xf32, #tpu.memory_space<vmem>>[vector<16xi32>], vector<16xf32>,
        %get3A_496 = arith.constant 0 : i32
        %get3A_497 = arith.constant 0 : i32
        %get3A_498 = tpu.memref_slice %arg10[%scan3A_150, %get3A_496, %get3A_497] : memref<2x25x80xi32, #tpu.memory_space<vmem>> -> memref<1x25x80xi32, #tpu.memory_space<vmem>>
        %get3A_499 = tpu.memref_squeeze %get3A_498 : memref<1x25x80xi32, #tpu.memory_space<vmem>> -> memref<25x80xi32, #tpu.memory_space<vmem>>
        %get3A_500 = arith.index_cast %add3A_481 : i32 to index
        %get3A_501 = arith.constant 32 : index
        %get3A_502 = tpu.vector_load %get3A_499[%get3A_500, %get3A_501] {strides = array<i32>} : memref<25x80xi32, #tpu.memory_space<vmem>>, vector<16xi32>,
        tpu.vector_store_idx %arg18[%get3A_502], %broadcast_in_dim3A_6 {add = true} : memref<10240xf32, #tpu.memory_space<vmem>>[vector<16xi32>], vector<16xf32>,
        %get3A_503 = arith.constant 0 : i32
        %get3A_504 = arith.constant 0 : i32
        %get3A_505 = tpu.memref_slice %arg10[%scan3A_150, %get3A_503, %get3A_504] : memref<2x25x80xi32, #tpu.memory_space<vmem>> -> memref<1x25x80xi32, #tpu.memory_space<vmem>>
        %get3A_506 = tpu.memref_squeeze %get3A_505 : memref<1x25x80xi32, #tpu.memory_space<vmem>> -> memref<25x80xi32, #tpu.memory_space<vmem>>
        %get3A_507 = arith.index_cast %add3A_481 : i32 to index
        %get3A_508 = arith.constant 48 : index
        %get3A_509 = tpu.vector_load %get3A_506[%get3A_507, %get3A_508] {strides = array<i32>} : memref<25x80xi32, #tpu.memory_space<vmem>>, vector<16xi32>,
        tpu.vector_store_idx %arg18[%get3A_509], %broadcast_in_dim3A_6 {add = true} : memref<10240xf32, #tpu.memory_space<vmem>>[vector<16xi32>], vector<16xf32>,
        %get3A_510 = arith.constant 0 : i32
        %get3A_511 = arith.constant 0 : i32
        %get3A_512 = tpu.memref_slice %arg10[%scan3A_150, %get3A_510, %get3A_511] : memref<2x25x80xi32, #tpu.memory_space<vmem>> -> memref<1x25x80xi32, #tpu.memory_space<vmem>>
        %get3A_513 = tpu.memref_squeeze %get3A_512 : memref<1x25x80xi32, #tpu.memory_space<vmem>> -> memref<25x80xi32, #tpu.memory_space<vmem>>
        %get3A_514 = arith.index_cast %add3A_481 : i32 to index
        %get3A_515 = arith.constant 64 : index
        %get3A_516 = tpu.vector_load %get3A_513[%get3A_514, %get3A_515] {strides = array<i32>} : memref<25x80xi32, #tpu.memory_space<vmem>>, vector<16xi32>,
        tpu.vector_store_idx %arg18[%get3A_516], %broadcast_in_dim3A_6 {add = true} : memref<10240xf32, #tpu.memory_space<vmem>>[vector<16xi32>], vector<16xf32>,
      } else {
      }
    }
    %scan3A_155 = arith.constant 13 : i32
    %dma_wait3A_156 = arith.constant 2 : i32
    %dma_wait3A_157 = arith.constant 0 : i32
    %dma_wait3A_158 = arith.constant 0 : i32
    %dma_wait3A_159 = arith.constant 0 : i32
    %dma_wait3A_160 = tpu.memref_slice %arg9[%dma_wait3A_157, %dma_wait3A_158, %dma_wait3A_159] : memref<2x25x80xi32, #tpu.memory_space<vmem>> -> memref<1x25x80xi32, #tpu.memory_space<vmem>>
    %dma_wait3A_161 = tpu.memref_squeeze %dma_wait3A_160 : memref<1x25x80xi32, #tpu.memory_space<vmem>> -> memref<25x80xi32, #tpu.memory_space<vmem>>
    %dma_wait3A_162 = arith.constant 0 : i32
    %dma_wait3A_163 = arith.constant 0 : i32
    %dma_wait3A_164 = tpu.memref_slice %arg3[%add3A, %dma_wait3A_156, %dma_wait3A_162, %dma_wait3A_163] : memref<32x5x25x80xi32, #tpu.memory_space<hbm>> -> memref<1x1x25x80xi32, #tpu.memory_space<hbm>>
    %dma_wait3A_165 = tpu.memref_squeeze %dma_wait3A_164 : memref<1x1x25x80xi32, #tpu.memory_space<hbm>> -> memref<25x80xi32, #tpu.memory_space<hbm>>
    %dma_wait3A_166 = arith.constant 0 : i32
    %dma_wait3A_167 = arith.constant 0 : i32
    %dma_wait3A_168 = tpu.memref_slice %arg9[%dma_wait3A_157, %dma_wait3A_166, %dma_wait3A_167] : memref<2x25x80xi32, #tpu.memory_space<vmem>> -> memref<1x25x80xi32, #tpu.memory_space<vmem>>
    %dma_wait3A_169 = tpu.memref_squeeze %dma_wait3A_168 : memref<1x25x80xi32, #tpu.memory_space<vmem>> -> memref<25x80xi32, #tpu.memory_space<vmem>>
    %dma_wait3A_170 = arith.constant 0 : i32
    %dma_wait3A_171 = arith.constant 0 : i32
    %dma_wait3A_172 = tpu.memref_slice %arg3[%add3A, %dma_wait3A_156, %dma_wait3A_170, %dma_wait3A_171] : memref<32x5x25x80xi32, #tpu.memory_space<hbm>> -> memref<1x1x25x80xi32, #tpu.memory_space<hbm>>
    %dma_wait3A_173 = tpu.memref_squeeze %dma_wait3A_172 : memref<1x1x25x80xi32, #tpu.memory_space<hbm>> -> memref<25x80xi32, #tpu.memory_space<hbm>>
    tpu.wait_dma2 semaphore(%arg16 : memref<!tpu.dma_semaphore, #tpu.memory_space<semaphore_mem>>) src(%dma_wait3A_173 : memref<25x80xi32, #tpu.memory_space<hbm>>) dst(%dma_wait3A_169 : memref<25x80xi32, #tpu.memory_space<vmem>>)
    %dma_wait3A_174 = arith.constant 2 : i32
    %dma_wait3A_175 = arith.constant 0 : i32
    %dma_wait3A_176 = arith.constant 0 : i32
    %dma_wait3A_177 = arith.constant 0 : i32
    %dma_wait3A_178 = tpu.memref_slice %arg10[%dma_wait3A_175, %dma_wait3A_176, %dma_wait3A_177] : memref<2x25x80xi32, #tpu.memory_space<vmem>> -> memref<1x25x80xi32, #tpu.memory_space<vmem>>
    %dma_wait3A_179 = tpu.memref_squeeze %dma_wait3A_178 : memref<1x25x80xi32, #tpu.memory_space<vmem>> -> memref<25x80xi32, #tpu.memory_space<vmem>>
    %dma_wait3A_180 = arith.constant 0 : i32
    %dma_wait3A_181 = arith.constant 0 : i32
    %dma_wait3A_182 = tpu.memref_slice %arg4[%add3A, %dma_wait3A_174, %dma_wait3A_180, %dma_wait3A_181] : memref<32x5x25x80xi32, #tpu.memory_space<hbm>> -> memref<1x1x25x80xi32, #tpu.memory_space<hbm>>
    %dma_wait3A_183 = tpu.memref_squeeze %dma_wait3A_182 : memref<1x1x25x80xi32, #tpu.memory_space<hbm>> -> memref<25x80xi32, #tpu.memory_space<hbm>>
    %dma_wait3A_184 = arith.constant 0 : i32
    %dma_wait3A_185 = arith.constant 0 : i32
    %dma_wait3A_186 = tpu.memref_slice %arg10[%dma_wait3A_175, %dma_wait3A_184, %dma_wait3A_185] : memref<2x25x80xi32, #tpu.memory_space<vmem>> -> memref<1x25x80xi32, #tpu.memory_space<vmem>>
    %dma_wait3A_187 = tpu.memref_squeeze %dma_wait3A_186 : memref<1x25x80xi32, #tpu.memory_space<vmem>> -> memref<25x80xi32, #tpu.memory_space<vmem>>
    %dma_wait3A_188 = arith.constant 0 : i32
    %dma_wait3A_189 = arith.constant 0 : i32
    %dma_wait3A_190 = tpu.memref_slice %arg4[%add3A, %dma_wait3A_174, %dma_wait3A_188, %dma_wait3A_189] : memref<32x5x25x80xi32, #tpu.memory_space<hbm>> -> memref<1x1x25x80xi32, #tpu.memory_space<hbm>>
    %dma_wait3A_191 = tpu.memref_squeeze %dma_wait3A_190 : memref<1x1x25x80xi32, #tpu.memory_space<hbm>> -> memref<25x80xi32, #tpu.memory_space<hbm>>
    tpu.wait_dma2 semaphore(%arg16 : memref<!tpu.dma_semaphore, #tpu.memory_space<semaphore_mem>>) src(%dma_wait3A_191 : memref<25x80xi32, #tpu.memory_space<hbm>>) dst(%dma_wait3A_187 : memref<25x80xi32, #tpu.memory_space<vmem>>)
    %dma_start3A_192 = arith.constant 3 : i32
    %dma_start3A_193 = arith.constant 1 : i32
    %dma_start3A_194 = arith.constant 0 : i32
    %dma_start3A_195 = arith.constant 0 : i32
    %dma_start3A_196 = tpu.memref_slice %arg9[%dma_start3A_193, %dma_start3A_194, %dma_start3A_195] : memref<2x25x80xi32, #tpu.memory_space<vmem>> -> memref<1x25x80xi32, #tpu.memory_space<vmem>>
    %dma_start3A_197 = tpu.memref_squeeze %dma_start3A_196 : memref<1x25x80xi32, #tpu.memory_space<vmem>> -> memref<25x80xi32, #tpu.memory_space<vmem>>
    %dma_start3A_198 = arith.constant 0 : i32
    %dma_start3A_199 = arith.constant 0 : i32
    %dma_start3A_200 = tpu.memref_slice %arg3[%add3A, %dma_start3A_192, %dma_start3A_198, %dma_start3A_199] : memref<32x5x25x80xi32, #tpu.memory_space<hbm>> -> memref<1x1x25x80xi32, #tpu.memory_space<hbm>>
    %dma_start3A_201 = tpu.memref_squeeze %dma_start3A_200 : memref<1x1x25x80xi32, #tpu.memory_space<hbm>> -> memref<25x80xi32, #tpu.memory_space<hbm>>
    %dma_start3A_202 = arith.constant 0 : i32
    %dma_start3A_203 = arith.constant 0 : i32
    %dma_start3A_204 = tpu.memref_slice %arg9[%dma_start3A_193, %dma_start3A_202, %dma_start3A_203] : memref<2x25x80xi32, #tpu.memory_space<vmem>> -> memref<1x25x80xi32, #tpu.memory_space<vmem>>
    %dma_start3A_205 = tpu.memref_squeeze %dma_start3A_204 : memref<1x25x80xi32, #tpu.memory_space<vmem>> -> memref<25x80xi32, #tpu.memory_space<vmem>>
    %dma_start3A_206 = arith.constant 0 : i32
    %dma_start3A_207 = arith.constant 0 : i32
    %dma_start3A_208 = tpu.memref_slice %arg3[%add3A, %dma_start3A_192, %dma_start3A_206, %dma_start3A_207] : memref<32x5x25x80xi32, #tpu.memory_space<hbm>> -> memref<1x1x25x80xi32, #tpu.memory_space<hbm>>
    %dma_start3A_209 = tpu.memref_squeeze %dma_start3A_208 : memref<1x1x25x80xi32, #tpu.memory_space<hbm>> -> memref<25x80xi32, #tpu.memory_space<hbm>>
    tpu.enqueue_dma source(%dma_start3A_209 : memref<25x80xi32, #tpu.memory_space<hbm>>) target(%dma_start3A_205 : memref<25x80xi32, #tpu.memory_space<vmem>>) target_semaphore(%arg16 : memref<!tpu.dma_semaphore, #tpu.memory_space<semaphore_mem>>)
    %dma_start3A_210 = arith.constant 3 : i32
    %dma_start3A_211 = arith.constant 1 : i32
    %dma_start3A_212 = arith.constant 0 : i32
    %dma_start3A_213 = arith.constant 0 : i32
    %dma_start3A_214 = tpu.memref_slice %arg10[%dma_start3A_211, %dma_start3A_212, %dma_start3A_213] : memref<2x25x80xi32, #tpu.memory_space<vmem>> -> memref<1x25x80xi32, #tpu.memory_space<vmem>>
    %dma_start3A_215 = tpu.memref_squeeze %dma_start3A_214 : memref<1x25x80xi32, #tpu.memory_space<vmem>> -> memref<25x80xi32, #tpu.memory_space<vmem>>
    %dma_start3A_216 = arith.constant 0 : i32
    %dma_start3A_217 = arith.constant 0 : i32
    %dma_start3A_218 = tpu.memref_slice %arg4[%add3A, %dma_start3A_210, %dma_start3A_216, %dma_start3A_217] : memref<32x5x25x80xi32, #tpu.memory_space<hbm>> -> memref<1x1x25x80xi32, #tpu.memory_space<hbm>>
    %dma_start3A_219 = tpu.memref_squeeze %dma_start3A_218 : memref<1x1x25x80xi32, #tpu.memory_space<hbm>> -> memref<25x80xi32, #tpu.memory_space<hbm>>
    %dma_start3A_220 = arith.constant 0 : i32
    %dma_start3A_221 = arith.constant 0 : i32
    %dma_start3A_222 = tpu.memref_slice %arg10[%dma_start3A_211, %dma_start3A_220, %dma_start3A_221] : memref<2x25x80xi32, #tpu.memory_space<vmem>> -> memref<1x25x80xi32, #tpu.memory_space<vmem>>
    %dma_start3A_223 = tpu.memref_squeeze %dma_start3A_222 : memref<1x25x80xi32, #tpu.memory_space<vmem>> -> memref<25x80xi32, #tpu.memory_space<vmem>>
    %dma_start3A_224 = arith.constant 0 : i32
    %dma_start3A_225 = arith.constant 0 : i32
    %dma_start3A_226 = tpu.memref_slice %arg4[%add3A, %dma_start3A_210, %dma_start3A_224, %dma_start3A_225] : memref<32x5x25x80xi32, #tpu.memory_space<hbm>> -> memref<1x1x25x80xi32, #tpu.memory_space<hbm>>
    %dma_start3A_227 = tpu.memref_squeeze %dma_start3A_226 : memref<1x1x25x80xi32, #tpu.memory_space<hbm>> -> memref<25x80xi32, #tpu.memory_space<hbm>>
    tpu.enqueue_dma source(%dma_start3A_227 : memref<25x80xi32, #tpu.memory_space<hbm>>) target(%dma_start3A_223 : memref<25x80xi32, #tpu.memory_space<vmem>>) target_semaphore(%arg16 : memref<!tpu.dma_semaphore, #tpu.memory_space<semaphore_mem>>)
    %dma_start3A_228 = arith.constant 0 : i32
    %dma_start3A_229 = arith.constant 0 : i32
    %dma_start3A_230 = arith.constant 0 : i32
    %dma_start3A_231 = arith.constant 0 : i32
    %dma_start3A_232 = tpu.memref_slice %arg9[%dma_start3A_228, %dma_start3A_230, %dma_start3A_231] : memref<2x25x80xi32, #tpu.memory_space<vmem>> -> memref<1x25x80xi32, #tpu.memory_space<vmem>>
    %dma_start3A_233 = tpu.memref_squeeze %dma_start3A_232 : memref<1x25x80xi32, #tpu.memory_space<vmem>> -> memref<25x80xi32, #tpu.memory_space<vmem>>
    %dma_start3A_234 = arith.constant 0 : i32
    %dma_start3A_235 = tpu.memref_slice %dma_start3A_233[%dma_start3A_229, %dma_start3A_234] : memref<25x80xi32, #tpu.memory_space<vmem>> -> memref<1x80xi32, #tpu.memory_space<vmem>>
    %dma_start3A_236 = tpu.memref_squeeze %dma_start3A_235 : memref<1x80xi32, #tpu.memory_space<vmem>> -> memref<80xi32, #tpu.memory_space<vmem>>
    %dma_start3A_237 = arith.constant 0 : i32
    %dma_start3A_238 = arith.constant 0 : i32
    %dma_start3A_239 = tpu.memref_slice %arg2[%dma_start3A_237, %dma_start3A_238] : memref<10000x128xf32, #tpu.memory_space<hbm>> -> memref<10000x128xf32, #tpu.memory_space<hbm>>
    tpu.enqueue_indirect_dma source(%dma_start3A_239 : memref<10000x128xf32, #tpu.memory_space<hbm>>) target(%arg11 : memref<80x128xf32, #tpu.memory_space<vmem>>) offsets(%dma_start3A_236 : memref<80xi32, #tpu.memory_space<vmem>>) semaphore(%arg14 : memref<!tpu.dma_semaphore, #tpu.memory_space<semaphore_mem>>)
    %scan3A_240 = arith.constant 0 : i32
    %scan3A_241 = arith.constant 0 : i32
    %scan3A_242 = arith.constant 0 : i32
    %scan3A_243 = arith.constant 0 : i32
    %scan3A_244 = arith.constant 13 : i32
    %scan3A_245 = arith.addi %scan3A_243, %scan3A_244 : i32
    %scan3A_246 = arith.constant 1 : i32
    scf.for %scan3A_401 = %scan3A_243 to %scan3A_245 step %scan3A_246  : i32 {
      %mul3A_402 = arith.constant 2 : i32
      %mul3A_403 = arith.muli %mul3A_402, %scan3A_401 : i32
      %add3A_404 = arith.constant 1 : i32
      %add3A_405 = arith.addi %mul3A_403, %add3A_404 : i32
      %lt3A = arith.constant 25 : i32
      %lt3A_406 = arith.cmpi slt, %add3A_405, %lt3A : i32
      %convert_element_type3A = arith.extui %lt3A_406 : i1 to i32
      %cond3A = arith.constant 0 : i32
      %cond3A_407 = arith.cmpi ne, %convert_element_type3A, %cond3A : i32
      scf.if %cond3A_407 {
        %add3A_466 = arith.constant 1 : i32
        %add3A_467 = arith.addi %mul3A_403, %add3A_466 : i32
        %dma_start3A_468 = arith.constant 0 : i32
        %dma_start3A_469 = arith.constant 0 : i32
        %dma_start3A_470 = tpu.memref_slice %arg9[%scan3A_241, %dma_start3A_468, %dma_start3A_469] : memref<2x25x80xi32, #tpu.memory_space<vmem>> -> memref<1x25x80xi32, #tpu.memory_space<vmem>>
        %dma_start3A_471 = tpu.memref_squeeze %dma_start3A_470 : memref<1x25x80xi32, #tpu.memory_space<vmem>> -> memref<25x80xi32, #tpu.memory_space<vmem>>
        %dma_start3A_472 = arith.constant 0 : i32
        %dma_start3A_473 = tpu.memref_slice %dma_start3A_471[%add3A_467, %dma_start3A_472] : memref<25x80xi32, #tpu.memory_space<vmem>> -> memref<1x80xi32, #tpu.memory_space<vmem>>
        %dma_start3A_474 = tpu.memref_squeeze %dma_start3A_473 : memref<1x80xi32, #tpu.memory_space<vmem>> -> memref<80xi32, #tpu.memory_space<vmem>>
        %dma_start3A_475 = arith.constant 0 : i32
        %dma_start3A_476 = arith.constant 0 : i32
        %dma_start3A_477 = tpu.memref_slice %arg2[%dma_start3A_475, %dma_start3A_476] : memref<10000x128xf32, #tpu.memory_space<hbm>> -> memref<10000x128xf32, #tpu.memory_space<hbm>>
        tpu.enqueue_indirect_dma source(%dma_start3A_477 : memref<10000x128xf32, #tpu.memory_space<hbm>>) target(%arg12 : memref<80x128xf32, #tpu.memory_space<vmem>>) offsets(%dma_start3A_474 : memref<80xi32, #tpu.memory_space<vmem>>) semaphore(%arg15 : memref<!tpu.dma_semaphore, #tpu.memory_space<semaphore_mem>>)
      } else {
      }
      %dma_wait3A_408 = arith.constant 0 : i32
      %dma_wait3A_409 = arith.constant 0 : i32
      %dma_wait3A_410 = tpu.memref_slice %arg9[%scan3A_241, %dma_wait3A_408, %dma_wait3A_409] : memref<2x25x80xi32, #tpu.memory_space<vmem>> -> memref<1x25x80xi32, #tpu.memory_space<vmem>>
      %dma_wait3A_411 = tpu.memref_squeeze %dma_wait3A_410 : memref<1x25x80xi32, #tpu.memory_space<vmem>> -> memref<25x80xi32, #tpu.memory_space<vmem>>
      %dma_wait3A_412 = arith.constant 0 : i32
      %dma_wait3A_413 = tpu.memref_slice %dma_wait3A_411[%mul3A_403, %dma_wait3A_412] : memref<25x80xi32, #tpu.memory_space<vmem>> -> memref<1x80xi32, #tpu.memory_space<vmem>>
      %dma_wait3A_414 = tpu.memref_squeeze %dma_wait3A_413 : memref<1x80xi32, #tpu.memory_space<vmem>> -> memref<80xi32, #tpu.memory_space<vmem>>
      %dma_wait3A_415 = arith.constant 0 : i32
      %dma_wait3A_416 = arith.constant 0 : i32
      %dma_wait3A_417 = tpu.memref_slice %arg2[%dma_wait3A_415, %dma_wait3A_416] : memref<10000x128xf32, #tpu.memory_space<hbm>> -> memref<10000x128xf32, #tpu.memory_space<hbm>>
      tpu.wait_indirect_dma semaphore(%arg14 : memref<!tpu.dma_semaphore, #tpu.memory_space<semaphore_mem>>) src(%dma_wait3A_417 : memref<10000x128xf32, #tpu.memory_space<hbm>>) dst(%arg11 : memref<80x128xf32, #tpu.memory_space<vmem>>)
      "tpu.region"() ({
        %run_scoped3A_466 = tpu.sem_alloc : memref<!tpu.dma_semaphore, #tpu.memory_space<semaphore_mem>>
        %dma_start3A_467 = arith.constant 0 : i32
        %dma_start3A_468 = arith.constant 0 : i32
        %dma_start3A_469 = tpu.memref_slice %arg10[%scan3A_242, %dma_start3A_467, %dma_start3A_468] : memref<2x25x80xi32, #tpu.memory_space<vmem>> -> memref<1x25x80xi32, #tpu.memory_space<vmem>>
        %dma_start3A_470 = tpu.memref_squeeze %dma_start3A_469 : memref<1x25x80xi32, #tpu.memory_space<vmem>> -> memref<25x80xi32, #tpu.memory_space<vmem>>
        %dma_start3A_471 = arith.constant 0 : i32
        %dma_start3A_472 = tpu.memref_slice %dma_start3A_470[%mul3A_403, %dma_start3A_471] : memref<25x80xi32, #tpu.memory_space<vmem>> -> memref<1x80xi32, #tpu.memory_space<vmem>>
        %dma_start3A_473 = tpu.memref_squeeze %dma_start3A_472 : memref<1x80xi32, #tpu.memory_space<vmem>> -> memref<80xi32, #tpu.memory_space<vmem>>
        %dma_start3A_474 = arith.constant 0 : i32
        %dma_start3A_475 = arith.constant 0 : i32
        %dma_start3A_476 = tpu.memref_slice %arg13[%dma_start3A_474, %dma_start3A_475] : memref<10240x128xf32, #tpu.memory_space<vmem_shared>> -> memref<10240x128xf32, #tpu.memory_space<vmem_shared>>
        tpu.enqueue_indirect_dma source(%arg11 : memref<80x128xf32, #tpu.memory_space<vmem>>) target(%dma_start3A_476 : memref<10240x128xf32, #tpu.memory_space<vmem_shared>>) offsets(%dma_start3A_473 : memref<80xi32, #tpu.memory_space<vmem>>) semaphore(%run_scoped3A_466 : memref<!tpu.dma_semaphore, #tpu.memory_space<semaphore_mem>>) {add = true}
        %dma_wait3A_477 = arith.constant 0 : i32
        %dma_wait3A_478 = arith.constant 0 : i32
        %dma_wait3A_479 = tpu.memref_slice %arg10[%scan3A_242, %dma_wait3A_477, %dma_wait3A_478] : memref<2x25x80xi32, #tpu.memory_space<vmem>> -> memref<1x25x80xi32, #tpu.memory_space<vmem>>
        %dma_wait3A_480 = tpu.memref_squeeze %dma_wait3A_479 : memref<1x25x80xi32, #tpu.memory_space<vmem>> -> memref<25x80xi32, #tpu.memory_space<vmem>>
        %dma_wait3A_481 = arith.constant 0 : i32
        %dma_wait3A_482 = tpu.memref_slice %dma_wait3A_480[%mul3A_403, %dma_wait3A_481] : memref<25x80xi32, #tpu.memory_space<vmem>> -> memref<1x80xi32, #tpu.memory_space<vmem>>
        %dma_wait3A_483 = tpu.memref_squeeze %dma_wait3A_482 : memref<1x80xi32, #tpu.memory_space<vmem>> -> memref<80xi32, #tpu.memory_space<vmem>>
        %dma_wait3A_484 = arith.constant 0 : i32
        %dma_wait3A_485 = arith.constant 0 : i32
        %dma_wait3A_486 = tpu.memref_slice %arg13[%dma_wait3A_484, %dma_wait3A_485] : memref<10240x128xf32, #tpu.memory_space<vmem_shared>> -> memref<10240x128xf32, #tpu.memory_space<vmem_shared>>
        tpu.wait_indirect_dma semaphore(%run_scoped3A_466 : memref<!tpu.dma_semaphore, #tpu.memory_space<semaphore_mem>>) src(%arg11 : memref<80x128xf32, #tpu.memory_space<vmem>>) dst(%dma_wait3A_486 : memref<10240x128xf32, #tpu.memory_space<vmem_shared>>)
        tpu.yield
      }) : () -> ()
      %get3A = arith.constant 0 : i32
      %get3A_418 = arith.constant 0 : i32
      %get3A_419 = tpu.memref_slice %arg10[%scan3A_242, %get3A, %get3A_418] : memref<2x25x80xi32, #tpu.memory_space<vmem>> -> memref<1x25x80xi32, #tpu.memory_space<vmem>>
      %get3A_420 = tpu.memref_squeeze %get3A_419 : memref<1x25x80xi32, #tpu.memory_space<vmem>> -> memref<25x80xi32, #tpu.memory_space<vmem>>
      %get3A_421 = arith.index_cast %mul3A_403 : i32 to index
      %get3A_422 = arith.constant 0 : index
      %get3A_423 = tpu.vector_load %get3A_420[%get3A_421, %get3A_422] {strides = array<i32>} : memref<25x80xi32, #tpu.memory_space<vmem>>, vector<16xi32>,
      tpu.vector_store_idx %arg18[%get3A_423], %broadcast_in_dim3A_6 {add = true} : memref<10240xf32, #tpu.memory_space<vmem>>[vector<16xi32>], vector<16xf32>,
      %get3A_424 = arith.constant 0 : i32
      %get3A_425 = arith.constant 0 : i32
      %get3A_426 = tpu.memref_slice %arg10[%scan3A_242, %get3A_424, %get3A_425] : memref<2x25x80xi32, #tpu.memory_space<vmem>> -> memref<1x25x80xi32, #tpu.memory_space<vmem>>
      %get3A_427 = tpu.memref_squeeze %get3A_426 : memref<1x25x80xi32, #tpu.memory_space<vmem>> -> memref<25x80xi32, #tpu.memory_space<vmem>>
      %get3A_428 = arith.index_cast %mul3A_403 : i32 to index
      %get3A_429 = arith.constant 16 : index
      %get3A_430 = tpu.vector_load %get3A_427[%get3A_428, %get3A_429] {strides = array<i32>} : memref<25x80xi32, #tpu.memory_space<vmem>>, vector<16xi32>,
      tpu.vector_store_idx %arg18[%get3A_430], %broadcast_in_dim3A_6 {add = true} : memref<10240xf32, #tpu.memory_space<vmem>>[vector<16xi32>], vector<16xf32>,
      %get3A_431 = arith.constant 0 : i32
      %get3A_432 = arith.constant 0 : i32
      %get3A_433 = tpu.memref_slice %arg10[%scan3A_242, %get3A_431, %get3A_432] : memref<2x25x80xi32, #tpu.memory_space<vmem>> -> memref<1x25x80xi32, #tpu.memory_space<vmem>>
      %get3A_434 = tpu.memref_squeeze %get3A_433 : memref<1x25x80xi32, #tpu.memory_space<vmem>> -> memref<25x80xi32, #tpu.memory_space<vmem>>
      %get3A_435 = arith.index_cast %mul3A_403 : i32 to index
      %get3A_436 = arith.constant 32 : index
      %get3A_437 = tpu.vector_load %get3A_434[%get3A_435, %get3A_436] {strides = array<i32>} : memref<25x80xi32, #tpu.memory_space<vmem>>, vector<16xi32>,
      tpu.vector_store_idx %arg18[%get3A_437], %broadcast_in_dim3A_6 {add = true} : memref<10240xf32, #tpu.memory_space<vmem>>[vector<16xi32>], vector<16xf32>,
      %get3A_438 = arith.constant 0 : i32
      %get3A_439 = arith.constant 0 : i32
      %get3A_440 = tpu.memref_slice %arg10[%scan3A_242, %get3A_438, %get3A_439] : memref<2x25x80xi32, #tpu.memory_space<vmem>> -> memref<1x25x80xi32, #tpu.memory_space<vmem>>
      %get3A_441 = tpu.memref_squeeze %get3A_440 : memref<1x25x80xi32, #tpu.memory_space<vmem>> -> memref<25x80xi32, #tpu.memory_space<vmem>>
      %get3A_442 = arith.index_cast %mul3A_403 : i32 to index
      %get3A_443 = arith.constant 48 : index
      %get3A_444 = tpu.vector_load %get3A_441[%get3A_442, %get3A_443] {strides = array<i32>} : memref<25x80xi32, #tpu.memory_space<vmem>>, vector<16xi32>,
      tpu.vector_store_idx %arg18[%get3A_444], %broadcast_in_dim3A_6 {add = true} : memref<10240xf32, #tpu.memory_space<vmem>>[vector<16xi32>], vector<16xf32>,
      %get3A_445 = arith.constant 0 : i32
      %get3A_446 = arith.constant 0 : i32
      %get3A_447 = tpu.memref_slice %arg10[%scan3A_242, %get3A_445, %get3A_446] : memref<2x25x80xi32, #tpu.memory_space<vmem>> -> memref<1x25x80xi32, #tpu.memory_space<vmem>>
      %get3A_448 = tpu.memref_squeeze %get3A_447 : memref<1x25x80xi32, #tpu.memory_space<vmem>> -> memref<25x80xi32, #tpu.memory_space<vmem>>
      %get3A_449 = arith.index_cast %mul3A_403 : i32 to index
      %get3A_450 = arith.constant 64 : index
      %get3A_451 = tpu.vector_load %get3A_448[%get3A_449, %get3A_450] {strides = array<i32>} : memref<25x80xi32, #tpu.memory_space<vmem>>, vector<16xi32>,
      tpu.vector_store_idx %arg18[%get3A_451], %broadcast_in_dim3A_6 {add = true} : memref<10240xf32, #tpu.memory_space<vmem>>[vector<16xi32>], vector<16xf32>,
      %add3A_452 = arith.constant 2 : i32
      %add3A_453 = arith.addi %mul3A_403, %add3A_452 : i32
      %lt3A_454 = arith.constant 25 : i32
      %lt3A_455 = arith.cmpi slt, %add3A_453, %lt3A_454 : i32
      %convert_element_type3A_456 = arith.extui %lt3A_455 : i1 to i32
      %cond3A_457 = arith.constant 0 : i32
      %cond3A_458 = arith.cmpi ne, %convert_element_type3A_456, %cond3A_457 : i32
      scf.if %cond3A_458 {
        %add3A_466 = arith.constant 2 : i32
        %add3A_467 = arith.addi %mul3A_403, %add3A_466 : i32
        %dma_start3A_468 = arith.constant 0 : i32
        %dma_start3A_469 = arith.constant 0 : i32
        %dma_start3A_470 = tpu.memref_slice %arg9[%scan3A_241, %dma_start3A_468, %dma_start3A_469] : memref<2x25x80xi32, #tpu.memory_space<vmem>> -> memref<1x25x80xi32, #tpu.memory_space<vmem>>
        %dma_start3A_471 = tpu.memref_squeeze %dma_start3A_470 : memref<1x25x80xi32, #tpu.memory_space<vmem>> -> memref<25x80xi32, #tpu.memory_space<vmem>>
        %dma_start3A_472 = arith.constant 0 : i32
        %dma_start3A_473 = tpu.memref_slice %dma_start3A_471[%add3A_467, %dma_start3A_472] : memref<25x80xi32, #tpu.memory_space<vmem>> -> memref<1x80xi32, #tpu.memory_space<vmem>>
        %dma_start3A_474 = tpu.memref_squeeze %dma_start3A_473 : memref<1x80xi32, #tpu.memory_space<vmem>> -> memref<80xi32, #tpu.memory_space<vmem>>
        %dma_start3A_475 = arith.constant 0 : i32
        %dma_start3A_476 = arith.constant 0 : i32
        %dma_start3A_477 = tpu.memref_slice %arg2[%dma_start3A_475, %dma_start3A_476] : memref<10000x128xf32, #tpu.memory_space<hbm>> -> memref<10000x128xf32, #tpu.memory_space<hbm>>
        tpu.enqueue_indirect_dma source(%dma_start3A_477 : memref<10000x128xf32, #tpu.memory_space<hbm>>) target(%arg11 : memref<80x128xf32, #tpu.memory_space<vmem>>) offsets(%dma_start3A_474 : memref<80xi32, #tpu.memory_space<vmem>>) semaphore(%arg14 : memref<!tpu.dma_semaphore, #tpu.memory_space<semaphore_mem>>)
      } else {
      }
      %add3A_459 = arith.constant 1 : i32
      %add3A_460 = arith.addi %mul3A_403, %add3A_459 : i32
      %lt3A_461 = arith.constant 25 : i32
      %lt3A_462 = arith.cmpi slt, %add3A_460, %lt3A_461 : i32
      %convert_element_type3A_463 = arith.extui %lt3A_462 : i1 to i32
      %cond3A_464 = arith.constant 0 : i32
      %cond3A_465 = arith.cmpi ne, %convert_element_type3A_463, %cond3A_464 : i32
      scf.if %cond3A_465 {
        %add3A_466 = arith.constant 1 : i32
        %add3A_467 = arith.addi %mul3A_403, %add3A_466 : i32
        %dma_wait3A_468 = arith.constant 0 : i32
        %dma_wait3A_469 = arith.constant 0 : i32
        %dma_wait3A_470 = tpu.memref_slice %arg9[%scan3A_241, %dma_wait3A_468, %dma_wait3A_469] : memref<2x25x80xi32, #tpu.memory_space<vmem>> -> memref<1x25x80xi32, #tpu.memory_space<vmem>>
        %dma_wait3A_471 = tpu.memref_squeeze %dma_wait3A_470 : memref<1x25x80xi32, #tpu.memory_space<vmem>> -> memref<25x80xi32, #tpu.memory_space<vmem>>
        %dma_wait3A_472 = arith.constant 0 : i32
        %dma_wait3A_473 = tpu.memref_slice %dma_wait3A_471[%add3A_467, %dma_wait3A_472] : memref<25x80xi32, #tpu.memory_space<vmem>> -> memref<1x80xi32, #tpu.memory_space<vmem>>
        %dma_wait3A_474 = tpu.memref_squeeze %dma_wait3A_473 : memref<1x80xi32, #tpu.memory_space<vmem>> -> memref<80xi32, #tpu.memory_space<vmem>>
        %dma_wait3A_475 = arith.constant 0 : i32
        %dma_wait3A_476 = arith.constant 0 : i32
        %dma_wait3A_477 = tpu.memref_slice %arg2[%dma_wait3A_475, %dma_wait3A_476] : memref<10000x128xf32, #tpu.memory_space<hbm>> -> memref<10000x128xf32, #tpu.memory_space<hbm>>
        tpu.wait_indirect_dma semaphore(%arg15 : memref<!tpu.dma_semaphore, #tpu.memory_space<semaphore_mem>>) src(%dma_wait3A_477 : memref<10000x128xf32, #tpu.memory_space<hbm>>) dst(%arg12 : memref<80x128xf32, #tpu.memory_space<vmem>>)
        %add3A_478 = arith.constant 1 : i32
        %add3A_479 = arith.addi %mul3A_403, %add3A_478 : i32
        "tpu.region"() ({
          %run_scoped3A_517 = tpu.sem_alloc : memref<!tpu.dma_semaphore, #tpu.memory_space<semaphore_mem>>
          %dma_start3A_518 = arith.constant 0 : i32
          %dma_start3A_519 = arith.constant 0 : i32
          %dma_start3A_520 = tpu.memref_slice %arg10[%scan3A_242, %dma_start3A_518, %dma_start3A_519] : memref<2x25x80xi32, #tpu.memory_space<vmem>> -> memref<1x25x80xi32, #tpu.memory_space<vmem>>
          %dma_start3A_521 = tpu.memref_squeeze %dma_start3A_520 : memref<1x25x80xi32, #tpu.memory_space<vmem>> -> memref<25x80xi32, #tpu.memory_space<vmem>>
          %dma_start3A_522 = arith.constant 0 : i32
          %dma_start3A_523 = tpu.memref_slice %dma_start3A_521[%add3A_479, %dma_start3A_522] : memref<25x80xi32, #tpu.memory_space<vmem>> -> memref<1x80xi32, #tpu.memory_space<vmem>>
          %dma_start3A_524 = tpu.memref_squeeze %dma_start3A_523 : memref<1x80xi32, #tpu.memory_space<vmem>> -> memref<80xi32, #tpu.memory_space<vmem>>
          %dma_start3A_525 = arith.constant 0 : i32
          %dma_start3A_526 = arith.constant 0 : i32
          %dma_start3A_527 = tpu.memref_slice %arg13[%dma_start3A_525, %dma_start3A_526] : memref<10240x128xf32, #tpu.memory_space<vmem_shared>> -> memref<10240x128xf32, #tpu.memory_space<vmem_shared>>
          tpu.enqueue_indirect_dma source(%arg12 : memref<80x128xf32, #tpu.memory_space<vmem>>) target(%dma_start3A_527 : memref<10240x128xf32, #tpu.memory_space<vmem_shared>>) offsets(%dma_start3A_524 : memref<80xi32, #tpu.memory_space<vmem>>) semaphore(%run_scoped3A_517 : memref<!tpu.dma_semaphore, #tpu.memory_space<semaphore_mem>>) {add = true}
          %dma_wait3A_528 = arith.constant 0 : i32
          %dma_wait3A_529 = arith.constant 0 : i32
          %dma_wait3A_530 = tpu.memref_slice %arg10[%scan3A_242, %dma_wait3A_528, %dma_wait3A_529] : memref<2x25x80xi32, #tpu.memory_space<vmem>> -> memref<1x25x80xi32, #tpu.memory_space<vmem>>
          %dma_wait3A_531 = tpu.memref_squeeze %dma_wait3A_530 : memref<1x25x80xi32, #tpu.memory_space<vmem>> -> memref<25x80xi32, #tpu.memory_space<vmem>>
          %dma_wait3A_532 = arith.constant 0 : i32
          %dma_wait3A_533 = tpu.memref_slice %dma_wait3A_531[%add3A_479, %dma_wait3A_532] : memref<25x80xi32, #tpu.memory_space<vmem>> -> memref<1x80xi32, #tpu.memory_space<vmem>>
          %dma_wait3A_534 = tpu.memref_squeeze %dma_wait3A_533 : memref<1x80xi32, #tpu.memory_space<vmem>> -> memref<80xi32, #tpu.memory_space<vmem>>
          %dma_wait3A_535 = arith.constant 0 : i32
          %dma_wait3A_536 = arith.constant 0 : i32
          %dma_wait3A_537 = tpu.memref_slice %arg13[%dma_wait3A_535, %dma_wait3A_536] : memref<10240x128xf32, #tpu.memory_space<vmem_shared>> -> memref<10240x128xf32, #tpu.memory_space<vmem_shared>>
          tpu.wait_indirect_dma semaphore(%run_scoped3A_517 : memref<!tpu.dma_semaphore, #tpu.memory_space<semaphore_mem>>) src(%arg12 : memref<80x128xf32, #tpu.memory_space<vmem>>) dst(%dma_wait3A_537 : memref<10240x128xf32, #tpu.memory_space<vmem_shared>>)
          tpu.yield
        }) : () -> ()
        %add3A_480 = arith.constant 1 : i32
        %add3A_481 = arith.addi %mul3A_403, %add3A_480 : i32
        %get3A_482 = arith.constant 0 : i32
        %get3A_483 = arith.constant 0 : i32
        %get3A_484 = tpu.memref_slice %arg10[%scan3A_242, %get3A_482, %get3A_483] : memref<2x25x80xi32, #tpu.memory_space<vmem>> -> memref<1x25x80xi32, #tpu.memory_space<vmem>>
        %get3A_485 = tpu.memref_squeeze %get3A_484 : memref<1x25x80xi32, #tpu.memory_space<vmem>> -> memref<25x80xi32, #tpu.memory_space<vmem>>
        %get3A_486 = arith.index_cast %add3A_481 : i32 to index
        %get3A_487 = arith.constant 0 : index
        %get3A_488 = tpu.vector_load %get3A_485[%get3A_486, %get3A_487] {strides = array<i32>} : memref<25x80xi32, #tpu.memory_space<vmem>>, vector<16xi32>,
        tpu.vector_store_idx %arg18[%get3A_488], %broadcast_in_dim3A_6 {add = true} : memref<10240xf32, #tpu.memory_space<vmem>>[vector<16xi32>], vector<16xf32>,
        %get3A_489 = arith.constant 0 : i32
        %get3A_490 = arith.constant 0 : i32
        %get3A_491 = tpu.memref_slice %arg10[%scan3A_242, %get3A_489, %get3A_490] : memref<2x25x80xi32, #tpu.memory_space<vmem>> -> memref<1x25x80xi32, #tpu.memory_space<vmem>>
        %get3A_492 = tpu.memref_squeeze %get3A_491 : memref<1x25x80xi32, #tpu.memory_space<vmem>> -> memref<25x80xi32, #tpu.memory_space<vmem>>
        %get3A_493 = arith.index_cast %add3A_481 : i32 to index
        %get3A_494 = arith.constant 16 : index
        %get3A_495 = tpu.vector_load %get3A_492[%get3A_493, %get3A_494] {strides = array<i32>} : memref<25x80xi32, #tpu.memory_space<vmem>>, vector<16xi32>,
        tpu.vector_store_idx %arg18[%get3A_495], %broadcast_in_dim3A_6 {add = true} : memref<10240xf32, #tpu.memory_space<vmem>>[vector<16xi32>], vector<16xf32>,
        %get3A_496 = arith.constant 0 : i32
        %get3A_497 = arith.constant 0 : i32
        %get3A_498 = tpu.memref_slice %arg10[%scan3A_242, %get3A_496, %get3A_497] : memref<2x25x80xi32, #tpu.memory_space<vmem>> -> memref<1x25x80xi32, #tpu.memory_space<vmem>>
        %get3A_499 = tpu.memref_squeeze %get3A_498 : memref<1x25x80xi32, #tpu.memory_space<vmem>> -> memref<25x80xi32, #tpu.memory_space<vmem>>
        %get3A_500 = arith.index_cast %add3A_481 : i32 to index
        %get3A_501 = arith.constant 32 : index
        %get3A_502 = tpu.vector_load %get3A_499[%get3A_500, %get3A_501] {strides = array<i32>} : memref<25x80xi32, #tpu.memory_space<vmem>>, vector<16xi32>,
        tpu.vector_store_idx %arg18[%get3A_502], %broadcast_in_dim3A_6 {add = true} : memref<10240xf32, #tpu.memory_space<vmem>>[vector<16xi32>], vector<16xf32>,
        %get3A_503 = arith.constant 0 : i32
        %get3A_504 = arith.constant 0 : i32
        %get3A_505 = tpu.memref_slice %arg10[%scan3A_242, %get3A_503, %get3A_504] : memref<2x25x80xi32, #tpu.memory_space<vmem>> -> memref<1x25x80xi32, #tpu.memory_space<vmem>>
        %get3A_506 = tpu.memref_squeeze %get3A_505 : memref<1x25x80xi32, #tpu.memory_space<vmem>> -> memref<25x80xi32, #tpu.memory_space<vmem>>
        %get3A_507 = arith.index_cast %add3A_481 : i32 to index
        %get3A_508 = arith.constant 48 : index
        %get3A_509 = tpu.vector_load %get3A_506[%get3A_507, %get3A_508] {strides = array<i32>} : memref<25x80xi32, #tpu.memory_space<vmem>>, vector<16xi32>,
        tpu.vector_store_idx %arg18[%get3A_509], %broadcast_in_dim3A_6 {add = true} : memref<10240xf32, #tpu.memory_space<vmem>>[vector<16xi32>], vector<16xf32>,
        %get3A_510 = arith.constant 0 : i32
        %get3A_511 = arith.constant 0 : i32
        %get3A_512 = tpu.memref_slice %arg10[%scan3A_242, %get3A_510, %get3A_511] : memref<2x25x80xi32, #tpu.memory_space<vmem>> -> memref<1x25x80xi32, #tpu.memory_space<vmem>>
        %get3A_513 = tpu.memref_squeeze %get3A_512 : memref<1x25x80xi32, #tpu.memory_space<vmem>> -> memref<25x80xi32, #tpu.memory_space<vmem>>
        %get3A_514 = arith.index_cast %add3A_481 : i32 to index
        %get3A_515 = arith.constant 64 : index
        %get3A_516 = tpu.vector_load %get3A_513[%get3A_514, %get3A_515] {strides = array<i32>} : memref<25x80xi32, #tpu.memory_space<vmem>>, vector<16xi32>,
        tpu.vector_store_idx %arg18[%get3A_516], %broadcast_in_dim3A_6 {add = true} : memref<10240xf32, #tpu.memory_space<vmem>>[vector<16xi32>], vector<16xf32>,
      } else {
      }
    }
    %scan3A_247 = arith.constant 13 : i32
    %dma_wait3A_248 = arith.constant 3 : i32
    %dma_wait3A_249 = arith.constant 1 : i32
    %dma_wait3A_250 = arith.constant 0 : i32
    %dma_wait3A_251 = arith.constant 0 : i32
    %dma_wait3A_252 = tpu.memref_slice %arg9[%dma_wait3A_249, %dma_wait3A_250, %dma_wait3A_251] : memref<2x25x80xi32, #tpu.memory_space<vmem>> -> memref<1x25x80xi32, #tpu.memory_space<vmem>>
    %dma_wait3A_253 = tpu.memref_squeeze %dma_wait3A_252 : memref<1x25x80xi32, #tpu.memory_space<vmem>> -> memref<25x80xi32, #tpu.memory_space<vmem>>
    %dma_wait3A_254 = arith.constant 0 : i32
    %dma_wait3A_255 = arith.constant 0 : i32
    %dma_wait3A_256 = tpu.memref_slice %arg3[%add3A, %dma_wait3A_248, %dma_wait3A_254, %dma_wait3A_255] : memref<32x5x25x80xi32, #tpu.memory_space<hbm>> -> memref<1x1x25x80xi32, #tpu.memory_space<hbm>>
    %dma_wait3A_257 = tpu.memref_squeeze %dma_wait3A_256 : memref<1x1x25x80xi32, #tpu.memory_space<hbm>> -> memref<25x80xi32, #tpu.memory_space<hbm>>
    %dma_wait3A_258 = arith.constant 0 : i32
    %dma_wait3A_259 = arith.constant 0 : i32
    %dma_wait3A_260 = tpu.memref_slice %arg9[%dma_wait3A_249, %dma_wait3A_258, %dma_wait3A_259] : memref<2x25x80xi32, #tpu.memory_space<vmem>> -> memref<1x25x80xi32, #tpu.memory_space<vmem>>
    %dma_wait3A_261 = tpu.memref_squeeze %dma_wait3A_260 : memref<1x25x80xi32, #tpu.memory_space<vmem>> -> memref<25x80xi32, #tpu.memory_space<vmem>>
    %dma_wait3A_262 = arith.constant 0 : i32
    %dma_wait3A_263 = arith.constant 0 : i32
    %dma_wait3A_264 = tpu.memref_slice %arg3[%add3A, %dma_wait3A_248, %dma_wait3A_262, %dma_wait3A_263] : memref<32x5x25x80xi32, #tpu.memory_space<hbm>> -> memref<1x1x25x80xi32, #tpu.memory_space<hbm>>
    %dma_wait3A_265 = tpu.memref_squeeze %dma_wait3A_264 : memref<1x1x25x80xi32, #tpu.memory_space<hbm>> -> memref<25x80xi32, #tpu.memory_space<hbm>>
    tpu.wait_dma2 semaphore(%arg16 : memref<!tpu.dma_semaphore, #tpu.memory_space<semaphore_mem>>) src(%dma_wait3A_265 : memref<25x80xi32, #tpu.memory_space<hbm>>) dst(%dma_wait3A_261 : memref<25x80xi32, #tpu.memory_space<vmem>>)
    %dma_wait3A_266 = arith.constant 3 : i32
    %dma_wait3A_267 = arith.constant 1 : i32
    %dma_wait3A_268 = arith.constant 0 : i32
    %dma_wait3A_269 = arith.constant 0 : i32
    %dma_wait3A_270 = tpu.memref_slice %arg10[%dma_wait3A_267, %dma_wait3A_268, %dma_wait3A_269] : memref<2x25x80xi32, #tpu.memory_space<vmem>> -> memref<1x25x80xi32, #tpu.memory_space<vmem>>
    %dma_wait3A_271 = tpu.memref_squeeze %dma_wait3A_270 : memref<1x25x80xi32, #tpu.memory_space<vmem>> -> memref<25x80xi32, #tpu.memory_space<vmem>>
    %dma_wait3A_272 = arith.constant 0 : i32
    %dma_wait3A_273 = arith.constant 0 : i32
    %dma_wait3A_274 = tpu.memref_slice %arg4[%add3A, %dma_wait3A_266, %dma_wait3A_272, %dma_wait3A_273] : memref<32x5x25x80xi32, #tpu.memory_space<hbm>> -> memref<1x1x25x80xi32, #tpu.memory_space<hbm>>
    %dma_wait3A_275 = tpu.memref_squeeze %dma_wait3A_274 : memref<1x1x25x80xi32, #tpu.memory_space<hbm>> -> memref<25x80xi32, #tpu.memory_space<hbm>>
    %dma_wait3A_276 = arith.constant 0 : i32
    %dma_wait3A_277 = arith.constant 0 : i32
    %dma_wait3A_278 = tpu.memref_slice %arg10[%dma_wait3A_267, %dma_wait3A_276, %dma_wait3A_277] : memref<2x25x80xi32, #tpu.memory_space<vmem>> -> memref<1x25x80xi32, #tpu.memory_space<vmem>>
    %dma_wait3A_279 = tpu.memref_squeeze %dma_wait3A_278 : memref<1x25x80xi32, #tpu.memory_space<vmem>> -> memref<25x80xi32, #tpu.memory_space<vmem>>
    %dma_wait3A_280 = arith.constant 0 : i32
    %dma_wait3A_281 = arith.constant 0 : i32
    %dma_wait3A_282 = tpu.memref_slice %arg4[%add3A, %dma_wait3A_266, %dma_wait3A_280, %dma_wait3A_281] : memref<32x5x25x80xi32, #tpu.memory_space<hbm>> -> memref<1x1x25x80xi32, #tpu.memory_space<hbm>>
    %dma_wait3A_283 = tpu.memref_squeeze %dma_wait3A_282 : memref<1x1x25x80xi32, #tpu.memory_space<hbm>> -> memref<25x80xi32, #tpu.memory_space<hbm>>
    tpu.wait_dma2 semaphore(%arg16 : memref<!tpu.dma_semaphore, #tpu.memory_space<semaphore_mem>>) src(%dma_wait3A_283 : memref<25x80xi32, #tpu.memory_space<hbm>>) dst(%dma_wait3A_279 : memref<25x80xi32, #tpu.memory_space<vmem>>)
    %dma_start3A_284 = arith.constant 4 : i32
    %dma_start3A_285 = arith.constant 0 : i32
    %dma_start3A_286 = arith.constant 0 : i32
    %dma_start3A_287 = arith.constant 0 : i32
    %dma_start3A_288 = tpu.memref_slice %arg9[%dma_start3A_285, %dma_start3A_286, %dma_start3A_287] : memref<2x25x80xi32, #tpu.memory_space<vmem>> -> memref<1x25x80xi32, #tpu.memory_space<vmem>>
    %dma_start3A_289 = tpu.memref_squeeze %dma_start3A_288 : memref<1x25x80xi32, #tpu.memory_space<vmem>> -> memref<25x80xi32, #tpu.memory_space<vmem>>
    %dma_start3A_290 = arith.constant 0 : i32
    %dma_start3A_291 = arith.constant 0 : i32
    %dma_start3A_292 = tpu.memref_slice %arg3[%add3A, %dma_start3A_284, %dma_start3A_290, %dma_start3A_291] : memref<32x5x25x80xi32, #tpu.memory_space<hbm>> -> memref<1x1x25x80xi32, #tpu.memory_space<hbm>>
    %dma_start3A_293 = tpu.memref_squeeze %dma_start3A_292 : memref<1x1x25x80xi32, #tpu.memory_space<hbm>> -> memref<25x80xi32, #tpu.memory_space<hbm>>
    %dma_start3A_294 = arith.constant 0 : i32
    %dma_start3A_295 = arith.constant 0 : i32
    %dma_start3A_296 = tpu.memref_slice %arg9[%dma_start3A_285, %dma_start3A_294, %dma_start3A_295] : memref<2x25x80xi32, #tpu.memory_space<vmem>> -> memref<1x25x80xi32, #tpu.memory_space<vmem>>
    %dma_start3A_297 = tpu.memref_squeeze %dma_start3A_296 : memref<1x25x80xi32, #tpu.memory_space<vmem>> -> memref<25x80xi32, #tpu.memory_space<vmem>>
    %dma_start3A_298 = arith.constant 0 : i32
    %dma_start3A_299 = arith.constant 0 : i32
    %dma_start3A_300 = tpu.memref_slice %arg3[%add3A, %dma_start3A_284, %dma_start3A_298, %dma_start3A_299] : memref<32x5x25x80xi32, #tpu.memory_space<hbm>> -> memref<1x1x25x80xi32, #tpu.memory_space<hbm>>
    %dma_start3A_301 = tpu.memref_squeeze %dma_start3A_300 : memref<1x1x25x80xi32, #tpu.memory_space<hbm>> -> memref<25x80xi32, #tpu.memory_space<hbm>>
    tpu.enqueue_dma source(%dma_start3A_301 : memref<25x80xi32, #tpu.memory_space<hbm>>) target(%dma_start3A_297 : memref<25x80xi32, #tpu.memory_space<vmem>>) target_semaphore(%arg16 : memref<!tpu.dma_semaphore, #tpu.memory_space<semaphore_mem>>)
    %dma_start3A_302 = arith.constant 4 : i32
    %dma_start3A_303 = arith.constant 0 : i32
    %dma_start3A_304 = arith.constant 0 : i32
    %dma_start3A_305 = arith.constant 0 : i32
    %dma_start3A_306 = tpu.memref_slice %arg10[%dma_start3A_303, %dma_start3A_304, %dma_start3A_305] : memref<2x25x80xi32, #tpu.memory_space<vmem>> -> memref<1x25x80xi32, #tpu.memory_space<vmem>>
    %dma_start3A_307 = tpu.memref_squeeze %dma_start3A_306 : memref<1x25x80xi32, #tpu.memory_space<vmem>> -> memref<25x80xi32, #tpu.memory_space<vmem>>
    %dma_start3A_308 = arith.constant 0 : i32
    %dma_start3A_309 = arith.constant 0 : i32
    %dma_start3A_310 = tpu.memref_slice %arg4[%add3A, %dma_start3A_302, %dma_start3A_308, %dma_start3A_309] : memref<32x5x25x80xi32, #tpu.memory_space<hbm>> -> memref<1x1x25x80xi32, #tpu.memory_space<hbm>>
    %dma_start3A_311 = tpu.memref_squeeze %dma_start3A_310 : memref<1x1x25x80xi32, #tpu.memory_space<hbm>> -> memref<25x80xi32, #tpu.memory_space<hbm>>
    %dma_start3A_312 = arith.constant 0 : i32
    %dma_start3A_313 = arith.constant 0 : i32
    %dma_start3A_314 = tpu.memref_slice %arg10[%dma_start3A_303, %dma_start3A_312, %dma_start3A_313] : memref<2x25x80xi32, #tpu.memory_space<vmem>> -> memref<1x25x80xi32, #tpu.memory_space<vmem>>
    %dma_start3A_315 = tpu.memref_squeeze %dma_start3A_314 : memref<1x25x80xi32, #tpu.memory_space<vmem>> -> memref<25x80xi32, #tpu.memory_space<vmem>>
    %dma_start3A_316 = arith.constant 0 : i32
    %dma_start3A_317 = arith.constant 0 : i32
    %dma_start3A_318 = tpu.memref_slice %arg4[%add3A, %dma_start3A_302, %dma_start3A_316, %dma_start3A_317] : memref<32x5x25x80xi32, #tpu.memory_space<hbm>> -> memref<1x1x25x80xi32, #tpu.memory_space<hbm>>
    %dma_start3A_319 = tpu.memref_squeeze %dma_start3A_318 : memref<1x1x25x80xi32, #tpu.memory_space<hbm>> -> memref<25x80xi32, #tpu.memory_space<hbm>>
    tpu.enqueue_dma source(%dma_start3A_319 : memref<25x80xi32, #tpu.memory_space<hbm>>) target(%dma_start3A_315 : memref<25x80xi32, #tpu.memory_space<vmem>>) target_semaphore(%arg16 : memref<!tpu.dma_semaphore, #tpu.memory_space<semaphore_mem>>)
    %dma_start3A_320 = arith.constant 1 : i32
    %dma_start3A_321 = arith.constant 0 : i32
    %dma_start3A_322 = arith.constant 0 : i32
    %dma_start3A_323 = arith.constant 0 : i32
    %dma_start3A_324 = tpu.memref_slice %arg9[%dma_start3A_320, %dma_start3A_322, %dma_start3A_323] : memref<2x25x80xi32, #tpu.memory_space<vmem>> -> memref<1x25x80xi32, #tpu.memory_space<vmem>>
    %dma_start3A_325 = tpu.memref_squeeze %dma_start3A_324 : memref<1x25x80xi32, #tpu.memory_space<vmem>> -> memref<25x80xi32, #tpu.memory_space<vmem>>
    %dma_start3A_326 = arith.constant 0 : i32
    %dma_start3A_327 = tpu.memref_slice %dma_start3A_325[%dma_start3A_321, %dma_start3A_326] : memref<25x80xi32, #tpu.memory_space<vmem>> -> memref<1x80xi32, #tpu.memory_space<vmem>>
    %dma_start3A_328 = tpu.memref_squeeze %dma_start3A_327 : memref<1x80xi32, #tpu.memory_space<vmem>> -> memref<80xi32, #tpu.memory_space<vmem>>
    %dma_start3A_329 = arith.constant 0 : i32
    %dma_start3A_330 = arith.constant 0 : i32
    %dma_start3A_331 = tpu.memref_slice %arg2[%dma_start3A_329, %dma_start3A_330] : memref<10000x128xf32, #tpu.memory_space<hbm>> -> memref<10000x128xf32, #tpu.memory_space<hbm>>
    tpu.enqueue_indirect_dma source(%dma_start3A_331 : memref<10000x128xf32, #tpu.memory_space<hbm>>) target(%arg11 : memref<80x128xf32, #tpu.memory_space<vmem>>) offsets(%dma_start3A_328 : memref<80xi32, #tpu.memory_space<vmem>>) semaphore(%arg14 : memref<!tpu.dma_semaphore, #tpu.memory_space<semaphore_mem>>)
    %scan3A_332 = arith.constant 0 : i32
    %scan3A_333 = arith.constant 1 : i32
    %scan3A_334 = arith.constant 1 : i32
    %scan3A_335 = arith.constant 0 : i32
    %scan3A_336 = arith.constant 13 : i32
    %scan3A_337 = arith.addi %scan3A_335, %scan3A_336 : i32
    %scan3A_338 = arith.constant 1 : i32
    scf.for %scan3A_401 = %scan3A_335 to %scan3A_337 step %scan3A_338  : i32 {
      %mul3A_402 = arith.constant 2 : i32
      %mul3A_403 = arith.muli %mul3A_402, %scan3A_401 : i32
      %add3A_404 = arith.constant 1 : i32
      %add3A_405 = arith.addi %mul3A_403, %add3A_404 : i32
      %lt3A = arith.constant 25 : i32
      %lt3A_406 = arith.cmpi slt, %add3A_405, %lt3A : i32
      %convert_element_type3A = arith.extui %lt3A_406 : i1 to i32
      %cond3A = arith.constant 0 : i32
      %cond3A_407 = arith.cmpi ne, %convert_element_type3A, %cond3A : i32
      scf.if %cond3A_407 {
        %add3A_466 = arith.constant 1 : i32
        %add3A_467 = arith.addi %mul3A_403, %add3A_466 : i32
        %dma_start3A_468 = arith.constant 0 : i32
        %dma_start3A_469 = arith.constant 0 : i32
        %dma_start3A_470 = tpu.memref_slice %arg9[%scan3A_333, %dma_start3A_468, %dma_start3A_469] : memref<2x25x80xi32, #tpu.memory_space<vmem>> -> memref<1x25x80xi32, #tpu.memory_space<vmem>>
        %dma_start3A_471 = tpu.memref_squeeze %dma_start3A_470 : memref<1x25x80xi32, #tpu.memory_space<vmem>> -> memref<25x80xi32, #tpu.memory_space<vmem>>
        %dma_start3A_472 = arith.constant 0 : i32
        %dma_start3A_473 = tpu.memref_slice %dma_start3A_471[%add3A_467, %dma_start3A_472] : memref<25x80xi32, #tpu.memory_space<vmem>> -> memref<1x80xi32, #tpu.memory_space<vmem>>
        %dma_start3A_474 = tpu.memref_squeeze %dma_start3A_473 : memref<1x80xi32, #tpu.memory_space<vmem>> -> memref<80xi32, #tpu.memory_space<vmem>>
        %dma_start3A_475 = arith.constant 0 : i32
        %dma_start3A_476 = arith.constant 0 : i32
        %dma_start3A_477 = tpu.memref_slice %arg2[%dma_start3A_475, %dma_start3A_476] : memref<10000x128xf32, #tpu.memory_space<hbm>> -> memref<10000x128xf32, #tpu.memory_space<hbm>>
        tpu.enqueue_indirect_dma source(%dma_start3A_477 : memref<10000x128xf32, #tpu.memory_space<hbm>>) target(%arg12 : memref<80x128xf32, #tpu.memory_space<vmem>>) offsets(%dma_start3A_474 : memref<80xi32, #tpu.memory_space<vmem>>) semaphore(%arg15 : memref<!tpu.dma_semaphore, #tpu.memory_space<semaphore_mem>>)
      } else {
      }
      %dma_wait3A_408 = arith.constant 0 : i32
      %dma_wait3A_409 = arith.constant 0 : i32
      %dma_wait3A_410 = tpu.memref_slice %arg9[%scan3A_333, %dma_wait3A_408, %dma_wait3A_409] : memref<2x25x80xi32, #tpu.memory_space<vmem>> -> memref<1x25x80xi32, #tpu.memory_space<vmem>>
      %dma_wait3A_411 = tpu.memref_squeeze %dma_wait3A_410 : memref<1x25x80xi32, #tpu.memory_space<vmem>> -> memref<25x80xi32, #tpu.memory_space<vmem>>
      %dma_wait3A_412 = arith.constant 0 : i32
      %dma_wait3A_413 = tpu.memref_slice %dma_wait3A_411[%mul3A_403, %dma_wait3A_412] : memref<25x80xi32, #tpu.memory_space<vmem>> -> memref<1x80xi32, #tpu.memory_space<vmem>>
      %dma_wait3A_414 = tpu.memref_squeeze %dma_wait3A_413 : memref<1x80xi32, #tpu.memory_space<vmem>> -> memref<80xi32, #tpu.memory_space<vmem>>
      %dma_wait3A_415 = arith.constant 0 : i32
      %dma_wait3A_416 = arith.constant 0 : i32
      %dma_wait3A_417 = tpu.memref_slice %arg2[%dma_wait3A_415, %dma_wait3A_416] : memref<10000x128xf32, #tpu.memory_space<hbm>> -> memref<10000x128xf32, #tpu.memory_space<hbm>>
      tpu.wait_indirect_dma semaphore(%arg14 : memref<!tpu.dma_semaphore, #tpu.memory_space<semaphore_mem>>) src(%dma_wait3A_417 : memref<10000x128xf32, #tpu.memory_space<hbm>>) dst(%arg11 : memref<80x128xf32, #tpu.memory_space<vmem>>)
      "tpu.region"() ({
        %run_scoped3A_466 = tpu.sem_alloc : memref<!tpu.dma_semaphore, #tpu.memory_space<semaphore_mem>>
        %dma_start3A_467 = arith.constant 0 : i32
        %dma_start3A_468 = arith.constant 0 : i32
        %dma_start3A_469 = tpu.memref_slice %arg10[%scan3A_334, %dma_start3A_467, %dma_start3A_468] : memref<2x25x80xi32, #tpu.memory_space<vmem>> -> memref<1x25x80xi32, #tpu.memory_space<vmem>>
        %dma_start3A_470 = tpu.memref_squeeze %dma_start3A_469 : memref<1x25x80xi32, #tpu.memory_space<vmem>> -> memref<25x80xi32, #tpu.memory_space<vmem>>
        %dma_start3A_471 = arith.constant 0 : i32
        %dma_start3A_472 = tpu.memref_slice %dma_start3A_470[%mul3A_403, %dma_start3A_471] : memref<25x80xi32, #tpu.memory_space<vmem>> -> memref<1x80xi32, #tpu.memory_space<vmem>>
        %dma_start3A_473 = tpu.memref_squeeze %dma_start3A_472 : memref<1x80xi32, #tpu.memory_space<vmem>> -> memref<80xi32, #tpu.memory_space<vmem>>
        %dma_start3A_474 = arith.constant 0 : i32
        %dma_start3A_475 = arith.constant 0 : i32
        %dma_start3A_476 = tpu.memref_slice %arg13[%dma_start3A_474, %dma_start3A_475] : memref<10240x128xf32, #tpu.memory_space<vmem_shared>> -> memref<10240x128xf32, #tpu.memory_space<vmem_shared>>
        tpu.enqueue_indirect_dma source(%arg11 : memref<80x128xf32, #tpu.memory_space<vmem>>) target(%dma_start3A_476 : memref<10240x128xf32, #tpu.memory_space<vmem_shared>>) offsets(%dma_start3A_473 : memref<80xi32, #tpu.memory_space<vmem>>) semaphore(%run_scoped3A_466 : memref<!tpu.dma_semaphore, #tpu.memory_space<semaphore_mem>>) {add = true}
        %dma_wait3A_477 = arith.constant 0 : i32
        %dma_wait3A_478 = arith.constant 0 : i32
        %dma_wait3A_479 = tpu.memref_slice %arg10[%scan3A_334, %dma_wait3A_477, %dma_wait3A_478] : memref<2x25x80xi32, #tpu.memory_space<vmem>> -> memref<1x25x80xi32, #tpu.memory_space<vmem>>
        %dma_wait3A_480 = tpu.memref_squeeze %dma_wait3A_479 : memref<1x25x80xi32, #tpu.memory_space<vmem>> -> memref<25x80xi32, #tpu.memory_space<vmem>>
        %dma_wait3A_481 = arith.constant 0 : i32
        %dma_wait3A_482 = tpu.memref_slice %dma_wait3A_480[%mul3A_403, %dma_wait3A_481] : memref<25x80xi32, #tpu.memory_space<vmem>> -> memref<1x80xi32, #tpu.memory_space<vmem>>
        %dma_wait3A_483 = tpu.memref_squeeze %dma_wait3A_482 : memref<1x80xi32, #tpu.memory_space<vmem>> -> memref<80xi32, #tpu.memory_space<vmem>>
        %dma_wait3A_484 = arith.constant 0 : i32
        %dma_wait3A_485 = arith.constant 0 : i32
        %dma_wait3A_486 = tpu.memref_slice %arg13[%dma_wait3A_484, %dma_wait3A_485] : memref<10240x128xf32, #tpu.memory_space<vmem_shared>> -> memref<10240x128xf32, #tpu.memory_space<vmem_shared>>
        tpu.wait_indirect_dma semaphore(%run_scoped3A_466 : memref<!tpu.dma_semaphore, #tpu.memory_space<semaphore_mem>>) src(%arg11 : memref<80x128xf32, #tpu.memory_space<vmem>>) dst(%dma_wait3A_486 : memref<10240x128xf32, #tpu.memory_space<vmem_shared>>)
        tpu.yield
      }) : () -> ()
      %get3A = arith.constant 0 : i32
      %get3A_418 = arith.constant 0 : i32
      %get3A_419 = tpu.memref_slice %arg10[%scan3A_334, %get3A, %get3A_418] : memref<2x25x80xi32, #tpu.memory_space<vmem>> -> memref<1x25x80xi32, #tpu.memory_space<vmem>>
      %get3A_420 = tpu.memref_squeeze %get3A_419 : memref<1x25x80xi32, #tpu.memory_space<vmem>> -> memref<25x80xi32, #tpu.memory_space<vmem>>
      %get3A_421 = arith.index_cast %mul3A_403 : i32 to index
      %get3A_422 = arith.constant 0 : index
      %get3A_423 = tpu.vector_load %get3A_420[%get3A_421, %get3A_422] {strides = array<i32>} : memref<25x80xi32, #tpu.memory_space<vmem>>, vector<16xi32>,
      tpu.vector_store_idx %arg18[%get3A_423], %broadcast_in_dim3A_6 {add = true} : memref<10240xf32, #tpu.memory_space<vmem>>[vector<16xi32>], vector<16xf32>,
      %get3A_424 = arith.constant 0 : i32
      %get3A_425 = arith.constant 0 : i32
      %get3A_426 = tpu.memref_slice %arg10[%scan3A_334, %get3A_424, %get3A_425] : memref<2x25x80xi32, #tpu.memory_space<vmem>> -> memref<1x25x80xi32, #tpu.memory_space<vmem>>
      %get3A_427 = tpu.memref_squeeze %get3A_426 : memref<1x25x80xi32, #tpu.memory_space<vmem>> -> memref<25x80xi32, #tpu.memory_space<vmem>>
      %get3A_428 = arith.index_cast %mul3A_403 : i32 to index
      %get3A_429 = arith.constant 16 : index
      %get3A_430 = tpu.vector_load %get3A_427[%get3A_428, %get3A_429] {strides = array<i32>} : memref<25x80xi32, #tpu.memory_space<vmem>>, vector<16xi32>,
      tpu.vector_store_idx %arg18[%get3A_430], %broadcast_in_dim3A_6 {add = true} : memref<10240xf32, #tpu.memory_space<vmem>>[vector<16xi32>], vector<16xf32>,
      %get3A_431 = arith.constant 0 : i32
      %get3A_432 = arith.constant 0 : i32
      %get3A_433 = tpu.memref_slice %arg10[%scan3A_334, %get3A_431, %get3A_432] : memref<2x25x80xi32, #tpu.memory_space<vmem>> -> memref<1x25x80xi32, #tpu.memory_space<vmem>>
      %get3A_434 = tpu.memref_squeeze %get3A_433 : memref<1x25x80xi32, #tpu.memory_space<vmem>> -> memref<25x80xi32, #tpu.memory_space<vmem>>
      %get3A_435 = arith.index_cast %mul3A_403 : i32 to index
      %get3A_436 = arith.constant 32 : index
      %get3A_437 = tpu.vector_load %get3A_434[%get3A_435, %get3A_436] {strides = array<i32>} : memref<25x80xi32, #tpu.memory_space<vmem>>, vector<16xi32>,
      tpu.vector_store_idx %arg18[%get3A_437], %broadcast_in_dim3A_6 {add = true} : memref<10240xf32, #tpu.memory_space<vmem>>[vector<16xi32>], vector<16xf32>,
      %get3A_438 = arith.constant 0 : i32
      %get3A_439 = arith.constant 0 : i32
      %get3A_440 = tpu.memref_slice %arg10[%scan3A_334, %get3A_438, %get3A_439] : memref<2x25x80xi32, #tpu.memory_space<vmem>> -> memref<1x25x80xi32, #tpu.memory_space<vmem>>
      %get3A_441 = tpu.memref_squeeze %get3A_440 : memref<1x25x80xi32, #tpu.memory_space<vmem>> -> memref<25x80xi32, #tpu.memory_space<vmem>>
      %get3A_442 = arith.index_cast %mul3A_403 : i32 to index
      %get3A_443 = arith.constant 48 : index
      %get3A_444 = tpu.vector_load %get3A_441[%get3A_442, %get3A_443] {strides = array<i32>} : memref<25x80xi32, #tpu.memory_space<vmem>>, vector<16xi32>,
      tpu.vector_store_idx %arg18[%get3A_444], %broadcast_in_dim3A_6 {add = true} : memref<10240xf32, #tpu.memory_space<vmem>>[vector<16xi32>], vector<16xf32>,
      %get3A_445 = arith.constant 0 : i32
      %get3A_446 = arith.constant 0 : i32
      %get3A_447 = tpu.memref_slice %arg10[%scan3A_334, %get3A_445, %get3A_446] : memref<2x25x80xi32, #tpu.memory_space<vmem>> -> memref<1x25x80xi32, #tpu.memory_space<vmem>>
      %get3A_448 = tpu.memref_squeeze %get3A_447 : memref<1x25x80xi32, #tpu.memory_space<vmem>> -> memref<25x80xi32, #tpu.memory_space<vmem>>
      %get3A_449 = arith.index_cast %mul3A_403 : i32 to index
      %get3A_450 = arith.constant 64 : index
      %get3A_451 = tpu.vector_load %get3A_448[%get3A_449, %get3A_450] {strides = array<i32>} : memref<25x80xi32, #tpu.memory_space<vmem>>, vector<16xi32>,
      tpu.vector_store_idx %arg18[%get3A_451], %broadcast_in_dim3A_6 {add = true} : memref<10240xf32, #tpu.memory_space<vmem>>[vector<16xi32>], vector<16xf32>,
      %add3A_452 = arith.constant 2 : i32
      %add3A_453 = arith.addi %mul3A_403, %add3A_452 : i32
      %lt3A_454 = arith.constant 25 : i32
      %lt3A_455 = arith.cmpi slt, %add3A_453, %lt3A_454 : i32
      %convert_element_type3A_456 = arith.extui %lt3A_455 : i1 to i32
      %cond3A_457 = arith.constant 0 : i32
      %cond3A_458 = arith.cmpi ne, %convert_element_type3A_456, %cond3A_457 : i32
      scf.if %cond3A_458 {
        %add3A_466 = arith.constant 2 : i32
        %add3A_467 = arith.addi %mul3A_403, %add3A_466 : i32
        %dma_start3A_468 = arith.constant 0 : i32
        %dma_start3A_469 = arith.constant 0 : i32
        %dma_start3A_470 = tpu.memref_slice %arg9[%scan3A_333, %dma_start3A_468, %dma_start3A_469] : memref<2x25x80xi32, #tpu.memory_space<vmem>> -> memref<1x25x80xi32, #tpu.memory_space<vmem>>
        %dma_start3A_471 = tpu.memref_squeeze %dma_start3A_470 : memref<1x25x80xi32, #tpu.memory_space<vmem>> -> memref<25x80xi32, #tpu.memory_space<vmem>>
        %dma_start3A_472 = arith.constant 0 : i32
        %dma_start3A_473 = tpu.memref_slice %dma_start3A_471[%add3A_467, %dma_start3A_472] : memref<25x80xi32, #tpu.memory_space<vmem>> -> memref<1x80xi32, #tpu.memory_space<vmem>>
        %dma_start3A_474 = tpu.memref_squeeze %dma_start3A_473 : memref<1x80xi32, #tpu.memory_space<vmem>> -> memref<80xi32, #tpu.memory_space<vmem>>
        %dma_start3A_475 = arith.constant 0 : i32
        %dma_start3A_476 = arith.constant 0 : i32
        %dma_start3A_477 = tpu.memref_slice %arg2[%dma_start3A_475, %dma_start3A_476] : memref<10000x128xf32, #tpu.memory_space<hbm>> -> memref<10000x128xf32, #tpu.memory_space<hbm>>
        tpu.enqueue_indirect_dma source(%dma_start3A_477 : memref<10000x128xf32, #tpu.memory_space<hbm>>) target(%arg11 : memref<80x128xf32, #tpu.memory_space<vmem>>) offsets(%dma_start3A_474 : memref<80xi32, #tpu.memory_space<vmem>>) semaphore(%arg14 : memref<!tpu.dma_semaphore, #tpu.memory_space<semaphore_mem>>)
      } else {
      }
      %add3A_459 = arith.constant 1 : i32
      %add3A_460 = arith.addi %mul3A_403, %add3A_459 : i32
      %lt3A_461 = arith.constant 25 : i32
      %lt3A_462 = arith.cmpi slt, %add3A_460, %lt3A_461 : i32
      %convert_element_type3A_463 = arith.extui %lt3A_462 : i1 to i32
      %cond3A_464 = arith.constant 0 : i32
      %cond3A_465 = arith.cmpi ne, %convert_element_type3A_463, %cond3A_464 : i32
      scf.if %cond3A_465 {
        %add3A_466 = arith.constant 1 : i32
        %add3A_467 = arith.addi %mul3A_403, %add3A_466 : i32
        %dma_wait3A_468 = arith.constant 0 : i32
        %dma_wait3A_469 = arith.constant 0 : i32
        %dma_wait3A_470 = tpu.memref_slice %arg9[%scan3A_333, %dma_wait3A_468, %dma_wait3A_469] : memref<2x25x80xi32, #tpu.memory_space<vmem>> -> memref<1x25x80xi32, #tpu.memory_space<vmem>>
        %dma_wait3A_471 = tpu.memref_squeeze %dma_wait3A_470 : memref<1x25x80xi32, #tpu.memory_space<vmem>> -> memref<25x80xi32, #tpu.memory_space<vmem>>
        %dma_wait3A_472 = arith.constant 0 : i32
        %dma_wait3A_473 = tpu.memref_slice %dma_wait3A_471[%add3A_467, %dma_wait3A_472] : memref<25x80xi32, #tpu.memory_space<vmem>> -> memref<1x80xi32, #tpu.memory_space<vmem>>
        %dma_wait3A_474 = tpu.memref_squeeze %dma_wait3A_473 : memref<1x80xi32, #tpu.memory_space<vmem>> -> memref<80xi32, #tpu.memory_space<vmem>>
        %dma_wait3A_475 = arith.constant 0 : i32
        %dma_wait3A_476 = arith.constant 0 : i32
        %dma_wait3A_477 = tpu.memref_slice %arg2[%dma_wait3A_475, %dma_wait3A_476] : memref<10000x128xf32, #tpu.memory_space<hbm>> -> memref<10000x128xf32, #tpu.memory_space<hbm>>
        tpu.wait_indirect_dma semaphore(%arg15 : memref<!tpu.dma_semaphore, #tpu.memory_space<semaphore_mem>>) src(%dma_wait3A_477 : memref<10000x128xf32, #tpu.memory_space<hbm>>) dst(%arg12 : memref<80x128xf32, #tpu.memory_space<vmem>>)
        %add3A_478 = arith.constant 1 : i32
        %add3A_479 = arith.addi %mul3A_403, %add3A_478 : i32
        "tpu.region"() ({
          %run_scoped3A_517 = tpu.sem_alloc : memref<!tpu.dma_semaphore, #tpu.memory_space<semaphore_mem>>
          %dma_start3A_518 = arith.constant 0 : i32
          %dma_start3A_519 = arith.constant 0 : i32
          %dma_start3A_520 = tpu.memref_slice %arg10[%scan3A_334, %dma_start3A_518, %dma_start3A_519] : memref<2x25x80xi32, #tpu.memory_space<vmem>> -> memref<1x25x80xi32, #tpu.memory_space<vmem>>
          %dma_start3A_521 = tpu.memref_squeeze %dma_start3A_520 : memref<1x25x80xi32, #tpu.memory_space<vmem>> -> memref<25x80xi32, #tpu.memory_space<vmem>>
          %dma_start3A_522 = arith.constant 0 : i32
          %dma_start3A_523 = tpu.memref_slice %dma_start3A_521[%add3A_479, %dma_start3A_522] : memref<25x80xi32, #tpu.memory_space<vmem>> -> memref<1x80xi32, #tpu.memory_space<vmem>>
          %dma_start3A_524 = tpu.memref_squeeze %dma_start3A_523 : memref<1x80xi32, #tpu.memory_space<vmem>> -> memref<80xi32, #tpu.memory_space<vmem>>
          %dma_start3A_525 = arith.constant 0 : i32
          %dma_start3A_526 = arith.constant 0 : i32
          %dma_start3A_527 = tpu.memref_slice %arg13[%dma_start3A_525, %dma_start3A_526] : memref<10240x128xf32, #tpu.memory_space<vmem_shared>> -> memref<10240x128xf32, #tpu.memory_space<vmem_shared>>
          tpu.enqueue_indirect_dma source(%arg12 : memref<80x128xf32, #tpu.memory_space<vmem>>) target(%dma_start3A_527 : memref<10240x128xf32, #tpu.memory_space<vmem_shared>>) offsets(%dma_start3A_524 : memref<80xi32, #tpu.memory_space<vmem>>) semaphore(%run_scoped3A_517 : memref<!tpu.dma_semaphore, #tpu.memory_space<semaphore_mem>>) {add = true}
          %dma_wait3A_528 = arith.constant 0 : i32
          %dma_wait3A_529 = arith.constant 0 : i32
          %dma_wait3A_530 = tpu.memref_slice %arg10[%scan3A_334, %dma_wait3A_528, %dma_wait3A_529] : memref<2x25x80xi32, #tpu.memory_space<vmem>> -> memref<1x25x80xi32, #tpu.memory_space<vmem>>
          %dma_wait3A_531 = tpu.memref_squeeze %dma_wait3A_530 : memref<1x25x80xi32, #tpu.memory_space<vmem>> -> memref<25x80xi32, #tpu.memory_space<vmem>>
          %dma_wait3A_532 = arith.constant 0 : i32
          %dma_wait3A_533 = tpu.memref_slice %dma_wait3A_531[%add3A_479, %dma_wait3A_532] : memref<25x80xi32, #tpu.memory_space<vmem>> -> memref<1x80xi32, #tpu.memory_space<vmem>>
          %dma_wait3A_534 = tpu.memref_squeeze %dma_wait3A_533 : memref<1x80xi32, #tpu.memory_space<vmem>> -> memref<80xi32, #tpu.memory_space<vmem>>
          %dma_wait3A_535 = arith.constant 0 : i32
          %dma_wait3A_536 = arith.constant 0 : i32
          %dma_wait3A_537 = tpu.memref_slice %arg13[%dma_wait3A_535, %dma_wait3A_536] : memref<10240x128xf32, #tpu.memory_space<vmem_shared>> -> memref<10240x128xf32, #tpu.memory_space<vmem_shared>>
          tpu.wait_indirect_dma semaphore(%run_scoped3A_517 : memref<!tpu.dma_semaphore, #tpu.memory_space<semaphore_mem>>) src(%arg12 : memref<80x128xf32, #tpu.memory_space<vmem>>) dst(%dma_wait3A_537 : memref<10240x128xf32, #tpu.memory_space<vmem_shared>>)
          tpu.yield
        }) : () -> ()
        %add3A_480 = arith.constant 1 : i32
        %add3A_481 = arith.addi %mul3A_403, %add3A_480 : i32
        %get3A_482 = arith.constant 0 : i32
        %get3A_483 = arith.constant 0 : i32
        %get3A_484 = tpu.memref_slice %arg10[%scan3A_334, %get3A_482, %get3A_483] : memref<2x25x80xi32, #tpu.memory_space<vmem>> -> memref<1x25x80xi32, #tpu.memory_space<vmem>>
        %get3A_485 = tpu.memref_squeeze %get3A_484 : memref<1x25x80xi32, #tpu.memory_space<vmem>> -> memref<25x80xi32, #tpu.memory_space<vmem>>
        %get3A_486 = arith.index_cast %add3A_481 : i32 to index
        %get3A_487 = arith.constant 0 : index
        %get3A_488 = tpu.vector_load %get3A_485[%get3A_486, %get3A_487] {strides = array<i32>} : memref<25x80xi32, #tpu.memory_space<vmem>>, vector<16xi32>,
        tpu.vector_store_idx %arg18[%get3A_488], %broadcast_in_dim3A_6 {add = true} : memref<10240xf32, #tpu.memory_space<vmem>>[vector<16xi32>], vector<16xf32>,
        %get3A_489 = arith.constant 0 : i32
        %get3A_490 = arith.constant 0 : i32
        %get3A_491 = tpu.memref_slice %arg10[%scan3A_334, %get3A_489, %get3A_490] : memref<2x25x80xi32, #tpu.memory_space<vmem>> -> memref<1x25x80xi32, #tpu.memory_space<vmem>>
        %get3A_492 = tpu.memref_squeeze %get3A_491 : memref<1x25x80xi32, #tpu.memory_space<vmem>> -> memref<25x80xi32, #tpu.memory_space<vmem>>
        %get3A_493 = arith.index_cast %add3A_481 : i32 to index
        %get3A_494 = arith.constant 16 : index
        %get3A_495 = tpu.vector_load %get3A_492[%get3A_493, %get3A_494] {strides = array<i32>} : memref<25x80xi32, #tpu.memory_space<vmem>>, vector<16xi32>,
        tpu.vector_store_idx %arg18[%get3A_495], %broadcast_in_dim3A_6 {add = true} : memref<10240xf32, #tpu.memory_space<vmem>>[vector<16xi32>], vector<16xf32>,
        %get3A_496 = arith.constant 0 : i32
        %get3A_497 = arith.constant 0 : i32
        %get3A_498 = tpu.memref_slice %arg10[%scan3A_334, %get3A_496, %get3A_497] : memref<2x25x80xi32, #tpu.memory_space<vmem>> -> memref<1x25x80xi32, #tpu.memory_space<vmem>>
        %get3A_499 = tpu.memref_squeeze %get3A_498 : memref<1x25x80xi32, #tpu.memory_space<vmem>> -> memref<25x80xi32, #tpu.memory_space<vmem>>
        %get3A_500 = arith.index_cast %add3A_481 : i32 to index
        %get3A_501 = arith.constant 32 : index
        %get3A_502 = tpu.vector_load %get3A_499[%get3A_500, %get3A_501] {strides = array<i32>} : memref<25x80xi32, #tpu.memory_space<vmem>>, vector<16xi32>,
        tpu.vector_store_idx %arg18[%get3A_502], %broadcast_in_dim3A_6 {add = true} : memref<10240xf32, #tpu.memory_space<vmem>>[vector<16xi32>], vector<16xf32>,
        %get3A_503 = arith.constant 0 : i32
        %get3A_504 = arith.constant 0 : i32
        %get3A_505 = tpu.memref_slice %arg10[%scan3A_334, %get3A_503, %get3A_504] : memref<2x25x80xi32, #tpu.memory_space<vmem>> -> memref<1x25x80xi32, #tpu.memory_space<vmem>>
        %get3A_506 = tpu.memref_squeeze %get3A_505 : memref<1x25x80xi32, #tpu.memory_space<vmem>> -> memref<25x80xi32, #tpu.memory_space<vmem>>
        %get3A_507 = arith.index_cast %add3A_481 : i32 to index
        %get3A_508 = arith.constant 48 : index
        %get3A_509 = tpu.vector_load %get3A_506[%get3A_507, %get3A_508] {strides = array<i32>} : memref<25x80xi32, #tpu.memory_space<vmem>>, vector<16xi32>,
        tpu.vector_store_idx %arg18[%get3A_509], %broadcast_in_dim3A_6 {add = true} : memref<10240xf32, #tpu.memory_space<vmem>>[vector<16xi32>], vector<16xf32>,
        %get3A_510 = arith.constant 0 : i32
        %get3A_511 = arith.constant 0 : i32
        %get3A_512 = tpu.memref_slice %arg10[%scan3A_334, %get3A_510, %get3A_511] : memref<2x25x80xi32, #tpu.memory_space<vmem>> -> memref<1x25x80xi32, #tpu.memory_space<vmem>>
        %get3A_513 = tpu.memref_squeeze %get3A_512 : memref<1x25x80xi32, #tpu.memory_space<vmem>> -> memref<25x80xi32, #tpu.memory_space<vmem>>
        %get3A_514 = arith.index_cast %add3A_481 : i32 to index
        %get3A_515 = arith.constant 64 : index
        %get3A_516 = tpu.vector_load %get3A_513[%get3A_514, %get3A_515] {strides = array<i32>} : memref<25x80xi32, #tpu.memory_space<vmem>>, vector<16xi32>,
        tpu.vector_store_idx %arg18[%get3A_516], %broadcast_in_dim3A_6 {add = true} : memref<10240xf32, #tpu.memory_space<vmem>>[vector<16xi32>], vector<16xf32>,
      } else {
      }
    }
    %scan3A_339 = arith.constant 13 : i32
    %dma_wait3A_340 = arith.constant 4 : i32
    %dma_wait3A_341 = arith.constant 0 : i32
    %dma_wait3A_342 = arith.constant 0 : i32
    %dma_wait3A_343 = arith.constant 0 : i32
    %dma_wait3A_344 = tpu.memref_slice %arg9[%dma_wait3A_341, %dma_wait3A_342, %dma_wait3A_343] : memref<2x25x80xi32, #tpu.memory_space<vmem>> -> memref<1x25x80xi32, #tpu.memory_space<vmem>>
    %dma_wait3A_345 = tpu.memref_squeeze %dma_wait3A_344 : memref<1x25x80xi32, #tpu.memory_space<vmem>> -> memref<25x80xi32, #tpu.memory_space<vmem>>
    %dma_wait3A_346 = arith.constant 0 : i32
    %dma_wait3A_347 = arith.constant 0 : i32
    %dma_wait3A_348 = tpu.memref_slice %arg3[%add3A, %dma_wait3A_340, %dma_wait3A_346, %dma_wait3A_347] : memref<32x5x25x80xi32, #tpu.memory_space<hbm>> -> memref<1x1x25x80xi32, #tpu.memory_space<hbm>>
    %dma_wait3A_349 = tpu.memref_squeeze %dma_wait3A_348 : memref<1x1x25x80xi32, #tpu.memory_space<hbm>> -> memref<25x80xi32, #tpu.memory_space<hbm>>
    %dma_wait3A_350 = arith.constant 0 : i32
    %dma_wait3A_351 = arith.constant 0 : i32
    %dma_wait3A_352 = tpu.memref_slice %arg9[%dma_wait3A_341, %dma_wait3A_350, %dma_wait3A_351] : memref<2x25x80xi32, #tpu.memory_space<vmem>> -> memref<1x25x80xi32, #tpu.memory_space<vmem>>
    %dma_wait3A_353 = tpu.memref_squeeze %dma_wait3A_352 : memref<1x25x80xi32, #tpu.memory_space<vmem>> -> memref<25x80xi32, #tpu.memory_space<vmem>>
    %dma_wait3A_354 = arith.constant 0 : i32
    %dma_wait3A_355 = arith.constant 0 : i32
    %dma_wait3A_356 = tpu.memref_slice %arg3[%add3A, %dma_wait3A_340, %dma_wait3A_354, %dma_wait3A_355] : memref<32x5x25x80xi32, #tpu.memory_space<hbm>> -> memref<1x1x25x80xi32, #tpu.memory_space<hbm>>
    %dma_wait3A_357 = tpu.memref_squeeze %dma_wait3A_356 : memref<1x1x25x80xi32, #tpu.memory_space<hbm>> -> memref<25x80xi32, #tpu.memory_space<hbm>>
    tpu.wait_dma2 semaphore(%arg16 : memref<!tpu.dma_semaphore, #tpu.memory_space<semaphore_mem>>) src(%dma_wait3A_357 : memref<25x80xi32, #tpu.memory_space<hbm>>) dst(%dma_wait3A_353 : memref<25x80xi32, #tpu.memory_space<vmem>>)
    %dma_wait3A_358 = arith.constant 4 : i32
    %dma_wait3A_359 = arith.constant 0 : i32
    %dma_wait3A_360 = arith.constant 0 : i32
    %dma_wait3A_361 = arith.constant 0 : i32
    %dma_wait3A_362 = tpu.memref_slice %arg10[%dma_wait3A_359, %dma_wait3A_360, %dma_wait3A_361] : memref<2x25x80xi32, #tpu.memory_space<vmem>> -> memref<1x25x80xi32, #tpu.memory_space<vmem>>
    %dma_wait3A_363 = tpu.memref_squeeze %dma_wait3A_362 : memref<1x25x80xi32, #tpu.memory_space<vmem>> -> memref<25x80xi32, #tpu.memory_space<vmem>>
    %dma_wait3A_364 = arith.constant 0 : i32
    %dma_wait3A_365 = arith.constant 0 : i32
    %dma_wait3A_366 = tpu.memref_slice %arg4[%add3A, %dma_wait3A_358, %dma_wait3A_364, %dma_wait3A_365] : memref<32x5x25x80xi32, #tpu.memory_space<hbm>> -> memref<1x1x25x80xi32, #tpu.memory_space<hbm>>
    %dma_wait3A_367 = tpu.memref_squeeze %dma_wait3A_366 : memref<1x1x25x80xi32, #tpu.memory_space<hbm>> -> memref<25x80xi32, #tpu.memory_space<hbm>>
    %dma_wait3A_368 = arith.constant 0 : i32
    %dma_wait3A_369 = arith.constant 0 : i32
    %dma_wait3A_370 = tpu.memref_slice %arg10[%dma_wait3A_359, %dma_wait3A_368, %dma_wait3A_369] : memref<2x25x80xi32, #tpu.memory_space<vmem>> -> memref<1x25x80xi32, #tpu.memory_space<vmem>>
    %dma_wait3A_371 = tpu.memref_squeeze %dma_wait3A_370 : memref<1x25x80xi32, #tpu.memory_space<vmem>> -> memref<25x80xi32, #tpu.memory_space<vmem>>
    %dma_wait3A_372 = arith.constant 0 : i32
    %dma_wait3A_373 = arith.constant 0 : i32
    %dma_wait3A_374 = tpu.memref_slice %arg4[%add3A, %dma_wait3A_358, %dma_wait3A_372, %dma_wait3A_373] : memref<32x5x25x80xi32, #tpu.memory_space<hbm>> -> memref<1x1x25x80xi32, #tpu.memory_space<hbm>>
    %dma_wait3A_375 = tpu.memref_squeeze %dma_wait3A_374 : memref<1x1x25x80xi32, #tpu.memory_space<hbm>> -> memref<25x80xi32, #tpu.memory_space<hbm>>
    tpu.wait_dma2 semaphore(%arg16 : memref<!tpu.dma_semaphore, #tpu.memory_space<semaphore_mem>>) src(%dma_wait3A_375 : memref<25x80xi32, #tpu.memory_space<hbm>>) dst(%dma_wait3A_371 : memref<25x80xi32, #tpu.memory_space<vmem>>)
    %dma_start3A_376 = arith.constant 0 : i32
    %dma_start3A_377 = arith.constant 0 : i32
    %dma_start3A_378 = arith.constant 0 : i32
    %dma_start3A_379 = arith.constant 0 : i32
    %dma_start3A_380 = tpu.memref_slice %arg9[%dma_start3A_376, %dma_start3A_378, %dma_start3A_379] : memref<2x25x80xi32, #tpu.memory_space<vmem>> -> memref<1x25x80xi32, #tpu.memory_space<vmem>>
    %dma_start3A_381 = tpu.memref_squeeze %dma_start3A_380 : memref<1x25x80xi32, #tpu.memory_space<vmem>> -> memref<25x80xi32, #tpu.memory_space<vmem>>
    %dma_start3A_382 = arith.constant 0 : i32
    %dma_start3A_383 = tpu.memref_slice %dma_start3A_381[%dma_start3A_377, %dma_start3A_382] : memref<25x80xi32, #tpu.memory_space<vmem>> -> memref<1x80xi32, #tpu.memory_space<vmem>>
    %dma_start3A_384 = tpu.memref_squeeze %dma_start3A_383 : memref<1x80xi32, #tpu.memory_space<vmem>> -> memref<80xi32, #tpu.memory_space<vmem>>
    %dma_start3A_385 = arith.constant 0 : i32
    %dma_start3A_386 = arith.constant 0 : i32
    %dma_start3A_387 = tpu.memref_slice %arg2[%dma_start3A_385, %dma_start3A_386] : memref<10000x128xf32, #tpu.memory_space<hbm>> -> memref<10000x128xf32, #tpu.memory_space<hbm>>
    tpu.enqueue_indirect_dma source(%dma_start3A_387 : memref<10000x128xf32, #tpu.memory_space<hbm>>) target(%arg11 : memref<80x128xf32, #tpu.memory_space<vmem>>) offsets(%dma_start3A_384 : memref<80xi32, #tpu.memory_space<vmem>>) semaphore(%arg14 : memref<!tpu.dma_semaphore, #tpu.memory_space<semaphore_mem>>)
    %scan3A_388 = arith.constant 0 : i32
    %scan3A_389 = arith.constant 0 : i32
    %scan3A_390 = arith.constant 0 : i32
    %scan3A_391 = arith.constant 0 : i32
    %scan3A_392 = arith.constant 13 : i32
    %scan3A_393 = arith.addi %scan3A_391, %scan3A_392 : i32
    %scan3A_394 = arith.constant 1 : i32
    scf.for %scan3A_401 = %scan3A_391 to %scan3A_393 step %scan3A_394  : i32 {
      %mul3A_402 = arith.constant 2 : i32
      %mul3A_403 = arith.muli %mul3A_402, %scan3A_401 : i32
      %add3A_404 = arith.constant 1 : i32
      %add3A_405 = arith.addi %mul3A_403, %add3A_404 : i32
      %lt3A = arith.constant 25 : i32
      %lt3A_406 = arith.cmpi slt, %add3A_405, %lt3A : i32
      %convert_element_type3A = arith.extui %lt3A_406 : i1 to i32
      %cond3A = arith.constant 0 : i32
      %cond3A_407 = arith.cmpi ne, %convert_element_type3A, %cond3A : i32
      scf.if %cond3A_407 {
        %add3A_466 = arith.constant 1 : i32
        %add3A_467 = arith.addi %mul3A_403, %add3A_466 : i32
        %dma_start3A_468 = arith.constant 0 : i32
        %dma_start3A_469 = arith.constant 0 : i32
        %dma_start3A_470 = tpu.memref_slice %arg9[%scan3A_389, %dma_start3A_468, %dma_start3A_469] : memref<2x25x80xi32, #tpu.memory_space<vmem>> -> memref<1x25x80xi32, #tpu.memory_space<vmem>>
        %dma_start3A_471 = tpu.memref_squeeze %dma_start3A_470 : memref<1x25x80xi32, #tpu.memory_space<vmem>> -> memref<25x80xi32, #tpu.memory_space<vmem>>
        %dma_start3A_472 = arith.constant 0 : i32
        %dma_start3A_473 = tpu.memref_slice %dma_start3A_471[%add3A_467, %dma_start3A_472] : memref<25x80xi32, #tpu.memory_space<vmem>> -> memref<1x80xi32, #tpu.memory_space<vmem>>
        %dma_start3A_474 = tpu.memref_squeeze %dma_start3A_473 : memref<1x80xi32, #tpu.memory_space<vmem>> -> memref<80xi32, #tpu.memory_space<vmem>>
        %dma_start3A_475 = arith.constant 0 : i32
        %dma_start3A_476 = arith.constant 0 : i32
        %dma_start3A_477 = tpu.memref_slice %arg2[%dma_start3A_475, %dma_start3A_476] : memref<10000x128xf32, #tpu.memory_space<hbm>> -> memref<10000x128xf32, #tpu.memory_space<hbm>>
        tpu.enqueue_indirect_dma source(%dma_start3A_477 : memref<10000x128xf32, #tpu.memory_space<hbm>>) target(%arg12 : memref<80x128xf32, #tpu.memory_space<vmem>>) offsets(%dma_start3A_474 : memref<80xi32, #tpu.memory_space<vmem>>) semaphore(%arg15 : memref<!tpu.dma_semaphore, #tpu.memory_space<semaphore_mem>>)
      } else {
      }
      %dma_wait3A_408 = arith.constant 0 : i32
      %dma_wait3A_409 = arith.constant 0 : i32
      %dma_wait3A_410 = tpu.memref_slice %arg9[%scan3A_389, %dma_wait3A_408, %dma_wait3A_409] : memref<2x25x80xi32, #tpu.memory_space<vmem>> -> memref<1x25x80xi32, #tpu.memory_space<vmem>>
      %dma_wait3A_411 = tpu.memref_squeeze %dma_wait3A_410 : memref<1x25x80xi32, #tpu.memory_space<vmem>> -> memref<25x80xi32, #tpu.memory_space<vmem>>
      %dma_wait3A_412 = arith.constant 0 : i32
      %dma_wait3A_413 = tpu.memref_slice %dma_wait3A_411[%mul3A_403, %dma_wait3A_412] : memref<25x80xi32, #tpu.memory_space<vmem>> -> memref<1x80xi32, #tpu.memory_space<vmem>>
      %dma_wait3A_414 = tpu.memref_squeeze %dma_wait3A_413 : memref<1x80xi32, #tpu.memory_space<vmem>> -> memref<80xi32, #tpu.memory_space<vmem>>
      %dma_wait3A_415 = arith.constant 0 : i32
      %dma_wait3A_416 = arith.constant 0 : i32
      %dma_wait3A_417 = tpu.memref_slice %arg2[%dma_wait3A_415, %dma_wait3A_416] : memref<10000x128xf32, #tpu.memory_space<hbm>> -> memref<10000x128xf32, #tpu.memory_space<hbm>>
      tpu.wait_indirect_dma semaphore(%arg14 : memref<!tpu.dma_semaphore, #tpu.memory_space<semaphore_mem>>) src(%dma_wait3A_417 : memref<10000x128xf32, #tpu.memory_space<hbm>>) dst(%arg11 : memref<80x128xf32, #tpu.memory_space<vmem>>)
      "tpu.region"() ({
        %run_scoped3A_466 = tpu.sem_alloc : memref<!tpu.dma_semaphore, #tpu.memory_space<semaphore_mem>>
        %dma_start3A_467 = arith.constant 0 : i32
        %dma_start3A_468 = arith.constant 0 : i32
        %dma_start3A_469 = tpu.memref_slice %arg10[%scan3A_390, %dma_start3A_467, %dma_start3A_468] : memref<2x25x80xi32, #tpu.memory_space<vmem>> -> memref<1x25x80xi32, #tpu.memory_space<vmem>>
        %dma_start3A_470 = tpu.memref_squeeze %dma_start3A_469 : memref<1x25x80xi32, #tpu.memory_space<vmem>> -> memref<25x80xi32, #tpu.memory_space<vmem>>
        %dma_start3A_471 = arith.constant 0 : i32
        %dma_start3A_472 = tpu.memref_slice %dma_start3A_470[%mul3A_403, %dma_start3A_471] : memref<25x80xi32, #tpu.memory_space<vmem>> -> memref<1x80xi32, #tpu.memory_space<vmem>>
        %dma_start3A_473 = tpu.memref_squeeze %dma_start3A_472 : memref<1x80xi32, #tpu.memory_space<vmem>> -> memref<80xi32, #tpu.memory_space<vmem>>
        %dma_start3A_474 = arith.constant 0 : i32
        %dma_start3A_475 = arith.constant 0 : i32
        %dma_start3A_476 = tpu.memref_slice %arg13[%dma_start3A_474, %dma_start3A_475] : memref<10240x128xf32, #tpu.memory_space<vmem_shared>> -> memref<10240x128xf32, #tpu.memory_space<vmem_shared>>
        tpu.enqueue_indirect_dma source(%arg11 : memref<80x128xf32, #tpu.memory_space<vmem>>) target(%dma_start3A_476 : memref<10240x128xf32, #tpu.memory_space<vmem_shared>>) offsets(%dma_start3A_473 : memref<80xi32, #tpu.memory_space<vmem>>) semaphore(%run_scoped3A_466 : memref<!tpu.dma_semaphore, #tpu.memory_space<semaphore_mem>>) {add = true}
        %dma_wait3A_477 = arith.constant 0 : i32
        %dma_wait3A_478 = arith.constant 0 : i32
        %dma_wait3A_479 = tpu.memref_slice %arg10[%scan3A_390, %dma_wait3A_477, %dma_wait3A_478] : memref<2x25x80xi32, #tpu.memory_space<vmem>> -> memref<1x25x80xi32, #tpu.memory_space<vmem>>
        %dma_wait3A_480 = tpu.memref_squeeze %dma_wait3A_479 : memref<1x25x80xi32, #tpu.memory_space<vmem>> -> memref<25x80xi32, #tpu.memory_space<vmem>>
        %dma_wait3A_481 = arith.constant 0 : i32
        %dma_wait3A_482 = tpu.memref_slice %dma_wait3A_480[%mul3A_403, %dma_wait3A_481] : memref<25x80xi32, #tpu.memory_space<vmem>> -> memref<1x80xi32, #tpu.memory_space<vmem>>
        %dma_wait3A_483 = tpu.memref_squeeze %dma_wait3A_482 : memref<1x80xi32, #tpu.memory_space<vmem>> -> memref<80xi32, #tpu.memory_space<vmem>>
        %dma_wait3A_484 = arith.constant 0 : i32
        %dma_wait3A_485 = arith.constant 0 : i32
        %dma_wait3A_486 = tpu.memref_slice %arg13[%dma_wait3A_484, %dma_wait3A_485] : memref<10240x128xf32, #tpu.memory_space<vmem_shared>> -> memref<10240x128xf32, #tpu.memory_space<vmem_shared>>
        tpu.wait_indirect_dma semaphore(%run_scoped3A_466 : memref<!tpu.dma_semaphore, #tpu.memory_space<semaphore_mem>>) src(%arg11 : memref<80x128xf32, #tpu.memory_space<vmem>>) dst(%dma_wait3A_486 : memref<10240x128xf32, #tpu.memory_space<vmem_shared>>)
        tpu.yield
      }) : () -> ()
      %get3A = arith.constant 0 : i32
      %get3A_418 = arith.constant 0 : i32
      %get3A_419 = tpu.memref_slice %arg10[%scan3A_390, %get3A, %get3A_418] : memref<2x25x80xi32, #tpu.memory_space<vmem>> -> memref<1x25x80xi32, #tpu.memory_space<vmem>>
      %get3A_420 = tpu.memref_squeeze %get3A_419 : memref<1x25x80xi32, #tpu.memory_space<vmem>> -> memref<25x80xi32, #tpu.memory_space<vmem>>
      %get3A_421 = arith.index_cast %mul3A_403 : i32 to index
      %get3A_422 = arith.constant 0 : index
      %get3A_423 = tpu.vector_load %get3A_420[%get3A_421, %get3A_422] {strides = array<i32>} : memref<25x80xi32, #tpu.memory_space<vmem>>, vector<16xi32>,
      tpu.vector_store_idx %arg18[%get3A_423], %broadcast_in_dim3A_6 {add = true} : memref<10240xf32, #tpu.memory_space<vmem>>[vector<16xi32>], vector<16xf32>,
      %get3A_424 = arith.constant 0 : i32
      %get3A_425 = arith.constant 0 : i32
      %get3A_426 = tpu.memref_slice %arg10[%scan3A_390, %get3A_424, %get3A_425] : memref<2x25x80xi32, #tpu.memory_space<vmem>> -> memref<1x25x80xi32, #tpu.memory_space<vmem>>
      %get3A_427 = tpu.memref_squeeze %get3A_426 : memref<1x25x80xi32, #tpu.memory_space<vmem>> -> memref<25x80xi32, #tpu.memory_space<vmem>>
      %get3A_428 = arith.index_cast %mul3A_403 : i32 to index
      %get3A_429 = arith.constant 16 : index
      %get3A_430 = tpu.vector_load %get3A_427[%get3A_428, %get3A_429] {strides = array<i32>} : memref<25x80xi32, #tpu.memory_space<vmem>>, vector<16xi32>,
      tpu.vector_store_idx %arg18[%get3A_430], %broadcast_in_dim3A_6 {add = true} : memref<10240xf32, #tpu.memory_space<vmem>>[vector<16xi32>], vector<16xf32>,
      %get3A_431 = arith.constant 0 : i32
      %get3A_432 = arith.constant 0 : i32
      %get3A_433 = tpu.memref_slice %arg10[%scan3A_390, %get3A_431, %get3A_432] : memref<2x25x80xi32, #tpu.memory_space<vmem>> -> memref<1x25x80xi32, #tpu.memory_space<vmem>>
      %get3A_434 = tpu.memref_squeeze %get3A_433 : memref<1x25x80xi32, #tpu.memory_space<vmem>> -> memref<25x80xi32, #tpu.memory_space<vmem>>
      %get3A_435 = arith.index_cast %mul3A_403 : i32 to index
      %get3A_436 = arith.constant 32 : index
      %get3A_437 = tpu.vector_load %get3A_434[%get3A_435, %get3A_436] {strides = array<i32>} : memref<25x80xi32, #tpu.memory_space<vmem>>, vector<16xi32>,
      tpu.vector_store_idx %arg18[%get3A_437], %broadcast_in_dim3A_6 {add = true} : memref<10240xf32, #tpu.memory_space<vmem>>[vector<16xi32>], vector<16xf32>,
      %get3A_438 = arith.constant 0 : i32
      %get3A_439 = arith.constant 0 : i32
      %get3A_440 = tpu.memref_slice %arg10[%scan3A_390, %get3A_438, %get3A_439] : memref<2x25x80xi32, #tpu.memory_space<vmem>> -> memref<1x25x80xi32, #tpu.memory_space<vmem>>
      %get3A_441 = tpu.memref_squeeze %get3A_440 : memref<1x25x80xi32, #tpu.memory_space<vmem>> -> memref<25x80xi32, #tpu.memory_space<vmem>>
      %get3A_442 = arith.index_cast %mul3A_403 : i32 to index
      %get3A_443 = arith.constant 48 : index
      %get3A_444 = tpu.vector_load %get3A_441[%get3A_442, %get3A_443] {strides = array<i32>} : memref<25x80xi32, #tpu.memory_space<vmem>>, vector<16xi32>,
      tpu.vector_store_idx %arg18[%get3A_444], %broadcast_in_dim3A_6 {add = true} : memref<10240xf32, #tpu.memory_space<vmem>>[vector<16xi32>], vector<16xf32>,
      %get3A_445 = arith.constant 0 : i32
      %get3A_446 = arith.constant 0 : i32
      %get3A_447 = tpu.memref_slice %arg10[%scan3A_390, %get3A_445, %get3A_446] : memref<2x25x80xi32, #tpu.memory_space<vmem>> -> memref<1x25x80xi32, #tpu.memory_space<vmem>>
      %get3A_448 = tpu.memref_squeeze %get3A_447 : memref<1x25x80xi32, #tpu.memory_space<vmem>> -> memref<25x80xi32, #tpu.memory_space<vmem>>
      %get3A_449 = arith.index_cast %mul3A_403 : i32 to index
      %get3A_450 = arith.constant 64 : index
      %get3A_451 = tpu.vector_load %get3A_448[%get3A_449, %get3A_450] {strides = array<i32>} : memref<25x80xi32, #tpu.memory_space<vmem>>, vector<16xi32>,
      tpu.vector_store_idx %arg18[%get3A_451], %broadcast_in_dim3A_6 {add = true} : memref<10240xf32, #tpu.memory_space<vmem>>[vector<16xi32>], vector<16xf32>,
      %add3A_452 = arith.constant 2 : i32
      %add3A_453 = arith.addi %mul3A_403, %add3A_452 : i32
      %lt3A_454 = arith.constant 25 : i32
      %lt3A_455 = arith.cmpi slt, %add3A_453, %lt3A_454 : i32
      %convert_element_type3A_456 = arith.extui %lt3A_455 : i1 to i32
      %cond3A_457 = arith.constant 0 : i32
      %cond3A_458 = arith.cmpi ne, %convert_element_type3A_456, %cond3A_457 : i32
      scf.if %cond3A_458 {
        %add3A_466 = arith.constant 2 : i32
        %add3A_467 = arith.addi %mul3A_403, %add3A_466 : i32
        %dma_start3A_468 = arith.constant 0 : i32
        %dma_start3A_469 = arith.constant 0 : i32
        %dma_start3A_470 = tpu.memref_slice %arg9[%scan3A_389, %dma_start3A_468, %dma_start3A_469] : memref<2x25x80xi32, #tpu.memory_space<vmem>> -> memref<1x25x80xi32, #tpu.memory_space<vmem>>
        %dma_start3A_471 = tpu.memref_squeeze %dma_start3A_470 : memref<1x25x80xi32, #tpu.memory_space<vmem>> -> memref<25x80xi32, #tpu.memory_space<vmem>>
        %dma_start3A_472 = arith.constant 0 : i32
        %dma_start3A_473 = tpu.memref_slice %dma_start3A_471[%add3A_467, %dma_start3A_472] : memref<25x80xi32, #tpu.memory_space<vmem>> -> memref<1x80xi32, #tpu.memory_space<vmem>>
        %dma_start3A_474 = tpu.memref_squeeze %dma_start3A_473 : memref<1x80xi32, #tpu.memory_space<vmem>> -> memref<80xi32, #tpu.memory_space<vmem>>
        %dma_start3A_475 = arith.constant 0 : i32
        %dma_start3A_476 = arith.constant 0 : i32
        %dma_start3A_477 = tpu.memref_slice %arg2[%dma_start3A_475, %dma_start3A_476] : memref<10000x128xf32, #tpu.memory_space<hbm>> -> memref<10000x128xf32, #tpu.memory_space<hbm>>
        tpu.enqueue_indirect_dma source(%dma_start3A_477 : memref<10000x128xf32, #tpu.memory_space<hbm>>) target(%arg11 : memref<80x128xf32, #tpu.memory_space<vmem>>) offsets(%dma_start3A_474 : memref<80xi32, #tpu.memory_space<vmem>>) semaphore(%arg14 : memref<!tpu.dma_semaphore, #tpu.memory_space<semaphore_mem>>)
      } else {
      }
      %add3A_459 = arith.constant 1 : i32
      %add3A_460 = arith.addi %mul3A_403, %add3A_459 : i32
      %lt3A_461 = arith.constant 25 : i32
      %lt3A_462 = arith.cmpi slt, %add3A_460, %lt3A_461 : i32
      %convert_element_type3A_463 = arith.extui %lt3A_462 : i1 to i32
      %cond3A_464 = arith.constant 0 : i32
      %cond3A_465 = arith.cmpi ne, %convert_element_type3A_463, %cond3A_464 : i32
      scf.if %cond3A_465 {
        %add3A_466 = arith.constant 1 : i32
        %add3A_467 = arith.addi %mul3A_403, %add3A_466 : i32
        %dma_wait3A_468 = arith.constant 0 : i32
        %dma_wait3A_469 = arith.constant 0 : i32
        %dma_wait3A_470 = tpu.memref_slice %arg9[%scan3A_389, %dma_wait3A_468, %dma_wait3A_469] : memref<2x25x80xi32, #tpu.memory_space<vmem>> -> memref<1x25x80xi32, #tpu.memory_space<vmem>>
        %dma_wait3A_471 = tpu.memref_squeeze %dma_wait3A_470 : memref<1x25x80xi32, #tpu.memory_space<vmem>> -> memref<25x80xi32, #tpu.memory_space<vmem>>
        %dma_wait3A_472 = arith.constant 0 : i32
        %dma_wait3A_473 = tpu.memref_slice %dma_wait3A_471[%add3A_467, %dma_wait3A_472] : memref<25x80xi32, #tpu.memory_space<vmem>> -> memref<1x80xi32, #tpu.memory_space<vmem>>
        %dma_wait3A_474 = tpu.memref_squeeze %dma_wait3A_473 : memref<1x80xi32, #tpu.memory_space<vmem>> -> memref<80xi32, #tpu.memory_space<vmem>>
        %dma_wait3A_475 = arith.constant 0 : i32
        %dma_wait3A_476 = arith.constant 0 : i32
        %dma_wait3A_477 = tpu.memref_slice %arg2[%dma_wait3A_475, %dma_wait3A_476] : memref<10000x128xf32, #tpu.memory_space<hbm>> -> memref<10000x128xf32, #tpu.memory_space<hbm>>
        tpu.wait_indirect_dma semaphore(%arg15 : memref<!tpu.dma_semaphore, #tpu.memory_space<semaphore_mem>>) src(%dma_wait3A_477 : memref<10000x128xf32, #tpu.memory_space<hbm>>) dst(%arg12 : memref<80x128xf32, #tpu.memory_space<vmem>>)
        %add3A_478 = arith.constant 1 : i32
        %add3A_479 = arith.addi %mul3A_403, %add3A_478 : i32
        "tpu.region"() ({
          %run_scoped3A_517 = tpu.sem_alloc : memref<!tpu.dma_semaphore, #tpu.memory_space<semaphore_mem>>
          %dma_start3A_518 = arith.constant 0 : i32
          %dma_start3A_519 = arith.constant 0 : i32
          %dma_start3A_520 = tpu.memref_slice %arg10[%scan3A_390, %dma_start3A_518, %dma_start3A_519] : memref<2x25x80xi32, #tpu.memory_space<vmem>> -> memref<1x25x80xi32, #tpu.memory_space<vmem>>
          %dma_start3A_521 = tpu.memref_squeeze %dma_start3A_520 : memref<1x25x80xi32, #tpu.memory_space<vmem>> -> memref<25x80xi32, #tpu.memory_space<vmem>>
          %dma_start3A_522 = arith.constant 0 : i32
          %dma_start3A_523 = tpu.memref_slice %dma_start3A_521[%add3A_479, %dma_start3A_522] : memref<25x80xi32, #tpu.memory_space<vmem>> -> memref<1x80xi32, #tpu.memory_space<vmem>>
          %dma_start3A_524 = tpu.memref_squeeze %dma_start3A_523 : memref<1x80xi32, #tpu.memory_space<vmem>> -> memref<80xi32, #tpu.memory_space<vmem>>
          %dma_start3A_525 = arith.constant 0 : i32
          %dma_start3A_526 = arith.constant 0 : i32
          %dma_start3A_527 = tpu.memref_slice %arg13[%dma_start3A_525, %dma_start3A_526] : memref<10240x128xf32, #tpu.memory_space<vmem_shared>> -> memref<10240x128xf32, #tpu.memory_space<vmem_shared>>
          tpu.enqueue_indirect_dma source(%arg12 : memref<80x128xf32, #tpu.memory_space<vmem>>) target(%dma_start3A_527 : memref<10240x128xf32, #tpu.memory_space<vmem_shared>>) offsets(%dma_start3A_524 : memref<80xi32, #tpu.memory_space<vmem>>) semaphore(%run_scoped3A_517 : memref<!tpu.dma_semaphore, #tpu.memory_space<semaphore_mem>>) {add = true}
          %dma_wait3A_528 = arith.constant 0 : i32
          %dma_wait3A_529 = arith.constant 0 : i32
          %dma_wait3A_530 = tpu.memref_slice %arg10[%scan3A_390, %dma_wait3A_528, %dma_wait3A_529] : memref<2x25x80xi32, #tpu.memory_space<vmem>> -> memref<1x25x80xi32, #tpu.memory_space<vmem>>
          %dma_wait3A_531 = tpu.memref_squeeze %dma_wait3A_530 : memref<1x25x80xi32, #tpu.memory_space<vmem>> -> memref<25x80xi32, #tpu.memory_space<vmem>>
          %dma_wait3A_532 = arith.constant 0 : i32
          %dma_wait3A_533 = tpu.memref_slice %dma_wait3A_531[%add3A_479, %dma_wait3A_532] : memref<25x80xi32, #tpu.memory_space<vmem>> -> memref<1x80xi32, #tpu.memory_space<vmem>>
          %dma_wait3A_534 = tpu.memref_squeeze %dma_wait3A_533 : memref<1x80xi32, #tpu.memory_space<vmem>> -> memref<80xi32, #tpu.memory_space<vmem>>
          %dma_wait3A_535 = arith.constant 0 : i32
          %dma_wait3A_536 = arith.constant 0 : i32
          %dma_wait3A_537 = tpu.memref_slice %arg13[%dma_wait3A_535, %dma_wait3A_536] : memref<10240x128xf32, #tpu.memory_space<vmem_shared>> -> memref<10240x128xf32, #tpu.memory_space<vmem_shared>>
          tpu.wait_indirect_dma semaphore(%run_scoped3A_517 : memref<!tpu.dma_semaphore, #tpu.memory_space<semaphore_mem>>) src(%arg12 : memref<80x128xf32, #tpu.memory_space<vmem>>) dst(%dma_wait3A_537 : memref<10240x128xf32, #tpu.memory_space<vmem_shared>>)
          tpu.yield
        }) : () -> ()
        %add3A_480 = arith.constant 1 : i32
        %add3A_481 = arith.addi %mul3A_403, %add3A_480 : i32
        %get3A_482 = arith.constant 0 : i32
        %get3A_483 = arith.constant 0 : i32
        %get3A_484 = tpu.memref_slice %arg10[%scan3A_390, %get3A_482, %get3A_483] : memref<2x25x80xi32, #tpu.memory_space<vmem>> -> memref<1x25x80xi32, #tpu.memory_space<vmem>>
        %get3A_485 = tpu.memref_squeeze %get3A_484 : memref<1x25x80xi32, #tpu.memory_space<vmem>> -> memref<25x80xi32, #tpu.memory_space<vmem>>
        %get3A_486 = arith.index_cast %add3A_481 : i32 to index
        %get3A_487 = arith.constant 0 : index
        %get3A_488 = tpu.vector_load %get3A_485[%get3A_486, %get3A_487] {strides = array<i32>} : memref<25x80xi32, #tpu.memory_space<vmem>>, vector<16xi32>,
        tpu.vector_store_idx %arg18[%get3A_488], %broadcast_in_dim3A_6 {add = true} : memref<10240xf32, #tpu.memory_space<vmem>>[vector<16xi32>], vector<16xf32>,
        %get3A_489 = arith.constant 0 : i32
        %get3A_490 = arith.constant 0 : i32
        %get3A_491 = tpu.memref_slice %arg10[%scan3A_390, %get3A_489, %get3A_490] : memref<2x25x80xi32, #tpu.memory_space<vmem>> -> memref<1x25x80xi32, #tpu.memory_space<vmem>>
        %get3A_492 = tpu.memref_squeeze %get3A_491 : memref<1x25x80xi32, #tpu.memory_space<vmem>> -> memref<25x80xi32, #tpu.memory_space<vmem>>
        %get3A_493 = arith.index_cast %add3A_481 : i32 to index
        %get3A_494 = arith.constant 16 : index
        %get3A_495 = tpu.vector_load %get3A_492[%get3A_493, %get3A_494] {strides = array<i32>} : memref<25x80xi32, #tpu.memory_space<vmem>>, vector<16xi32>,
        tpu.vector_store_idx %arg18[%get3A_495], %broadcast_in_dim3A_6 {add = true} : memref<10240xf32, #tpu.memory_space<vmem>>[vector<16xi32>], vector<16xf32>,
        %get3A_496 = arith.constant 0 : i32
        %get3A_497 = arith.constant 0 : i32
        %get3A_498 = tpu.memref_slice %arg10[%scan3A_390, %get3A_496, %get3A_497] : memref<2x25x80xi32, #tpu.memory_space<vmem>> -> memref<1x25x80xi32, #tpu.memory_space<vmem>>
        %get3A_499 = tpu.memref_squeeze %get3A_498 : memref<1x25x80xi32, #tpu.memory_space<vmem>> -> memref<25x80xi32, #tpu.memory_space<vmem>>
        %get3A_500 = arith.index_cast %add3A_481 : i32 to index
        %get3A_501 = arith.constant 32 : index
        %get3A_502 = tpu.vector_load %get3A_499[%get3A_500, %get3A_501] {strides = array<i32>} : memref<25x80xi32, #tpu.memory_space<vmem>>, vector<16xi32>,
        tpu.vector_store_idx %arg18[%get3A_502], %broadcast_in_dim3A_6 {add = true} : memref<10240xf32, #tpu.memory_space<vmem>>[vector<16xi32>], vector<16xf32>,
        %get3A_503 = arith.constant 0 : i32
        %get3A_504 = arith.constant 0 : i32
        %get3A_505 = tpu.memref_slice %arg10[%scan3A_390, %get3A_503, %get3A_504] : memref<2x25x80xi32, #tpu.memory_space<vmem>> -> memref<1x25x80xi32, #tpu.memory_space<vmem>>
        %get3A_506 = tpu.memref_squeeze %get3A_505 : memref<1x25x80xi32, #tpu.memory_space<vmem>> -> memref<25x80xi32, #tpu.memory_space<vmem>>
        %get3A_507 = arith.index_cast %add3A_481 : i32 to index
        %get3A_508 = arith.constant 48 : index
        %get3A_509 = tpu.vector_load %get3A_506[%get3A_507, %get3A_508] {strides = array<i32>} : memref<25x80xi32, #tpu.memory_space<vmem>>, vector<16xi32>,
        tpu.vector_store_idx %arg18[%get3A_509], %broadcast_in_dim3A_6 {add = true} : memref<10240xf32, #tpu.memory_space<vmem>>[vector<16xi32>], vector<16xf32>,
        %get3A_510 = arith.constant 0 : i32
        %get3A_511 = arith.constant 0 : i32
        %get3A_512 = tpu.memref_slice %arg10[%scan3A_390, %get3A_510, %get3A_511] : memref<2x25x80xi32, #tpu.memory_space<vmem>> -> memref<1x25x80xi32, #tpu.memory_space<vmem>>
        %get3A_513 = tpu.memref_squeeze %get3A_512 : memref<1x25x80xi32, #tpu.memory_space<vmem>> -> memref<25x80xi32, #tpu.memory_space<vmem>>
        %get3A_514 = arith.index_cast %add3A_481 : i32 to index
        %get3A_515 = arith.constant 64 : index
        %get3A_516 = tpu.vector_load %get3A_513[%get3A_514, %get3A_515] {strides = array<i32>} : memref<25x80xi32, #tpu.memory_space<vmem>>, vector<16xi32>,
        tpu.vector_store_idx %arg18[%get3A_516], %broadcast_in_dim3A_6 {add = true} : memref<10240xf32, #tpu.memory_space<vmem>>[vector<16xi32>], vector<16xf32>,
      } else {
      }
    }
    %scan3A_395 = arith.constant 13 : i32
    "tpu.region"() ({
      %run_scoped3A_401 = tpu.sem_alloc : memref<!tpu.dma_semaphore, #tpu.memory_space<semaphore_mem>>
      %dma_start3A_402 = arith.constant 0 : i32
      %dma_start3A_403 = tpu.memref_slice %arg8[%add3A, %dma_start3A_402] : memref<32x10240xf32, #tpu.memory_space<hbm>> -> memref<1x10240xf32, #tpu.memory_space<hbm>>
      %dma_start3A_404 = tpu.memref_squeeze %dma_start3A_403 : memref<1x10240xf32, #tpu.memory_space<hbm>> -> memref<10240xf32, #tpu.memory_space<hbm>>
      %dma_start3A_405 = arith.constant 0 : i32
      %dma_start3A_406 = tpu.memref_slice %arg8[%add3A, %dma_start3A_405] : memref<32x10240xf32, #tpu.memory_space<hbm>> -> memref<1x10240xf32, #tpu.memory_space<hbm>>
      %dma_start3A_407 = tpu.memref_squeeze %dma_start3A_406 : memref<1x10240xf32, #tpu.memory_space<hbm>> -> memref<10240xf32, #tpu.memory_space<hbm>>
      tpu.enqueue_dma source(%arg18 : memref<10240xf32, #tpu.memory_space<vmem>>) target(%dma_start3A_407 : memref<10240xf32, #tpu.memory_space<hbm>>) target_semaphore(%run_scoped3A_401 : memref<!tpu.dma_semaphore, #tpu.memory_space<semaphore_mem>>)
      %dma_wait3A_408 = arith.constant 0 : i32
      %dma_wait3A_409 = tpu.memref_slice %arg8[%add3A, %dma_wait3A_408] : memref<32x10240xf32, #tpu.memory_space<hbm>> -> memref<1x10240xf32, #tpu.memory_space<hbm>>
      %dma_wait3A_410 = tpu.memref_squeeze %dma_wait3A_409 : memref<1x10240xf32, #tpu.memory_space<hbm>> -> memref<10240xf32, #tpu.memory_space<hbm>>
      %dma_wait3A_411 = arith.constant 0 : i32
      %dma_wait3A_412 = tpu.memref_slice %arg8[%add3A, %dma_wait3A_411] : memref<32x10240xf32, #tpu.memory_space<hbm>> -> memref<1x10240xf32, #tpu.memory_space<hbm>>
      %dma_wait3A_413 = tpu.memref_squeeze %dma_wait3A_412 : memref<1x10240xf32, #tpu.memory_space<hbm>> -> memref<10240xf32, #tpu.memory_space<hbm>>
      tpu.wait_dma2 semaphore(%run_scoped3A_401 : memref<!tpu.dma_semaphore, #tpu.memory_space<semaphore_mem>>) src(%arg18 : memref<10240xf32, #tpu.memory_space<vmem>>) dst(%dma_wait3A_413 : memref<10240xf32, #tpu.memory_space<hbm>>)
      tpu.yield
    }) : () -> ()
    %barrier3A_396 = arith.constant 0 : index
    tpu.barrier barrier_id(%barrier3A_396)
    %mul3A_397 = arith.constant 640 : i32
    %mul3A_398 = arith.muli %arg1, %mul3A_397 : i32
    %mul3A_399 = arith.constant 640 : i32
    %mul3A_400 = arith.muli %arg1, %mul3A_399 : i32
    "tpu.region"() ({
      %run_scoped3A_401 = tpu.sem_alloc : memref<!tpu.dma_semaphore, #tpu.memory_space<semaphore_mem>>
      %dma_start3A_402 = arith.constant 0 : i32
      %dma_start3A_403 = tpu.memref_slice %arg7[%arg0, %mul3A_400, %dma_start3A_402] : memref<2x10240x128xf32, #tpu.memory_space<hbm>> -> memref<1x640x128xf32, #tpu.memory_space<hbm>>
      %dma_start3A_404 = tpu.memref_squeeze %dma_start3A_403 : memref<1x640x128xf32, #tpu.memory_space<hbm>> -> memref<640x128xf32, #tpu.memory_space<hbm>>
      %dma_start3A_405 = arith.constant 0 : i32
      %dma_start3A_406 = tpu.memref_slice %arg13[%mul3A_398, %dma_start3A_405] : memref<10240x128xf32, #tpu.memory_space<vmem_shared>> -> memref<640x128xf32, #tpu.memory_space<vmem_shared>>
      tpu.enqueue_dma source(%dma_start3A_406 : memref<640x128xf32, #tpu.memory_space<vmem_shared>>) target(%dma_start3A_404 : memref<640x128xf32, #tpu.memory_space<hbm>>) target_semaphore(%run_scoped3A_401 : memref<!tpu.dma_semaphore, #tpu.memory_space<semaphore_mem>>)
      %dma_wait3A_407 = arith.constant 0 : i32
      %dma_wait3A_408 = tpu.memref_slice %arg7[%arg0, %mul3A_400, %dma_wait3A_407] : memref<2x10240x128xf32, #tpu.memory_space<hbm>> -> memref<1x640x128xf32, #tpu.memory_space<hbm>>
      %dma_wait3A_409 = tpu.memref_squeeze %dma_wait3A_408 : memref<1x640x128xf32, #tpu.memory_space<hbm>> -> memref<640x128xf32, #tpu.memory_space<hbm>>
      %dma_wait3A_410 = arith.constant 0 : i32
      %dma_wait3A_411 = tpu.memref_slice %arg13[%mul3A_398, %dma_wait3A_410] : memref<10240x128xf32, #tpu.memory_space<vmem_shared>> -> memref<640x128xf32, #tpu.memory_space<vmem_shared>>
      tpu.wait_dma2 semaphore(%run_scoped3A_401 : memref<!tpu.dma_semaphore, #tpu.memory_space<semaphore_mem>>) src(%dma_wait3A_411 : memref<640x128xf32, #tpu.memory_space<vmem_shared>>) dst(%dma_wait3A_409 : memref<640x128xf32, #tpu.memory_space<hbm>>)
      tpu.yield
    }) : () -> ()
    return
  }
}

#map = affine_map<(d0, d1) -> (0, 0)>
#map1 = affine_map<(d0, d1) -> (0, 0, 0, 0)>
#map2 = affine_map<(d0, d1) -> (0)>
#map3 = affine_map<(d0, d1) -> (0, 0, 0)>
module attributes {stable_mosaic.version = 14 : i64} {
  func.func @body_nd(%arg0: i32, %arg1: i32, %arg2: memref<10000x128xf32, #tpu.memory_space<hbm>>, %arg3: memref<32x5x25x80xi32, #tpu.memory_space<hbm>>, %arg4: memref<32x5x25x80xi32, #tpu.memory_space<hbm>>, %arg5: memref<80x128xf32, #tpu.memory_space<hbm>>, %arg6: memref<10240xf32, #tpu.memory_space<hbm>>, %arg7: memref<2x10240x128xf32, #tpu.memory_space<hbm>>, %arg8: memref<2x25x80xi32, #tpu.memory_space<vmem>>, %arg9: memref<2x25x80xi32, #tpu.memory_space<vmem>>, %arg10: memref<80x128xf32, #tpu.memory_space<vmem>>, %arg11: memref<80x128xf32, #tpu.memory_space<vmem>>, %arg12: memref<10240x128xf32, #tpu.memory_space<vmem_shared>>, %arg13: memref<!tpu.dma_semaphore, #tpu.memory_space<semaphore_mem>>, %arg14: memref<!tpu.dma_semaphore, #tpu.memory_space<semaphore_mem>>, %arg15: memref<!tpu.dma_semaphore, #tpu.memory_space<semaphore_mem>>, %arg16: memref<!tpu.dma_semaphore, #tpu.memory_space<semaphore_mem>>) attributes {dimension_semantics = [#tpu.dimension_semantics<core_parallel>, #tpu.dimension_semantics<subcore_parallel>], iteration_bounds = array<i64: 2, 16>, scalar_prefetch = 0 : i64, scratch_operands = 9 : i64, tpu.core_type = #tpu.core_type<sc_vector_subcore>, window_params = [{transform_indices = #map}, {transform_indices = #map1}, {transform_indices = #map1}, {transform_indices = #map}, {transform_indices = #map2}, {transform_indices = #map3}]} {
    %mul3A = arith.constant 16 : i32
    %mul3A_0 = arith.muli %arg0, %mul3A : i32
    %add3A = arith.addi %mul3A_0, %arg1 : i32
    "tpu.region"() ({
      %run_scoped3A_401 = tpu.sem_alloc : memref<!tpu.dma_semaphore, #tpu.memory_space<semaphore_mem>>
      tpu.enqueue_dma source(%arg5 : memref<80x128xf32, #tpu.memory_space<hbm>>) target(%arg10 : memref<80x128xf32, #tpu.memory_space<vmem>>) target_semaphore(%run_scoped3A_401 : memref<!tpu.dma_semaphore, #tpu.memory_space<semaphore_mem>>)
      tpu.wait_dma2 semaphore(%run_scoped3A_401 : memref<!tpu.dma_semaphore, #tpu.memory_space<semaphore_mem>>) src(%arg5 : memref<80x128xf32, #tpu.memory_space<hbm>>) dst(%arg10 : memref<80x128xf32, #tpu.memory_space<vmem>>)
      tpu.yield
    }) : () -> ()
    %scan3A = arith.constant 0 : i32
    %scan3A_1 = arith.constant 0 : i32
    %scan3A_2 = arith.constant 8 : i32
    %scan3A_3 = arith.addi %scan3A_1, %scan3A_2 : i32
    %scan3A_4 = arith.constant 1 : i32
    scf.for %scan3A_401 = %scan3A_1 to %scan3A_3 step %scan3A_4  : i32 {
      %mul3A_402 = arith.constant 640 : i32
      %mul3A_403 = arith.muli %arg1, %mul3A_402 : i32
      %mul3A_404 = arith.constant 80 : i32
      %mul3A_405 = arith.muli %scan3A_401, %mul3A_404 : i32
      %add3A_406 = arith.addi %mul3A_403, %mul3A_405 : i32
      "tpu.region"() ({
        %run_scoped3A_407 = tpu.sem_alloc : memref<!tpu.dma_semaphore, #tpu.memory_space<semaphore_mem>>
        %dma_start3A_408 = arith.constant 0 : i32
        %dma_start3A_409 = tpu.memref_slice %arg12[%add3A_406, %dma_start3A_408] : memref<10240x128xf32, #tpu.memory_space<vmem_shared>> -> memref<80x128xf32, #tpu.memory_space<vmem_shared>>
        %dma_start3A_410 = arith.constant 0 : i32
        %dma_start3A_411 = tpu.memref_slice %arg12[%add3A_406, %dma_start3A_410] : memref<10240x128xf32, #tpu.memory_space<vmem_shared>> -> memref<80x128xf32, #tpu.memory_space<vmem_shared>>
        tpu.enqueue_dma source(%arg10 : memref<80x128xf32, #tpu.memory_space<vmem>>) target(%dma_start3A_411 : memref<80x128xf32, #tpu.memory_space<vmem_shared>>) target_semaphore(%run_scoped3A_407 : memref<!tpu.dma_semaphore, #tpu.memory_space<semaphore_mem>>)
        %dma_wait3A_412 = arith.constant 0 : i32
        %dma_wait3A_413 = tpu.memref_slice %arg12[%add3A_406, %dma_wait3A_412] : memref<10240x128xf32, #tpu.memory_space<vmem_shared>> -> memref<80x128xf32, #tpu.memory_space<vmem_shared>>
        %dma_wait3A_414 = arith.constant 0 : i32
        %dma_wait3A_415 = tpu.memref_slice %arg12[%add3A_406, %dma_wait3A_414] : memref<10240x128xf32, #tpu.memory_space<vmem_shared>> -> memref<80x128xf32, #tpu.memory_space<vmem_shared>>
        tpu.wait_dma2 semaphore(%run_scoped3A_407 : memref<!tpu.dma_semaphore, #tpu.memory_space<semaphore_mem>>) src(%arg10 : memref<80x128xf32, #tpu.memory_space<vmem>>) dst(%dma_wait3A_415 : memref<80x128xf32, #tpu.memory_space<vmem_shared>>)
        tpu.yield
      }) : () -> ()
    }
    %scan3A_5 = arith.constant 8 : i32
    %barrier3A = arith.constant 0 : index
    tpu.barrier barrier_id(%barrier3A)
    %broadcast_in_dim3A = arith.constant 1.000000e+00 : f32
    %broadcast_in_dim3A_6 = vector.broadcast %broadcast_in_dim3A : f32 to vector<16xf32>
    %run_scoped3A = arith.constant 0 : i32
    %run_scoped3A_7 = arith.constant 0 : i32
    "tpu.region"() ({
      %run_scoped3A_401 = tpu.sem_alloc : memref<!tpu.dma_semaphore, #tpu.memory_space<semaphore_mem>>
      %dma_start3A_402 = arith.constant 0 : i32
      %dma_start3A_403 = arith.constant 0 : i32
      %dma_start3A_404 = tpu.memref_slice %arg8[%run_scoped3A_7, %dma_start3A_402, %dma_start3A_403] : memref<2x25x80xi32, #tpu.memory_space<vmem>> -> memref<1x25x80xi32, #tpu.memory_space<vmem>>
      %dma_start3A_405 = tpu.memref_squeeze %dma_start3A_404 : memref<1x25x80xi32, #tpu.memory_space<vmem>> -> memref<25x80xi32, #tpu.memory_space<vmem>>
      %dma_start3A_406 = arith.constant 0 : i32
      %dma_start3A_407 = arith.constant 0 : i32
      %dma_start3A_408 = tpu.memref_slice %arg3[%add3A, %run_scoped3A, %dma_start3A_406, %dma_start3A_407] : memref<32x5x25x80xi32, #tpu.memory_space<hbm>> -> memref<1x1x25x80xi32, #tpu.memory_space<hbm>>
      %dma_start3A_409 = tpu.memref_squeeze %dma_start3A_408 : memref<1x1x25x80xi32, #tpu.memory_space<hbm>> -> memref<25x80xi32, #tpu.memory_space<hbm>>
      %dma_start3A_410 = arith.constant 0 : i32
      %dma_start3A_411 = arith.constant 0 : i32
      %dma_start3A_412 = tpu.memref_slice %arg8[%run_scoped3A_7, %dma_start3A_410, %dma_start3A_411] : memref<2x25x80xi32, #tpu.memory_space<vmem>> -> memref<1x25x80xi32, #tpu.memory_space<vmem>>
      %dma_start3A_413 = tpu.memref_squeeze %dma_start3A_412 : memref<1x25x80xi32, #tpu.memory_space<vmem>> -> memref<25x80xi32, #tpu.memory_space<vmem>>
      %dma_start3A_414 = arith.constant 0 : i32
      %dma_start3A_415 = arith.constant 0 : i32
      %dma_start3A_416 = tpu.memref_slice %arg3[%add3A, %run_scoped3A, %dma_start3A_414, %dma_start3A_415] : memref<32x5x25x80xi32, #tpu.memory_space<hbm>> -> memref<1x1x25x80xi32, #tpu.memory_space<hbm>>
      %dma_start3A_417 = tpu.memref_squeeze %dma_start3A_416 : memref<1x1x25x80xi32, #tpu.memory_space<hbm>> -> memref<25x80xi32, #tpu.memory_space<hbm>>
      tpu.enqueue_dma source(%dma_start3A_417 : memref<25x80xi32, #tpu.memory_space<hbm>>) target(%dma_start3A_413 : memref<25x80xi32, #tpu.memory_space<vmem>>) target_semaphore(%run_scoped3A_401 : memref<!tpu.dma_semaphore, #tpu.memory_space<semaphore_mem>>)
      %dma_wait3A_418 = arith.constant 0 : i32
      %dma_wait3A_419 = arith.constant 0 : i32
      %dma_wait3A_420 = tpu.memref_slice %arg8[%run_scoped3A_7, %dma_wait3A_418, %dma_wait3A_419] : memref<2x25x80xi32, #tpu.memory_space<vmem>> -> memref<1x25x80xi32, #tpu.memory_space<vmem>>
      %dma_wait3A_421 = tpu.memref_squeeze %dma_wait3A_420 : memref<1x25x80xi32, #tpu.memory_space<vmem>> -> memref<25x80xi32, #tpu.memory_space<vmem>>
      %dma_wait3A_422 = arith.constant 0 : i32
      %dma_wait3A_423 = arith.constant 0 : i32
      %dma_wait3A_424 = tpu.memref_slice %arg3[%add3A, %run_scoped3A, %dma_wait3A_422, %dma_wait3A_423] : memref<32x5x25x80xi32, #tpu.memory_space<hbm>> -> memref<1x1x25x80xi32, #tpu.memory_space<hbm>>
      %dma_wait3A_425 = tpu.memref_squeeze %dma_wait3A_424 : memref<1x1x25x80xi32, #tpu.memory_space<hbm>> -> memref<25x80xi32, #tpu.memory_space<hbm>>
      %dma_wait3A_426 = arith.constant 0 : i32
      %dma_wait3A_427 = arith.constant 0 : i32
      %dma_wait3A_428 = tpu.memref_slice %arg8[%run_scoped3A_7, %dma_wait3A_426, %dma_wait3A_427] : memref<2x25x80xi32, #tpu.memory_space<vmem>> -> memref<1x25x80xi32, #tpu.memory_space<vmem>>
      %dma_wait3A_429 = tpu.memref_squeeze %dma_wait3A_428 : memref<1x25x80xi32, #tpu.memory_space<vmem>> -> memref<25x80xi32, #tpu.memory_space<vmem>>
      %dma_wait3A_430 = arith.constant 0 : i32
      %dma_wait3A_431 = arith.constant 0 : i32
      %dma_wait3A_432 = tpu.memref_slice %arg3[%add3A, %run_scoped3A, %dma_wait3A_430, %dma_wait3A_431] : memref<32x5x25x80xi32, #tpu.memory_space<hbm>> -> memref<1x1x25x80xi32, #tpu.memory_space<hbm>>
      %dma_wait3A_433 = tpu.memref_squeeze %dma_wait3A_432 : memref<1x1x25x80xi32, #tpu.memory_space<hbm>> -> memref<25x80xi32, #tpu.memory_space<hbm>>
      tpu.wait_dma2 semaphore(%run_scoped3A_401 : memref<!tpu.dma_semaphore, #tpu.memory_space<semaphore_mem>>) src(%dma_wait3A_433 : memref<25x80xi32, #tpu.memory_space<hbm>>) dst(%dma_wait3A_429 : memref<25x80xi32, #tpu.memory_space<vmem>>)
      tpu.yield
    }) : () -> ()
    %run_scoped3A_8 = arith.constant 0 : i32
    %run_scoped3A_9 = arith.constant 0 : i32
    "tpu.region"() ({
      %run_scoped3A_401 = tpu.sem_alloc : memref<!tpu.dma_semaphore, #tpu.memory_space<semaphore_mem>>
      %dma_start3A_402 = arith.constant 0 : i32
      %dma_start3A_403 = arith.constant 0 : i32
      %dma_start3A_404 = tpu.memref_slice %arg9[%run_scoped3A_9, %dma_start3A_402, %dma_start3A_403] : memref<2x25x80xi32, #tpu.memory_space<vmem>> -> memref<1x25x80xi32, #tpu.memory_space<vmem>>
      %dma_start3A_405 = tpu.memref_squeeze %dma_start3A_404 : memref<1x25x80xi32, #tpu.memory_space<vmem>> -> memref<25x80xi32, #tpu.memory_space<vmem>>
      %dma_start3A_406 = arith.constant 0 : i32
      %dma_start3A_407 = arith.constant 0 : i32
      %dma_start3A_408 = tpu.memref_slice %arg4[%add3A, %run_scoped3A_8, %dma_start3A_406, %dma_start3A_407] : memref<32x5x25x80xi32, #tpu.memory_space<hbm>> -> memref<1x1x25x80xi32, #tpu.memory_space<hbm>>
      %dma_start3A_409 = tpu.memref_squeeze %dma_start3A_408 : memref<1x1x25x80xi32, #tpu.memory_space<hbm>> -> memref<25x80xi32, #tpu.memory_space<hbm>>
      %dma_start3A_410 = arith.constant 0 : i32
      %dma_start3A_411 = arith.constant 0 : i32
      %dma_start3A_412 = tpu.memref_slice %arg9[%run_scoped3A_9, %dma_start3A_410, %dma_start3A_411] : memref<2x25x80xi32, #tpu.memory_space<vmem>> -> memref<1x25x80xi32, #tpu.memory_space<vmem>>
      %dma_start3A_413 = tpu.memref_squeeze %dma_start3A_412 : memref<1x25x80xi32, #tpu.memory_space<vmem>> -> memref<25x80xi32, #tpu.memory_space<vmem>>
      %dma_start3A_414 = arith.constant 0 : i32
      %dma_start3A_415 = arith.constant 0 : i32
      %dma_start3A_416 = tpu.memref_slice %arg4[%add3A, %run_scoped3A_8, %dma_start3A_414, %dma_start3A_415] : memref<32x5x25x80xi32, #tpu.memory_space<hbm>> -> memref<1x1x25x80xi32, #tpu.memory_space<hbm>>
      %dma_start3A_417 = tpu.memref_squeeze %dma_start3A_416 : memref<1x1x25x80xi32, #tpu.memory_space<hbm>> -> memref<25x80xi32, #tpu.memory_space<hbm>>
      tpu.enqueue_dma source(%dma_start3A_417 : memref<25x80xi32, #tpu.memory_space<hbm>>) target(%dma_start3A_413 : memref<25x80xi32, #tpu.memory_space<vmem>>) target_semaphore(%run_scoped3A_401 : memref<!tpu.dma_semaphore, #tpu.memory_space<semaphore_mem>>)
      %dma_wait3A_418 = arith.constant 0 : i32
      %dma_wait3A_419 = arith.constant 0 : i32
      %dma_wait3A_420 = tpu.memref_slice %arg9[%run_scoped3A_9, %dma_wait3A_418, %dma_wait3A_419] : memref<2x25x80xi32, #tpu.memory_space<vmem>> -> memref<1x25x80xi32, #tpu.memory_space<vmem>>
      %dma_wait3A_421 = tpu.memref_squeeze %dma_wait3A_420 : memref<1x25x80xi32, #tpu.memory_space<vmem>> -> memref<25x80xi32, #tpu.memory_space<vmem>>
      %dma_wait3A_422 = arith.constant 0 : i32
      %dma_wait3A_423 = arith.constant 0 : i32
      %dma_wait3A_424 = tpu.memref_slice %arg4[%add3A, %run_scoped3A_8, %dma_wait3A_422, %dma_wait3A_423] : memref<32x5x25x80xi32, #tpu.memory_space<hbm>> -> memref<1x1x25x80xi32, #tpu.memory_space<hbm>>
      %dma_wait3A_425 = tpu.memref_squeeze %dma_wait3A_424 : memref<1x1x25x80xi32, #tpu.memory_space<hbm>> -> memref<25x80xi32, #tpu.memory_space<hbm>>
      %dma_wait3A_426 = arith.constant 0 : i32
      %dma_wait3A_427 = arith.constant 0 : i32
      %dma_wait3A_428 = tpu.memref_slice %arg9[%run_scoped3A_9, %dma_wait3A_426, %dma_wait3A_427] : memref<2x25x80xi32, #tpu.memory_space<vmem>> -> memref<1x25x80xi32, #tpu.memory_space<vmem>>
      %dma_wait3A_429 = tpu.memref_squeeze %dma_wait3A_428 : memref<1x25x80xi32, #tpu.memory_space<vmem>> -> memref<25x80xi32, #tpu.memory_space<vmem>>
      %dma_wait3A_430 = arith.constant 0 : i32
      %dma_wait3A_431 = arith.constant 0 : i32
      %dma_wait3A_432 = tpu.memref_slice %arg4[%add3A, %run_scoped3A_8, %dma_wait3A_430, %dma_wait3A_431] : memref<32x5x25x80xi32, #tpu.memory_space<hbm>> -> memref<1x1x25x80xi32, #tpu.memory_space<hbm>>
      %dma_wait3A_433 = tpu.memref_squeeze %dma_wait3A_432 : memref<1x1x25x80xi32, #tpu.memory_space<hbm>> -> memref<25x80xi32, #tpu.memory_space<hbm>>
      tpu.wait_dma2 semaphore(%run_scoped3A_401 : memref<!tpu.dma_semaphore, #tpu.memory_space<semaphore_mem>>) src(%dma_wait3A_433 : memref<25x80xi32, #tpu.memory_space<hbm>>) dst(%dma_wait3A_429 : memref<25x80xi32, #tpu.memory_space<vmem>>)
      tpu.yield
    }) : () -> ()
    %dma_start3A = arith.constant 1 : i32
    %dma_start3A_10 = arith.constant 1 : i32
    %dma_start3A_11 = arith.constant 0 : i32
    %dma_start3A_12 = arith.constant 0 : i32
    %dma_start3A_13 = tpu.memref_slice %arg8[%dma_start3A_10, %dma_start3A_11, %dma_start3A_12] : memref<2x25x80xi32, #tpu.memory_space<vmem>> -> memref<1x25x80xi32, #tpu.memory_space<vmem>>
    %dma_start3A_14 = tpu.memref_squeeze %dma_start3A_13 : memref<1x25x80xi32, #tpu.memory_space<vmem>> -> memref<25x80xi32, #tpu.memory_space<vmem>>
    %dma_start3A_15 = arith.constant 0 : i32
    %dma_start3A_16 = arith.constant 0 : i32
    %dma_start3A_17 = tpu.memref_slice %arg3[%add3A, %dma_start3A, %dma_start3A_15, %dma_start3A_16] : memref<32x5x25x80xi32, #tpu.memory_space<hbm>> -> memref<1x1x25x80xi32, #tpu.memory_space<hbm>>
    %dma_start3A_18 = tpu.memref_squeeze %dma_start3A_17 : memref<1x1x25x80xi32, #tpu.memory_space<hbm>> -> memref<25x80xi32, #tpu.memory_space<hbm>>
    %dma_start3A_19 = arith.constant 0 : i32
    %dma_start3A_20 = arith.constant 0 : i32
    %dma_start3A_21 = tpu.memref_slice %arg8[%dma_start3A_10, %dma_start3A_19, %dma_start3A_20] : memref<2x25x80xi32, #tpu.memory_space<vmem>> -> memref<1x25x80xi32, #tpu.memory_space<vmem>>
    %dma_start3A_22 = tpu.memref_squeeze %dma_start3A_21 : memref<1x25x80xi32, #tpu.memory_space<vmem>> -> memref<25x80xi32, #tpu.memory_space<vmem>>
    %dma_start3A_23 = arith.constant 0 : i32
    %dma_start3A_24 = arith.constant 0 : i32
    %dma_start3A_25 = tpu.memref_slice %arg3[%add3A, %dma_start3A, %dma_start3A_23, %dma_start3A_24] : memref<32x5x25x80xi32, #tpu.memory_space<hbm>> -> memref<1x1x25x80xi32, #tpu.memory_space<hbm>>
    %dma_start3A_26 = tpu.memref_squeeze %dma_start3A_25 : memref<1x1x25x80xi32, #tpu.memory_space<hbm>> -> memref<25x80xi32, #tpu.memory_space<hbm>>
    tpu.enqueue_dma source(%dma_start3A_26 : memref<25x80xi32, #tpu.memory_space<hbm>>) target(%dma_start3A_22 : memref<25x80xi32, #tpu.memory_space<vmem>>) target_semaphore(%arg15 : memref<!tpu.dma_semaphore, #tpu.memory_space<semaphore_mem>>)
    %dma_start3A_27 = arith.constant 1 : i32
    %dma_start3A_28 = arith.constant 1 : i32
    %dma_start3A_29 = arith.constant 0 : i32
    %dma_start3A_30 = arith.constant 0 : i32
    %dma_start3A_31 = tpu.memref_slice %arg9[%dma_start3A_28, %dma_start3A_29, %dma_start3A_30] : memref<2x25x80xi32, #tpu.memory_space<vmem>> -> memref<1x25x80xi32, #tpu.memory_space<vmem>>
    %dma_start3A_32 = tpu.memref_squeeze %dma_start3A_31 : memref<1x25x80xi32, #tpu.memory_space<vmem>> -> memref<25x80xi32, #tpu.memory_space<vmem>>
    %dma_start3A_33 = arith.constant 0 : i32
    %dma_start3A_34 = arith.constant 0 : i32
    %dma_start3A_35 = tpu.memref_slice %arg4[%add3A, %dma_start3A_27, %dma_start3A_33, %dma_start3A_34] : memref<32x5x25x80xi32, #tpu.memory_space<hbm>> -> memref<1x1x25x80xi32, #tpu.memory_space<hbm>>
    %dma_start3A_36 = tpu.memref_squeeze %dma_start3A_35 : memref<1x1x25x80xi32, #tpu.memory_space<hbm>> -> memref<25x80xi32, #tpu.memory_space<hbm>>
    %dma_start3A_37 = arith.constant 0 : i32
    %dma_start3A_38 = arith.constant 0 : i32
    %dma_start3A_39 = tpu.memref_slice %arg9[%dma_start3A_28, %dma_start3A_37, %dma_start3A_38] : memref<2x25x80xi32, #tpu.memory_space<vmem>> -> memref<1x25x80xi32, #tpu.memory_space<vmem>>
    %dma_start3A_40 = tpu.memref_squeeze %dma_start3A_39 : memref<1x25x80xi32, #tpu.memory_space<vmem>> -> memref<25x80xi32, #tpu.memory_space<vmem>>
    %dma_start3A_41 = arith.constant 0 : i32
    %dma_start3A_42 = arith.constant 0 : i32
    %dma_start3A_43 = tpu.memref_slice %arg4[%add3A, %dma_start3A_27, %dma_start3A_41, %dma_start3A_42] : memref<32x5x25x80xi32, #tpu.memory_space<hbm>> -> memref<1x1x25x80xi32, #tpu.memory_space<hbm>>
    %dma_start3A_44 = tpu.memref_squeeze %dma_start3A_43 : memref<1x1x25x80xi32, #tpu.memory_space<hbm>> -> memref<25x80xi32, #tpu.memory_space<hbm>>
    tpu.enqueue_dma source(%dma_start3A_44 : memref<25x80xi32, #tpu.memory_space<hbm>>) target(%dma_start3A_40 : memref<25x80xi32, #tpu.memory_space<vmem>>) target_semaphore(%arg15 : memref<!tpu.dma_semaphore, #tpu.memory_space<semaphore_mem>>)
    %dma_start3A_45 = arith.constant 0 : i32
    %dma_start3A_46 = arith.constant 0 : i32
    %dma_start3A_47 = arith.constant 0 : i32
    %dma_start3A_48 = arith.constant 0 : i32
    %dma_start3A_49 = tpu.memref_slice %arg8[%dma_start3A_45, %dma_start3A_47, %dma_start3A_48] : memref<2x25x80xi32, #tpu.memory_space<vmem>> -> memref<1x25x80xi32, #tpu.memory_space<vmem>>
    %dma_start3A_50 = tpu.memref_squeeze %dma_start3A_49 : memref<1x25x80xi32, #tpu.memory_space<vmem>> -> memref<25x80xi32, #tpu.memory_space<vmem>>
    %dma_start3A_51 = arith.constant 0 : i32
    %dma_start3A_52 = tpu.memref_slice %dma_start3A_50[%dma_start3A_46, %dma_start3A_51] : memref<25x80xi32, #tpu.memory_space<vmem>> -> memref<1x80xi32, #tpu.memory_space<vmem>>
    %dma_start3A_53 = tpu.memref_squeeze %dma_start3A_52 : memref<1x80xi32, #tpu.memory_space<vmem>> -> memref<80xi32, #tpu.memory_space<vmem>>
    %dma_start3A_54 = arith.constant 0 : i32
    %dma_start3A_55 = arith.constant 0 : i32
    %dma_start3A_56 = tpu.memref_slice %arg2[%dma_start3A_54, %dma_start3A_55] : memref<10000x128xf32, #tpu.memory_space<hbm>> -> memref<10000x128xf32, #tpu.memory_space<hbm>>
    tpu.enqueue_indirect_dma source(%dma_start3A_56 : memref<10000x128xf32, #tpu.memory_space<hbm>>) target(%arg10 : memref<80x128xf32, #tpu.memory_space<vmem>>) offsets(%dma_start3A_53 : memref<80xi32, #tpu.memory_space<vmem>>) semaphore(%arg13 : memref<!tpu.dma_semaphore, #tpu.memory_space<semaphore_mem>>)
    %scan3A_57 = arith.constant 0 : i32
    %scan3A_58 = arith.constant 0 : i32
    %scan3A_59 = arith.constant 0 : i32
    %scan3A_60 = arith.constant 0 : i32
    %scan3A_61 = arith.constant 13 : i32
    %scan3A_62 = arith.addi %scan3A_60, %scan3A_61 : i32
    %scan3A_63 = arith.constant 1 : i32
    scf.for %scan3A_401 = %scan3A_60 to %scan3A_62 step %scan3A_63  : i32 {
      %mul3A_402 = arith.constant 2 : i32
      %mul3A_403 = arith.muli %mul3A_402, %scan3A_401 : i32
      %add3A_404 = arith.constant 1 : i32
      %add3A_405 = arith.addi %mul3A_403, %add3A_404 : i32
      %lt3A = arith.constant 25 : i32
      %lt3A_406 = arith.cmpi slt, %add3A_405, %lt3A : i32
      %convert_element_type3A = arith.extui %lt3A_406 : i1 to i32
      %cond3A = arith.constant 0 : i32
      %cond3A_407 = arith.cmpi ne, %convert_element_type3A, %cond3A : i32
      scf.if %cond3A_407 {
        %add3A_432 = arith.constant 1 : i32
        %add3A_433 = arith.addi %mul3A_403, %add3A_432 : i32
        %dma_start3A_434 = arith.constant 0 : i32
        %dma_start3A_435 = arith.constant 0 : i32
        %dma_start3A_436 = tpu.memref_slice %arg8[%scan3A_58, %dma_start3A_434, %dma_start3A_435] : memref<2x25x80xi32, #tpu.memory_space<vmem>> -> memref<1x25x80xi32, #tpu.memory_space<vmem>>
        %dma_start3A_437 = tpu.memref_squeeze %dma_start3A_436 : memref<1x25x80xi32, #tpu.memory_space<vmem>> -> memref<25x80xi32, #tpu.memory_space<vmem>>
        %dma_start3A_438 = arith.constant 0 : i32
        %dma_start3A_439 = tpu.memref_slice %dma_start3A_437[%add3A_433, %dma_start3A_438] : memref<25x80xi32, #tpu.memory_space<vmem>> -> memref<1x80xi32, #tpu.memory_space<vmem>>
        %dma_start3A_440 = tpu.memref_squeeze %dma_start3A_439 : memref<1x80xi32, #tpu.memory_space<vmem>> -> memref<80xi32, #tpu.memory_space<vmem>>
        %dma_start3A_441 = arith.constant 0 : i32
        %dma_start3A_442 = arith.constant 0 : i32
        %dma_start3A_443 = tpu.memref_slice %arg2[%dma_start3A_441, %dma_start3A_442] : memref<10000x128xf32, #tpu.memory_space<hbm>> -> memref<10000x128xf32, #tpu.memory_space<hbm>>
        tpu.enqueue_indirect_dma source(%dma_start3A_443 : memref<10000x128xf32, #tpu.memory_space<hbm>>) target(%arg11 : memref<80x128xf32, #tpu.memory_space<vmem>>) offsets(%dma_start3A_440 : memref<80xi32, #tpu.memory_space<vmem>>) semaphore(%arg14 : memref<!tpu.dma_semaphore, #tpu.memory_space<semaphore_mem>>)
      } else {
      }
      %dma_wait3A_408 = arith.constant 0 : i32
      %dma_wait3A_409 = arith.constant 0 : i32
      %dma_wait3A_410 = tpu.memref_slice %arg8[%scan3A_58, %dma_wait3A_408, %dma_wait3A_409] : memref<2x25x80xi32, #tpu.memory_space<vmem>> -> memref<1x25x80xi32, #tpu.memory_space<vmem>>
      %dma_wait3A_411 = tpu.memref_squeeze %dma_wait3A_410 : memref<1x25x80xi32, #tpu.memory_space<vmem>> -> memref<25x80xi32, #tpu.memory_space<vmem>>
      %dma_wait3A_412 = arith.constant 0 : i32
      %dma_wait3A_413 = tpu.memref_slice %dma_wait3A_411[%mul3A_403, %dma_wait3A_412] : memref<25x80xi32, #tpu.memory_space<vmem>> -> memref<1x80xi32, #tpu.memory_space<vmem>>
      %dma_wait3A_414 = tpu.memref_squeeze %dma_wait3A_413 : memref<1x80xi32, #tpu.memory_space<vmem>> -> memref<80xi32, #tpu.memory_space<vmem>>
      %dma_wait3A_415 = arith.constant 0 : i32
      %dma_wait3A_416 = arith.constant 0 : i32
      %dma_wait3A_417 = tpu.memref_slice %arg2[%dma_wait3A_415, %dma_wait3A_416] : memref<10000x128xf32, #tpu.memory_space<hbm>> -> memref<10000x128xf32, #tpu.memory_space<hbm>>
      tpu.wait_indirect_dma semaphore(%arg13 : memref<!tpu.dma_semaphore, #tpu.memory_space<semaphore_mem>>) src(%dma_wait3A_417 : memref<10000x128xf32, #tpu.memory_space<hbm>>) dst(%arg10 : memref<80x128xf32, #tpu.memory_space<vmem>>)
      "tpu.region"() ({
        %run_scoped3A_432 = tpu.sem_alloc : memref<!tpu.dma_semaphore, #tpu.memory_space<semaphore_mem>>
        %dma_start3A_433 = arith.constant 0 : i32
        %dma_start3A_434 = arith.constant 0 : i32
        %dma_start3A_435 = tpu.memref_slice %arg9[%scan3A_59, %dma_start3A_433, %dma_start3A_434] : memref<2x25x80xi32, #tpu.memory_space<vmem>> -> memref<1x25x80xi32, #tpu.memory_space<vmem>>
        %dma_start3A_436 = tpu.memref_squeeze %dma_start3A_435 : memref<1x25x80xi32, #tpu.memory_space<vmem>> -> memref<25x80xi32, #tpu.memory_space<vmem>>
        %dma_start3A_437 = arith.constant 0 : i32
        %dma_start3A_438 = tpu.memref_slice %dma_start3A_436[%mul3A_403, %dma_start3A_437] : memref<25x80xi32, #tpu.memory_space<vmem>> -> memref<1x80xi32, #tpu.memory_space<vmem>>
        %dma_start3A_439 = tpu.memref_squeeze %dma_start3A_438 : memref<1x80xi32, #tpu.memory_space<vmem>> -> memref<80xi32, #tpu.memory_space<vmem>>
        %dma_start3A_440 = arith.constant 0 : i32
        %dma_start3A_441 = arith.constant 0 : i32
        %dma_start3A_442 = tpu.memref_slice %arg12[%dma_start3A_440, %dma_start3A_441] : memref<10240x128xf32, #tpu.memory_space<vmem_shared>> -> memref<10240x128xf32, #tpu.memory_space<vmem_shared>>
        tpu.enqueue_indirect_dma source(%arg10 : memref<80x128xf32, #tpu.memory_space<vmem>>) target(%dma_start3A_442 : memref<10240x128xf32, #tpu.memory_space<vmem_shared>>) offsets(%dma_start3A_439 : memref<80xi32, #tpu.memory_space<vmem>>) semaphore(%run_scoped3A_432 : memref<!tpu.dma_semaphore, #tpu.memory_space<semaphore_mem>>) {add = true}
        %dma_wait3A_443 = arith.constant 0 : i32
        %dma_wait3A_444 = arith.constant 0 : i32
        %dma_wait3A_445 = tpu.memref_slice %arg9[%scan3A_59, %dma_wait3A_443, %dma_wait3A_444] : memref<2x25x80xi32, #tpu.memory_space<vmem>> -> memref<1x25x80xi32, #tpu.memory_space<vmem>>
        %dma_wait3A_446 = tpu.memref_squeeze %dma_wait3A_445 : memref<1x25x80xi32, #tpu.memory_space<vmem>> -> memref<25x80xi32, #tpu.memory_space<vmem>>
        %dma_wait3A_447 = arith.constant 0 : i32
        %dma_wait3A_448 = tpu.memref_slice %dma_wait3A_446[%mul3A_403, %dma_wait3A_447] : memref<25x80xi32, #tpu.memory_space<vmem>> -> memref<1x80xi32, #tpu.memory_space<vmem>>
        %dma_wait3A_449 = tpu.memref_squeeze %dma_wait3A_448 : memref<1x80xi32, #tpu.memory_space<vmem>> -> memref<80xi32, #tpu.memory_space<vmem>>
        %dma_wait3A_450 = arith.constant 0 : i32
        %dma_wait3A_451 = arith.constant 0 : i32
        %dma_wait3A_452 = tpu.memref_slice %arg12[%dma_wait3A_450, %dma_wait3A_451] : memref<10240x128xf32, #tpu.memory_space<vmem_shared>> -> memref<10240x128xf32, #tpu.memory_space<vmem_shared>>
        tpu.wait_indirect_dma semaphore(%run_scoped3A_432 : memref<!tpu.dma_semaphore, #tpu.memory_space<semaphore_mem>>) src(%arg10 : memref<80x128xf32, #tpu.memory_space<vmem>>) dst(%dma_wait3A_452 : memref<10240x128xf32, #tpu.memory_space<vmem_shared>>)
        tpu.yield
      }) : () -> ()
      %add3A_418 = arith.constant 2 : i32
      %add3A_419 = arith.addi %mul3A_403, %add3A_418 : i32
      %lt3A_420 = arith.constant 25 : i32
      %lt3A_421 = arith.cmpi slt, %add3A_419, %lt3A_420 : i32
      %convert_element_type3A_422 = arith.extui %lt3A_421 : i1 to i32
      %cond3A_423 = arith.constant 0 : i32
      %cond3A_424 = arith.cmpi ne, %convert_element_type3A_422, %cond3A_423 : i32
      scf.if %cond3A_424 {
        %add3A_432 = arith.constant 2 : i32
        %add3A_433 = arith.addi %mul3A_403, %add3A_432 : i32
        %dma_start3A_434 = arith.constant 0 : i32
        %dma_start3A_435 = arith.constant 0 : i32
        %dma_start3A_436 = tpu.memref_slice %arg8[%scan3A_58, %dma_start3A_434, %dma_start3A_435] : memref<2x25x80xi32, #tpu.memory_space<vmem>> -> memref<1x25x80xi32, #tpu.memory_space<vmem>>
        %dma_start3A_437 = tpu.memref_squeeze %dma_start3A_436 : memref<1x25x80xi32, #tpu.memory_space<vmem>> -> memref<25x80xi32, #tpu.memory_space<vmem>>
        %dma_start3A_438 = arith.constant 0 : i32
        %dma_start3A_439 = tpu.memref_slice %dma_start3A_437[%add3A_433, %dma_start3A_438] : memref<25x80xi32, #tpu.memory_space<vmem>> -> memref<1x80xi32, #tpu.memory_space<vmem>>
        %dma_start3A_440 = tpu.memref_squeeze %dma_start3A_439 : memref<1x80xi32, #tpu.memory_space<vmem>> -> memref<80xi32, #tpu.memory_space<vmem>>
        %dma_start3A_441 = arith.constant 0 : i32
        %dma_start3A_442 = arith.constant 0 : i32
        %dma_start3A_443 = tpu.memref_slice %arg2[%dma_start3A_441, %dma_start3A_442] : memref<10000x128xf32, #tpu.memory_space<hbm>> -> memref<10000x128xf32, #tpu.memory_space<hbm>>
        tpu.enqueue_indirect_dma source(%dma_start3A_443 : memref<10000x128xf32, #tpu.memory_space<hbm>>) target(%arg10 : memref<80x128xf32, #tpu.memory_space<vmem>>) offsets(%dma_start3A_440 : memref<80xi32, #tpu.memory_space<vmem>>) semaphore(%arg13 : memref<!tpu.dma_semaphore, #tpu.memory_space<semaphore_mem>>)
      } else {
      }
      %add3A_425 = arith.constant 1 : i32
      %add3A_426 = arith.addi %mul3A_403, %add3A_425 : i32
      %lt3A_427 = arith.constant 25 : i32
      %lt3A_428 = arith.cmpi slt, %add3A_426, %lt3A_427 : i32
      %convert_element_type3A_429 = arith.extui %lt3A_428 : i1 to i32
      %cond3A_430 = arith.constant 0 : i32
      %cond3A_431 = arith.cmpi ne, %convert_element_type3A_429, %cond3A_430 : i32
      scf.if %cond3A_431 {
        %add3A_432 = arith.constant 1 : i32
        %add3A_433 = arith.addi %mul3A_403, %add3A_432 : i32
        %dma_wait3A_434 = arith.constant 0 : i32
        %dma_wait3A_435 = arith.constant 0 : i32
        %dma_wait3A_436 = tpu.memref_slice %arg8[%scan3A_58, %dma_wait3A_434, %dma_wait3A_435] : memref<2x25x80xi32, #tpu.memory_space<vmem>> -> memref<1x25x80xi32, #tpu.memory_space<vmem>>
        %dma_wait3A_437 = tpu.memref_squeeze %dma_wait3A_436 : memref<1x25x80xi32, #tpu.memory_space<vmem>> -> memref<25x80xi32, #tpu.memory_space<vmem>>
        %dma_wait3A_438 = arith.constant 0 : i32
        %dma_wait3A_439 = tpu.memref_slice %dma_wait3A_437[%add3A_433, %dma_wait3A_438] : memref<25x80xi32, #tpu.memory_space<vmem>> -> memref<1x80xi32, #tpu.memory_space<vmem>>
        %dma_wait3A_440 = tpu.memref_squeeze %dma_wait3A_439 : memref<1x80xi32, #tpu.memory_space<vmem>> -> memref<80xi32, #tpu.memory_space<vmem>>
        %dma_wait3A_441 = arith.constant 0 : i32
        %dma_wait3A_442 = arith.constant 0 : i32
        %dma_wait3A_443 = tpu.memref_slice %arg2[%dma_wait3A_441, %dma_wait3A_442] : memref<10000x128xf32, #tpu.memory_space<hbm>> -> memref<10000x128xf32, #tpu.memory_space<hbm>>
        tpu.wait_indirect_dma semaphore(%arg14 : memref<!tpu.dma_semaphore, #tpu.memory_space<semaphore_mem>>) src(%dma_wait3A_443 : memref<10000x128xf32, #tpu.memory_space<hbm>>) dst(%arg11 : memref<80x128xf32, #tpu.memory_space<vmem>>)
        %add3A_444 = arith.constant 1 : i32
        %add3A_445 = arith.addi %mul3A_403, %add3A_444 : i32
        "tpu.region"() ({
          %run_scoped3A_448 = tpu.sem_alloc : memref<!tpu.dma_semaphore, #tpu.memory_space<semaphore_mem>>
          %dma_start3A_449 = arith.constant 0 : i32
          %dma_start3A_450 = arith.constant 0 : i32
          %dma_start3A_451 = tpu.memref_slice %arg9[%scan3A_59, %dma_start3A_449, %dma_start3A_450] : memref<2x25x80xi32, #tpu.memory_space<vmem>> -> memref<1x25x80xi32, #tpu.memory_space<vmem>>
          %dma_start3A_452 = tpu.memref_squeeze %dma_start3A_451 : memref<1x25x80xi32, #tpu.memory_space<vmem>> -> memref<25x80xi32, #tpu.memory_space<vmem>>
          %dma_start3A_453 = arith.constant 0 : i32
          %dma_start3A_454 = tpu.memref_slice %dma_start3A_452[%add3A_445, %dma_start3A_453] : memref<25x80xi32, #tpu.memory_space<vmem>> -> memref<1x80xi32, #tpu.memory_space<vmem>>
          %dma_start3A_455 = tpu.memref_squeeze %dma_start3A_454 : memref<1x80xi32, #tpu.memory_space<vmem>> -> memref<80xi32, #tpu.memory_space<vmem>>
          %dma_start3A_456 = arith.constant 0 : i32
          %dma_start3A_457 = arith.constant 0 : i32
          %dma_start3A_458 = tpu.memref_slice %arg12[%dma_start3A_456, %dma_start3A_457] : memref<10240x128xf32, #tpu.memory_space<vmem_shared>> -> memref<10240x128xf32, #tpu.memory_space<vmem_shared>>
          tpu.enqueue_indirect_dma source(%arg11 : memref<80x128xf32, #tpu.memory_space<vmem>>) target(%dma_start3A_458 : memref<10240x128xf32, #tpu.memory_space<vmem_shared>>) offsets(%dma_start3A_455 : memref<80xi32, #tpu.memory_space<vmem>>) semaphore(%run_scoped3A_448 : memref<!tpu.dma_semaphore, #tpu.memory_space<semaphore_mem>>) {add = true}
          %dma_wait3A_459 = arith.constant 0 : i32
          %dma_wait3A_460 = arith.constant 0 : i32
          %dma_wait3A_461 = tpu.memref_slice %arg9[%scan3A_59, %dma_wait3A_459, %dma_wait3A_460] : memref<2x25x80xi32, #tpu.memory_space<vmem>> -> memref<1x25x80xi32, #tpu.memory_space<vmem>>
          %dma_wait3A_462 = tpu.memref_squeeze %dma_wait3A_461 : memref<1x25x80xi32, #tpu.memory_space<vmem>> -> memref<25x80xi32, #tpu.memory_space<vmem>>
          %dma_wait3A_463 = arith.constant 0 : i32
          %dma_wait3A_464 = tpu.memref_slice %dma_wait3A_462[%add3A_445, %dma_wait3A_463] : memref<25x80xi32, #tpu.memory_space<vmem>> -> memref<1x80xi32, #tpu.memory_space<vmem>>
          %dma_wait3A_465 = tpu.memref_squeeze %dma_wait3A_464 : memref<1x80xi32, #tpu.memory_space<vmem>> -> memref<80xi32, #tpu.memory_space<vmem>>
          %dma_wait3A_466 = arith.constant 0 : i32
          %dma_wait3A_467 = arith.constant 0 : i32
          %dma_wait3A_468 = tpu.memref_slice %arg12[%dma_wait3A_466, %dma_wait3A_467] : memref<10240x128xf32, #tpu.memory_space<vmem_shared>> -> memref<10240x128xf32, #tpu.memory_space<vmem_shared>>
          tpu.wait_indirect_dma semaphore(%run_scoped3A_448 : memref<!tpu.dma_semaphore, #tpu.memory_space<semaphore_mem>>) src(%arg11 : memref<80x128xf32, #tpu.memory_space<vmem>>) dst(%dma_wait3A_468 : memref<10240x128xf32, #tpu.memory_space<vmem_shared>>)
          tpu.yield
        }) : () -> ()
        %add3A_446 = arith.constant 1 : i32
        %add3A_447 = arith.addi %mul3A_403, %add3A_446 : i32
      } else {
      }
    }
    %scan3A_64 = arith.constant 13 : i32
    %dma_wait3A = arith.constant 1 : i32
    %dma_wait3A_65 = arith.constant 1 : i32
    %dma_wait3A_66 = arith.constant 0 : i32
    %dma_wait3A_67 = arith.constant 0 : i32
    %dma_wait3A_68 = tpu.memref_slice %arg8[%dma_wait3A_65, %dma_wait3A_66, %dma_wait3A_67] : memref<2x25x80xi32, #tpu.memory_space<vmem>> -> memref<1x25x80xi32, #tpu.memory_space<vmem>>
    %dma_wait3A_69 = tpu.memref_squeeze %dma_wait3A_68 : memref<1x25x80xi32, #tpu.memory_space<vmem>> -> memref<25x80xi32, #tpu.memory_space<vmem>>
    %dma_wait3A_70 = arith.constant 0 : i32
    %dma_wait3A_71 = arith.constant 0 : i32
    %dma_wait3A_72 = tpu.memref_slice %arg3[%add3A, %dma_wait3A, %dma_wait3A_70, %dma_wait3A_71] : memref<32x5x25x80xi32, #tpu.memory_space<hbm>> -> memref<1x1x25x80xi32, #tpu.memory_space<hbm>>
    %dma_wait3A_73 = tpu.memref_squeeze %dma_wait3A_72 : memref<1x1x25x80xi32, #tpu.memory_space<hbm>> -> memref<25x80xi32, #tpu.memory_space<hbm>>
    %dma_wait3A_74 = arith.constant 0 : i32
    %dma_wait3A_75 = arith.constant 0 : i32
    %dma_wait3A_76 = tpu.memref_slice %arg8[%dma_wait3A_65, %dma_wait3A_74, %dma_wait3A_75] : memref<2x25x80xi32, #tpu.memory_space<vmem>> -> memref<1x25x80xi32, #tpu.memory_space<vmem>>
    %dma_wait3A_77 = tpu.memref_squeeze %dma_wait3A_76 : memref<1x25x80xi32, #tpu.memory_space<vmem>> -> memref<25x80xi32, #tpu.memory_space<vmem>>
    %dma_wait3A_78 = arith.constant 0 : i32
    %dma_wait3A_79 = arith.constant 0 : i32
    %dma_wait3A_80 = tpu.memref_slice %arg3[%add3A, %dma_wait3A, %dma_wait3A_78, %dma_wait3A_79] : memref<32x5x25x80xi32, #tpu.memory_space<hbm>> -> memref<1x1x25x80xi32, #tpu.memory_space<hbm>>
    %dma_wait3A_81 = tpu.memref_squeeze %dma_wait3A_80 : memref<1x1x25x80xi32, #tpu.memory_space<hbm>> -> memref<25x80xi32, #tpu.memory_space<hbm>>
    tpu.wait_dma2 semaphore(%arg15 : memref<!tpu.dma_semaphore, #tpu.memory_space<semaphore_mem>>) src(%dma_wait3A_81 : memref<25x80xi32, #tpu.memory_space<hbm>>) dst(%dma_wait3A_77 : memref<25x80xi32, #tpu.memory_space<vmem>>)
    %dma_wait3A_82 = arith.constant 1 : i32
    %dma_wait3A_83 = arith.constant 1 : i32
    %dma_wait3A_84 = arith.constant 0 : i32
    %dma_wait3A_85 = arith.constant 0 : i32
    %dma_wait3A_86 = tpu.memref_slice %arg9[%dma_wait3A_83, %dma_wait3A_84, %dma_wait3A_85] : memref<2x25x80xi32, #tpu.memory_space<vmem>> -> memref<1x25x80xi32, #tpu.memory_space<vmem>>
    %dma_wait3A_87 = tpu.memref_squeeze %dma_wait3A_86 : memref<1x25x80xi32, #tpu.memory_space<vmem>> -> memref<25x80xi32, #tpu.memory_space<vmem>>
    %dma_wait3A_88 = arith.constant 0 : i32
    %dma_wait3A_89 = arith.constant 0 : i32
    %dma_wait3A_90 = tpu.memref_slice %arg4[%add3A, %dma_wait3A_82, %dma_wait3A_88, %dma_wait3A_89] : memref<32x5x25x80xi32, #tpu.memory_space<hbm>> -> memref<1x1x25x80xi32, #tpu.memory_space<hbm>>
    %dma_wait3A_91 = tpu.memref_squeeze %dma_wait3A_90 : memref<1x1x25x80xi32, #tpu.memory_space<hbm>> -> memref<25x80xi32, #tpu.memory_space<hbm>>
    %dma_wait3A_92 = arith.constant 0 : i32
    %dma_wait3A_93 = arith.constant 0 : i32
    %dma_wait3A_94 = tpu.memref_slice %arg9[%dma_wait3A_83, %dma_wait3A_92, %dma_wait3A_93] : memref<2x25x80xi32, #tpu.memory_space<vmem>> -> memref<1x25x80xi32, #tpu.memory_space<vmem>>
    %dma_wait3A_95 = tpu.memref_squeeze %dma_wait3A_94 : memref<1x25x80xi32, #tpu.memory_space<vmem>> -> memref<25x80xi32, #tpu.memory_space<vmem>>
    %dma_wait3A_96 = arith.constant 0 : i32
    %dma_wait3A_97 = arith.constant 0 : i32
    %dma_wait3A_98 = tpu.memref_slice %arg4[%add3A, %dma_wait3A_82, %dma_wait3A_96, %dma_wait3A_97] : memref<32x5x25x80xi32, #tpu.memory_space<hbm>> -> memref<1x1x25x80xi32, #tpu.memory_space<hbm>>
    %dma_wait3A_99 = tpu.memref_squeeze %dma_wait3A_98 : memref<1x1x25x80xi32, #tpu.memory_space<hbm>> -> memref<25x80xi32, #tpu.memory_space<hbm>>
    tpu.wait_dma2 semaphore(%arg15 : memref<!tpu.dma_semaphore, #tpu.memory_space<semaphore_mem>>) src(%dma_wait3A_99 : memref<25x80xi32, #tpu.memory_space<hbm>>) dst(%dma_wait3A_95 : memref<25x80xi32, #tpu.memory_space<vmem>>)
    %dma_start3A_100 = arith.constant 2 : i32
    %dma_start3A_101 = arith.constant 0 : i32
    %dma_start3A_102 = arith.constant 0 : i32
    %dma_start3A_103 = arith.constant 0 : i32
    %dma_start3A_104 = tpu.memref_slice %arg8[%dma_start3A_101, %dma_start3A_102, %dma_start3A_103] : memref<2x25x80xi32, #tpu.memory_space<vmem>> -> memref<1x25x80xi32, #tpu.memory_space<vmem>>
    %dma_start3A_105 = tpu.memref_squeeze %dma_start3A_104 : memref<1x25x80xi32, #tpu.memory_space<vmem>> -> memref<25x80xi32, #tpu.memory_space<vmem>>
    %dma_start3A_106 = arith.constant 0 : i32
    %dma_start3A_107 = arith.constant 0 : i32
    %dma_start3A_108 = tpu.memref_slice %arg3[%add3A, %dma_start3A_100, %dma_start3A_106, %dma_start3A_107] : memref<32x5x25x80xi32, #tpu.memory_space<hbm>> -> memref<1x1x25x80xi32, #tpu.memory_space<hbm>>
    %dma_start3A_109 = tpu.memref_squeeze %dma_start3A_108 : memref<1x1x25x80xi32, #tpu.memory_space<hbm>> -> memref<25x80xi32, #tpu.memory_space<hbm>>
    %dma_start3A_110 = arith.constant 0 : i32
    %dma_start3A_111 = arith.constant 0 : i32
    %dma_start3A_112 = tpu.memref_slice %arg8[%dma_start3A_101, %dma_start3A_110, %dma_start3A_111] : memref<2x25x80xi32, #tpu.memory_space<vmem>> -> memref<1x25x80xi32, #tpu.memory_space<vmem>>
    %dma_start3A_113 = tpu.memref_squeeze %dma_start3A_112 : memref<1x25x80xi32, #tpu.memory_space<vmem>> -> memref<25x80xi32, #tpu.memory_space<vmem>>
    %dma_start3A_114 = arith.constant 0 : i32
    %dma_start3A_115 = arith.constant 0 : i32
    %dma_start3A_116 = tpu.memref_slice %arg3[%add3A, %dma_start3A_100, %dma_start3A_114, %dma_start3A_115] : memref<32x5x25x80xi32, #tpu.memory_space<hbm>> -> memref<1x1x25x80xi32, #tpu.memory_space<hbm>>
    %dma_start3A_117 = tpu.memref_squeeze %dma_start3A_116 : memref<1x1x25x80xi32, #tpu.memory_space<hbm>> -> memref<25x80xi32, #tpu.memory_space<hbm>>
    tpu.enqueue_dma source(%dma_start3A_117 : memref<25x80xi32, #tpu.memory_space<hbm>>) target(%dma_start3A_113 : memref<25x80xi32, #tpu.memory_space<vmem>>) target_semaphore(%arg15 : memref<!tpu.dma_semaphore, #tpu.memory_space<semaphore_mem>>)
    %dma_start3A_118 = arith.constant 2 : i32
    %dma_start3A_119 = arith.constant 0 : i32
    %dma_start3A_120 = arith.constant 0 : i32
    %dma_start3A_121 = arith.constant 0 : i32
    %dma_start3A_122 = tpu.memref_slice %arg9[%dma_start3A_119, %dma_start3A_120, %dma_start3A_121] : memref<2x25x80xi32, #tpu.memory_space<vmem>> -> memref<1x25x80xi32, #tpu.memory_space<vmem>>
    %dma_start3A_123 = tpu.memref_squeeze %dma_start3A_122 : memref<1x25x80xi32, #tpu.memory_space<vmem>> -> memref<25x80xi32, #tpu.memory_space<vmem>>
    %dma_start3A_124 = arith.constant 0 : i32
    %dma_start3A_125 = arith.constant 0 : i32
    %dma_start3A_126 = tpu.memref_slice %arg4[%add3A, %dma_start3A_118, %dma_start3A_124, %dma_start3A_125] : memref<32x5x25x80xi32, #tpu.memory_space<hbm>> -> memref<1x1x25x80xi32, #tpu.memory_space<hbm>>
    %dma_start3A_127 = tpu.memref_squeeze %dma_start3A_126 : memref<1x1x25x80xi32, #tpu.memory_space<hbm>> -> memref<25x80xi32, #tpu.memory_space<hbm>>
    %dma_start3A_128 = arith.constant 0 : i32
    %dma_start3A_129 = arith.constant 0 : i32
    %dma_start3A_130 = tpu.memref_slice %arg9[%dma_start3A_119, %dma_start3A_128, %dma_start3A_129] : memref<2x25x80xi32, #tpu.memory_space<vmem>> -> memref<1x25x80xi32, #tpu.memory_space<vmem>>
    %dma_start3A_131 = tpu.memref_squeeze %dma_start3A_130 : memref<1x25x80xi32, #tpu.memory_space<vmem>> -> memref<25x80xi32, #tpu.memory_space<vmem>>
    %dma_start3A_132 = arith.constant 0 : i32
    %dma_start3A_133 = arith.constant 0 : i32
    %dma_start3A_134 = tpu.memref_slice %arg4[%add3A, %dma_start3A_118, %dma_start3A_132, %dma_start3A_133] : memref<32x5x25x80xi32, #tpu.memory_space<hbm>> -> memref<1x1x25x80xi32, #tpu.memory_space<hbm>>
    %dma_start3A_135 = tpu.memref_squeeze %dma_start3A_134 : memref<1x1x25x80xi32, #tpu.memory_space<hbm>> -> memref<25x80xi32, #tpu.memory_space<hbm>>
    tpu.enqueue_dma source(%dma_start3A_135 : memref<25x80xi32, #tpu.memory_space<hbm>>) target(%dma_start3A_131 : memref<25x80xi32, #tpu.memory_space<vmem>>) target_semaphore(%arg15 : memref<!tpu.dma_semaphore, #tpu.memory_space<semaphore_mem>>)
    %dma_start3A_136 = arith.constant 1 : i32
    %dma_start3A_137 = arith.constant 0 : i32
    %dma_start3A_138 = arith.constant 0 : i32
    %dma_start3A_139 = arith.constant 0 : i32
    %dma_start3A_140 = tpu.memref_slice %arg8[%dma_start3A_136, %dma_start3A_138, %dma_start3A_139] : memref<2x25x80xi32, #tpu.memory_space<vmem>> -> memref<1x25x80xi32, #tpu.memory_space<vmem>>
    %dma_start3A_141 = tpu.memref_squeeze %dma_start3A_140 : memref<1x25x80xi32, #tpu.memory_space<vmem>> -> memref<25x80xi32, #tpu.memory_space<vmem>>
    %dma_start3A_142 = arith.constant 0 : i32
    %dma_start3A_143 = tpu.memref_slice %dma_start3A_141[%dma_start3A_137, %dma_start3A_142] : memref<25x80xi32, #tpu.memory_space<vmem>> -> memref<1x80xi32, #tpu.memory_space<vmem>>
    %dma_start3A_144 = tpu.memref_squeeze %dma_start3A_143 : memref<1x80xi32, #tpu.memory_space<vmem>> -> memref<80xi32, #tpu.memory_space<vmem>>
    %dma_start3A_145 = arith.constant 0 : i32
    %dma_start3A_146 = arith.constant 0 : i32
    %dma_start3A_147 = tpu.memref_slice %arg2[%dma_start3A_145, %dma_start3A_146] : memref<10000x128xf32, #tpu.memory_space<hbm>> -> memref<10000x128xf32, #tpu.memory_space<hbm>>
    tpu.enqueue_indirect_dma source(%dma_start3A_147 : memref<10000x128xf32, #tpu.memory_space<hbm>>) target(%arg10 : memref<80x128xf32, #tpu.memory_space<vmem>>) offsets(%dma_start3A_144 : memref<80xi32, #tpu.memory_space<vmem>>) semaphore(%arg13 : memref<!tpu.dma_semaphore, #tpu.memory_space<semaphore_mem>>)
    %scan3A_148 = arith.constant 0 : i32
    %scan3A_149 = arith.constant 1 : i32
    %scan3A_150 = arith.constant 1 : i32
    %scan3A_151 = arith.constant 0 : i32
    %scan3A_152 = arith.constant 13 : i32
    %scan3A_153 = arith.addi %scan3A_151, %scan3A_152 : i32
    %scan3A_154 = arith.constant 1 : i32
    scf.for %scan3A_401 = %scan3A_151 to %scan3A_153 step %scan3A_154  : i32 {
      %mul3A_402 = arith.constant 2 : i32
      %mul3A_403 = arith.muli %mul3A_402, %scan3A_401 : i32
      %add3A_404 = arith.constant 1 : i32
      %add3A_405 = arith.addi %mul3A_403, %add3A_404 : i32
      %lt3A = arith.constant 25 : i32
      %lt3A_406 = arith.cmpi slt, %add3A_405, %lt3A : i32
      %convert_element_type3A = arith.extui %lt3A_406 : i1 to i32
      %cond3A = arith.constant 0 : i32
      %cond3A_407 = arith.cmpi ne, %convert_element_type3A, %cond3A : i32
      scf.if %cond3A_407 {
        %add3A_432 = arith.constant 1 : i32
        %add3A_433 = arith.addi %mul3A_403, %add3A_432 : i32
        %dma_start3A_434 = arith.constant 0 : i32
        %dma_start3A_435 = arith.constant 0 : i32
        %dma_start3A_436 = tpu.memref_slice %arg8[%scan3A_149, %dma_start3A_434, %dma_start3A_435] : memref<2x25x80xi32, #tpu.memory_space<vmem>> -> memref<1x25x80xi32, #tpu.memory_space<vmem>>
        %dma_start3A_437 = tpu.memref_squeeze %dma_start3A_436 : memref<1x25x80xi32, #tpu.memory_space<vmem>> -> memref<25x80xi32, #tpu.memory_space<vmem>>
        %dma_start3A_438 = arith.constant 0 : i32
        %dma_start3A_439 = tpu.memref_slice %dma_start3A_437[%add3A_433, %dma_start3A_438] : memref<25x80xi32, #tpu.memory_space<vmem>> -> memref<1x80xi32, #tpu.memory_space<vmem>>
        %dma_start3A_440 = tpu.memref_squeeze %dma_start3A_439 : memref<1x80xi32, #tpu.memory_space<vmem>> -> memref<80xi32, #tpu.memory_space<vmem>>
        %dma_start3A_441 = arith.constant 0 : i32
        %dma_start3A_442 = arith.constant 0 : i32
        %dma_start3A_443 = tpu.memref_slice %arg2[%dma_start3A_441, %dma_start3A_442] : memref<10000x128xf32, #tpu.memory_space<hbm>> -> memref<10000x128xf32, #tpu.memory_space<hbm>>
        tpu.enqueue_indirect_dma source(%dma_start3A_443 : memref<10000x128xf32, #tpu.memory_space<hbm>>) target(%arg11 : memref<80x128xf32, #tpu.memory_space<vmem>>) offsets(%dma_start3A_440 : memref<80xi32, #tpu.memory_space<vmem>>) semaphore(%arg14 : memref<!tpu.dma_semaphore, #tpu.memory_space<semaphore_mem>>)
      } else {
      }
      %dma_wait3A_408 = arith.constant 0 : i32
      %dma_wait3A_409 = arith.constant 0 : i32
      %dma_wait3A_410 = tpu.memref_slice %arg8[%scan3A_149, %dma_wait3A_408, %dma_wait3A_409] : memref<2x25x80xi32, #tpu.memory_space<vmem>> -> memref<1x25x80xi32, #tpu.memory_space<vmem>>
      %dma_wait3A_411 = tpu.memref_squeeze %dma_wait3A_410 : memref<1x25x80xi32, #tpu.memory_space<vmem>> -> memref<25x80xi32, #tpu.memory_space<vmem>>
      %dma_wait3A_412 = arith.constant 0 : i32
      %dma_wait3A_413 = tpu.memref_slice %dma_wait3A_411[%mul3A_403, %dma_wait3A_412] : memref<25x80xi32, #tpu.memory_space<vmem>> -> memref<1x80xi32, #tpu.memory_space<vmem>>
      %dma_wait3A_414 = tpu.memref_squeeze %dma_wait3A_413 : memref<1x80xi32, #tpu.memory_space<vmem>> -> memref<80xi32, #tpu.memory_space<vmem>>
      %dma_wait3A_415 = arith.constant 0 : i32
      %dma_wait3A_416 = arith.constant 0 : i32
      %dma_wait3A_417 = tpu.memref_slice %arg2[%dma_wait3A_415, %dma_wait3A_416] : memref<10000x128xf32, #tpu.memory_space<hbm>> -> memref<10000x128xf32, #tpu.memory_space<hbm>>
      tpu.wait_indirect_dma semaphore(%arg13 : memref<!tpu.dma_semaphore, #tpu.memory_space<semaphore_mem>>) src(%dma_wait3A_417 : memref<10000x128xf32, #tpu.memory_space<hbm>>) dst(%arg10 : memref<80x128xf32, #tpu.memory_space<vmem>>)
      "tpu.region"() ({
        %run_scoped3A_432 = tpu.sem_alloc : memref<!tpu.dma_semaphore, #tpu.memory_space<semaphore_mem>>
        %dma_start3A_433 = arith.constant 0 : i32
        %dma_start3A_434 = arith.constant 0 : i32
        %dma_start3A_435 = tpu.memref_slice %arg9[%scan3A_150, %dma_start3A_433, %dma_start3A_434] : memref<2x25x80xi32, #tpu.memory_space<vmem>> -> memref<1x25x80xi32, #tpu.memory_space<vmem>>
        %dma_start3A_436 = tpu.memref_squeeze %dma_start3A_435 : memref<1x25x80xi32, #tpu.memory_space<vmem>> -> memref<25x80xi32, #tpu.memory_space<vmem>>
        %dma_start3A_437 = arith.constant 0 : i32
        %dma_start3A_438 = tpu.memref_slice %dma_start3A_436[%mul3A_403, %dma_start3A_437] : memref<25x80xi32, #tpu.memory_space<vmem>> -> memref<1x80xi32, #tpu.memory_space<vmem>>
        %dma_start3A_439 = tpu.memref_squeeze %dma_start3A_438 : memref<1x80xi32, #tpu.memory_space<vmem>> -> memref<80xi32, #tpu.memory_space<vmem>>
        %dma_start3A_440 = arith.constant 0 : i32
        %dma_start3A_441 = arith.constant 0 : i32
        %dma_start3A_442 = tpu.memref_slice %arg12[%dma_start3A_440, %dma_start3A_441] : memref<10240x128xf32, #tpu.memory_space<vmem_shared>> -> memref<10240x128xf32, #tpu.memory_space<vmem_shared>>
        tpu.enqueue_indirect_dma source(%arg10 : memref<80x128xf32, #tpu.memory_space<vmem>>) target(%dma_start3A_442 : memref<10240x128xf32, #tpu.memory_space<vmem_shared>>) offsets(%dma_start3A_439 : memref<80xi32, #tpu.memory_space<vmem>>) semaphore(%run_scoped3A_432 : memref<!tpu.dma_semaphore, #tpu.memory_space<semaphore_mem>>) {add = true}
        %dma_wait3A_443 = arith.constant 0 : i32
        %dma_wait3A_444 = arith.constant 0 : i32
        %dma_wait3A_445 = tpu.memref_slice %arg9[%scan3A_150, %dma_wait3A_443, %dma_wait3A_444] : memref<2x25x80xi32, #tpu.memory_space<vmem>> -> memref<1x25x80xi32, #tpu.memory_space<vmem>>
        %dma_wait3A_446 = tpu.memref_squeeze %dma_wait3A_445 : memref<1x25x80xi32, #tpu.memory_space<vmem>> -> memref<25x80xi32, #tpu.memory_space<vmem>>
        %dma_wait3A_447 = arith.constant 0 : i32
        %dma_wait3A_448 = tpu.memref_slice %dma_wait3A_446[%mul3A_403, %dma_wait3A_447] : memref<25x80xi32, #tpu.memory_space<vmem>> -> memref<1x80xi32, #tpu.memory_space<vmem>>
        %dma_wait3A_449 = tpu.memref_squeeze %dma_wait3A_448 : memref<1x80xi32, #tpu.memory_space<vmem>> -> memref<80xi32, #tpu.memory_space<vmem>>
        %dma_wait3A_450 = arith.constant 0 : i32
        %dma_wait3A_451 = arith.constant 0 : i32
        %dma_wait3A_452 = tpu.memref_slice %arg12[%dma_wait3A_450, %dma_wait3A_451] : memref<10240x128xf32, #tpu.memory_space<vmem_shared>> -> memref<10240x128xf32, #tpu.memory_space<vmem_shared>>
        tpu.wait_indirect_dma semaphore(%run_scoped3A_432 : memref<!tpu.dma_semaphore, #tpu.memory_space<semaphore_mem>>) src(%arg10 : memref<80x128xf32, #tpu.memory_space<vmem>>) dst(%dma_wait3A_452 : memref<10240x128xf32, #tpu.memory_space<vmem_shared>>)
        tpu.yield
      }) : () -> ()
      %add3A_418 = arith.constant 2 : i32
      %add3A_419 = arith.addi %mul3A_403, %add3A_418 : i32
      %lt3A_420 = arith.constant 25 : i32
      %lt3A_421 = arith.cmpi slt, %add3A_419, %lt3A_420 : i32
      %convert_element_type3A_422 = arith.extui %lt3A_421 : i1 to i32
      %cond3A_423 = arith.constant 0 : i32
      %cond3A_424 = arith.cmpi ne, %convert_element_type3A_422, %cond3A_423 : i32
      scf.if %cond3A_424 {
        %add3A_432 = arith.constant 2 : i32
        %add3A_433 = arith.addi %mul3A_403, %add3A_432 : i32
        %dma_start3A_434 = arith.constant 0 : i32
        %dma_start3A_435 = arith.constant 0 : i32
        %dma_start3A_436 = tpu.memref_slice %arg8[%scan3A_149, %dma_start3A_434, %dma_start3A_435] : memref<2x25x80xi32, #tpu.memory_space<vmem>> -> memref<1x25x80xi32, #tpu.memory_space<vmem>>
        %dma_start3A_437 = tpu.memref_squeeze %dma_start3A_436 : memref<1x25x80xi32, #tpu.memory_space<vmem>> -> memref<25x80xi32, #tpu.memory_space<vmem>>
        %dma_start3A_438 = arith.constant 0 : i32
        %dma_start3A_439 = tpu.memref_slice %dma_start3A_437[%add3A_433, %dma_start3A_438] : memref<25x80xi32, #tpu.memory_space<vmem>> -> memref<1x80xi32, #tpu.memory_space<vmem>>
        %dma_start3A_440 = tpu.memref_squeeze %dma_start3A_439 : memref<1x80xi32, #tpu.memory_space<vmem>> -> memref<80xi32, #tpu.memory_space<vmem>>
        %dma_start3A_441 = arith.constant 0 : i32
        %dma_start3A_442 = arith.constant 0 : i32
        %dma_start3A_443 = tpu.memref_slice %arg2[%dma_start3A_441, %dma_start3A_442] : memref<10000x128xf32, #tpu.memory_space<hbm>> -> memref<10000x128xf32, #tpu.memory_space<hbm>>
        tpu.enqueue_indirect_dma source(%dma_start3A_443 : memref<10000x128xf32, #tpu.memory_space<hbm>>) target(%arg10 : memref<80x128xf32, #tpu.memory_space<vmem>>) offsets(%dma_start3A_440 : memref<80xi32, #tpu.memory_space<vmem>>) semaphore(%arg13 : memref<!tpu.dma_semaphore, #tpu.memory_space<semaphore_mem>>)
      } else {
      }
      %add3A_425 = arith.constant 1 : i32
      %add3A_426 = arith.addi %mul3A_403, %add3A_425 : i32
      %lt3A_427 = arith.constant 25 : i32
      %lt3A_428 = arith.cmpi slt, %add3A_426, %lt3A_427 : i32
      %convert_element_type3A_429 = arith.extui %lt3A_428 : i1 to i32
      %cond3A_430 = arith.constant 0 : i32
      %cond3A_431 = arith.cmpi ne, %convert_element_type3A_429, %cond3A_430 : i32
      scf.if %cond3A_431 {
        %add3A_432 = arith.constant 1 : i32
        %add3A_433 = arith.addi %mul3A_403, %add3A_432 : i32
        %dma_wait3A_434 = arith.constant 0 : i32
        %dma_wait3A_435 = arith.constant 0 : i32
        %dma_wait3A_436 = tpu.memref_slice %arg8[%scan3A_149, %dma_wait3A_434, %dma_wait3A_435] : memref<2x25x80xi32, #tpu.memory_space<vmem>> -> memref<1x25x80xi32, #tpu.memory_space<vmem>>
        %dma_wait3A_437 = tpu.memref_squeeze %dma_wait3A_436 : memref<1x25x80xi32, #tpu.memory_space<vmem>> -> memref<25x80xi32, #tpu.memory_space<vmem>>
        %dma_wait3A_438 = arith.constant 0 : i32
        %dma_wait3A_439 = tpu.memref_slice %dma_wait3A_437[%add3A_433, %dma_wait3A_438] : memref<25x80xi32, #tpu.memory_space<vmem>> -> memref<1x80xi32, #tpu.memory_space<vmem>>
        %dma_wait3A_440 = tpu.memref_squeeze %dma_wait3A_439 : memref<1x80xi32, #tpu.memory_space<vmem>> -> memref<80xi32, #tpu.memory_space<vmem>>
        %dma_wait3A_441 = arith.constant 0 : i32
        %dma_wait3A_442 = arith.constant 0 : i32
        %dma_wait3A_443 = tpu.memref_slice %arg2[%dma_wait3A_441, %dma_wait3A_442] : memref<10000x128xf32, #tpu.memory_space<hbm>> -> memref<10000x128xf32, #tpu.memory_space<hbm>>
        tpu.wait_indirect_dma semaphore(%arg14 : memref<!tpu.dma_semaphore, #tpu.memory_space<semaphore_mem>>) src(%dma_wait3A_443 : memref<10000x128xf32, #tpu.memory_space<hbm>>) dst(%arg11 : memref<80x128xf32, #tpu.memory_space<vmem>>)
        %add3A_444 = arith.constant 1 : i32
        %add3A_445 = arith.addi %mul3A_403, %add3A_444 : i32
        "tpu.region"() ({
          %run_scoped3A_448 = tpu.sem_alloc : memref<!tpu.dma_semaphore, #tpu.memory_space<semaphore_mem>>
          %dma_start3A_449 = arith.constant 0 : i32
          %dma_start3A_450 = arith.constant 0 : i32
          %dma_start3A_451 = tpu.memref_slice %arg9[%scan3A_150, %dma_start3A_449, %dma_start3A_450] : memref<2x25x80xi32, #tpu.memory_space<vmem>> -> memref<1x25x80xi32, #tpu.memory_space<vmem>>
          %dma_start3A_452 = tpu.memref_squeeze %dma_start3A_451 : memref<1x25x80xi32, #tpu.memory_space<vmem>> -> memref<25x80xi32, #tpu.memory_space<vmem>>
          %dma_start3A_453 = arith.constant 0 : i32
          %dma_start3A_454 = tpu.memref_slice %dma_start3A_452[%add3A_445, %dma_start3A_453] : memref<25x80xi32, #tpu.memory_space<vmem>> -> memref<1x80xi32, #tpu.memory_space<vmem>>
          %dma_start3A_455 = tpu.memref_squeeze %dma_start3A_454 : memref<1x80xi32, #tpu.memory_space<vmem>> -> memref<80xi32, #tpu.memory_space<vmem>>
          %dma_start3A_456 = arith.constant 0 : i32
          %dma_start3A_457 = arith.constant 0 : i32
          %dma_start3A_458 = tpu.memref_slice %arg12[%dma_start3A_456, %dma_start3A_457] : memref<10240x128xf32, #tpu.memory_space<vmem_shared>> -> memref<10240x128xf32, #tpu.memory_space<vmem_shared>>
          tpu.enqueue_indirect_dma source(%arg11 : memref<80x128xf32, #tpu.memory_space<vmem>>) target(%dma_start3A_458 : memref<10240x128xf32, #tpu.memory_space<vmem_shared>>) offsets(%dma_start3A_455 : memref<80xi32, #tpu.memory_space<vmem>>) semaphore(%run_scoped3A_448 : memref<!tpu.dma_semaphore, #tpu.memory_space<semaphore_mem>>) {add = true}
          %dma_wait3A_459 = arith.constant 0 : i32
          %dma_wait3A_460 = arith.constant 0 : i32
          %dma_wait3A_461 = tpu.memref_slice %arg9[%scan3A_150, %dma_wait3A_459, %dma_wait3A_460] : memref<2x25x80xi32, #tpu.memory_space<vmem>> -> memref<1x25x80xi32, #tpu.memory_space<vmem>>
          %dma_wait3A_462 = tpu.memref_squeeze %dma_wait3A_461 : memref<1x25x80xi32, #tpu.memory_space<vmem>> -> memref<25x80xi32, #tpu.memory_space<vmem>>
          %dma_wait3A_463 = arith.constant 0 : i32
          %dma_wait3A_464 = tpu.memref_slice %dma_wait3A_462[%add3A_445, %dma_wait3A_463] : memref<25x80xi32, #tpu.memory_space<vmem>> -> memref<1x80xi32, #tpu.memory_space<vmem>>
          %dma_wait3A_465 = tpu.memref_squeeze %dma_wait3A_464 : memref<1x80xi32, #tpu.memory_space<vmem>> -> memref<80xi32, #tpu.memory_space<vmem>>
          %dma_wait3A_466 = arith.constant 0 : i32
          %dma_wait3A_467 = arith.constant 0 : i32
          %dma_wait3A_468 = tpu.memref_slice %arg12[%dma_wait3A_466, %dma_wait3A_467] : memref<10240x128xf32, #tpu.memory_space<vmem_shared>> -> memref<10240x128xf32, #tpu.memory_space<vmem_shared>>
          tpu.wait_indirect_dma semaphore(%run_scoped3A_448 : memref<!tpu.dma_semaphore, #tpu.memory_space<semaphore_mem>>) src(%arg11 : memref<80x128xf32, #tpu.memory_space<vmem>>) dst(%dma_wait3A_468 : memref<10240x128xf32, #tpu.memory_space<vmem_shared>>)
          tpu.yield
        }) : () -> ()
        %add3A_446 = arith.constant 1 : i32
        %add3A_447 = arith.addi %mul3A_403, %add3A_446 : i32
      } else {
      }
    }
    %scan3A_155 = arith.constant 13 : i32
    %dma_wait3A_156 = arith.constant 2 : i32
    %dma_wait3A_157 = arith.constant 0 : i32
    %dma_wait3A_158 = arith.constant 0 : i32
    %dma_wait3A_159 = arith.constant 0 : i32
    %dma_wait3A_160 = tpu.memref_slice %arg8[%dma_wait3A_157, %dma_wait3A_158, %dma_wait3A_159] : memref<2x25x80xi32, #tpu.memory_space<vmem>> -> memref<1x25x80xi32, #tpu.memory_space<vmem>>
    %dma_wait3A_161 = tpu.memref_squeeze %dma_wait3A_160 : memref<1x25x80xi32, #tpu.memory_space<vmem>> -> memref<25x80xi32, #tpu.memory_space<vmem>>
    %dma_wait3A_162 = arith.constant 0 : i32
    %dma_wait3A_163 = arith.constant 0 : i32
    %dma_wait3A_164 = tpu.memref_slice %arg3[%add3A, %dma_wait3A_156, %dma_wait3A_162, %dma_wait3A_163] : memref<32x5x25x80xi32, #tpu.memory_space<hbm>> -> memref<1x1x25x80xi32, #tpu.memory_space<hbm>>
    %dma_wait3A_165 = tpu.memref_squeeze %dma_wait3A_164 : memref<1x1x25x80xi32, #tpu.memory_space<hbm>> -> memref<25x80xi32, #tpu.memory_space<hbm>>
    %dma_wait3A_166 = arith.constant 0 : i32
    %dma_wait3A_167 = arith.constant 0 : i32
    %dma_wait3A_168 = tpu.memref_slice %arg8[%dma_wait3A_157, %dma_wait3A_166, %dma_wait3A_167] : memref<2x25x80xi32, #tpu.memory_space<vmem>> -> memref<1x25x80xi32, #tpu.memory_space<vmem>>
    %dma_wait3A_169 = tpu.memref_squeeze %dma_wait3A_168 : memref<1x25x80xi32, #tpu.memory_space<vmem>> -> memref<25x80xi32, #tpu.memory_space<vmem>>
    %dma_wait3A_170 = arith.constant 0 : i32
    %dma_wait3A_171 = arith.constant 0 : i32
    %dma_wait3A_172 = tpu.memref_slice %arg3[%add3A, %dma_wait3A_156, %dma_wait3A_170, %dma_wait3A_171] : memref<32x5x25x80xi32, #tpu.memory_space<hbm>> -> memref<1x1x25x80xi32, #tpu.memory_space<hbm>>
    %dma_wait3A_173 = tpu.memref_squeeze %dma_wait3A_172 : memref<1x1x25x80xi32, #tpu.memory_space<hbm>> -> memref<25x80xi32, #tpu.memory_space<hbm>>
    tpu.wait_dma2 semaphore(%arg15 : memref<!tpu.dma_semaphore, #tpu.memory_space<semaphore_mem>>) src(%dma_wait3A_173 : memref<25x80xi32, #tpu.memory_space<hbm>>) dst(%dma_wait3A_169 : memref<25x80xi32, #tpu.memory_space<vmem>>)
    %dma_wait3A_174 = arith.constant 2 : i32
    %dma_wait3A_175 = arith.constant 0 : i32
    %dma_wait3A_176 = arith.constant 0 : i32
    %dma_wait3A_177 = arith.constant 0 : i32
    %dma_wait3A_178 = tpu.memref_slice %arg9[%dma_wait3A_175, %dma_wait3A_176, %dma_wait3A_177] : memref<2x25x80xi32, #tpu.memory_space<vmem>> -> memref<1x25x80xi32, #tpu.memory_space<vmem>>
    %dma_wait3A_179 = tpu.memref_squeeze %dma_wait3A_178 : memref<1x25x80xi32, #tpu.memory_space<vmem>> -> memref<25x80xi32, #tpu.memory_space<vmem>>
    %dma_wait3A_180 = arith.constant 0 : i32
    %dma_wait3A_181 = arith.constant 0 : i32
    %dma_wait3A_182 = tpu.memref_slice %arg4[%add3A, %dma_wait3A_174, %dma_wait3A_180, %dma_wait3A_181] : memref<32x5x25x80xi32, #tpu.memory_space<hbm>> -> memref<1x1x25x80xi32, #tpu.memory_space<hbm>>
    %dma_wait3A_183 = tpu.memref_squeeze %dma_wait3A_182 : memref<1x1x25x80xi32, #tpu.memory_space<hbm>> -> memref<25x80xi32, #tpu.memory_space<hbm>>
    %dma_wait3A_184 = arith.constant 0 : i32
    %dma_wait3A_185 = arith.constant 0 : i32
    %dma_wait3A_186 = tpu.memref_slice %arg9[%dma_wait3A_175, %dma_wait3A_184, %dma_wait3A_185] : memref<2x25x80xi32, #tpu.memory_space<vmem>> -> memref<1x25x80xi32, #tpu.memory_space<vmem>>
    %dma_wait3A_187 = tpu.memref_squeeze %dma_wait3A_186 : memref<1x25x80xi32, #tpu.memory_space<vmem>> -> memref<25x80xi32, #tpu.memory_space<vmem>>
    %dma_wait3A_188 = arith.constant 0 : i32
    %dma_wait3A_189 = arith.constant 0 : i32
    %dma_wait3A_190 = tpu.memref_slice %arg4[%add3A, %dma_wait3A_174, %dma_wait3A_188, %dma_wait3A_189] : memref<32x5x25x80xi32, #tpu.memory_space<hbm>> -> memref<1x1x25x80xi32, #tpu.memory_space<hbm>>
    %dma_wait3A_191 = tpu.memref_squeeze %dma_wait3A_190 : memref<1x1x25x80xi32, #tpu.memory_space<hbm>> -> memref<25x80xi32, #tpu.memory_space<hbm>>
    tpu.wait_dma2 semaphore(%arg15 : memref<!tpu.dma_semaphore, #tpu.memory_space<semaphore_mem>>) src(%dma_wait3A_191 : memref<25x80xi32, #tpu.memory_space<hbm>>) dst(%dma_wait3A_187 : memref<25x80xi32, #tpu.memory_space<vmem>>)
    %dma_start3A_192 = arith.constant 3 : i32
    %dma_start3A_193 = arith.constant 1 : i32
    %dma_start3A_194 = arith.constant 0 : i32
    %dma_start3A_195 = arith.constant 0 : i32
    %dma_start3A_196 = tpu.memref_slice %arg8[%dma_start3A_193, %dma_start3A_194, %dma_start3A_195] : memref<2x25x80xi32, #tpu.memory_space<vmem>> -> memref<1x25x80xi32, #tpu.memory_space<vmem>>
    %dma_start3A_197 = tpu.memref_squeeze %dma_start3A_196 : memref<1x25x80xi32, #tpu.memory_space<vmem>> -> memref<25x80xi32, #tpu.memory_space<vmem>>
    %dma_start3A_198 = arith.constant 0 : i32
    %dma_start3A_199 = arith.constant 0 : i32
    %dma_start3A_200 = tpu.memref_slice %arg3[%add3A, %dma_start3A_192, %dma_start3A_198, %dma_start3A_199] : memref<32x5x25x80xi32, #tpu.memory_space<hbm>> -> memref<1x1x25x80xi32, #tpu.memory_space<hbm>>
    %dma_start3A_201 = tpu.memref_squeeze %dma_start3A_200 : memref<1x1x25x80xi32, #tpu.memory_space<hbm>> -> memref<25x80xi32, #tpu.memory_space<hbm>>
    %dma_start3A_202 = arith.constant 0 : i32
    %dma_start3A_203 = arith.constant 0 : i32
    %dma_start3A_204 = tpu.memref_slice %arg8[%dma_start3A_193, %dma_start3A_202, %dma_start3A_203] : memref<2x25x80xi32, #tpu.memory_space<vmem>> -> memref<1x25x80xi32, #tpu.memory_space<vmem>>
    %dma_start3A_205 = tpu.memref_squeeze %dma_start3A_204 : memref<1x25x80xi32, #tpu.memory_space<vmem>> -> memref<25x80xi32, #tpu.memory_space<vmem>>
    %dma_start3A_206 = arith.constant 0 : i32
    %dma_start3A_207 = arith.constant 0 : i32
    %dma_start3A_208 = tpu.memref_slice %arg3[%add3A, %dma_start3A_192, %dma_start3A_206, %dma_start3A_207] : memref<32x5x25x80xi32, #tpu.memory_space<hbm>> -> memref<1x1x25x80xi32, #tpu.memory_space<hbm>>
    %dma_start3A_209 = tpu.memref_squeeze %dma_start3A_208 : memref<1x1x25x80xi32, #tpu.memory_space<hbm>> -> memref<25x80xi32, #tpu.memory_space<hbm>>
    tpu.enqueue_dma source(%dma_start3A_209 : memref<25x80xi32, #tpu.memory_space<hbm>>) target(%dma_start3A_205 : memref<25x80xi32, #tpu.memory_space<vmem>>) target_semaphore(%arg15 : memref<!tpu.dma_semaphore, #tpu.memory_space<semaphore_mem>>)
    %dma_start3A_210 = arith.constant 3 : i32
    %dma_start3A_211 = arith.constant 1 : i32
    %dma_start3A_212 = arith.constant 0 : i32
    %dma_start3A_213 = arith.constant 0 : i32
    %dma_start3A_214 = tpu.memref_slice %arg9[%dma_start3A_211, %dma_start3A_212, %dma_start3A_213] : memref<2x25x80xi32, #tpu.memory_space<vmem>> -> memref<1x25x80xi32, #tpu.memory_space<vmem>>
    %dma_start3A_215 = tpu.memref_squeeze %dma_start3A_214 : memref<1x25x80xi32, #tpu.memory_space<vmem>> -> memref<25x80xi32, #tpu.memory_space<vmem>>
    %dma_start3A_216 = arith.constant 0 : i32
    %dma_start3A_217 = arith.constant 0 : i32
    %dma_start3A_218 = tpu.memref_slice %arg4[%add3A, %dma_start3A_210, %dma_start3A_216, %dma_start3A_217] : memref<32x5x25x80xi32, #tpu.memory_space<hbm>> -> memref<1x1x25x80xi32, #tpu.memory_space<hbm>>
    %dma_start3A_219 = tpu.memref_squeeze %dma_start3A_218 : memref<1x1x25x80xi32, #tpu.memory_space<hbm>> -> memref<25x80xi32, #tpu.memory_space<hbm>>
    %dma_start3A_220 = arith.constant 0 : i32
    %dma_start3A_221 = arith.constant 0 : i32
    %dma_start3A_222 = tpu.memref_slice %arg9[%dma_start3A_211, %dma_start3A_220, %dma_start3A_221] : memref<2x25x80xi32, #tpu.memory_space<vmem>> -> memref<1x25x80xi32, #tpu.memory_space<vmem>>
    %dma_start3A_223 = tpu.memref_squeeze %dma_start3A_222 : memref<1x25x80xi32, #tpu.memory_space<vmem>> -> memref<25x80xi32, #tpu.memory_space<vmem>>
    %dma_start3A_224 = arith.constant 0 : i32
    %dma_start3A_225 = arith.constant 0 : i32
    %dma_start3A_226 = tpu.memref_slice %arg4[%add3A, %dma_start3A_210, %dma_start3A_224, %dma_start3A_225] : memref<32x5x25x80xi32, #tpu.memory_space<hbm>> -> memref<1x1x25x80xi32, #tpu.memory_space<hbm>>
    %dma_start3A_227 = tpu.memref_squeeze %dma_start3A_226 : memref<1x1x25x80xi32, #tpu.memory_space<hbm>> -> memref<25x80xi32, #tpu.memory_space<hbm>>
    tpu.enqueue_dma source(%dma_start3A_227 : memref<25x80xi32, #tpu.memory_space<hbm>>) target(%dma_start3A_223 : memref<25x80xi32, #tpu.memory_space<vmem>>) target_semaphore(%arg15 : memref<!tpu.dma_semaphore, #tpu.memory_space<semaphore_mem>>)
    %dma_start3A_228 = arith.constant 0 : i32
    %dma_start3A_229 = arith.constant 0 : i32
    %dma_start3A_230 = arith.constant 0 : i32
    %dma_start3A_231 = arith.constant 0 : i32
    %dma_start3A_232 = tpu.memref_slice %arg8[%dma_start3A_228, %dma_start3A_230, %dma_start3A_231] : memref<2x25x80xi32, #tpu.memory_space<vmem>> -> memref<1x25x80xi32, #tpu.memory_space<vmem>>
    %dma_start3A_233 = tpu.memref_squeeze %dma_start3A_232 : memref<1x25x80xi32, #tpu.memory_space<vmem>> -> memref<25x80xi32, #tpu.memory_space<vmem>>
    %dma_start3A_234 = arith.constant 0 : i32
    %dma_start3A_235 = tpu.memref_slice %dma_start3A_233[%dma_start3A_229, %dma_start3A_234] : memref<25x80xi32, #tpu.memory_space<vmem>> -> memref<1x80xi32, #tpu.memory_space<vmem>>
    %dma_start3A_236 = tpu.memref_squeeze %dma_start3A_235 : memref<1x80xi32, #tpu.memory_space<vmem>> -> memref<80xi32, #tpu.memory_space<vmem>>
    %dma_start3A_237 = arith.constant 0 : i32
    %dma_start3A_238 = arith.constant 0 : i32
    %dma_start3A_239 = tpu.memref_slice %arg2[%dma_start3A_237, %dma_start3A_238] : memref<10000x128xf32, #tpu.memory_space<hbm>> -> memref<10000x128xf32, #tpu.memory_space<hbm>>
    tpu.enqueue_indirect_dma source(%dma_start3A_239 : memref<10000x128xf32, #tpu.memory_space<hbm>>) target(%arg10 : memref<80x128xf32, #tpu.memory_space<vmem>>) offsets(%dma_start3A_236 : memref<80xi32, #tpu.memory_space<vmem>>) semaphore(%arg13 : memref<!tpu.dma_semaphore, #tpu.memory_space<semaphore_mem>>)
    %scan3A_240 = arith.constant 0 : i32
    %scan3A_241 = arith.constant 0 : i32
    %scan3A_242 = arith.constant 0 : i32
    %scan3A_243 = arith.constant 0 : i32
    %scan3A_244 = arith.constant 13 : i32
    %scan3A_245 = arith.addi %scan3A_243, %scan3A_244 : i32
    %scan3A_246 = arith.constant 1 : i32
    scf.for %scan3A_401 = %scan3A_243 to %scan3A_245 step %scan3A_246  : i32 {
      %mul3A_402 = arith.constant 2 : i32
      %mul3A_403 = arith.muli %mul3A_402, %scan3A_401 : i32
      %add3A_404 = arith.constant 1 : i32
      %add3A_405 = arith.addi %mul3A_403, %add3A_404 : i32
      %lt3A = arith.constant 25 : i32
      %lt3A_406 = arith.cmpi slt, %add3A_405, %lt3A : i32
      %convert_element_type3A = arith.extui %lt3A_406 : i1 to i32
      %cond3A = arith.constant 0 : i32
      %cond3A_407 = arith.cmpi ne, %convert_element_type3A, %cond3A : i32
      scf.if %cond3A_407 {
        %add3A_432 = arith.constant 1 : i32
        %add3A_433 = arith.addi %mul3A_403, %add3A_432 : i32
        %dma_start3A_434 = arith.constant 0 : i32
        %dma_start3A_435 = arith.constant 0 : i32
        %dma_start3A_436 = tpu.memref_slice %arg8[%scan3A_241, %dma_start3A_434, %dma_start3A_435] : memref<2x25x80xi32, #tpu.memory_space<vmem>> -> memref<1x25x80xi32, #tpu.memory_space<vmem>>
        %dma_start3A_437 = tpu.memref_squeeze %dma_start3A_436 : memref<1x25x80xi32, #tpu.memory_space<vmem>> -> memref<25x80xi32, #tpu.memory_space<vmem>>
        %dma_start3A_438 = arith.constant 0 : i32
        %dma_start3A_439 = tpu.memref_slice %dma_start3A_437[%add3A_433, %dma_start3A_438] : memref<25x80xi32, #tpu.memory_space<vmem>> -> memref<1x80xi32, #tpu.memory_space<vmem>>
        %dma_start3A_440 = tpu.memref_squeeze %dma_start3A_439 : memref<1x80xi32, #tpu.memory_space<vmem>> -> memref<80xi32, #tpu.memory_space<vmem>>
        %dma_start3A_441 = arith.constant 0 : i32
        %dma_start3A_442 = arith.constant 0 : i32
        %dma_start3A_443 = tpu.memref_slice %arg2[%dma_start3A_441, %dma_start3A_442] : memref<10000x128xf32, #tpu.memory_space<hbm>> -> memref<10000x128xf32, #tpu.memory_space<hbm>>
        tpu.enqueue_indirect_dma source(%dma_start3A_443 : memref<10000x128xf32, #tpu.memory_space<hbm>>) target(%arg11 : memref<80x128xf32, #tpu.memory_space<vmem>>) offsets(%dma_start3A_440 : memref<80xi32, #tpu.memory_space<vmem>>) semaphore(%arg14 : memref<!tpu.dma_semaphore, #tpu.memory_space<semaphore_mem>>)
      } else {
      }
      %dma_wait3A_408 = arith.constant 0 : i32
      %dma_wait3A_409 = arith.constant 0 : i32
      %dma_wait3A_410 = tpu.memref_slice %arg8[%scan3A_241, %dma_wait3A_408, %dma_wait3A_409] : memref<2x25x80xi32, #tpu.memory_space<vmem>> -> memref<1x25x80xi32, #tpu.memory_space<vmem>>
      %dma_wait3A_411 = tpu.memref_squeeze %dma_wait3A_410 : memref<1x25x80xi32, #tpu.memory_space<vmem>> -> memref<25x80xi32, #tpu.memory_space<vmem>>
      %dma_wait3A_412 = arith.constant 0 : i32
      %dma_wait3A_413 = tpu.memref_slice %dma_wait3A_411[%mul3A_403, %dma_wait3A_412] : memref<25x80xi32, #tpu.memory_space<vmem>> -> memref<1x80xi32, #tpu.memory_space<vmem>>
      %dma_wait3A_414 = tpu.memref_squeeze %dma_wait3A_413 : memref<1x80xi32, #tpu.memory_space<vmem>> -> memref<80xi32, #tpu.memory_space<vmem>>
      %dma_wait3A_415 = arith.constant 0 : i32
      %dma_wait3A_416 = arith.constant 0 : i32
      %dma_wait3A_417 = tpu.memref_slice %arg2[%dma_wait3A_415, %dma_wait3A_416] : memref<10000x128xf32, #tpu.memory_space<hbm>> -> memref<10000x128xf32, #tpu.memory_space<hbm>>
      tpu.wait_indirect_dma semaphore(%arg13 : memref<!tpu.dma_semaphore, #tpu.memory_space<semaphore_mem>>) src(%dma_wait3A_417 : memref<10000x128xf32, #tpu.memory_space<hbm>>) dst(%arg10 : memref<80x128xf32, #tpu.memory_space<vmem>>)
      "tpu.region"() ({
        %run_scoped3A_432 = tpu.sem_alloc : memref<!tpu.dma_semaphore, #tpu.memory_space<semaphore_mem>>
        %dma_start3A_433 = arith.constant 0 : i32
        %dma_start3A_434 = arith.constant 0 : i32
        %dma_start3A_435 = tpu.memref_slice %arg9[%scan3A_242, %dma_start3A_433, %dma_start3A_434] : memref<2x25x80xi32, #tpu.memory_space<vmem>> -> memref<1x25x80xi32, #tpu.memory_space<vmem>>
        %dma_start3A_436 = tpu.memref_squeeze %dma_start3A_435 : memref<1x25x80xi32, #tpu.memory_space<vmem>> -> memref<25x80xi32, #tpu.memory_space<vmem>>
        %dma_start3A_437 = arith.constant 0 : i32
        %dma_start3A_438 = tpu.memref_slice %dma_start3A_436[%mul3A_403, %dma_start3A_437] : memref<25x80xi32, #tpu.memory_space<vmem>> -> memref<1x80xi32, #tpu.memory_space<vmem>>
        %dma_start3A_439 = tpu.memref_squeeze %dma_start3A_438 : memref<1x80xi32, #tpu.memory_space<vmem>> -> memref<80xi32, #tpu.memory_space<vmem>>
        %dma_start3A_440 = arith.constant 0 : i32
        %dma_start3A_441 = arith.constant 0 : i32
        %dma_start3A_442 = tpu.memref_slice %arg12[%dma_start3A_440, %dma_start3A_441] : memref<10240x128xf32, #tpu.memory_space<vmem_shared>> -> memref<10240x128xf32, #tpu.memory_space<vmem_shared>>
        tpu.enqueue_indirect_dma source(%arg10 : memref<80x128xf32, #tpu.memory_space<vmem>>) target(%dma_start3A_442 : memref<10240x128xf32, #tpu.memory_space<vmem_shared>>) offsets(%dma_start3A_439 : memref<80xi32, #tpu.memory_space<vmem>>) semaphore(%run_scoped3A_432 : memref<!tpu.dma_semaphore, #tpu.memory_space<semaphore_mem>>) {add = true}
        %dma_wait3A_443 = arith.constant 0 : i32
        %dma_wait3A_444 = arith.constant 0 : i32
        %dma_wait3A_445 = tpu.memref_slice %arg9[%scan3A_242, %dma_wait3A_443, %dma_wait3A_444] : memref<2x25x80xi32, #tpu.memory_space<vmem>> -> memref<1x25x80xi32, #tpu.memory_space<vmem>>
        %dma_wait3A_446 = tpu.memref_squeeze %dma_wait3A_445 : memref<1x25x80xi32, #tpu.memory_space<vmem>> -> memref<25x80xi32, #tpu.memory_space<vmem>>
        %dma_wait3A_447 = arith.constant 0 : i32
        %dma_wait3A_448 = tpu.memref_slice %dma_wait3A_446[%mul3A_403, %dma_wait3A_447] : memref<25x80xi32, #tpu.memory_space<vmem>> -> memref<1x80xi32, #tpu.memory_space<vmem>>
        %dma_wait3A_449 = tpu.memref_squeeze %dma_wait3A_448 : memref<1x80xi32, #tpu.memory_space<vmem>> -> memref<80xi32, #tpu.memory_space<vmem>>
        %dma_wait3A_450 = arith.constant 0 : i32
        %dma_wait3A_451 = arith.constant 0 : i32
        %dma_wait3A_452 = tpu.memref_slice %arg12[%dma_wait3A_450, %dma_wait3A_451] : memref<10240x128xf32, #tpu.memory_space<vmem_shared>> -> memref<10240x128xf32, #tpu.memory_space<vmem_shared>>
        tpu.wait_indirect_dma semaphore(%run_scoped3A_432 : memref<!tpu.dma_semaphore, #tpu.memory_space<semaphore_mem>>) src(%arg10 : memref<80x128xf32, #tpu.memory_space<vmem>>) dst(%dma_wait3A_452 : memref<10240x128xf32, #tpu.memory_space<vmem_shared>>)
        tpu.yield
      }) : () -> ()
      %add3A_418 = arith.constant 2 : i32
      %add3A_419 = arith.addi %mul3A_403, %add3A_418 : i32
      %lt3A_420 = arith.constant 25 : i32
      %lt3A_421 = arith.cmpi slt, %add3A_419, %lt3A_420 : i32
      %convert_element_type3A_422 = arith.extui %lt3A_421 : i1 to i32
      %cond3A_423 = arith.constant 0 : i32
      %cond3A_424 = arith.cmpi ne, %convert_element_type3A_422, %cond3A_423 : i32
      scf.if %cond3A_424 {
        %add3A_432 = arith.constant 2 : i32
        %add3A_433 = arith.addi %mul3A_403, %add3A_432 : i32
        %dma_start3A_434 = arith.constant 0 : i32
        %dma_start3A_435 = arith.constant 0 : i32
        %dma_start3A_436 = tpu.memref_slice %arg8[%scan3A_241, %dma_start3A_434, %dma_start3A_435] : memref<2x25x80xi32, #tpu.memory_space<vmem>> -> memref<1x25x80xi32, #tpu.memory_space<vmem>>
        %dma_start3A_437 = tpu.memref_squeeze %dma_start3A_436 : memref<1x25x80xi32, #tpu.memory_space<vmem>> -> memref<25x80xi32, #tpu.memory_space<vmem>>
        %dma_start3A_438 = arith.constant 0 : i32
        %dma_start3A_439 = tpu.memref_slice %dma_start3A_437[%add3A_433, %dma_start3A_438] : memref<25x80xi32, #tpu.memory_space<vmem>> -> memref<1x80xi32, #tpu.memory_space<vmem>>
        %dma_start3A_440 = tpu.memref_squeeze %dma_start3A_439 : memref<1x80xi32, #tpu.memory_space<vmem>> -> memref<80xi32, #tpu.memory_space<vmem>>
        %dma_start3A_441 = arith.constant 0 : i32
        %dma_start3A_442 = arith.constant 0 : i32
        %dma_start3A_443 = tpu.memref_slice %arg2[%dma_start3A_441, %dma_start3A_442] : memref<10000x128xf32, #tpu.memory_space<hbm>> -> memref<10000x128xf32, #tpu.memory_space<hbm>>
        tpu.enqueue_indirect_dma source(%dma_start3A_443 : memref<10000x128xf32, #tpu.memory_space<hbm>>) target(%arg10 : memref<80x128xf32, #tpu.memory_space<vmem>>) offsets(%dma_start3A_440 : memref<80xi32, #tpu.memory_space<vmem>>) semaphore(%arg13 : memref<!tpu.dma_semaphore, #tpu.memory_space<semaphore_mem>>)
      } else {
      }
      %add3A_425 = arith.constant 1 : i32
      %add3A_426 = arith.addi %mul3A_403, %add3A_425 : i32
      %lt3A_427 = arith.constant 25 : i32
      %lt3A_428 = arith.cmpi slt, %add3A_426, %lt3A_427 : i32
      %convert_element_type3A_429 = arith.extui %lt3A_428 : i1 to i32
      %cond3A_430 = arith.constant 0 : i32
      %cond3A_431 = arith.cmpi ne, %convert_element_type3A_429, %cond3A_430 : i32
      scf.if %cond3A_431 {
        %add3A_432 = arith.constant 1 : i32
        %add3A_433 = arith.addi %mul3A_403, %add3A_432 : i32
        %dma_wait3A_434 = arith.constant 0 : i32
        %dma_wait3A_435 = arith.constant 0 : i32
        %dma_wait3A_436 = tpu.memref_slice %arg8[%scan3A_241, %dma_wait3A_434, %dma_wait3A_435] : memref<2x25x80xi32, #tpu.memory_space<vmem>> -> memref<1x25x80xi32, #tpu.memory_space<vmem>>
        %dma_wait3A_437 = tpu.memref_squeeze %dma_wait3A_436 : memref<1x25x80xi32, #tpu.memory_space<vmem>> -> memref<25x80xi32, #tpu.memory_space<vmem>>
        %dma_wait3A_438 = arith.constant 0 : i32
        %dma_wait3A_439 = tpu.memref_slice %dma_wait3A_437[%add3A_433, %dma_wait3A_438] : memref<25x80xi32, #tpu.memory_space<vmem>> -> memref<1x80xi32, #tpu.memory_space<vmem>>
        %dma_wait3A_440 = tpu.memref_squeeze %dma_wait3A_439 : memref<1x80xi32, #tpu.memory_space<vmem>> -> memref<80xi32, #tpu.memory_space<vmem>>
        %dma_wait3A_441 = arith.constant 0 : i32
        %dma_wait3A_442 = arith.constant 0 : i32
        %dma_wait3A_443 = tpu.memref_slice %arg2[%dma_wait3A_441, %dma_wait3A_442] : memref<10000x128xf32, #tpu.memory_space<hbm>> -> memref<10000x128xf32, #tpu.memory_space<hbm>>
        tpu.wait_indirect_dma semaphore(%arg14 : memref<!tpu.dma_semaphore, #tpu.memory_space<semaphore_mem>>) src(%dma_wait3A_443 : memref<10000x128xf32, #tpu.memory_space<hbm>>) dst(%arg11 : memref<80x128xf32, #tpu.memory_space<vmem>>)
        %add3A_444 = arith.constant 1 : i32
        %add3A_445 = arith.addi %mul3A_403, %add3A_444 : i32
        "tpu.region"() ({
          %run_scoped3A_448 = tpu.sem_alloc : memref<!tpu.dma_semaphore, #tpu.memory_space<semaphore_mem>>
          %dma_start3A_449 = arith.constant 0 : i32
          %dma_start3A_450 = arith.constant 0 : i32
          %dma_start3A_451 = tpu.memref_slice %arg9[%scan3A_242, %dma_start3A_449, %dma_start3A_450] : memref<2x25x80xi32, #tpu.memory_space<vmem>> -> memref<1x25x80xi32, #tpu.memory_space<vmem>>
          %dma_start3A_452 = tpu.memref_squeeze %dma_start3A_451 : memref<1x25x80xi32, #tpu.memory_space<vmem>> -> memref<25x80xi32, #tpu.memory_space<vmem>>
          %dma_start3A_453 = arith.constant 0 : i32
          %dma_start3A_454 = tpu.memref_slice %dma_start3A_452[%add3A_445, %dma_start3A_453] : memref<25x80xi32, #tpu.memory_space<vmem>> -> memref<1x80xi32, #tpu.memory_space<vmem>>
          %dma_start3A_455 = tpu.memref_squeeze %dma_start3A_454 : memref<1x80xi32, #tpu.memory_space<vmem>> -> memref<80xi32, #tpu.memory_space<vmem>>
          %dma_start3A_456 = arith.constant 0 : i32
          %dma_start3A_457 = arith.constant 0 : i32
          %dma_start3A_458 = tpu.memref_slice %arg12[%dma_start3A_456, %dma_start3A_457] : memref<10240x128xf32, #tpu.memory_space<vmem_shared>> -> memref<10240x128xf32, #tpu.memory_space<vmem_shared>>
          tpu.enqueue_indirect_dma source(%arg11 : memref<80x128xf32, #tpu.memory_space<vmem>>) target(%dma_start3A_458 : memref<10240x128xf32, #tpu.memory_space<vmem_shared>>) offsets(%dma_start3A_455 : memref<80xi32, #tpu.memory_space<vmem>>) semaphore(%run_scoped3A_448 : memref<!tpu.dma_semaphore, #tpu.memory_space<semaphore_mem>>) {add = true}
          %dma_wait3A_459 = arith.constant 0 : i32
          %dma_wait3A_460 = arith.constant 0 : i32
          %dma_wait3A_461 = tpu.memref_slice %arg9[%scan3A_242, %dma_wait3A_459, %dma_wait3A_460] : memref<2x25x80xi32, #tpu.memory_space<vmem>> -> memref<1x25x80xi32, #tpu.memory_space<vmem>>
          %dma_wait3A_462 = tpu.memref_squeeze %dma_wait3A_461 : memref<1x25x80xi32, #tpu.memory_space<vmem>> -> memref<25x80xi32, #tpu.memory_space<vmem>>
          %dma_wait3A_463 = arith.constant 0 : i32
          %dma_wait3A_464 = tpu.memref_slice %dma_wait3A_462[%add3A_445, %dma_wait3A_463] : memref<25x80xi32, #tpu.memory_space<vmem>> -> memref<1x80xi32, #tpu.memory_space<vmem>>
          %dma_wait3A_465 = tpu.memref_squeeze %dma_wait3A_464 : memref<1x80xi32, #tpu.memory_space<vmem>> -> memref<80xi32, #tpu.memory_space<vmem>>
          %dma_wait3A_466 = arith.constant 0 : i32
          %dma_wait3A_467 = arith.constant 0 : i32
          %dma_wait3A_468 = tpu.memref_slice %arg12[%dma_wait3A_466, %dma_wait3A_467] : memref<10240x128xf32, #tpu.memory_space<vmem_shared>> -> memref<10240x128xf32, #tpu.memory_space<vmem_shared>>
          tpu.wait_indirect_dma semaphore(%run_scoped3A_448 : memref<!tpu.dma_semaphore, #tpu.memory_space<semaphore_mem>>) src(%arg11 : memref<80x128xf32, #tpu.memory_space<vmem>>) dst(%dma_wait3A_468 : memref<10240x128xf32, #tpu.memory_space<vmem_shared>>)
          tpu.yield
        }) : () -> ()
        %add3A_446 = arith.constant 1 : i32
        %add3A_447 = arith.addi %mul3A_403, %add3A_446 : i32
      } else {
      }
    }
    %scan3A_247 = arith.constant 13 : i32
    %dma_wait3A_248 = arith.constant 3 : i32
    %dma_wait3A_249 = arith.constant 1 : i32
    %dma_wait3A_250 = arith.constant 0 : i32
    %dma_wait3A_251 = arith.constant 0 : i32
    %dma_wait3A_252 = tpu.memref_slice %arg8[%dma_wait3A_249, %dma_wait3A_250, %dma_wait3A_251] : memref<2x25x80xi32, #tpu.memory_space<vmem>> -> memref<1x25x80xi32, #tpu.memory_space<vmem>>
    %dma_wait3A_253 = tpu.memref_squeeze %dma_wait3A_252 : memref<1x25x80xi32, #tpu.memory_space<vmem>> -> memref<25x80xi32, #tpu.memory_space<vmem>>
    %dma_wait3A_254 = arith.constant 0 : i32
    %dma_wait3A_255 = arith.constant 0 : i32
    %dma_wait3A_256 = tpu.memref_slice %arg3[%add3A, %dma_wait3A_248, %dma_wait3A_254, %dma_wait3A_255] : memref<32x5x25x80xi32, #tpu.memory_space<hbm>> -> memref<1x1x25x80xi32, #tpu.memory_space<hbm>>
    %dma_wait3A_257 = tpu.memref_squeeze %dma_wait3A_256 : memref<1x1x25x80xi32, #tpu.memory_space<hbm>> -> memref<25x80xi32, #tpu.memory_space<hbm>>
    %dma_wait3A_258 = arith.constant 0 : i32
    %dma_wait3A_259 = arith.constant 0 : i32
    %dma_wait3A_260 = tpu.memref_slice %arg8[%dma_wait3A_249, %dma_wait3A_258, %dma_wait3A_259] : memref<2x25x80xi32, #tpu.memory_space<vmem>> -> memref<1x25x80xi32, #tpu.memory_space<vmem>>
    %dma_wait3A_261 = tpu.memref_squeeze %dma_wait3A_260 : memref<1x25x80xi32, #tpu.memory_space<vmem>> -> memref<25x80xi32, #tpu.memory_space<vmem>>
    %dma_wait3A_262 = arith.constant 0 : i32
    %dma_wait3A_263 = arith.constant 0 : i32
    %dma_wait3A_264 = tpu.memref_slice %arg3[%add3A, %dma_wait3A_248, %dma_wait3A_262, %dma_wait3A_263] : memref<32x5x25x80xi32, #tpu.memory_space<hbm>> -> memref<1x1x25x80xi32, #tpu.memory_space<hbm>>
    %dma_wait3A_265 = tpu.memref_squeeze %dma_wait3A_264 : memref<1x1x25x80xi32, #tpu.memory_space<hbm>> -> memref<25x80xi32, #tpu.memory_space<hbm>>
    tpu.wait_dma2 semaphore(%arg15 : memref<!tpu.dma_semaphore, #tpu.memory_space<semaphore_mem>>) src(%dma_wait3A_265 : memref<25x80xi32, #tpu.memory_space<hbm>>) dst(%dma_wait3A_261 : memref<25x80xi32, #tpu.memory_space<vmem>>)
    %dma_wait3A_266 = arith.constant 3 : i32
    %dma_wait3A_267 = arith.constant 1 : i32
    %dma_wait3A_268 = arith.constant 0 : i32
    %dma_wait3A_269 = arith.constant 0 : i32
    %dma_wait3A_270 = tpu.memref_slice %arg9[%dma_wait3A_267, %dma_wait3A_268, %dma_wait3A_269] : memref<2x25x80xi32, #tpu.memory_space<vmem>> -> memref<1x25x80xi32, #tpu.memory_space<vmem>>
    %dma_wait3A_271 = tpu.memref_squeeze %dma_wait3A_270 : memref<1x25x80xi32, #tpu.memory_space<vmem>> -> memref<25x80xi32, #tpu.memory_space<vmem>>
    %dma_wait3A_272 = arith.constant 0 : i32
    %dma_wait3A_273 = arith.constant 0 : i32
    %dma_wait3A_274 = tpu.memref_slice %arg4[%add3A, %dma_wait3A_266, %dma_wait3A_272, %dma_wait3A_273] : memref<32x5x25x80xi32, #tpu.memory_space<hbm>> -> memref<1x1x25x80xi32, #tpu.memory_space<hbm>>
    %dma_wait3A_275 = tpu.memref_squeeze %dma_wait3A_274 : memref<1x1x25x80xi32, #tpu.memory_space<hbm>> -> memref<25x80xi32, #tpu.memory_space<hbm>>
    %dma_wait3A_276 = arith.constant 0 : i32
    %dma_wait3A_277 = arith.constant 0 : i32
    %dma_wait3A_278 = tpu.memref_slice %arg9[%dma_wait3A_267, %dma_wait3A_276, %dma_wait3A_277] : memref<2x25x80xi32, #tpu.memory_space<vmem>> -> memref<1x25x80xi32, #tpu.memory_space<vmem>>
    %dma_wait3A_279 = tpu.memref_squeeze %dma_wait3A_278 : memref<1x25x80xi32, #tpu.memory_space<vmem>> -> memref<25x80xi32, #tpu.memory_space<vmem>>
    %dma_wait3A_280 = arith.constant 0 : i32
    %dma_wait3A_281 = arith.constant 0 : i32
    %dma_wait3A_282 = tpu.memref_slice %arg4[%add3A, %dma_wait3A_266, %dma_wait3A_280, %dma_wait3A_281] : memref<32x5x25x80xi32, #tpu.memory_space<hbm>> -> memref<1x1x25x80xi32, #tpu.memory_space<hbm>>
    %dma_wait3A_283 = tpu.memref_squeeze %dma_wait3A_282 : memref<1x1x25x80xi32, #tpu.memory_space<hbm>> -> memref<25x80xi32, #tpu.memory_space<hbm>>
    tpu.wait_dma2 semaphore(%arg15 : memref<!tpu.dma_semaphore, #tpu.memory_space<semaphore_mem>>) src(%dma_wait3A_283 : memref<25x80xi32, #tpu.memory_space<hbm>>) dst(%dma_wait3A_279 : memref<25x80xi32, #tpu.memory_space<vmem>>)
    %dma_start3A_284 = arith.constant 4 : i32
    %dma_start3A_285 = arith.constant 0 : i32
    %dma_start3A_286 = arith.constant 0 : i32
    %dma_start3A_287 = arith.constant 0 : i32
    %dma_start3A_288 = tpu.memref_slice %arg8[%dma_start3A_285, %dma_start3A_286, %dma_start3A_287] : memref<2x25x80xi32, #tpu.memory_space<vmem>> -> memref<1x25x80xi32, #tpu.memory_space<vmem>>
    %dma_start3A_289 = tpu.memref_squeeze %dma_start3A_288 : memref<1x25x80xi32, #tpu.memory_space<vmem>> -> memref<25x80xi32, #tpu.memory_space<vmem>>
    %dma_start3A_290 = arith.constant 0 : i32
    %dma_start3A_291 = arith.constant 0 : i32
    %dma_start3A_292 = tpu.memref_slice %arg3[%add3A, %dma_start3A_284, %dma_start3A_290, %dma_start3A_291] : memref<32x5x25x80xi32, #tpu.memory_space<hbm>> -> memref<1x1x25x80xi32, #tpu.memory_space<hbm>>
    %dma_start3A_293 = tpu.memref_squeeze %dma_start3A_292 : memref<1x1x25x80xi32, #tpu.memory_space<hbm>> -> memref<25x80xi32, #tpu.memory_space<hbm>>
    %dma_start3A_294 = arith.constant 0 : i32
    %dma_start3A_295 = arith.constant 0 : i32
    %dma_start3A_296 = tpu.memref_slice %arg8[%dma_start3A_285, %dma_start3A_294, %dma_start3A_295] : memref<2x25x80xi32, #tpu.memory_space<vmem>> -> memref<1x25x80xi32, #tpu.memory_space<vmem>>
    %dma_start3A_297 = tpu.memref_squeeze %dma_start3A_296 : memref<1x25x80xi32, #tpu.memory_space<vmem>> -> memref<25x80xi32, #tpu.memory_space<vmem>>
    %dma_start3A_298 = arith.constant 0 : i32
    %dma_start3A_299 = arith.constant 0 : i32
    %dma_start3A_300 = tpu.memref_slice %arg3[%add3A, %dma_start3A_284, %dma_start3A_298, %dma_start3A_299] : memref<32x5x25x80xi32, #tpu.memory_space<hbm>> -> memref<1x1x25x80xi32, #tpu.memory_space<hbm>>
    %dma_start3A_301 = tpu.memref_squeeze %dma_start3A_300 : memref<1x1x25x80xi32, #tpu.memory_space<hbm>> -> memref<25x80xi32, #tpu.memory_space<hbm>>
    tpu.enqueue_dma source(%dma_start3A_301 : memref<25x80xi32, #tpu.memory_space<hbm>>) target(%dma_start3A_297 : memref<25x80xi32, #tpu.memory_space<vmem>>) target_semaphore(%arg15 : memref<!tpu.dma_semaphore, #tpu.memory_space<semaphore_mem>>)
    %dma_start3A_302 = arith.constant 4 : i32
    %dma_start3A_303 = arith.constant 0 : i32
    %dma_start3A_304 = arith.constant 0 : i32
    %dma_start3A_305 = arith.constant 0 : i32
    %dma_start3A_306 = tpu.memref_slice %arg9[%dma_start3A_303, %dma_start3A_304, %dma_start3A_305] : memref<2x25x80xi32, #tpu.memory_space<vmem>> -> memref<1x25x80xi32, #tpu.memory_space<vmem>>
    %dma_start3A_307 = tpu.memref_squeeze %dma_start3A_306 : memref<1x25x80xi32, #tpu.memory_space<vmem>> -> memref<25x80xi32, #tpu.memory_space<vmem>>
    %dma_start3A_308 = arith.constant 0 : i32
    %dma_start3A_309 = arith.constant 0 : i32
    %dma_start3A_310 = tpu.memref_slice %arg4[%add3A, %dma_start3A_302, %dma_start3A_308, %dma_start3A_309] : memref<32x5x25x80xi32, #tpu.memory_space<hbm>> -> memref<1x1x25x80xi32, #tpu.memory_space<hbm>>
    %dma_start3A_311 = tpu.memref_squeeze %dma_start3A_310 : memref<1x1x25x80xi32, #tpu.memory_space<hbm>> -> memref<25x80xi32, #tpu.memory_space<hbm>>
    %dma_start3A_312 = arith.constant 0 : i32
    %dma_start3A_313 = arith.constant 0 : i32
    %dma_start3A_314 = tpu.memref_slice %arg9[%dma_start3A_303, %dma_start3A_312, %dma_start3A_313] : memref<2x25x80xi32, #tpu.memory_space<vmem>> -> memref<1x25x80xi32, #tpu.memory_space<vmem>>
    %dma_start3A_315 = tpu.memref_squeeze %dma_start3A_314 : memref<1x25x80xi32, #tpu.memory_space<vmem>> -> memref<25x80xi32, #tpu.memory_space<vmem>>
    %dma_start3A_316 = arith.constant 0 : i32
    %dma_start3A_317 = arith.constant 0 : i32
    %dma_start3A_318 = tpu.memref_slice %arg4[%add3A, %dma_start3A_302, %dma_start3A_316, %dma_start3A_317] : memref<32x5x25x80xi32, #tpu.memory_space<hbm>> -> memref<1x1x25x80xi32, #tpu.memory_space<hbm>>
    %dma_start3A_319 = tpu.memref_squeeze %dma_start3A_318 : memref<1x1x25x80xi32, #tpu.memory_space<hbm>> -> memref<25x80xi32, #tpu.memory_space<hbm>>
    tpu.enqueue_dma source(%dma_start3A_319 : memref<25x80xi32, #tpu.memory_space<hbm>>) target(%dma_start3A_315 : memref<25x80xi32, #tpu.memory_space<vmem>>) target_semaphore(%arg15 : memref<!tpu.dma_semaphore, #tpu.memory_space<semaphore_mem>>)
    %dma_start3A_320 = arith.constant 1 : i32
    %dma_start3A_321 = arith.constant 0 : i32
    %dma_start3A_322 = arith.constant 0 : i32
    %dma_start3A_323 = arith.constant 0 : i32
    %dma_start3A_324 = tpu.memref_slice %arg8[%dma_start3A_320, %dma_start3A_322, %dma_start3A_323] : memref<2x25x80xi32, #tpu.memory_space<vmem>> -> memref<1x25x80xi32, #tpu.memory_space<vmem>>
    %dma_start3A_325 = tpu.memref_squeeze %dma_start3A_324 : memref<1x25x80xi32, #tpu.memory_space<vmem>> -> memref<25x80xi32, #tpu.memory_space<vmem>>
    %dma_start3A_326 = arith.constant 0 : i32
    %dma_start3A_327 = tpu.memref_slice %dma_start3A_325[%dma_start3A_321, %dma_start3A_326] : memref<25x80xi32, #tpu.memory_space<vmem>> -> memref<1x80xi32, #tpu.memory_space<vmem>>
    %dma_start3A_328 = tpu.memref_squeeze %dma_start3A_327 : memref<1x80xi32, #tpu.memory_space<vmem>> -> memref<80xi32, #tpu.memory_space<vmem>>
    %dma_start3A_329 = arith.constant 0 : i32
    %dma_start3A_330 = arith.constant 0 : i32
    %dma_start3A_331 = tpu.memref_slice %arg2[%dma_start3A_329, %dma_start3A_330] : memref<10000x128xf32, #tpu.memory_space<hbm>> -> memref<10000x128xf32, #tpu.memory_space<hbm>>
    tpu.enqueue_indirect_dma source(%dma_start3A_331 : memref<10000x128xf32, #tpu.memory_space<hbm>>) target(%arg10 : memref<80x128xf32, #tpu.memory_space<vmem>>) offsets(%dma_start3A_328 : memref<80xi32, #tpu.memory_space<vmem>>) semaphore(%arg13 : memref<!tpu.dma_semaphore, #tpu.memory_space<semaphore_mem>>)
    %scan3A_332 = arith.constant 0 : i32
    %scan3A_333 = arith.constant 1 : i32
    %scan3A_334 = arith.constant 1 : i32
    %scan3A_335 = arith.constant 0 : i32
    %scan3A_336 = arith.constant 13 : i32
    %scan3A_337 = arith.addi %scan3A_335, %scan3A_336 : i32
    %scan3A_338 = arith.constant 1 : i32
    scf.for %scan3A_401 = %scan3A_335 to %scan3A_337 step %scan3A_338  : i32 {
      %mul3A_402 = arith.constant 2 : i32
      %mul3A_403 = arith.muli %mul3A_402, %scan3A_401 : i32
      %add3A_404 = arith.constant 1 : i32
      %add3A_405 = arith.addi %mul3A_403, %add3A_404 : i32
      %lt3A = arith.constant 25 : i32
      %lt3A_406 = arith.cmpi slt, %add3A_405, %lt3A : i32
      %convert_element_type3A = arith.extui %lt3A_406 : i1 to i32
      %cond3A = arith.constant 0 : i32
      %cond3A_407 = arith.cmpi ne, %convert_element_type3A, %cond3A : i32
      scf.if %cond3A_407 {
        %add3A_432 = arith.constant 1 : i32
        %add3A_433 = arith.addi %mul3A_403, %add3A_432 : i32
        %dma_start3A_434 = arith.constant 0 : i32
        %dma_start3A_435 = arith.constant 0 : i32
        %dma_start3A_436 = tpu.memref_slice %arg8[%scan3A_333, %dma_start3A_434, %dma_start3A_435] : memref<2x25x80xi32, #tpu.memory_space<vmem>> -> memref<1x25x80xi32, #tpu.memory_space<vmem>>
        %dma_start3A_437 = tpu.memref_squeeze %dma_start3A_436 : memref<1x25x80xi32, #tpu.memory_space<vmem>> -> memref<25x80xi32, #tpu.memory_space<vmem>>
        %dma_start3A_438 = arith.constant 0 : i32
        %dma_start3A_439 = tpu.memref_slice %dma_start3A_437[%add3A_433, %dma_start3A_438] : memref<25x80xi32, #tpu.memory_space<vmem>> -> memref<1x80xi32, #tpu.memory_space<vmem>>
        %dma_start3A_440 = tpu.memref_squeeze %dma_start3A_439 : memref<1x80xi32, #tpu.memory_space<vmem>> -> memref<80xi32, #tpu.memory_space<vmem>>
        %dma_start3A_441 = arith.constant 0 : i32
        %dma_start3A_442 = arith.constant 0 : i32
        %dma_start3A_443 = tpu.memref_slice %arg2[%dma_start3A_441, %dma_start3A_442] : memref<10000x128xf32, #tpu.memory_space<hbm>> -> memref<10000x128xf32, #tpu.memory_space<hbm>>
        tpu.enqueue_indirect_dma source(%dma_start3A_443 : memref<10000x128xf32, #tpu.memory_space<hbm>>) target(%arg11 : memref<80x128xf32, #tpu.memory_space<vmem>>) offsets(%dma_start3A_440 : memref<80xi32, #tpu.memory_space<vmem>>) semaphore(%arg14 : memref<!tpu.dma_semaphore, #tpu.memory_space<semaphore_mem>>)
      } else {
      }
      %dma_wait3A_408 = arith.constant 0 : i32
      %dma_wait3A_409 = arith.constant 0 : i32
      %dma_wait3A_410 = tpu.memref_slice %arg8[%scan3A_333, %dma_wait3A_408, %dma_wait3A_409] : memref<2x25x80xi32, #tpu.memory_space<vmem>> -> memref<1x25x80xi32, #tpu.memory_space<vmem>>
      %dma_wait3A_411 = tpu.memref_squeeze %dma_wait3A_410 : memref<1x25x80xi32, #tpu.memory_space<vmem>> -> memref<25x80xi32, #tpu.memory_space<vmem>>
      %dma_wait3A_412 = arith.constant 0 : i32
      %dma_wait3A_413 = tpu.memref_slice %dma_wait3A_411[%mul3A_403, %dma_wait3A_412] : memref<25x80xi32, #tpu.memory_space<vmem>> -> memref<1x80xi32, #tpu.memory_space<vmem>>
      %dma_wait3A_414 = tpu.memref_squeeze %dma_wait3A_413 : memref<1x80xi32, #tpu.memory_space<vmem>> -> memref<80xi32, #tpu.memory_space<vmem>>
      %dma_wait3A_415 = arith.constant 0 : i32
      %dma_wait3A_416 = arith.constant 0 : i32
      %dma_wait3A_417 = tpu.memref_slice %arg2[%dma_wait3A_415, %dma_wait3A_416] : memref<10000x128xf32, #tpu.memory_space<hbm>> -> memref<10000x128xf32, #tpu.memory_space<hbm>>
      tpu.wait_indirect_dma semaphore(%arg13 : memref<!tpu.dma_semaphore, #tpu.memory_space<semaphore_mem>>) src(%dma_wait3A_417 : memref<10000x128xf32, #tpu.memory_space<hbm>>) dst(%arg10 : memref<80x128xf32, #tpu.memory_space<vmem>>)
      "tpu.region"() ({
        %run_scoped3A_432 = tpu.sem_alloc : memref<!tpu.dma_semaphore, #tpu.memory_space<semaphore_mem>>
        %dma_start3A_433 = arith.constant 0 : i32
        %dma_start3A_434 = arith.constant 0 : i32
        %dma_start3A_435 = tpu.memref_slice %arg9[%scan3A_334, %dma_start3A_433, %dma_start3A_434] : memref<2x25x80xi32, #tpu.memory_space<vmem>> -> memref<1x25x80xi32, #tpu.memory_space<vmem>>
        %dma_start3A_436 = tpu.memref_squeeze %dma_start3A_435 : memref<1x25x80xi32, #tpu.memory_space<vmem>> -> memref<25x80xi32, #tpu.memory_space<vmem>>
        %dma_start3A_437 = arith.constant 0 : i32
        %dma_start3A_438 = tpu.memref_slice %dma_start3A_436[%mul3A_403, %dma_start3A_437] : memref<25x80xi32, #tpu.memory_space<vmem>> -> memref<1x80xi32, #tpu.memory_space<vmem>>
        %dma_start3A_439 = tpu.memref_squeeze %dma_start3A_438 : memref<1x80xi32, #tpu.memory_space<vmem>> -> memref<80xi32, #tpu.memory_space<vmem>>
        %dma_start3A_440 = arith.constant 0 : i32
        %dma_start3A_441 = arith.constant 0 : i32
        %dma_start3A_442 = tpu.memref_slice %arg12[%dma_start3A_440, %dma_start3A_441] : memref<10240x128xf32, #tpu.memory_space<vmem_shared>> -> memref<10240x128xf32, #tpu.memory_space<vmem_shared>>
        tpu.enqueue_indirect_dma source(%arg10 : memref<80x128xf32, #tpu.memory_space<vmem>>) target(%dma_start3A_442 : memref<10240x128xf32, #tpu.memory_space<vmem_shared>>) offsets(%dma_start3A_439 : memref<80xi32, #tpu.memory_space<vmem>>) semaphore(%run_scoped3A_432 : memref<!tpu.dma_semaphore, #tpu.memory_space<semaphore_mem>>) {add = true}
        %dma_wait3A_443 = arith.constant 0 : i32
        %dma_wait3A_444 = arith.constant 0 : i32
        %dma_wait3A_445 = tpu.memref_slice %arg9[%scan3A_334, %dma_wait3A_443, %dma_wait3A_444] : memref<2x25x80xi32, #tpu.memory_space<vmem>> -> memref<1x25x80xi32, #tpu.memory_space<vmem>>
        %dma_wait3A_446 = tpu.memref_squeeze %dma_wait3A_445 : memref<1x25x80xi32, #tpu.memory_space<vmem>> -> memref<25x80xi32, #tpu.memory_space<vmem>>
        %dma_wait3A_447 = arith.constant 0 : i32
        %dma_wait3A_448 = tpu.memref_slice %dma_wait3A_446[%mul3A_403, %dma_wait3A_447] : memref<25x80xi32, #tpu.memory_space<vmem>> -> memref<1x80xi32, #tpu.memory_space<vmem>>
        %dma_wait3A_449 = tpu.memref_squeeze %dma_wait3A_448 : memref<1x80xi32, #tpu.memory_space<vmem>> -> memref<80xi32, #tpu.memory_space<vmem>>
        %dma_wait3A_450 = arith.constant 0 : i32
        %dma_wait3A_451 = arith.constant 0 : i32
        %dma_wait3A_452 = tpu.memref_slice %arg12[%dma_wait3A_450, %dma_wait3A_451] : memref<10240x128xf32, #tpu.memory_space<vmem_shared>> -> memref<10240x128xf32, #tpu.memory_space<vmem_shared>>
        tpu.wait_indirect_dma semaphore(%run_scoped3A_432 : memref<!tpu.dma_semaphore, #tpu.memory_space<semaphore_mem>>) src(%arg10 : memref<80x128xf32, #tpu.memory_space<vmem>>) dst(%dma_wait3A_452 : memref<10240x128xf32, #tpu.memory_space<vmem_shared>>)
        tpu.yield
      }) : () -> ()
      %add3A_418 = arith.constant 2 : i32
      %add3A_419 = arith.addi %mul3A_403, %add3A_418 : i32
      %lt3A_420 = arith.constant 25 : i32
      %lt3A_421 = arith.cmpi slt, %add3A_419, %lt3A_420 : i32
      %convert_element_type3A_422 = arith.extui %lt3A_421 : i1 to i32
      %cond3A_423 = arith.constant 0 : i32
      %cond3A_424 = arith.cmpi ne, %convert_element_type3A_422, %cond3A_423 : i32
      scf.if %cond3A_424 {
        %add3A_432 = arith.constant 2 : i32
        %add3A_433 = arith.addi %mul3A_403, %add3A_432 : i32
        %dma_start3A_434 = arith.constant 0 : i32
        %dma_start3A_435 = arith.constant 0 : i32
        %dma_start3A_436 = tpu.memref_slice %arg8[%scan3A_333, %dma_start3A_434, %dma_start3A_435] : memref<2x25x80xi32, #tpu.memory_space<vmem>> -> memref<1x25x80xi32, #tpu.memory_space<vmem>>
        %dma_start3A_437 = tpu.memref_squeeze %dma_start3A_436 : memref<1x25x80xi32, #tpu.memory_space<vmem>> -> memref<25x80xi32, #tpu.memory_space<vmem>>
        %dma_start3A_438 = arith.constant 0 : i32
        %dma_start3A_439 = tpu.memref_slice %dma_start3A_437[%add3A_433, %dma_start3A_438] : memref<25x80xi32, #tpu.memory_space<vmem>> -> memref<1x80xi32, #tpu.memory_space<vmem>>
        %dma_start3A_440 = tpu.memref_squeeze %dma_start3A_439 : memref<1x80xi32, #tpu.memory_space<vmem>> -> memref<80xi32, #tpu.memory_space<vmem>>
        %dma_start3A_441 = arith.constant 0 : i32
        %dma_start3A_442 = arith.constant 0 : i32
        %dma_start3A_443 = tpu.memref_slice %arg2[%dma_start3A_441, %dma_start3A_442] : memref<10000x128xf32, #tpu.memory_space<hbm>> -> memref<10000x128xf32, #tpu.memory_space<hbm>>
        tpu.enqueue_indirect_dma source(%dma_start3A_443 : memref<10000x128xf32, #tpu.memory_space<hbm>>) target(%arg10 : memref<80x128xf32, #tpu.memory_space<vmem>>) offsets(%dma_start3A_440 : memref<80xi32, #tpu.memory_space<vmem>>) semaphore(%arg13 : memref<!tpu.dma_semaphore, #tpu.memory_space<semaphore_mem>>)
      } else {
      }
      %add3A_425 = arith.constant 1 : i32
      %add3A_426 = arith.addi %mul3A_403, %add3A_425 : i32
      %lt3A_427 = arith.constant 25 : i32
      %lt3A_428 = arith.cmpi slt, %add3A_426, %lt3A_427 : i32
      %convert_element_type3A_429 = arith.extui %lt3A_428 : i1 to i32
      %cond3A_430 = arith.constant 0 : i32
      %cond3A_431 = arith.cmpi ne, %convert_element_type3A_429, %cond3A_430 : i32
      scf.if %cond3A_431 {
        %add3A_432 = arith.constant 1 : i32
        %add3A_433 = arith.addi %mul3A_403, %add3A_432 : i32
        %dma_wait3A_434 = arith.constant 0 : i32
        %dma_wait3A_435 = arith.constant 0 : i32
        %dma_wait3A_436 = tpu.memref_slice %arg8[%scan3A_333, %dma_wait3A_434, %dma_wait3A_435] : memref<2x25x80xi32, #tpu.memory_space<vmem>> -> memref<1x25x80xi32, #tpu.memory_space<vmem>>
        %dma_wait3A_437 = tpu.memref_squeeze %dma_wait3A_436 : memref<1x25x80xi32, #tpu.memory_space<vmem>> -> memref<25x80xi32, #tpu.memory_space<vmem>>
        %dma_wait3A_438 = arith.constant 0 : i32
        %dma_wait3A_439 = tpu.memref_slice %dma_wait3A_437[%add3A_433, %dma_wait3A_438] : memref<25x80xi32, #tpu.memory_space<vmem>> -> memref<1x80xi32, #tpu.memory_space<vmem>>
        %dma_wait3A_440 = tpu.memref_squeeze %dma_wait3A_439 : memref<1x80xi32, #tpu.memory_space<vmem>> -> memref<80xi32, #tpu.memory_space<vmem>>
        %dma_wait3A_441 = arith.constant 0 : i32
        %dma_wait3A_442 = arith.constant 0 : i32
        %dma_wait3A_443 = tpu.memref_slice %arg2[%dma_wait3A_441, %dma_wait3A_442] : memref<10000x128xf32, #tpu.memory_space<hbm>> -> memref<10000x128xf32, #tpu.memory_space<hbm>>
        tpu.wait_indirect_dma semaphore(%arg14 : memref<!tpu.dma_semaphore, #tpu.memory_space<semaphore_mem>>) src(%dma_wait3A_443 : memref<10000x128xf32, #tpu.memory_space<hbm>>) dst(%arg11 : memref<80x128xf32, #tpu.memory_space<vmem>>)
        %add3A_444 = arith.constant 1 : i32
        %add3A_445 = arith.addi %mul3A_403, %add3A_444 : i32
        "tpu.region"() ({
          %run_scoped3A_448 = tpu.sem_alloc : memref<!tpu.dma_semaphore, #tpu.memory_space<semaphore_mem>>
          %dma_start3A_449 = arith.constant 0 : i32
          %dma_start3A_450 = arith.constant 0 : i32
          %dma_start3A_451 = tpu.memref_slice %arg9[%scan3A_334, %dma_start3A_449, %dma_start3A_450] : memref<2x25x80xi32, #tpu.memory_space<vmem>> -> memref<1x25x80xi32, #tpu.memory_space<vmem>>
          %dma_start3A_452 = tpu.memref_squeeze %dma_start3A_451 : memref<1x25x80xi32, #tpu.memory_space<vmem>> -> memref<25x80xi32, #tpu.memory_space<vmem>>
          %dma_start3A_453 = arith.constant 0 : i32
          %dma_start3A_454 = tpu.memref_slice %dma_start3A_452[%add3A_445, %dma_start3A_453] : memref<25x80xi32, #tpu.memory_space<vmem>> -> memref<1x80xi32, #tpu.memory_space<vmem>>
          %dma_start3A_455 = tpu.memref_squeeze %dma_start3A_454 : memref<1x80xi32, #tpu.memory_space<vmem>> -> memref<80xi32, #tpu.memory_space<vmem>>
          %dma_start3A_456 = arith.constant 0 : i32
          %dma_start3A_457 = arith.constant 0 : i32
          %dma_start3A_458 = tpu.memref_slice %arg12[%dma_start3A_456, %dma_start3A_457] : memref<10240x128xf32, #tpu.memory_space<vmem_shared>> -> memref<10240x128xf32, #tpu.memory_space<vmem_shared>>
          tpu.enqueue_indirect_dma source(%arg11 : memref<80x128xf32, #tpu.memory_space<vmem>>) target(%dma_start3A_458 : memref<10240x128xf32, #tpu.memory_space<vmem_shared>>) offsets(%dma_start3A_455 : memref<80xi32, #tpu.memory_space<vmem>>) semaphore(%run_scoped3A_448 : memref<!tpu.dma_semaphore, #tpu.memory_space<semaphore_mem>>) {add = true}
          %dma_wait3A_459 = arith.constant 0 : i32
          %dma_wait3A_460 = arith.constant 0 : i32
          %dma_wait3A_461 = tpu.memref_slice %arg9[%scan3A_334, %dma_wait3A_459, %dma_wait3A_460] : memref<2x25x80xi32, #tpu.memory_space<vmem>> -> memref<1x25x80xi32, #tpu.memory_space<vmem>>
          %dma_wait3A_462 = tpu.memref_squeeze %dma_wait3A_461 : memref<1x25x80xi32, #tpu.memory_space<vmem>> -> memref<25x80xi32, #tpu.memory_space<vmem>>
          %dma_wait3A_463 = arith.constant 0 : i32
          %dma_wait3A_464 = tpu.memref_slice %dma_wait3A_462[%add3A_445, %dma_wait3A_463] : memref<25x80xi32, #tpu.memory_space<vmem>> -> memref<1x80xi32, #tpu.memory_space<vmem>>
          %dma_wait3A_465 = tpu.memref_squeeze %dma_wait3A_464 : memref<1x80xi32, #tpu.memory_space<vmem>> -> memref<80xi32, #tpu.memory_space<vmem>>
          %dma_wait3A_466 = arith.constant 0 : i32
          %dma_wait3A_467 = arith.constant 0 : i32
          %dma_wait3A_468 = tpu.memref_slice %arg12[%dma_wait3A_466, %dma_wait3A_467] : memref<10240x128xf32, #tpu.memory_space<vmem_shared>> -> memref<10240x128xf32, #tpu.memory_space<vmem_shared>>
          tpu.wait_indirect_dma semaphore(%run_scoped3A_448 : memref<!tpu.dma_semaphore, #tpu.memory_space<semaphore_mem>>) src(%arg11 : memref<80x128xf32, #tpu.memory_space<vmem>>) dst(%dma_wait3A_468 : memref<10240x128xf32, #tpu.memory_space<vmem_shared>>)
          tpu.yield
        }) : () -> ()
        %add3A_446 = arith.constant 1 : i32
        %add3A_447 = arith.addi %mul3A_403, %add3A_446 : i32
      } else {
      }
    }
    %scan3A_339 = arith.constant 13 : i32
    %dma_wait3A_340 = arith.constant 4 : i32
    %dma_wait3A_341 = arith.constant 0 : i32
    %dma_wait3A_342 = arith.constant 0 : i32
    %dma_wait3A_343 = arith.constant 0 : i32
    %dma_wait3A_344 = tpu.memref_slice %arg8[%dma_wait3A_341, %dma_wait3A_342, %dma_wait3A_343] : memref<2x25x80xi32, #tpu.memory_space<vmem>> -> memref<1x25x80xi32, #tpu.memory_space<vmem>>
    %dma_wait3A_345 = tpu.memref_squeeze %dma_wait3A_344 : memref<1x25x80xi32, #tpu.memory_space<vmem>> -> memref<25x80xi32, #tpu.memory_space<vmem>>
    %dma_wait3A_346 = arith.constant 0 : i32
    %dma_wait3A_347 = arith.constant 0 : i32
    %dma_wait3A_348 = tpu.memref_slice %arg3[%add3A, %dma_wait3A_340, %dma_wait3A_346, %dma_wait3A_347] : memref<32x5x25x80xi32, #tpu.memory_space<hbm>> -> memref<1x1x25x80xi32, #tpu.memory_space<hbm>>
    %dma_wait3A_349 = tpu.memref_squeeze %dma_wait3A_348 : memref<1x1x25x80xi32, #tpu.memory_space<hbm>> -> memref<25x80xi32, #tpu.memory_space<hbm>>
    %dma_wait3A_350 = arith.constant 0 : i32
    %dma_wait3A_351 = arith.constant 0 : i32
    %dma_wait3A_352 = tpu.memref_slice %arg8[%dma_wait3A_341, %dma_wait3A_350, %dma_wait3A_351] : memref<2x25x80xi32, #tpu.memory_space<vmem>> -> memref<1x25x80xi32, #tpu.memory_space<vmem>>
    %dma_wait3A_353 = tpu.memref_squeeze %dma_wait3A_352 : memref<1x25x80xi32, #tpu.memory_space<vmem>> -> memref<25x80xi32, #tpu.memory_space<vmem>>
    %dma_wait3A_354 = arith.constant 0 : i32
    %dma_wait3A_355 = arith.constant 0 : i32
    %dma_wait3A_356 = tpu.memref_slice %arg3[%add3A, %dma_wait3A_340, %dma_wait3A_354, %dma_wait3A_355] : memref<32x5x25x80xi32, #tpu.memory_space<hbm>> -> memref<1x1x25x80xi32, #tpu.memory_space<hbm>>
    %dma_wait3A_357 = tpu.memref_squeeze %dma_wait3A_356 : memref<1x1x25x80xi32, #tpu.memory_space<hbm>> -> memref<25x80xi32, #tpu.memory_space<hbm>>
    tpu.wait_dma2 semaphore(%arg15 : memref<!tpu.dma_semaphore, #tpu.memory_space<semaphore_mem>>) src(%dma_wait3A_357 : memref<25x80xi32, #tpu.memory_space<hbm>>) dst(%dma_wait3A_353 : memref<25x80xi32, #tpu.memory_space<vmem>>)
    %dma_wait3A_358 = arith.constant 4 : i32
    %dma_wait3A_359 = arith.constant 0 : i32
    %dma_wait3A_360 = arith.constant 0 : i32
    %dma_wait3A_361 = arith.constant 0 : i32
    %dma_wait3A_362 = tpu.memref_slice %arg9[%dma_wait3A_359, %dma_wait3A_360, %dma_wait3A_361] : memref<2x25x80xi32, #tpu.memory_space<vmem>> -> memref<1x25x80xi32, #tpu.memory_space<vmem>>
    %dma_wait3A_363 = tpu.memref_squeeze %dma_wait3A_362 : memref<1x25x80xi32, #tpu.memory_space<vmem>> -> memref<25x80xi32, #tpu.memory_space<vmem>>
    %dma_wait3A_364 = arith.constant 0 : i32
    %dma_wait3A_365 = arith.constant 0 : i32
    %dma_wait3A_366 = tpu.memref_slice %arg4[%add3A, %dma_wait3A_358, %dma_wait3A_364, %dma_wait3A_365] : memref<32x5x25x80xi32, #tpu.memory_space<hbm>> -> memref<1x1x25x80xi32, #tpu.memory_space<hbm>>
    %dma_wait3A_367 = tpu.memref_squeeze %dma_wait3A_366 : memref<1x1x25x80xi32, #tpu.memory_space<hbm>> -> memref<25x80xi32, #tpu.memory_space<hbm>>
    %dma_wait3A_368 = arith.constant 0 : i32
    %dma_wait3A_369 = arith.constant 0 : i32
    %dma_wait3A_370 = tpu.memref_slice %arg9[%dma_wait3A_359, %dma_wait3A_368, %dma_wait3A_369] : memref<2x25x80xi32, #tpu.memory_space<vmem>> -> memref<1x25x80xi32, #tpu.memory_space<vmem>>
    %dma_wait3A_371 = tpu.memref_squeeze %dma_wait3A_370 : memref<1x25x80xi32, #tpu.memory_space<vmem>> -> memref<25x80xi32, #tpu.memory_space<vmem>>
    %dma_wait3A_372 = arith.constant 0 : i32
    %dma_wait3A_373 = arith.constant 0 : i32
    %dma_wait3A_374 = tpu.memref_slice %arg4[%add3A, %dma_wait3A_358, %dma_wait3A_372, %dma_wait3A_373] : memref<32x5x25x80xi32, #tpu.memory_space<hbm>> -> memref<1x1x25x80xi32, #tpu.memory_space<hbm>>
    %dma_wait3A_375 = tpu.memref_squeeze %dma_wait3A_374 : memref<1x1x25x80xi32, #tpu.memory_space<hbm>> -> memref<25x80xi32, #tpu.memory_space<hbm>>
    tpu.wait_dma2 semaphore(%arg15 : memref<!tpu.dma_semaphore, #tpu.memory_space<semaphore_mem>>) src(%dma_wait3A_375 : memref<25x80xi32, #tpu.memory_space<hbm>>) dst(%dma_wait3A_371 : memref<25x80xi32, #tpu.memory_space<vmem>>)
    %dma_start3A_376 = arith.constant 0 : i32
    %dma_start3A_377 = arith.constant 0 : i32
    %dma_start3A_378 = arith.constant 0 : i32
    %dma_start3A_379 = arith.constant 0 : i32
    %dma_start3A_380 = tpu.memref_slice %arg8[%dma_start3A_376, %dma_start3A_378, %dma_start3A_379] : memref<2x25x80xi32, #tpu.memory_space<vmem>> -> memref<1x25x80xi32, #tpu.memory_space<vmem>>
    %dma_start3A_381 = tpu.memref_squeeze %dma_start3A_380 : memref<1x25x80xi32, #tpu.memory_space<vmem>> -> memref<25x80xi32, #tpu.memory_space<vmem>>
    %dma_start3A_382 = arith.constant 0 : i32
    %dma_start3A_383 = tpu.memref_slice %dma_start3A_381[%dma_start3A_377, %dma_start3A_382] : memref<25x80xi32, #tpu.memory_space<vmem>> -> memref<1x80xi32, #tpu.memory_space<vmem>>
    %dma_start3A_384 = tpu.memref_squeeze %dma_start3A_383 : memref<1x80xi32, #tpu.memory_space<vmem>> -> memref<80xi32, #tpu.memory_space<vmem>>
    %dma_start3A_385 = arith.constant 0 : i32
    %dma_start3A_386 = arith.constant 0 : i32
    %dma_start3A_387 = tpu.memref_slice %arg2[%dma_start3A_385, %dma_start3A_386] : memref<10000x128xf32, #tpu.memory_space<hbm>> -> memref<10000x128xf32, #tpu.memory_space<hbm>>
    tpu.enqueue_indirect_dma source(%dma_start3A_387 : memref<10000x128xf32, #tpu.memory_space<hbm>>) target(%arg10 : memref<80x128xf32, #tpu.memory_space<vmem>>) offsets(%dma_start3A_384 : memref<80xi32, #tpu.memory_space<vmem>>) semaphore(%arg13 : memref<!tpu.dma_semaphore, #tpu.memory_space<semaphore_mem>>)
    %scan3A_388 = arith.constant 0 : i32
    %scan3A_389 = arith.constant 0 : i32
    %scan3A_390 = arith.constant 0 : i32
    %scan3A_391 = arith.constant 0 : i32
    %scan3A_392 = arith.constant 13 : i32
    %scan3A_393 = arith.addi %scan3A_391, %scan3A_392 : i32
    %scan3A_394 = arith.constant 1 : i32
    scf.for %scan3A_401 = %scan3A_391 to %scan3A_393 step %scan3A_394  : i32 {
      %mul3A_402 = arith.constant 2 : i32
      %mul3A_403 = arith.muli %mul3A_402, %scan3A_401 : i32
      %add3A_404 = arith.constant 1 : i32
      %add3A_405 = arith.addi %mul3A_403, %add3A_404 : i32
      %lt3A = arith.constant 25 : i32
      %lt3A_406 = arith.cmpi slt, %add3A_405, %lt3A : i32
      %convert_element_type3A = arith.extui %lt3A_406 : i1 to i32
      %cond3A = arith.constant 0 : i32
      %cond3A_407 = arith.cmpi ne, %convert_element_type3A, %cond3A : i32
      scf.if %cond3A_407 {
        %add3A_432 = arith.constant 1 : i32
        %add3A_433 = arith.addi %mul3A_403, %add3A_432 : i32
        %dma_start3A_434 = arith.constant 0 : i32
        %dma_start3A_435 = arith.constant 0 : i32
        %dma_start3A_436 = tpu.memref_slice %arg8[%scan3A_389, %dma_start3A_434, %dma_start3A_435] : memref<2x25x80xi32, #tpu.memory_space<vmem>> -> memref<1x25x80xi32, #tpu.memory_space<vmem>>
        %dma_start3A_437 = tpu.memref_squeeze %dma_start3A_436 : memref<1x25x80xi32, #tpu.memory_space<vmem>> -> memref<25x80xi32, #tpu.memory_space<vmem>>
        %dma_start3A_438 = arith.constant 0 : i32
        %dma_start3A_439 = tpu.memref_slice %dma_start3A_437[%add3A_433, %dma_start3A_438] : memref<25x80xi32, #tpu.memory_space<vmem>> -> memref<1x80xi32, #tpu.memory_space<vmem>>
        %dma_start3A_440 = tpu.memref_squeeze %dma_start3A_439 : memref<1x80xi32, #tpu.memory_space<vmem>> -> memref<80xi32, #tpu.memory_space<vmem>>
        %dma_start3A_441 = arith.constant 0 : i32
        %dma_start3A_442 = arith.constant 0 : i32
        %dma_start3A_443 = tpu.memref_slice %arg2[%dma_start3A_441, %dma_start3A_442] : memref<10000x128xf32, #tpu.memory_space<hbm>> -> memref<10000x128xf32, #tpu.memory_space<hbm>>
        tpu.enqueue_indirect_dma source(%dma_start3A_443 : memref<10000x128xf32, #tpu.memory_space<hbm>>) target(%arg11 : memref<80x128xf32, #tpu.memory_space<vmem>>) offsets(%dma_start3A_440 : memref<80xi32, #tpu.memory_space<vmem>>) semaphore(%arg14 : memref<!tpu.dma_semaphore, #tpu.memory_space<semaphore_mem>>)
      } else {
      }
      %dma_wait3A_408 = arith.constant 0 : i32
      %dma_wait3A_409 = arith.constant 0 : i32
      %dma_wait3A_410 = tpu.memref_slice %arg8[%scan3A_389, %dma_wait3A_408, %dma_wait3A_409] : memref<2x25x80xi32, #tpu.memory_space<vmem>> -> memref<1x25x80xi32, #tpu.memory_space<vmem>>
      %dma_wait3A_411 = tpu.memref_squeeze %dma_wait3A_410 : memref<1x25x80xi32, #tpu.memory_space<vmem>> -> memref<25x80xi32, #tpu.memory_space<vmem>>
      %dma_wait3A_412 = arith.constant 0 : i32
      %dma_wait3A_413 = tpu.memref_slice %dma_wait3A_411[%mul3A_403, %dma_wait3A_412] : memref<25x80xi32, #tpu.memory_space<vmem>> -> memref<1x80xi32, #tpu.memory_space<vmem>>
      %dma_wait3A_414 = tpu.memref_squeeze %dma_wait3A_413 : memref<1x80xi32, #tpu.memory_space<vmem>> -> memref<80xi32, #tpu.memory_space<vmem>>
      %dma_wait3A_415 = arith.constant 0 : i32
      %dma_wait3A_416 = arith.constant 0 : i32
      %dma_wait3A_417 = tpu.memref_slice %arg2[%dma_wait3A_415, %dma_wait3A_416] : memref<10000x128xf32, #tpu.memory_space<hbm>> -> memref<10000x128xf32, #tpu.memory_space<hbm>>
      tpu.wait_indirect_dma semaphore(%arg13 : memref<!tpu.dma_semaphore, #tpu.memory_space<semaphore_mem>>) src(%dma_wait3A_417 : memref<10000x128xf32, #tpu.memory_space<hbm>>) dst(%arg10 : memref<80x128xf32, #tpu.memory_space<vmem>>)
      "tpu.region"() ({
        %run_scoped3A_432 = tpu.sem_alloc : memref<!tpu.dma_semaphore, #tpu.memory_space<semaphore_mem>>
        %dma_start3A_433 = arith.constant 0 : i32
        %dma_start3A_434 = arith.constant 0 : i32
        %dma_start3A_435 = tpu.memref_slice %arg9[%scan3A_390, %dma_start3A_433, %dma_start3A_434] : memref<2x25x80xi32, #tpu.memory_space<vmem>> -> memref<1x25x80xi32, #tpu.memory_space<vmem>>
        %dma_start3A_436 = tpu.memref_squeeze %dma_start3A_435 : memref<1x25x80xi32, #tpu.memory_space<vmem>> -> memref<25x80xi32, #tpu.memory_space<vmem>>
        %dma_start3A_437 = arith.constant 0 : i32
        %dma_start3A_438 = tpu.memref_slice %dma_start3A_436[%mul3A_403, %dma_start3A_437] : memref<25x80xi32, #tpu.memory_space<vmem>> -> memref<1x80xi32, #tpu.memory_space<vmem>>
        %dma_start3A_439 = tpu.memref_squeeze %dma_start3A_438 : memref<1x80xi32, #tpu.memory_space<vmem>> -> memref<80xi32, #tpu.memory_space<vmem>>
        %dma_start3A_440 = arith.constant 0 : i32
        %dma_start3A_441 = arith.constant 0 : i32
        %dma_start3A_442 = tpu.memref_slice %arg12[%dma_start3A_440, %dma_start3A_441] : memref<10240x128xf32, #tpu.memory_space<vmem_shared>> -> memref<10240x128xf32, #tpu.memory_space<vmem_shared>>
        tpu.enqueue_indirect_dma source(%arg10 : memref<80x128xf32, #tpu.memory_space<vmem>>) target(%dma_start3A_442 : memref<10240x128xf32, #tpu.memory_space<vmem_shared>>) offsets(%dma_start3A_439 : memref<80xi32, #tpu.memory_space<vmem>>) semaphore(%run_scoped3A_432 : memref<!tpu.dma_semaphore, #tpu.memory_space<semaphore_mem>>) {add = true}
        %dma_wait3A_443 = arith.constant 0 : i32
        %dma_wait3A_444 = arith.constant 0 : i32
        %dma_wait3A_445 = tpu.memref_slice %arg9[%scan3A_390, %dma_wait3A_443, %dma_wait3A_444] : memref<2x25x80xi32, #tpu.memory_space<vmem>> -> memref<1x25x80xi32, #tpu.memory_space<vmem>>
        %dma_wait3A_446 = tpu.memref_squeeze %dma_wait3A_445 : memref<1x25x80xi32, #tpu.memory_space<vmem>> -> memref<25x80xi32, #tpu.memory_space<vmem>>
        %dma_wait3A_447 = arith.constant 0 : i32
        %dma_wait3A_448 = tpu.memref_slice %dma_wait3A_446[%mul3A_403, %dma_wait3A_447] : memref<25x80xi32, #tpu.memory_space<vmem>> -> memref<1x80xi32, #tpu.memory_space<vmem>>
        %dma_wait3A_449 = tpu.memref_squeeze %dma_wait3A_448 : memref<1x80xi32, #tpu.memory_space<vmem>> -> memref<80xi32, #tpu.memory_space<vmem>>
        %dma_wait3A_450 = arith.constant 0 : i32
        %dma_wait3A_451 = arith.constant 0 : i32
        %dma_wait3A_452 = tpu.memref_slice %arg12[%dma_wait3A_450, %dma_wait3A_451] : memref<10240x128xf32, #tpu.memory_space<vmem_shared>> -> memref<10240x128xf32, #tpu.memory_space<vmem_shared>>
        tpu.wait_indirect_dma semaphore(%run_scoped3A_432 : memref<!tpu.dma_semaphore, #tpu.memory_space<semaphore_mem>>) src(%arg10 : memref<80x128xf32, #tpu.memory_space<vmem>>) dst(%dma_wait3A_452 : memref<10240x128xf32, #tpu.memory_space<vmem_shared>>)
        tpu.yield
      }) : () -> ()
      %add3A_418 = arith.constant 2 : i32
      %add3A_419 = arith.addi %mul3A_403, %add3A_418 : i32
      %lt3A_420 = arith.constant 25 : i32
      %lt3A_421 = arith.cmpi slt, %add3A_419, %lt3A_420 : i32
      %convert_element_type3A_422 = arith.extui %lt3A_421 : i1 to i32
      %cond3A_423 = arith.constant 0 : i32
      %cond3A_424 = arith.cmpi ne, %convert_element_type3A_422, %cond3A_423 : i32
      scf.if %cond3A_424 {
        %add3A_432 = arith.constant 2 : i32
        %add3A_433 = arith.addi %mul3A_403, %add3A_432 : i32
        %dma_start3A_434 = arith.constant 0 : i32
        %dma_start3A_435 = arith.constant 0 : i32
        %dma_start3A_436 = tpu.memref_slice %arg8[%scan3A_389, %dma_start3A_434, %dma_start3A_435] : memref<2x25x80xi32, #tpu.memory_space<vmem>> -> memref<1x25x80xi32, #tpu.memory_space<vmem>>
        %dma_start3A_437 = tpu.memref_squeeze %dma_start3A_436 : memref<1x25x80xi32, #tpu.memory_space<vmem>> -> memref<25x80xi32, #tpu.memory_space<vmem>>
        %dma_start3A_438 = arith.constant 0 : i32
        %dma_start3A_439 = tpu.memref_slice %dma_start3A_437[%add3A_433, %dma_start3A_438] : memref<25x80xi32, #tpu.memory_space<vmem>> -> memref<1x80xi32, #tpu.memory_space<vmem>>
        %dma_start3A_440 = tpu.memref_squeeze %dma_start3A_439 : memref<1x80xi32, #tpu.memory_space<vmem>> -> memref<80xi32, #tpu.memory_space<vmem>>
        %dma_start3A_441 = arith.constant 0 : i32
        %dma_start3A_442 = arith.constant 0 : i32
        %dma_start3A_443 = tpu.memref_slice %arg2[%dma_start3A_441, %dma_start3A_442] : memref<10000x128xf32, #tpu.memory_space<hbm>> -> memref<10000x128xf32, #tpu.memory_space<hbm>>
        tpu.enqueue_indirect_dma source(%dma_start3A_443 : memref<10000x128xf32, #tpu.memory_space<hbm>>) target(%arg10 : memref<80x128xf32, #tpu.memory_space<vmem>>) offsets(%dma_start3A_440 : memref<80xi32, #tpu.memory_space<vmem>>) semaphore(%arg13 : memref<!tpu.dma_semaphore, #tpu.memory_space<semaphore_mem>>)
      } else {
      }
      %add3A_425 = arith.constant 1 : i32
      %add3A_426 = arith.addi %mul3A_403, %add3A_425 : i32
      %lt3A_427 = arith.constant 25 : i32
      %lt3A_428 = arith.cmpi slt, %add3A_426, %lt3A_427 : i32
      %convert_element_type3A_429 = arith.extui %lt3A_428 : i1 to i32
      %cond3A_430 = arith.constant 0 : i32
      %cond3A_431 = arith.cmpi ne, %convert_element_type3A_429, %cond3A_430 : i32
      scf.if %cond3A_431 {
        %add3A_432 = arith.constant 1 : i32
        %add3A_433 = arith.addi %mul3A_403, %add3A_432 : i32
        %dma_wait3A_434 = arith.constant 0 : i32
        %dma_wait3A_435 = arith.constant 0 : i32
        %dma_wait3A_436 = tpu.memref_slice %arg8[%scan3A_389, %dma_wait3A_434, %dma_wait3A_435] : memref<2x25x80xi32, #tpu.memory_space<vmem>> -> memref<1x25x80xi32, #tpu.memory_space<vmem>>
        %dma_wait3A_437 = tpu.memref_squeeze %dma_wait3A_436 : memref<1x25x80xi32, #tpu.memory_space<vmem>> -> memref<25x80xi32, #tpu.memory_space<vmem>>
        %dma_wait3A_438 = arith.constant 0 : i32
        %dma_wait3A_439 = tpu.memref_slice %dma_wait3A_437[%add3A_433, %dma_wait3A_438] : memref<25x80xi32, #tpu.memory_space<vmem>> -> memref<1x80xi32, #tpu.memory_space<vmem>>
        %dma_wait3A_440 = tpu.memref_squeeze %dma_wait3A_439 : memref<1x80xi32, #tpu.memory_space<vmem>> -> memref<80xi32, #tpu.memory_space<vmem>>
        %dma_wait3A_441 = arith.constant 0 : i32
        %dma_wait3A_442 = arith.constant 0 : i32
        %dma_wait3A_443 = tpu.memref_slice %arg2[%dma_wait3A_441, %dma_wait3A_442] : memref<10000x128xf32, #tpu.memory_space<hbm>> -> memref<10000x128xf32, #tpu.memory_space<hbm>>
        tpu.wait_indirect_dma semaphore(%arg14 : memref<!tpu.dma_semaphore, #tpu.memory_space<semaphore_mem>>) src(%dma_wait3A_443 : memref<10000x128xf32, #tpu.memory_space<hbm>>) dst(%arg11 : memref<80x128xf32, #tpu.memory_space<vmem>>)
        %add3A_444 = arith.constant 1 : i32
        %add3A_445 = arith.addi %mul3A_403, %add3A_444 : i32
        "tpu.region"() ({
          %run_scoped3A_448 = tpu.sem_alloc : memref<!tpu.dma_semaphore, #tpu.memory_space<semaphore_mem>>
          %dma_start3A_449 = arith.constant 0 : i32
          %dma_start3A_450 = arith.constant 0 : i32
          %dma_start3A_451 = tpu.memref_slice %arg9[%scan3A_390, %dma_start3A_449, %dma_start3A_450] : memref<2x25x80xi32, #tpu.memory_space<vmem>> -> memref<1x25x80xi32, #tpu.memory_space<vmem>>
          %dma_start3A_452 = tpu.memref_squeeze %dma_start3A_451 : memref<1x25x80xi32, #tpu.memory_space<vmem>> -> memref<25x80xi32, #tpu.memory_space<vmem>>
          %dma_start3A_453 = arith.constant 0 : i32
          %dma_start3A_454 = tpu.memref_slice %dma_start3A_452[%add3A_445, %dma_start3A_453] : memref<25x80xi32, #tpu.memory_space<vmem>> -> memref<1x80xi32, #tpu.memory_space<vmem>>
          %dma_start3A_455 = tpu.memref_squeeze %dma_start3A_454 : memref<1x80xi32, #tpu.memory_space<vmem>> -> memref<80xi32, #tpu.memory_space<vmem>>
          %dma_start3A_456 = arith.constant 0 : i32
          %dma_start3A_457 = arith.constant 0 : i32
          %dma_start3A_458 = tpu.memref_slice %arg12[%dma_start3A_456, %dma_start3A_457] : memref<10240x128xf32, #tpu.memory_space<vmem_shared>> -> memref<10240x128xf32, #tpu.memory_space<vmem_shared>>
          tpu.enqueue_indirect_dma source(%arg11 : memref<80x128xf32, #tpu.memory_space<vmem>>) target(%dma_start3A_458 : memref<10240x128xf32, #tpu.memory_space<vmem_shared>>) offsets(%dma_start3A_455 : memref<80xi32, #tpu.memory_space<vmem>>) semaphore(%run_scoped3A_448 : memref<!tpu.dma_semaphore, #tpu.memory_space<semaphore_mem>>) {add = true}
          %dma_wait3A_459 = arith.constant 0 : i32
          %dma_wait3A_460 = arith.constant 0 : i32
          %dma_wait3A_461 = tpu.memref_slice %arg9[%scan3A_390, %dma_wait3A_459, %dma_wait3A_460] : memref<2x25x80xi32, #tpu.memory_space<vmem>> -> memref<1x25x80xi32, #tpu.memory_space<vmem>>
          %dma_wait3A_462 = tpu.memref_squeeze %dma_wait3A_461 : memref<1x25x80xi32, #tpu.memory_space<vmem>> -> memref<25x80xi32, #tpu.memory_space<vmem>>
          %dma_wait3A_463 = arith.constant 0 : i32
          %dma_wait3A_464 = tpu.memref_slice %dma_wait3A_462[%add3A_445, %dma_wait3A_463] : memref<25x80xi32, #tpu.memory_space<vmem>> -> memref<1x80xi32, #tpu.memory_space<vmem>>
          %dma_wait3A_465 = tpu.memref_squeeze %dma_wait3A_464 : memref<1x80xi32, #tpu.memory_space<vmem>> -> memref<80xi32, #tpu.memory_space<vmem>>
          %dma_wait3A_466 = arith.constant 0 : i32
          %dma_wait3A_467 = arith.constant 0 : i32
          %dma_wait3A_468 = tpu.memref_slice %arg12[%dma_wait3A_466, %dma_wait3A_467] : memref<10240x128xf32, #tpu.memory_space<vmem_shared>> -> memref<10240x128xf32, #tpu.memory_space<vmem_shared>>
          tpu.wait_indirect_dma semaphore(%run_scoped3A_448 : memref<!tpu.dma_semaphore, #tpu.memory_space<semaphore_mem>>) src(%arg11 : memref<80x128xf32, #tpu.memory_space<vmem>>) dst(%dma_wait3A_468 : memref<10240x128xf32, #tpu.memory_space<vmem_shared>>)
          tpu.yield
        }) : () -> ()
        %add3A_446 = arith.constant 1 : i32
        %add3A_447 = arith.addi %mul3A_403, %add3A_446 : i32
      } else {
      }
    }
    %scan3A_395 = arith.constant 13 : i32
    %barrier3A_396 = arith.constant 0 : index
    tpu.barrier barrier_id(%barrier3A_396)
    %mul3A_397 = arith.constant 640 : i32
    %mul3A_398 = arith.muli %arg1, %mul3A_397 : i32
    %mul3A_399 = arith.constant 640 : i32
    %mul3A_400 = arith.muli %arg1, %mul3A_399 : i32
    "tpu.region"() ({
      %run_scoped3A_401 = tpu.sem_alloc : memref<!tpu.dma_semaphore, #tpu.memory_space<semaphore_mem>>
      %dma_start3A_402 = arith.constant 0 : i32
      %dma_start3A_403 = tpu.memref_slice %arg7[%arg0, %mul3A_400, %dma_start3A_402] : memref<2x10240x128xf32, #tpu.memory_space<hbm>> -> memref<1x640x128xf32, #tpu.memory_space<hbm>>
      %dma_start3A_404 = tpu.memref_squeeze %dma_start3A_403 : memref<1x640x128xf32, #tpu.memory_space<hbm>> -> memref<640x128xf32, #tpu.memory_space<hbm>>
      %dma_start3A_405 = arith.constant 0 : i32
      %dma_start3A_406 = tpu.memref_slice %arg12[%mul3A_398, %dma_start3A_405] : memref<10240x128xf32, #tpu.memory_space<vmem_shared>> -> memref<640x128xf32, #tpu.memory_space<vmem_shared>>
      tpu.enqueue_dma source(%dma_start3A_406 : memref<640x128xf32, #tpu.memory_space<vmem_shared>>) target(%dma_start3A_404 : memref<640x128xf32, #tpu.memory_space<hbm>>) target_semaphore(%run_scoped3A_401 : memref<!tpu.dma_semaphore, #tpu.memory_space<semaphore_mem>>)
      %dma_wait3A_407 = arith.constant 0 : i32
      %dma_wait3A_408 = tpu.memref_slice %arg7[%arg0, %mul3A_400, %dma_wait3A_407] : memref<2x10240x128xf32, #tpu.memory_space<hbm>> -> memref<1x640x128xf32, #tpu.memory_space<hbm>>
      %dma_wait3A_409 = tpu.memref_squeeze %dma_wait3A_408 : memref<1x640x128xf32, #tpu.memory_space<hbm>> -> memref<640x128xf32, #tpu.memory_space<hbm>>
      %dma_wait3A_410 = arith.constant 0 : i32
      %dma_wait3A_411 = tpu.memref_slice %arg12[%mul3A_398, %dma_wait3A_410] : memref<10240x128xf32, #tpu.memory_space<vmem_shared>> -> memref<640x128xf32, #tpu.memory_space<vmem_shared>>
      tpu.wait_dma2 semaphore(%run_scoped3A_401 : memref<!tpu.dma_semaphore, #tpu.memory_space<semaphore_mem>>) src(%dma_wait3A_411 : memref<640x128xf32, #tpu.memory_space<vmem_shared>>) dst(%dma_wait3A_409 : memref<640x128xf32, #tpu.memory_space<hbm>>)
      tpu.yield
    }) : () -> ()
    return
  }
}

module attributes {stable_mosaic.version = 14 : i64} {
  func.func @_tc_layer1(%arg0: i32, %arg1: memref<5120x128xf32, #tpu.memory_space<vmem>>, %arg2: memref<5120x128xf32, #tpu.memory_space<vmem>>, %arg3: memref<32x10240xf32, #tpu.memory_space<vmem>>, %arg4: memref<5120x128xf32, #tpu.memory_space<vmem>>, %arg5: memref<128x128xf32, #tpu.memory_space<vmem>>, %arg6: memref<1x128xf32, #tpu.memory_space<vmem>>, %arg7: memref<128x128xf32, #tpu.memory_space<vmem>>, %arg8: memref<5120x128xf32, #tpu.memory_space<vmem>>, %arg9: memref<5120x1xf32, #tpu.memory_space<vmem>>) attributes {dimension_semantics = [#tpu.dimension_semantics<arbitrary>], iteration_bounds = array<i64: 2>, scalar_prefetch = 0 : i64, scratch_operands = 0 : i64, tpu.core_type = #tpu.core_type<tc>, window_params = [{transform_indices = @transform_0, window_bounds = array<i64: 5120, 128>}, {transform_indices = @transform_1, window_bounds = array<i64: 5120, 128>}, {pipeline_mode = #tpu.pipeline_mode<synchronous>, transform_indices = @transform_2, window_bounds = array<i64: 32, 10240>}, {transform_indices = @transform_3, window_bounds = array<i64: 5120, 128>}, {pipeline_mode = #tpu.pipeline_mode<synchronous>, transform_indices = @transform_4, window_bounds = array<i64: 128, 128>}, {pipeline_mode = #tpu.pipeline_mode<synchronous>, transform_indices = @transform_5, window_bounds = array<i64: 1, 128>}, {pipeline_mode = #tpu.pipeline_mode<synchronous>, transform_indices = @transform_6, window_bounds = array<i64: 128, 128>}, {transform_indices = @transform_7, window_bounds = array<i64: 5120, 128>}, {transform_indices = @transform_8, window_bounds = array<i64: 5120, 1>}]} {
    %mul3A = arith.constant 5120 : i32
    %mul3A_0 = arith.muli %arg0, %mul3A : i32
    %get3A = arith.constant 0 : index
    %get3A_1 = arith.index_cast %mul3A_0 : i32 to index
    %get3A_2 = vector.load %arg3[%get3A, %get3A_1] : memref<32x10240xf32, #tpu.memory_space<vmem>>, vector<32x5120xf32>
    %reduce_sum3A = arith.constant dense<0.000000e+00> : vector<5120xf32>
    %reduce_sum3A_3 = vector.multi_reduction <add>, %get3A_2, %reduce_sum3A [0] : vector<32x5120xf32> to vector<5120xf32>
    %broadcast_in_dim3A = vector.shape_cast %reduce_sum3A_3 : vector<5120xf32> to vector<5120x1xf32>
    %max3A = arith.constant 1.000000e+00 : f32
    %max3A_4 = vector.broadcast %max3A : f32 to vector<5120x1xf32>
    %max3A_5 = arith.maximumf %broadcast_in_dim3A, %max3A_4 : vector<5120x1xf32>
    %swap3A = arith.constant 0 : index
    %swap3A_6 = arith.constant 0 : index
    %swap3A_7 = vector.load %arg9[%swap3A, %swap3A_6] : memref<5120x1xf32, #tpu.memory_space<vmem>>, vector<5120x1xf32>
    tpu.vector_store %arg9[%swap3A, %swap3A_6], %max3A_5 {strides = array<i32>} : memref<5120x1xf32, #tpu.memory_space<vmem>>, vector<5120x1xf32>,
    %get3A_8 = arith.constant 0 : index
    %get3A_9 = arith.constant 0 : index
    %get3A_10 = vector.load %arg1[%get3A_8, %get3A_9] : memref<5120x128xf32, #tpu.memory_space<vmem>>, vector<5120x128xf32>
    %get3A_11 = arith.constant 0 : index
    %get3A_12 = arith.constant 0 : index
    %get3A_13 = vector.load %arg2[%get3A_11, %get3A_12] : memref<5120x128xf32, #tpu.memory_space<vmem>>, vector<5120x128xf32>
    %add3A = arith.addf %get3A_10, %get3A_13 : vector<5120x128xf32>
    %max3A_14 = arith.constant 1.000000e+00 : f32
    %max3A_15 = vector.broadcast %max3A_14 : f32 to vector<5120x1xf32>
    %max3A_16 = arith.maximumf %broadcast_in_dim3A, %max3A_15 : vector<5120x1xf32>
    %div3A = vector.broadcast %max3A_16 : vector<5120x1xf32> to vector<5120x128xf32>
    %div3A_17 = arith.divf %add3A, %div3A : vector<5120x128xf32>
    %get3A_18 = arith.constant 0 : index
    %get3A_19 = arith.constant 0 : index
    %get3A_20 = vector.load %arg5[%get3A_18, %get3A_19] : memref<128x128xf32, #tpu.memory_space<vmem>>, vector<128x128xf32>
    %dot_general3A = arith.constant dense<0.000000e+00> : vector<5120x128xf32>
    %dot_general3A_21 = tpu.matmul %div3A_17, %get3A_20, %dot_general3A {dimension_numbers = #tpu.dot_dimension_numbers<[1], [1], [0], [0], [0, 0, 1, 0], [], []>, transpose_lhs_hint = false} : vector<5120x128xf32>, vector<128x128xf32>, vector<5120x128xf32> -> vector<5120x128xf32>
    %get3A_22 = arith.constant 0 : index
    %get3A_23 = arith.constant 0 : index
    %get3A_24 = vector.load %arg6[%get3A_22, %get3A_23] : memref<1x128xf32, #tpu.memory_space<vmem>>, vector<1x128xf32>
    %add3A_25 = vector.broadcast %get3A_24 : vector<1x128xf32> to vector<5120x128xf32>
    %add3A_26 = arith.addf %dot_general3A_21, %add3A_25 : vector<5120x128xf32>
    %get3A_27 = arith.constant 0 : index
    %get3A_28 = arith.constant 0 : index
    %get3A_29 = vector.load %arg4[%get3A_27, %get3A_28] : memref<5120x128xf32, #tpu.memory_space<vmem>>, vector<5120x128xf32>
    %get3A_30 = arith.constant 0 : index
    %get3A_31 = arith.constant 0 : index
    %get3A_32 = vector.load %arg7[%get3A_30, %get3A_31] : memref<128x128xf32, #tpu.memory_space<vmem>>, vector<128x128xf32>
    %dot_general3A_33 = arith.constant dense<0.000000e+00> : vector<5120x128xf32>
    %dot_general3A_34 = tpu.matmul %get3A_29, %get3A_32, %dot_general3A_33 {dimension_numbers = #tpu.dot_dimension_numbers<[1], [1], [0], [0], [0, 0, 1, 0], [], []>, transpose_lhs_hint = false} : vector<5120x128xf32>, vector<128x128xf32>, vector<5120x128xf32> -> vector<5120x128xf32>
    %add3A_35 = arith.addf %add3A_26, %dot_general3A_34 : vector<5120x128xf32>
    %max3A_36 = arith.constant 0.000000e+00 : f32
    %max3A_37 = vector.broadcast %max3A_36 : f32 to vector<5120x128xf32>
    %max3A_38 = arith.maximumf %add3A_35, %max3A_37 : vector<5120x128xf32>
    %swap3A_39 = arith.constant 0 : index
    %swap3A_40 = arith.constant 0 : index
    %swap3A_41 = vector.load %arg8[%swap3A_39, %swap3A_40] : memref<5120x128xf32, #tpu.memory_space<vmem>>, vector<5120x128xf32>
    tpu.vector_store %arg8[%swap3A_39, %swap3A_40], %max3A_38 {strides = array<i32>} : memref<5120x128xf32, #tpu.memory_space<vmem>>, vector<5120x128xf32>,
    return
  }
  func.func @transform_0(%arg0: i32) -> (i32, i32) {
    %c0_i32 = arith.constant 0 : i32
    %c0_i32_0 = arith.constant 0 : i32
    return %arg0, %c0_i32 : i32, i32
  }
  func.func @transform_1(%arg0: i32) -> (i32, i32) {
    %c0_i32 = arith.constant 0 : i32
    %c0_i32_0 = arith.constant 0 : i32
    return %arg0, %c0_i32 : i32, i32
  }
  func.func @transform_2(%arg0: i32) -> (i32, i32) {
    %c0_i32 = arith.constant 0 : i32
    %c0_i32_0 = arith.constant 0 : i32
    %c0_i32_1 = arith.constant 0 : i32
    return %c0_i32, %c0_i32_0 : i32, i32
  }
  func.func @transform_3(%arg0: i32) -> (i32, i32) {
    %c0_i32 = arith.constant 0 : i32
    %c0_i32_0 = arith.constant 0 : i32
    return %arg0, %c0_i32 : i32, i32
  }
  func.func @transform_4(%arg0: i32) -> (i32, i32) {
    %c0_i32 = arith.constant 0 : i32
    %c0_i32_0 = arith.constant 0 : i32
    %c0_i32_1 = arith.constant 0 : i32
    return %c0_i32, %c0_i32_0 : i32, i32
  }
  func.func @transform_5(%arg0: i32) -> (i32, i32) {
    %c0_i32 = arith.constant 0 : i32
    %c0_i32_0 = arith.constant 0 : i32
    %c0_i32_1 = arith.constant 0 : i32
    return %c0_i32, %c0_i32_0 : i32, i32
  }
  func.func @transform_6(%arg0: i32) -> (i32, i32) {
    %c0_i32 = arith.constant 0 : i32
    %c0_i32_0 = arith.constant 0 : i32
    %c0_i32_1 = arith.constant 0 : i32
    return %c0_i32, %c0_i32_0 : i32, i32
  }
  func.func @transform_7(%arg0: i32) -> (i32, i32) {
    %c0_i32 = arith.constant 0 : i32
    %c0_i32_0 = arith.constant 0 : i32
    return %arg0, %c0_i32 : i32, i32
  }
  func.func @transform_8(%arg0: i32) -> (i32, i32) {
    %c0_i32 = arith.constant 0 : i32
    %c0_i32_0 = arith.constant 0 : i32
    return %arg0, %c0_i32 : i32, i32
  }
}

module attributes {stable_mosaic.version = 14 : i64} {
  func.func @_tc_layer2(%arg0: i32, %arg1: memref<5120x128xf32, #tpu.memory_space<vmem>>, %arg2: memref<5120x128xf32, #tpu.memory_space<vmem>>, %arg3: memref<5120x1xf32, #tpu.memory_space<vmem>>, %arg4: memref<5120x128xf32, #tpu.memory_space<vmem>>, %arg5: memref<128x128xf32, #tpu.memory_space<vmem>>, %arg6: memref<1x128xf32, #tpu.memory_space<vmem>>, %arg7: memref<128x128xf32, #tpu.memory_space<vmem>>, %arg8: memref<5120x128xf32, #tpu.memory_space<vmem>>) attributes {dimension_semantics = [#tpu.dimension_semantics<arbitrary>], iteration_bounds = array<i64: 2>, scalar_prefetch = 0 : i64, scratch_operands = 0 : i64, tpu.core_type = #tpu.core_type<tc>, window_params = [{transform_indices = @transform_0, window_bounds = array<i64: 5120, 128>}, {transform_indices = @transform_1, window_bounds = array<i64: 5120, 128>}, {transform_indices = @transform_2, window_bounds = array<i64: 5120, 1>}, {transform_indices = @transform_3, window_bounds = array<i64: 5120, 128>}, {pipeline_mode = #tpu.pipeline_mode<synchronous>, transform_indices = @transform_4, window_bounds = array<i64: 128, 128>}, {pipeline_mode = #tpu.pipeline_mode<synchronous>, transform_indices = @transform_5, window_bounds = array<i64: 1, 128>}, {pipeline_mode = #tpu.pipeline_mode<synchronous>, transform_indices = @transform_6, window_bounds = array<i64: 128, 128>}, {transform_indices = @transform_7, window_bounds = array<i64: 5120, 128>}]} {
    %get3A = arith.constant 0 : index
    %get3A_0 = arith.constant 0 : index
    %get3A_1 = vector.load %arg1[%get3A, %get3A_0] : memref<5120x128xf32, #tpu.memory_space<vmem>>, vector<5120x128xf32>
    %get3A_2 = arith.constant 0 : index
    %get3A_3 = arith.constant 0 : index
    %get3A_4 = vector.load %arg2[%get3A_2, %get3A_3] : memref<5120x128xf32, #tpu.memory_space<vmem>>, vector<5120x128xf32>
    %add3A = arith.addf %get3A_1, %get3A_4 : vector<5120x128xf32>
    %get3A_5 = arith.constant 0 : index
    %get3A_6 = arith.constant 0 : index
    %get3A_7 = vector.load %arg3[%get3A_5, %get3A_6] : memref<5120x1xf32, #tpu.memory_space<vmem>>, vector<5120x1xf32>
    %div3A = vector.broadcast %get3A_7 : vector<5120x1xf32> to vector<5120x128xf32>
    %div3A_8 = arith.divf %add3A, %div3A : vector<5120x128xf32>
    %get3A_9 = arith.constant 0 : index
    %get3A_10 = arith.constant 0 : index
    %get3A_11 = vector.load %arg5[%get3A_9, %get3A_10] : memref<128x128xf32, #tpu.memory_space<vmem>>, vector<128x128xf32>
    %dot_general3A = arith.constant dense<0.000000e+00> : vector<5120x128xf32>
    %dot_general3A_12 = tpu.matmul %div3A_8, %get3A_11, %dot_general3A {dimension_numbers = #tpu.dot_dimension_numbers<[1], [1], [0], [0], [0, 0, 1, 0], [], []>, transpose_lhs_hint = false} : vector<5120x128xf32>, vector<128x128xf32>, vector<5120x128xf32> -> vector<5120x128xf32>
    %get3A_13 = arith.constant 0 : index
    %get3A_14 = arith.constant 0 : index
    %get3A_15 = vector.load %arg6[%get3A_13, %get3A_14] : memref<1x128xf32, #tpu.memory_space<vmem>>, vector<1x128xf32>
    %add3A_16 = vector.broadcast %get3A_15 : vector<1x128xf32> to vector<5120x128xf32>
    %add3A_17 = arith.addf %dot_general3A_12, %add3A_16 : vector<5120x128xf32>
    %get3A_18 = arith.constant 0 : index
    %get3A_19 = arith.constant 0 : index
    %get3A_20 = vector.load %arg4[%get3A_18, %get3A_19] : memref<5120x128xf32, #tpu.memory_space<vmem>>, vector<5120x128xf32>
    %get3A_21 = arith.constant 0 : index
    %get3A_22 = arith.constant 0 : index
    %get3A_23 = vector.load %arg7[%get3A_21, %get3A_22] : memref<128x128xf32, #tpu.memory_space<vmem>>, vector<128x128xf32>
    %dot_general3A_24 = arith.constant dense<0.000000e+00> : vector<5120x128xf32>
    %dot_general3A_25 = tpu.matmul %get3A_20, %get3A_23, %dot_general3A_24 {dimension_numbers = #tpu.dot_dimension_numbers<[1], [1], [0], [0], [0, 0, 1, 0], [], []>, transpose_lhs_hint = false} : vector<5120x128xf32>, vector<128x128xf32>, vector<5120x128xf32> -> vector<5120x128xf32>
    %add3A_26 = arith.addf %add3A_17, %dot_general3A_25 : vector<5120x128xf32>
    %reduce_max3A = arith.constant dense<0xFF800000> : vector<5120xf32>
    %reduce_max3A_27 = vector.multi_reduction <maximumf>, %add3A_26, %reduce_max3A [1] : vector<5120x128xf32> to vector<5120xf32>
    %broadcast_in_dim3A = vector.shape_cast %reduce_max3A_27 : vector<5120xf32> to vector<5120x1xf32>
    %sub3A = vector.broadcast %broadcast_in_dim3A : vector<5120x1xf32> to vector<5120x128xf32>
    %sub3A_28 = arith.subf %add3A_26, %sub3A : vector<5120x128xf32>
    %exp3A = math.exp %sub3A_28 : vector<5120x128xf32>
    %reduce_sum3A = arith.constant dense<0.000000e+00> : vector<5120xf32>
    %reduce_sum3A_29 = vector.multi_reduction <add>, %exp3A, %reduce_sum3A [1] : vector<5120x128xf32> to vector<5120xf32>
    %broadcast_in_dim3A_30 = vector.shape_cast %reduce_sum3A_29 : vector<5120xf32> to vector<5120x1xf32>
    %log3A = math.log %broadcast_in_dim3A_30 : vector<5120x1xf32>
    %add3A_31 = arith.addf %log3A, %broadcast_in_dim3A : vector<5120x1xf32>
    %sub3A_32 = vector.broadcast %add3A_31 : vector<5120x1xf32> to vector<5120x128xf32>
    %sub3A_33 = arith.subf %add3A_26, %sub3A_32 : vector<5120x128xf32>
    %swap3A = arith.constant 0 : index
    %swap3A_34 = arith.constant 0 : index
    %swap3A_35 = vector.load %arg8[%swap3A, %swap3A_34] : memref<5120x128xf32, #tpu.memory_space<vmem>>, vector<5120x128xf32>
    tpu.vector_store %arg8[%swap3A, %swap3A_34], %sub3A_33 {strides = array<i32>} : memref<5120x128xf32, #tpu.memory_space<vmem>>, vector<5120x128xf32>,
    return
  }
  func.func @transform_0(%arg0: i32) -> (i32, i32) {
    %c0_i32 = arith.constant 0 : i32
    %c0_i32_0 = arith.constant 0 : i32
    return %arg0, %c0_i32 : i32, i32
  }
  func.func @transform_1(%arg0: i32) -> (i32, i32) {
    %c0_i32 = arith.constant 0 : i32
    %c0_i32_0 = arith.constant 0 : i32
    return %arg0, %c0_i32 : i32, i32
  }
  func.func @transform_2(%arg0: i32) -> (i32, i32) {
    %c0_i32 = arith.constant 0 : i32
    %c0_i32_0 = arith.constant 0 : i32
    return %arg0, %c0_i32 : i32, i32
  }
  func.func @transform_3(%arg0: i32) -> (i32, i32) {
    %c0_i32 = arith.constant 0 : i32
    %c0_i32_0 = arith.constant 0 : i32
    return %arg0, %c0_i32 : i32, i32
  }
  func.func @transform_4(%arg0: i32) -> (i32, i32) {
    %c0_i32 = arith.constant 0 : i32
    %c0_i32_0 = arith.constant 0 : i32
    %c0_i32_1 = arith.constant 0 : i32
    return %c0_i32, %c0_i32_0 : i32, i32
  }
  func.func @transform_5(%arg0: i32) -> (i32, i32) {
    %c0_i32 = arith.constant 0 : i32
    %c0_i32_0 = arith.constant 0 : i32
    %c0_i32_1 = arith.constant 0 : i32
    return %c0_i32, %c0_i32_0 : i32, i32
  }
  func.func @transform_6(%arg0: i32) -> (i32, i32) {
    %c0_i32 = arith.constant 0 : i32
    %c0_i32_0 = arith.constant 0 : i32
    %c0_i32_1 = arith.constant 0 : i32
    return %c0_i32, %c0_i32_0 : i32, i32
  }
  func.func @transform_7(%arg0: i32) -> (i32, i32) {
    %c0_i32 = arith.constant 0 : i32
    %c0_i32_0 = arith.constant 0 : i32
    return %arg0, %c0_i32 : i32, i32
  }
}

</mosaic_0001>

<sc_bundles>
// kernel: kernel.6.cloned.1.call-start
scs
__scs_entry_jumppad:
0x0: {  	(pc) =	sbr.rel $0x88, $3  }
0x1: {  	(tag) =	ssettag $0x0;
	lr =	simm.s32 $0x1  }
0x2: {  	[smem:$0x3F99] =	sst lr;
	_ =	strace $0xD0000000  }
0x3: {  	_ = 	snop  }
0x4: {  	_ = 	snop  }
0x5: {  	_ = 	snop  }
0x6: {  	_ = 	snop  }
0x7: {  	_ = 	snop  }
__scs_overlays_trampoline_lowered:
0x8: {  	[smem:$0x3FA8] =	sst s0  }
0x9: {  	[smem:$0x3FA9] =	sst s1  }
0xa: {  	[smem:$0x3FAA] =	sst s2  }
0xb: {  	[smem:$0x3FAB] =	sst s3  }
0xc: {  	[smem:$0x3FAC] =	sst s4  }
0xd: {  	[smem:$0x3FAD] =	sst s5  }
0xe: {  	[smem:$0x3FAE] =	sst s6  }
0xf: {  	[smem:$0x3FAF] =	sst s7  }
0x10: {  	[smem:$0x3FB0] =	sst s8  }
0x11: {  	[smem:$0x3FB1] =	sst s9;
	s0 =	simm.s32 @!p0 $0x0  }
0x12: {  	s1 =	sld [smem:$0x3F97];
	s0 =	simm.s32 @p0 $0x1  }
0x13: {  	[smem:$0x3FB2] =	sst s0;
	s0 =	simm.s32 @!p1 $0x0  }
0x14: {  	s2 =	sld [smem:$0x3F96];
	s0 =	simm.s32 @p1 $0x1  }
0x15: {  	[smem:$0x3FB3] =	sst s0;
	s0 =	simm.s32 @!p2 $0x0  }
0x16: {  	s3 =	sld [smem:$0x3FDB];
	s0 =	simm.s32 @p2 $0x1  }
0x17: {  	s4 =	simm.s32 $0x1BF5;
	[smem:$0x3FB5] =	sst s0  }
0x18: {  	s0 =	sld [smem:$0x3F98];
	_ =	swait.ge [sflag:s4], $0x0  }
0x19: {  	s7 =	sld [smem:$0x3F99]  }
0x1a: {  	s8 =	sadd.s32 $0xFFFFE003, lr  }
0x1b: {  	s9 =	sadd.s32 $0xFFFFFEF7, lr;
	s5 =	simm.s32 $0xFFFFFFFF;
	p2 =	slt.u32 s8, $0xFFFFF086  }
0x1c: {  	p1 =	slt.u32 s9, $0xF7A;
	s5 =	simm.s32 @!p2 $0x0  }
0x1d: {  	s5 =	simm.s32 @p1 $0x1;
	p0 =	seq.s32 s7, s2  }
0x1e: {  	s7 =	smul.u32 @!p0 $0xF7A, s2;
	p2 =	seq.s32 @!p0 s5, $0x0  }
0x1f: {  	s9 =	smul.u32 $0xF7A, s1;
	s8 =	simm.s32 @!p0 $0x1BF5;
	p2 =	por !p2, p0  }
0x20: {  	[sflag:s8] =	ssyncset.s32 @!p0 $0xFFFFF086;
	s6 =	sadd.s32 @!p0 s3, s7;
	s7 =	simm.s32 @!p0 $0x108  }
0x21: {  	s3 =	sadd.s32 s3, s9;
	s6 =	sadd.s32 @!p0 $0x88, s6;
	s7 =	simm.s32 @p2 $0x1082  }
0x22: {  	[simem:s7], [sflag:s8] =	dma.local @!p0 [hbm:s6], $0xF7A  }
0x23: {  	s9 =	sor.u32 $0xD0000000, s2;
	s6 =	simm.s32 $0x108;
	_ =	swait.ge @!p0 [sflag:s8], $0x0  }
0x24: {  	s3 =	sadd.s32 $0x88, s3;
	s6 =	simm.s32 @!p1 $0x1082;
	[sflag:s4] =	ssyncset.s32 $0xFFFFF086  }
0x25: {  	[simem:s6], [sflag:s4] =	dma.local [hbm:s3], $0xF7A  }
0x26: {  	[smem:$0x3F99] =	sst s1;
	(tag) =	ssettag s2;
	_ =	strace s9  }
0x27: {  	s1 =	sld [smem:$0x3FA9]  }
0x28: {  	s2 =	sld [smem:$0x3FAA]  }
0x29: {  	s4 =	sld [smem:$0x3FAC]  }
0x2a: {  	p0 =	seq.s32 s5, $0x0;
	s5 =	sld [smem:$0x3FAD]  }
0x2b: {  	s6 =	sld [smem:$0x3FAE]  }
0x2c: {  	s7 =	sld [smem:$0x3FAF]  }
0x2d: {  	s3 =	simm.s32 $0x108;
	s8 =	sld [smem:$0x3FB0]  }
0x2e: {  	s3 =	simm.s32 @!p0 $0x1082;
	s9 =	sld [smem:$0x3FB1]  }
0x2f: {  	lr =	sadd.s32 s0, s3;
	s0 =	sld [smem:$0x3FA8]  }
0x30: {  	s3 =	sld [smem:$0x3FAB]  }
0x31: {  	[smem:$0x3FB4] =	sst s10  }
0x32: {  	s10 =	sld [smem:$0x3FB2];
	_ =	sdelay $0x3  }
0x33: {  	p0 =	seq.s32 s10, $0x1;
	s10 =	sld [smem:$0x3FB4];
	_ =	sdelay $0x3  }
0x34: {  	[smem:$0x3FB4] =	sst s10  }
0x35: {  	s10 =	sld [smem:$0x3FB3];
	_ =	sdelay $0x3  }
0x36: {  	p1 =	seq.s32 s10, $0x1;
	s10 =	sld [smem:$0x3FB4];
	_ =	sdelay $0x3  }
0x37: {  	[smem:$0x3FB4] =	sst s10  }
0x38: {  	s10 =	sld [smem:$0x3FB5]  }
0x39: {  	_ = 	snop;
	(pc) =	sbr.ind lr, $3  }
0x3a: {  	_ = 	snop  }
0x3b: {  	_ = 	snop  }
0x3c: {  	p2 =	seq.s32 s10, $0x1;
	s10 =	sld [smem:$0x3FB4]  }
0x3d: {  	_ =	shalt  }
0x3e: {  	_ =	shalt  }
0x3f: {  	_ =	shalt  }
0x40: {  	_ =	shalt  }
0x41: {  	_ =	shalt  }
0x42: {  	_ =	shalt  }
0x43: {  	_ =	shalt  }
0x44: {  	_ =	shalt  }
0x45: {  	_ =	shalt  }
0x46: {  	_ =	shalt  }
0x47: {  	_ =	shalt  }
0x48: {  	_ =	shalt  }
0x49: {  	_ =	shalt  }
0x4a: {  	_ =	shalt  }
0x4b: {  	_ =	shalt  }
0x4c: {  	_ =	shalt  }
0x4d: {  	_ =	shalt  }
0x4e: {  	_ =	shalt  }
0x4f: {  	_ =	shalt  }
0x50: {  	_ =	shalt  }
0x51: {  	_ =	shalt  }
0x52: {  	_ =	shalt  }
0x53: {  	_ =	shalt  }
0x54: {  	_ =	shalt  }
0x55: {  	_ =	shalt  }
0x56: {  	_ =	shalt  }
0x57: {  	_ =	shalt  }
0x58: {  	_ =	shalt  }
0x59: {  	_ =	shalt  }
0x5a: {  	_ =	shalt  }
0x5b: {  	_ =	shalt  }
0x5c: {  	_ =	shalt  }
0x5d: {  	_ =	shalt  }
0x5e: {  	_ =	shalt  }
0x5f: {  	_ =	shalt  }
0x60: {  	_ =	shalt  }
0x61: {  	_ =	shalt  }
0x62: {  	_ =	shalt  }
0x63: {  	_ =	shalt  }
0x64: {  	_ =	shalt  }
0x65: {  	_ =	shalt  }
0x66: {  	_ =	shalt  }
0x67: {  	_ =	shalt  }
0x68: {  	_ =	shalt  }
0x69: {  	_ =	shalt  }
0x6a: {  	_ =	shalt  }
0x6b: {  	_ =	shalt  }
0x6c: {  	_ =	shalt  }
0x6d: {  	_ =	shalt  }
0x6e: {  	_ =	shalt  }
0x6f: {  	_ =	shalt  }
0x70: {  	_ =	shalt  }
0x71: {  	_ =	shalt  }
0x72: {  	_ =	shalt  }
0x73: {  	_ =	shalt  }
0x74: {  	_ =	shalt  }
0x75: {  	_ =	shalt  }
0x76: {  	_ =	shalt  }
0x77: {  	_ =	shalt  }
0x78: {  	_ =	shalt  }
0x79: {  	_ =	shalt  }
0x7a: {  	_ =	shalt  }
0x7b: {  	_ =	shalt  }
0x7c: {  	_ =	shalt  }
0x7d: {  	_ =	shalt  }
0x7e: {  	_ =	shalt  }
0x7f: {  	_ =	shalt  }
0x80: {  	_ =	shalt  }
0x81: {  	_ =	shalt  }
0x82: {  	_ =	shalt  }
0x83: {  	_ =	shalt  }
0x84: {  	_ =	shalt  }
0x85: {  	_ =	shalt  }
0x86: {  	_ =	shalt  }
0x87: {  	_ =	shalt  }
.Lfunc_end0:
.L_simem_size_0:
called_computation_lowered:
.L_overlay_start_0:
0x88: {  	s2 =	sld [smem:$0x3FD9]  }
0x89: {  	s3 =	sld [smem:$0x3FFE];
	_ =	sdelay $0x1  }
0x8a: {  	s1 =	srdreg.scid  }
0x8b: {  	s0 =	sand.u32 $0x1, s1  }
0x8c: {  	s17 =	sshll.u32 s0, $0xA;
	s2 =	sadd.s32 s3, s2  }
0x8d: {  	s2 =	sadd.s32 s2, s17  }
0x8e: {  	[smem:$0x3FC0] =	sst s2  }
0x8f: {  	_ = 	snop  }
0x90: {  	s2 =	sld [smem:$0x3FC9]  }
0x91: {  	s18 =	sld [smem:$0x3FD0];
	(tm) =	ssettm $0x1  }
0x92: {  	s4 =	sld [smem:$0x3FFB];
	_ =	sdelay $0x3  }
0x93: {  	_ =	strace s4  }
0x94: {  	s4 =	sld [smem:$0x3FFC];
	_ =	sdelay $0x3  }
0x95: {  	_ =	strace s4  }
0x96: {  	s4 =	sld [smem:$0x3FFD];
	_ =	sdelay $0x3  }
0x97: {  	_ =	strace s4  }
0x98: {  	_ =	strace $0x8FFFFFFF  }
0x99: {  	s19 =	sld [smem:$0x3FDB];
	_ =	sdelay $0x1  }
0x9a: {  	s5 =	simm.s32 $_scs_section_size  }
0x9b: {  	s6 =	simm.s32 $_size__tile_overlayer_lowered;
	s7 =	simm.s32 $_tile_overlayer_lowered  }
0x9c: {  	s22 =	simm.s32 $0x1BFF;
	s21 =	sshll.u32 s7, $0x1;
	s4 =	sadd.s32 s5, s19  }
0x9d: {  	s8 =	simm.s32 $0x0;
	s20 =	sshll.u32 s6, $0x1;
	s6 =	sadd.s32 s21, s4  }
0x9e: {  	[timem:s8], [sflag:s22] =	dma.local [hbm:s6], s20  }
0x9f: {  	_ =	swait.ge [sflag:s22], s20  }
0xa0: {  	s5 =	ssub.s32 $0x0, s20;
	[sflag:s22] =	ssyncset.done $0x0  }
0xa1: {  	[sflag:s22] =	ssyncadd.s32 s5;
	_ =	sdelay $0x1  }
0xa2: {  	s23 =	simm.s32 $0x1B8B  }
0xa3: {  	_ =	swait.ge [sflag:s23], $0x1  }
0xa4: {  	[sflag:s23] =	ssyncset.done $0x0  }
0xa5: {  	s25 =	simm.s32 $0x1B8E;
	s24 =	sld [smem:$0x3FFE];
	[sflag:s23] =	ssyncadd.s32 $0xFFFFFFFF  }
0xa6: {  	s26 =	simm.s32 $execute0_lowered;
	[smem:$0x3FD2] =	sst s25  }
0xa7: {  	s6 =	sshll.u32 s26, $0x1;
	_ =	strace $0x80000046;
	[dreg:$0x1] =	wrdreg $0xFFFFFFFF  }
0xa8: {  	s28 =	simm.s32 $_size_execute0_lowered;
	s4 =	sadd.s32 s4, s6;
	[dreg:$0x0] =	wrdreg $0x0  }
0xa9: {  	s6 =	sshll.u32 s28, $0x1;
	[dreg:$0x2] =	wrdreg s4  }
0xaa: {  	[dreg:$0x3] =	wrdreg s6  }
0xab: {  	[dreg:$0x4] =	wrdreg $0xC0  }
0xac: {  	_ =	task [dreg:s8], $0x5FFFF  }
0xad: {  	[dreg:$0x1] =	wrdreg $0xFFFFFFFF  }
0xae: {  	[dreg:$0x0] =	wrdreg $0x60  }
0xaf: {  	[dreg:$0x2] =	wrdreg s2  }
0xb0: {  	[dreg:$0x3] =	wrdreg s24  }
0xb1: {  	[dreg:$0x4] =	wrdreg s18  }
0xb2: {  	[dreg:$0x5] =	wrdreg $0x90000  }
0xb3: {  	[dreg:$0x6] =	wrdreg $0x9  }
0xb4: {  	_ =	task.clear_ibuf [dreg:s8], $0x7FFFF;
	_ =	strace $0x90000046  }
0xb5: {  	s29 =	simm.s32 $0x9;
	_ =	strace $0x80000048  }
0xb6: {  	_ =	swait.ge [sflag:s29], $0x1  }
0xb7: {  	[sflag:s29] =	ssyncadd.s32 $0xFFFFFFFF  }
0xb8: {  	_ =	strace $0x90000048  }
0xb9: {  	_ =	sfence  }
0xba: {  	s30 =	sld [smem:$0x0];
	_ =	sdelay $0x2  }
0xbb: {  	s31 =	sshll.u32 s1, $0xD;
	s1 =	sshrl.u32 s1, $0x2  }
0xbc: {  	s3 =	sand.u32 $0x4000, s31;
	s1 =	sadd.s32 s1, s30  }
0xbd: {  	s0 =	sor.u32 s3, s0;
	s1 =	sshll.u32 s1, $0x11  }
0xbe: {  	s0 =	sor.u32 s1, s0  }
0xbf: {  	s0 =	sadd.s32 $0x8F2B, s0  }
0xc0: {  	[sflag:s0] =	ssyncadd.remote.s32 $0x1  }
0xc1: {  	_ =	sfence.sel $0xFFFF  }
0xc2: {  	[dreg:$0x0] =	wrdreg $0xFFFFFFFF;
	(pc) =	sbr.abs _section_cstart, $3  }
0xc3: {  	[dreg:$0x1] =	wrdreg $0xFFFFFFFF  }
0xc4: {  	_ =	task.clear_ibuf [dreg:s8], $0x2FFFF;
	_ =	strace $0x9FFFFFFF  }
0xc5: {  	(tm) =	ssettm $0x7FFFFFFF  }
tec
execute0_lowered:
.L_overlay_start_1:
0x0: {  	(tag) =	ssettag $0x1  }
0x1: {  	s1 =	rddreg [dreg:$0x0]  }
0x2: {  	s0 =	rddreg [dreg:$0x1]  }
0x3: {  	s4 =	rddreg [dreg:$0x2]  }
0x4: {  	s2 =	rddreg [dreg:$0x3]  }
0x5: {  	s3 =	simm.s32 $0x0;
	s5 =	srdreg.scid;
	s12 =	stileid.u32  }
0x6: {  	s29 =	simm.s32 $0x4000;
	s30 =	simm.s32 $0x4;
	s31 =	simm.s32 $0x1D000  }
0x7: {  	[smem:$0x7FF] =	sst s3;
	s5 =	sand.u32 $0x1, s5;
	s8 =	sadd.s32 $0x16400, s0  }
0x8: {  	s9 =	smul.u32 $0x14000, s12;
	s10 =	sadd.s32 $0x2400, s0;
	s11 =	sadd.s32 $0x2A400, s0  }
0x9: {  	s13 =	sadd.s32 $0x2AA00, s0;
	s22 =	sshll.u32 s12, $0x7;
	_ =	strace $0x80000047  }
0xa: {  	s6 =	smul.u32 $0x140000, s5;
	s7 =	sshll.u32 s5, $0x4;
	[dreg:$0x5] =	wrdreg s11  }
0xb: {  	s5 =	ssub.s32 $0x2, s5;
	s7 =	sor.u32 s12, s7;
	s12 =	smul.u32 $0x50000, s12  }
0xc: {  	[dreg:$0x6] =	wrdreg s13;
	s26 =	sshrl.u32 s5, $0x1;
	s25 =	smul.u32 $0x5000, s7  }
0xd: {  	s6 =	sadd.s32 s9, s6;
	s5 =	ssub.s32 s5, s26;
	s7 =	sshrl.u32 s7, $0x3  }
0xe: {  	s9 =	sand.u32 $0x380, s22;
	s6 =	sshrl.u32 s6, $0x3;
	s7 =	smul.u32 $0x14000, s7  }
0xf: {  	s26 =	sshrl.u32 s12, $0x2;
	s12 =	simm.s32 $0x3C00;
	s11 =	sshrl.u32 s25, $0x3  }
0x10: {  	s0 =	sadd.s32 s6, s0;
	s13 =	sadd.s32 s8, s11;
	s14 =	sadd.s32 s10, s11  }
0x11: {  	s15 =	sadd.s32 $0x200, s11;
	s16 =	sadd.s32 $0x400, s11;
	[dreg:$0x7] =	wrdreg s13  }
0x12: {  	s20 =	sadd.s32 $0x600, s11;
	[dreg:$0x8] =	wrdreg s14;
	s17 =	sadd.s32 s8, s15  }
0x13: {  	s11 =	sadd.s32 $0x800, s11;
	s6 =	sadd.s32 s10, s15;
	[dreg:$0x9] =	wrdreg s17  }
0x14: {  	s24 =	sor.u32 s9, s7;
	s18 =	sadd.s32 s8, s16;
	[dreg:$0xa] =	wrdreg s6  }
0x15: {  	s7 =	simm.s32 $0x6800;
	s19 =	sadd.s32 s10, s16;
	[dreg:$0xb] =	wrdreg s18  }
0x16: {  	s9 =	simm.s32 $0x2;
	s21 =	sadd.s32 s8, s20;
	[dreg:$0xc] =	wrdreg s19  }
0x17: {  	s23 =	sadd.s32 s8, s11;
	s25 =	sadd.s32 s10, s11;
	[dreg:$0xd] =	wrdreg s21  }
0x18: {  	s8 =	simm.s32 $0x1;
	s11 =	simm.s32 $0x3;
	[dreg:$0xf] =	wrdreg s23  }
0x19: {  	s13 =	simm.s32 $0x0;
	s6 =	sadd.s32 s10, s20;
	[dreg:$0x10] =	wrdreg s25  }
0x1a: {  	s18 =	sadd.s32 $0x2B000, s0;
	s19 =	sadd.s32 s26, s2;
	s20 =	smax.u32 s5, $0x1  }
0x1b: {  	s0 =	simm.s32 $0x2000;
	s5 =	simm.s32 $0x3000;
	s10 =	simm.s32 $0x2C00  }
0x1c: {  	[dreg:$0xe] =	wrdreg s6;
	s6 =	sshrl.u32 s24, $0x3;
	s21 =	sadd.s32 $0x2800, s19  }
0x1d: {  	s22 =	sadd.s32 $0x5000, s19;
	s23 =	sadd.s32 $0x7800, s19;
	s24 =	sadd.s32 $0xA000, s19  }
0x1e: {  	s25 =	sadd.s32 $0xC800, s19;
	s26 =	sadd.s32 $0xF000, s19;
	s28 =	sadd.s32 $0x11800, s19  }
0x1f: {  	v0 =	vimm.f32 $1.000000000e+00;
	s17 =	sadd.s32 s4, s6;
	s4 =	simm.s32 $0x1000;
	s6 =	simm.s32 $0x50  }
.LBB2_1:
0x20: {  	s14 =	rddreg [dreg:$0x5]  }
0x21: {  	[tilespmem:s29], [sflag:$0x4] =	stream.linear.gather [hbm4b:s14+s3], $0x2800, $0x38;
	[tilespmem:$0x1F800] =	vst v63  }
0x22: {  	_ =	swait.ge [sflag:s30], $0x2800  }
0x23: {  	[sflag:s30] =	ssyncset.done $0x0  }
0x24: {  	[sflag:s30] =	ssyncadd.s32 $0xFFFFD800  }
0x25: {  	[spmem:s19] =	stream.linear.scatter [tilespmem:s29], [sflag:$0x4], $0x2800, $0x38;
	[tilespmem:$0x1F800] =	vst v63  }
0x26: {  	_ =	swait.ge [sflag:s30], $0x2800  }
0x27: {  	[sflag:s30] =	ssyncset.done $0x0  }
0x28: {  	[sflag:s30] =	ssyncadd.s32 $0xFFFFD800  }
0x29: {  	[spmem:s21] =	stream.linear.scatter [tilespmem:s29], [sflag:$0x4], $0x2800, $0x38;
	[tilespmem:$0x1F800] =	vst v63  }
0x2a: {  	_ =	swait.ge [sflag:s30], $0x2800  }
0x2b: {  	[sflag:s30] =	ssyncset.done $0x0  }
0x2c: {  	[sflag:s30] =	ssyncadd.s32 $0xFFFFD800  }
0x2d: {  	[spmem:s22] =	stream.linear.scatter [tilespmem:s29], [sflag:$0x4], $0x2800, $0x38;
	[tilespmem:$0x1F800] =	vst v63  }
0x2e: {  	_ =	swait.ge [sflag:s30], $0x2800  }
0x2f: {  	[sflag:s30] =	ssyncset.done $0x0  }
0x30: {  	[sflag:s30] =	ssyncadd.s32 $0xFFFFD800  }
0x31: {  	[spmem:s23] =	stream.linear.scatter [tilespmem:s29], [sflag:$0x4], $0x2800, $0x38;
	[tilespmem:$0x1F800] =	vst v63  }
0x32: {  	_ =	swait.ge [sflag:s30], $0x2800  }
0x33: {  	[sflag:s30] =	ssyncset.done $0x0  }
0x34: {  	[sflag:s30] =	ssyncadd.s32 $0xFFFFD800  }
0x35: {  	[spmem:s24] =	stream.linear.scatter [tilespmem:s29], [sflag:$0x4], $0x2800, $0x38;
	[tilespmem:$0x1F800] =	vst v63  }
0x36: {  	_ =	swait.ge [sflag:s30], $0x2800  }
0x37: {  	[sflag:s30] =	ssyncset.done $0x0  }
0x38: {  	[sflag:s30] =	ssyncadd.s32 $0xFFFFD800  }
0x39: {  	[spmem:s25] =	stream.linear.scatter [tilespmem:s29], [sflag:$0x4], $0x2800, $0x38;
	[tilespmem:$0x1F800] =	vst v63  }
0x3a: {  	_ =	swait.ge [sflag:s30], $0x2800  }
0x3b: {  	[sflag:s30] =	ssyncset.done $0x0  }
0x3c: {  	[sflag:s30] =	ssyncadd.s32 $0xFFFFD800  }
0x3d: {  	[spmem:s26] =	stream.linear.scatter [tilespmem:s29], [sflag:$0x4], $0x2800, $0x38;
	[tilespmem:$0x1F800] =	vst v63  }
0x3e: {  	_ =	swait.ge [sflag:s30], $0x2800  }
0x3f: {  	[sflag:s30] =	ssyncset.done $0x0  }
0x40: {  	[sflag:s30] =	ssyncadd.s32 $0xFFFFD800  }
0x41: {  	[spmem:s28] =	stream.linear.scatter [tilespmem:s29], [sflag:$0x4], $0x2800, $0x38;
	[tilespmem:$0x1F800] =	vst v63  }
0x42: {  	_ =	swait.ge [sflag:s30], $0x2800  }
0x43: {  	[sflag:s30] =	ssyncset.done $0x0  }
0x44: {  	s16 =	rddreg [dreg:$0x6];
	[sflag:s30] =	ssyncadd.s32 $0xFFFFD800  }
0x45: {  	[tilespmem:s31], [sflag:$0x4] =	stream.linear.gather [hbm4b:s16+s3], $0x2800, $0x38;
	[tilespmem:$0x1F800] =	vst v63  }
0x46: {  	_ =	swait.ge [sflag:s30], $0x2800  }
0x47: {  	[sflag:s30] =	ssyncset.done $0x0  }
0x48: {  	[sflag:s30] =	ssyncadd.s32 $0xFFFFD800  }
0x49: {  	[bflag:$0x0] =	sbarrier.arrive $0xFFFF  }
0x4a: {  	s15 =	rddreg [dreg:$0x7]  }
0x4b: {  	[tilespmem:s3], [sflag:$0x4] =	stream.linear.gather [hbm4b:s15+s3], $0xC80, $0x38;
	[tilespmem:$0x1F800] =	vst v63  }
0x4c: {  	_ =	swait.ge [sflag:s30], $0xC80  }
0x4d: {  	[sflag:s30] =	ssyncset.done $0x0  }
0x4e: {  	s16 =	rddreg [dreg:$0x8];
	[sflag:s30] =	ssyncadd.s32 $0xFFFFF380  }
0x4f: {  	[tilespmem:s0], [sflag:$0x4] =	stream.linear.gather [hbm4b:s16+s3], $0xC80, $0x38;
	[tilespmem:$0x1F800] =	vst v63  }
0x50: {  	_ =	swait.ge [sflag:s30], $0xC80  }
0x51: {  	[sflag:s30] =	ssyncset.done $0x0  }
0x52: {  	s15 =	rddreg [dreg:$0x9];
	[sflag:s30] =	ssyncadd.s32 $0xFFFFF380  }
0x53: {  	[tilespmem:s4], [sflag:$0x3] =	stream.linear.gather [hbm4b:s15+s3], $0xC80, $0x38;
	[tilespmem:$0x1F800] =	vst v63  }
0x54: {  	s16 =	rddreg [dreg:$0xa]  }
0x55: {  	[tilespmem:s5], [sflag:$0x3] =	stream.linear.gather [hbm4b:s16+s3], $0xC80, $0x38;
	[tilespmem:$0x1F800] =	vst v63  }
0x56: {  	s14 =	simm.s32 $0x0  }
0x57: {  	[tilespmem:s29], [sflag:$0x1] =	stream.indirect.gather [hbm4b:s1+s6], $0x80, s3, s6, $0xb8;
	[tilespmem:$0x1F800] =	vst v63  }
.LBB2_2:
0x58: {  	s15 =	sshra.s32 s14, $0x2  }
0x59: {  	s16 =	sadd.s32 $0x80, s15  }
0x5a: {  	[tilespmem:s7], [sflag:$0x2] =	stream.indirect.gather [hbm4b:s1+s6], $0x80, s16, s6, $0xb8;
	[tilespmem:$0x1F800] =	vst v63  }
0x5b: {  	_ =	swait.ge [sflag:s8], $0x2800  }
0x5c: {  	[sflag:s8] =	ssyncset.done $0x0  }
0x5d: {  	s16 =	sadd.s32 $0x2000, s15;
	[sflag:s8] =	ssyncadd.s32 $0xFFFFD800  }
0x5e: {  	[spmem:s2] =	stream.indirect.scatter.add.f32 [tilespmem:s29], [sflag:$0x4], $0x80, s16, s6, $0xb8;
	[tilespmem:$0x1F800] =	vst v63  }
0x5f: {  	_ =	swait.ge [sflag:s30], $0x2800  }
0x60: {  	[sflag:s30] =	ssyncset.done $0x0  }
0x61: {  	[sflag:s30] =	ssyncadd.s32 $0xFFFFD800  }
0x62: {  	v1 =	vld [tilespmem:s15+$0x2000];
	_ =	sdelay $0x7  }
0x63: {  	[tilespmem:v1+s31+$0x0] =	vst.idx.add.f32.msk $0xffff, v0  }
0x64: {  	v1 =	vld [tilespmem:s15+$0x2010];
	_ =	sdelay $0x7  }
0x65: {  	[tilespmem:v1+s31+$0x0] =	vst.idx.add.f32.msk $0xffff, v0  }
0x66: {  	v1 =	vld [tilespmem:s15+$0x2020];
	_ =	sdelay $0x7  }
0x67: {  	[tilespmem:v1+s31+$0x0] =	vst.idx.add.f32.msk $0xffff, v0  }
0x68: {  	v1 =	vld [tilespmem:s15+$0x2030];
	_ =	sdelay $0x7  }
0x69: {  	[tilespmem:v1+s31+$0x0] =	vst.idx.add.f32.msk $0xffff, v0  }
0x6a: {  	v1 =	vld [tilespmem:s15+$0x2040];
	_ =	sdelay $0x7  }
0x6b: {  	s16 =	sadd.s32 $0x100, s15;
	[tilespmem:v1+s31+$0x0] =	vst.idx.add.f32.msk $0xffff, v0  }
0x6c: {  	[tilespmem:s29], [sflag:$0x1] =	stream.indirect.gather [hbm4b:s1+s6], $0x80, s16, s6, $0xb8;
	[tilespmem:$0x1F800] =	vst v63  }
0x6d: {  	_ =	swait.ge [sflag:s9], $0x2800  }
0x6e: {  	[sflag:s9] =	ssyncset.done $0x0  }
0x6f: {  	s16 =	sadd.s32 $0x2080, s15;
	[sflag:s9] =	ssyncadd.s32 $0xFFFFD800  }
0x70: {  	[spmem:s2] =	stream.indirect.scatter.add.f32 [tilespmem:s7], [sflag:$0x4], $0x80, s16, s6, $0xb8;
	[tilespmem:$0x1F800] =	vst v63  }
0x71: {  	_ =	swait.ge [sflag:s30], $0x2800  }
0x72: {  	[sflag:s30] =	ssyncset.done $0x0  }
0x73: {  	[sflag:s30] =	ssyncadd.s32 $0xFFFFD800  }
0x74: {  	v1 =	vld [tilespmem:s15+$0x2080];
	_ =	sdelay $0x7  }
0x75: {  	[tilespmem:v1+s31+$0x0] =	vst.idx.add.f32.msk $0xffff, v0  }
0x76: {  	v1 =	vld [tilespmem:s15+$0x2090];
	_ =	sdelay $0x7  }
0x77: {  	[tilespmem:v1+s31+$0x0] =	vst.idx.add.f32.msk $0xffff, v0  }
0x78: {  	v1 =	vld [tilespmem:s15+$0x20A0];
	_ =	sdelay $0x7  }
0x79: {  	[tilespmem:v1+s31+$0x0] =	vst.idx.add.f32.msk $0xffff, v0  }
0x7a: {  	v1 =	vld [tilespmem:s15+$0x20B0];
	_ =	sdelay $0x7  }
0x7b: {  	[tilespmem:v1+s31+$0x0] =	vst.idx.add.f32.msk $0xffff, v0  }
0x7c: {  	v1 =	vld [tilespmem:s15+$0x20C0];
	_ =	sdelay $0x2  }
0x7d: {  	p0 =	sne.s32 s14, $0x2C00  }
.Ltmp0:
0x7e: {  	_ = 	snop;
	(pc) =	sbr.rel @p0 .LBB2_2-.Ltmp0, $2  }
0x7f: {  	_ =	sdelay $0x2  }
0x80: {  	s14 =	sadd.s32 $0x400, s14;
	[tilespmem:v1+s31+$0x0] =	vst.idx.add.f32.msk $0xffff, v0  }
0x81: {  	_ =	swait.ge [sflag:s8], $0x2800  }
0x82: {  	[sflag:s8] =	ssyncset.done $0x0  }
0x83: {  	[sflag:s8] =	ssyncadd.s32 $0xFFFFD800  }
0x84: {  	[spmem:s2] =	stream.indirect.scatter.add.f32 [tilespmem:s29], [sflag:$0x4], $0x80, s10, s6, $0xb8;
	[tilespmem:$0x1F800] =	vst v63  }
0x85: {  	_ =	swait.ge [sflag:s30], $0x2800  }
0x86: {  	[sflag:s30] =	ssyncset.done $0x0  }
0x87: {  	[sflag:s30] =	ssyncadd.s32 $0xFFFFD800  }
0x88: {  	v1 =	vld [tilespmem:$0x2C00];
	_ =	sdelay $0x7  }
0x89: {  	[tilespmem:v1+s31+$0x0] =	vst.idx.add.f32.msk $0xffff, v0  }
0x8a: {  	v1 =	vld [tilespmem:$0x2C10];
	_ =	sdelay $0x7  }
0x8b: {  	[tilespmem:v1+s31+$0x0] =	vst.idx.add.f32.msk $0xffff, v0  }
0x8c: {  	v1 =	vld [tilespmem:$0x2C20];
	_ =	sdelay $0x7  }
0x8d: {  	[tilespmem:v1+s31+$0x0] =	vst.idx.add.f32.msk $0xffff, v0  }
0x8e: {  	v1 =	vld [tilespmem:$0x2C30];
	_ =	sdelay $0x7  }
0x8f: {  	[tilespmem:v1+s31+$0x0] =	vst.idx.add.f32.msk $0xffff, v0  }
0x90: {  	v1 =	vld [tilespmem:$0x2C40];
	_ =	sdelay $0x7  }
0x91: {  	[tilespmem:v1+s31+$0x0] =	vst.idx.add.f32.msk $0xffff, v0  }
0x92: {  	_ =	swait.ge [sflag:s11], $0xC80  }
0x93: {  	[sflag:s11] =	ssyncset.done $0x0  }
0x94: {  	[sflag:s11] =	ssyncadd.s32 $0xFFFFF380  }
0x95: {  	_ =	swait.ge [sflag:s11], $0xC80  }
0x96: {  	[sflag:s11] =	ssyncset.done $0x0  }
0x97: {  	s14 =	simm.s32 $0x0;
	s15 =	rddreg [dreg:$0xb];
	[sflag:s11] =	ssyncadd.s32 $0xFFFFF380  }
0x98: {  	[tilespmem:s14], [sflag:$0x3] =	stream.linear.gather [hbm4b:s15+s14], $0xC80, $0x38;
	[tilespmem:$0x1F800] =	vst v63  }
0x99: {  	s16 =	rddreg [dreg:$0xc]  }
0x9a: {  	[tilespmem:s0], [sflag:$0x3] =	stream.linear.gather [hbm4b:s16+s14], $0xC80, $0x38;
	[tilespmem:$0x1F800] =	vst v63  }
0x9b: {  	_ = 	snop  }
0x9c: {  	[tilespmem:s29], [sflag:$0x1] =	stream.indirect.gather [hbm4b:s1+s6], $0x80, s4, s6, $0xb8;
	[tilespmem:$0x1F800] =	vst v63  }
.LBB2_4:
0x9d: {  	s15 =	sshra.s32 s14, $0x2  }
0x9e: {  	s16 =	sadd.s32 $0x1080, s15  }
0x9f: {  	[tilespmem:s7], [sflag:$0x2] =	stream.indirect.gather [hbm4b:s1+s6], $0x80, s16, s6, $0xb8;
	[tilespmem:$0x1F800] =	vst v63  }
0xa0: {  	_ =	swait.ge [sflag:s8], $0x2800  }
0xa1: {  	[sflag:s8] =	ssyncset.done $0x0  }
0xa2: {  	s16 =	sadd.s32 $0x3000, s15;
	[sflag:s8] =	ssyncadd.s32 $0xFFFFD800  }
0xa3: {  	[spmem:s2] =	stream.indirect.scatter.add.f32 [tilespmem:s29], [sflag:$0x4], $0x80, s16, s6, $0xb8;
	[tilespmem:$0x1F800] =	vst v63  }
0xa4: {  	_ =	swait.ge [sflag:s30], $0x2800  }
0xa5: {  	[sflag:s30] =	ssyncset.done $0x0  }
0xa6: {  	[sflag:s30] =	ssyncadd.s32 $0xFFFFD800  }
0xa7: {  	v1 =	vld [tilespmem:s15+$0x3000];
	_ =	sdelay $0x7  }
0xa8: {  	[tilespmem:v1+s31+$0x0] =	vst.idx.add.f32.msk $0xffff, v0  }
0xa9: {  	v1 =	vld [tilespmem:s15+$0x3010];
	_ =	sdelay $0x7  }
0xaa: {  	[tilespmem:v1+s31+$0x0] =	vst.idx.add.f32.msk $0xffff, v0  }
0xab: {  	v1 =	vld [tilespmem:s15+$0x3020];
	_ =	sdelay $0x7  }
0xac: {  	[tilespmem:v1+s31+$0x0] =	vst.idx.add.f32.msk $0xffff, v0  }
0xad: {  	v1 =	vld [tilespmem:s15+$0x3030];
	_ =	sdelay $0x7  }
0xae: {  	[tilespmem:v1+s31+$0x0] =	vst.idx.add.f32.msk $0xffff, v0  }
0xaf: {  	v1 =	vld [tilespmem:s15+$0x3040];
	_ =	sdelay $0x7  }
0xb0: {  	s16 =	sadd.s32 $0x1100, s15;
	[tilespmem:v1+s31+$0x0] =	vst.idx.add.f32.msk $0xffff, v0  }
0xb1: {  	[tilespmem:s29], [sflag:$0x1] =	stream.indirect.gather [hbm4b:s1+s6], $0x80, s16, s6, $0xb8;
	[tilespmem:$0x1F800] =	vst v63  }
0xb2: {  	_ =	swait.ge [sflag:s9], $0x2800  }
0xb3: {  	[sflag:s9] =	ssyncset.done $0x0  }
0xb4: {  	s16 =	sadd.s32 $0x3080, s15;
	[sflag:s9] =	ssyncadd.s32 $0xFFFFD800  }
0xb5: {  	[spmem:s2] =	stream.indirect.scatter.add.f32 [tilespmem:s7], [sflag:$0x4], $0x80, s16, s6, $0xb8;
	[tilespmem:$0x1F800] =	vst v63  }
0xb6: {  	_ =	swait.ge [sflag:s30], $0x2800  }
0xb7: {  	[sflag:s30] =	ssyncset.done $0x0  }
0xb8: {  	[sflag:s30] =	ssyncadd.s32 $0xFFFFD800  }
0xb9: {  	v1 =	vld [tilespmem:s15+$0x3080];
	_ =	sdelay $0x7  }
0xba: {  	[tilespmem:v1+s31+$0x0] =	vst.idx.add.f32.msk $0xffff, v0  }
0xbb: {  	v1 =	vld [tilespmem:s15+$0x3090];
	_ =	sdelay $0x7  }
0xbc: {  	[tilespmem:v1+s31+$0x0] =	vst.idx.add.f32.msk $0xffff, v0  }
0xbd: {  	v1 =	vld [tilespmem:s15+$0x30A0];
	_ =	sdelay $0x7  }
0xbe: {  	[tilespmem:v1+s31+$0x0] =	vst.idx.add.f32.msk $0xffff, v0  }
0xbf: {  	v1 =	vld [tilespmem:s15+$0x30B0];
	_ =	sdelay $0x7  }
0xc0: {  	[tilespmem:v1+s31+$0x0] =	vst.idx.add.f32.msk $0xffff, v0  }
0xc1: {  	v1 =	vld [tilespmem:s15+$0x30C0];
	_ =	sdelay $0x2  }
0xc2: {  	p0 =	sne.s32 s14, $0x2C00  }
.Ltmp1:
0xc3: {  	_ = 	snop;
	(pc) =	sbr.rel @p0 .LBB2_4-.Ltmp1, $2  }
0xc4: {  	_ =	sdelay $0x2  }
0xc5: {  	s14 =	sadd.s32 $0x400, s14;
	[tilespmem:v1+s31+$0x0] =	vst.idx.add.f32.msk $0xffff, v0  }
0xc6: {  	_ =	swait.ge [sflag:s8], $0x2800  }
0xc7: {  	[sflag:s8] =	ssyncset.done $0x0  }
0xc8: {  	[sflag:s8] =	ssyncadd.s32 $0xFFFFD800  }
0xc9: {  	[spmem:s2] =	stream.indirect.scatter.add.f32 [tilespmem:s29], [sflag:$0x4], $0x80, s12, s6, $0xb8;
	[tilespmem:$0x1F800] =	vst v63  }
0xca: {  	_ =	swait.ge [sflag:s30], $0x2800  }
0xcb: {  	[sflag:s30] =	ssyncset.done $0x0  }
0xcc: {  	[sflag:s30] =	ssyncadd.s32 $0xFFFFD800  }
0xcd: {  	v1 =	vld [tilespmem:$0x3C00];
	_ =	sdelay $0x7  }
0xce: {  	[tilespmem:v1+s31+$0x0] =	vst.idx.add.f32.msk $0xffff, v0  }
0xcf: {  	v1 =	vld [tilespmem:$0x3C10];
	_ =	sdelay $0x7  }
0xd0: {  	[tilespmem:v1+s31+$0x0] =	vst.idx.add.f32.msk $0xffff, v0  }
0xd1: {  	v1 =	vld [tilespmem:$0x3C20];
	_ =	sdelay $0x7  }
0xd2: {  	[tilespmem:v1+s31+$0x0] =	vst.idx.add.f32.msk $0xffff, v0  }
0xd3: {  	v1 =	vld [tilespmem:$0x3C30];
	_ =	sdelay $0x7  }
0xd4: {  	[tilespmem:v1+s31+$0x0] =	vst.idx.add.f32.msk $0xffff, v0  }
0xd5: {  	v1 =	vld [tilespmem:$0x3C40];
	_ =	sdelay $0x7  }
0xd6: {  	[tilespmem:v1+s31+$0x0] =	vst.idx.add.f32.msk $0xffff, v0  }
0xd7: {  	_ =	swait.ge [sflag:s11], $0xC80  }
0xd8: {  	[sflag:s11] =	ssyncset.done $0x0  }
0xd9: {  	[sflag:s11] =	ssyncadd.s32 $0xFFFFF380  }
0xda: {  	_ =	swait.ge [sflag:s11], $0xC80  }
0xdb: {  	[sflag:s11] =	ssyncset.done $0x0  }
0xdc: {  	s14 =	simm.s32 $0x0;
	s15 =	rddreg [dreg:$0xd];
	[sflag:s11] =	ssyncadd.s32 $0xFFFFF380  }
0xdd: {  	[tilespmem:s4], [sflag:$0x3] =	stream.linear.gather [hbm4b:s15+s14], $0xC80, $0x38;
	[tilespmem:$0x1F800] =	vst v63  }
0xde: {  	s16 =	rddreg [dreg:$0xe]  }
0xdf: {  	[tilespmem:s5], [sflag:$0x3] =	stream.linear.gather [hbm4b:s16+s14], $0xC80, $0x38;
	[tilespmem:$0x1F800] =	vst v63  }
0xe0: {  	_ = 	snop  }
0xe1: {  	[tilespmem:s29], [sflag:$0x1] =	stream.indirect.gather [hbm4b:s1+s6], $0x80, s14, s6, $0xb8;
	[tilespmem:$0x1F800] =	vst v63  }
.LBB2_6:
0xe2: {  	s15 =	sshra.s32 s14, $0x2  }
0xe3: {  	s16 =	sadd.s32 $0x80, s15  }
0xe4: {  	[tilespmem:s7], [sflag:$0x2] =	stream.indirect.gather [hbm4b:s1+s6], $0x80, s16, s6, $0xb8;
	[tilespmem:$0x1F800] =	vst v63  }
0xe5: {  	_ =	swait.ge [sflag:s8], $0x2800  }
0xe6: {  	[sflag:s8] =	ssyncset.done $0x0  }
0xe7: {  	s16 =	sadd.s32 $0x2000, s15;
	[sflag:s8] =	ssyncadd.s32 $0xFFFFD800  }
0xe8: {  	[spmem:s2] =	stream.indirect.scatter.add.f32 [tilespmem:s29], [sflag:$0x4], $0x80, s16, s6, $0xb8;
	[tilespmem:$0x1F800] =	vst v63  }
0xe9: {  	_ =	swait.ge [sflag:s30], $0x2800  }
0xea: {  	[sflag:s30] =	ssyncset.done $0x0  }
0xeb: {  	[sflag:s30] =	ssyncadd.s32 $0xFFFFD800  }
0xec: {  	v1 =	vld [tilespmem:s15+$0x2000];
	_ =	sdelay $0x7  }
0xed: {  	[tilespmem:v1+s31+$0x0] =	vst.idx.add.f32.msk $0xffff, v0  }
0xee: {  	v1 =	vld [tilespmem:s15+$0x2010];
	_ =	sdelay $0x7  }
0xef: {  	[tilespmem:v1+s31+$0x0] =	vst.idx.add.f32.msk $0xffff, v0  }
0xf0: {  	v1 =	vld [tilespmem:s15+$0x2020];
	_ =	sdelay $0x7  }
0xf1: {  	[tilespmem:v1+s31+$0x0] =	vst.idx.add.f32.msk $0xffff, v0  }
0xf2: {  	v1 =	vld [tilespmem:s15+$0x2030];
	_ =	sdelay $0x7  }
0xf3: {  	[tilespmem:v1+s31+$0x0] =	vst.idx.add.f32.msk $0xffff, v0  }
0xf4: {  	v1 =	vld [tilespmem:s15+$0x2040];
	_ =	sdelay $0x7  }
0xf5: {  	s16 =	sadd.s32 $0x100, s15;
	[tilespmem:v1+s31+$0x0] =	vst.idx.add.f32.msk $0xffff, v0  }
0xf6: {  	[tilespmem:s29], [sflag:$0x1] =	stream.indirect.gather [hbm4b:s1+s6], $0x80, s16, s6, $0xb8;
	[tilespmem:$0x1F800] =	vst v63  }
0xf7: {  	_ =	swait.ge [sflag:s9], $0x2800  }
0xf8: {  	[sflag:s9] =	ssyncset.done $0x0  }
0xf9: {  	s16 =	sadd.s32 $0x2080, s15;
	[sflag:s9] =	ssyncadd.s32 $0xFFFFD800  }
0xfa: {  	[spmem:s2] =	stream.indirect.scatter.add.f32 [tilespmem:s7], [sflag:$0x4], $0x80, s16, s6, $0xb8;
	[tilespmem:$0x1F800] =	vst v63  }
0xfb: {  	_ =	swait.ge [sflag:s30], $0x2800  }
0xfc: {  	[sflag:s30] =	ssyncset.done $0x0  }
0xfd: {  	[sflag:s30] =	ssyncadd.s32 $0xFFFFD800  }
0xfe: {  	v1 =	vld [tilespmem:s15+$0x2080];
	_ =	sdelay $0x7  }
0xff: {  	[tilespmem:v1+s31+$0x0] =	vst.idx.add.f32.msk $0xffff, v0  }
0x100: {  	v1 =	vld [tilespmem:s15+$0x2090];
	_ =	sdelay $0x7  }
0x101: {  	[tilespmem:v1+s31+$0x0] =	vst.idx.add.f32.msk $0xffff, v0  }
0x102: {  	v1 =	vld [tilespmem:s15+$0x20A0];
	_ =	sdelay $0x7  }
0x103: {  	[tilespmem:v1+s31+$0x0] =	vst.idx.add.f32.msk $0xffff, v0  }
0x104: {  	v1 =	vld [tilespmem:s15+$0x20B0];
	_ =	sdelay $0x7  }
0x105: {  	[tilespmem:v1+s31+$0x0] =	vst.idx.add.f32.msk $0xffff, v0  }
0x106: {  	v1 =	vld [tilespmem:s15+$0x20C0];
	_ =	sdelay $0x2  }
0x107: {  	p0 =	sne.s32 s14, $0x2C00  }
.Ltmp2:
0x108: {  	_ = 	snop;
	(pc) =	sbr.rel @p0 .LBB2_6-.Ltmp2, $2  }
0x109: {  	_ =	sdelay $0x2  }
0x10a: {  	s14 =	sadd.s32 $0x400, s14;
	[tilespmem:v1+s31+$0x0] =	vst.idx.add.f32.msk $0xffff, v0  }
0x10b: {  	_ =	swait.ge [sflag:s8], $0x2800  }
0x10c: {  	[sflag:s8] =	ssyncset.done $0x0  }
0x10d: {  	[sflag:s8] =	ssyncadd.s32 $0xFFFFD800  }
0x10e: {  	[spmem:s2] =	stream.indirect.scatter.add.f32 [tilespmem:s29], [sflag:$0x4], $0x80, s10, s6, $0xb8;
	[tilespmem:$0x1F800] =	vst v63  }
0x10f: {  	_ =	swait.ge [sflag:s30], $0x2800  }
0x110: {  	[sflag:s30] =	ssyncset.done $0x0  }
0x111: {  	[sflag:s30] =	ssyncadd.s32 $0xFFFFD800  }
0x112: {  	v1 =	vld [tilespmem:$0x2C00];
	_ =	sdelay $0x7  }
0x113: {  	[tilespmem:v1+s31+$0x0] =	vst.idx.add.f32.msk $0xffff, v0  }
0x114: {  	v1 =	vld [tilespmem:$0x2C10];
	_ =	sdelay $0x7  }
0x115: {  	[tilespmem:v1+s31+$0x0] =	vst.idx.add.f32.msk $0xffff, v0  }
0x116: {  	v1 =	vld [tilespmem:$0x2C20];
	_ =	sdelay $0x7  }
0x117: {  	[tilespmem:v1+s31+$0x0] =	vst.idx.add.f32.msk $0xffff, v0  }
0x118: {  	v1 =	vld [tilespmem:$0x2C30];
	_ =	sdelay $0x7  }
0x119: {  	[tilespmem:v1+s31+$0x0] =	vst.idx.add.f32.msk $0xffff, v0  }
0x11a: {  	v1 =	vld [tilespmem:$0x2C40];
	_ =	sdelay $0x7  }
0x11b: {  	[tilespmem:v1+s31+$0x0] =	vst.idx.add.f32.msk $0xffff, v0  }
0x11c: {  	_ =	swait.ge [sflag:s11], $0xC80  }
0x11d: {  	[sflag:s11] =	ssyncset.done $0x0  }
0x11e: {  	[sflag:s11] =	ssyncadd.s32 $0xFFFFF380  }
0x11f: {  	_ =	swait.ge [sflag:s11], $0xC80  }
0x120: {  	[sflag:s11] =	ssyncset.done $0x0  }
0x121: {  	s14 =	simm.s32 $0x0;
	s15 =	rddreg [dreg:$0xf];
	[sflag:s11] =	ssyncadd.s32 $0xFFFFF380  }
0x122: {  	[tilespmem:s14], [sflag:$0x3] =	stream.linear.gather [hbm4b:s15+s14], $0xC80, $0x38;
	[tilespmem:$0x1F800] =	vst v63  }
0x123: {  	s16 =	rddreg [dreg:$0x10]  }
0x124: {  	[tilespmem:s0], [sflag:$0x3] =	stream.linear.gather [hbm4b:s16+s14], $0xC80, $0x38;
	[tilespmem:$0x1F800] =	vst v63  }
0x125: {  	_ = 	snop  }
0x126: {  	[tilespmem:s29], [sflag:$0x1] =	stream.indirect.gather [hbm4b:s1+s6], $0x80, s4, s6, $0xb8;
	[tilespmem:$0x1F800] =	vst v63  }
.LBB2_8:
0x127: {  	s15 =	sshra.s32 s14, $0x2  }
0x128: {  	s16 =	sadd.s32 $0x1080, s15  }
0x129: {  	[tilespmem:s7], [sflag:$0x2] =	stream.indirect.gather [hbm4b:s1+s6], $0x80, s16, s6, $0xb8;
	[tilespmem:$0x1F800] =	vst v63  }
0x12a: {  	_ =	swait.ge [sflag:s8], $0x2800  }
0x12b: {  	[sflag:s8] =	ssyncset.done $0x0  }
0x12c: {  	s16 =	sadd.s32 $0x3000, s15;
	[sflag:s8] =	ssyncadd.s32 $0xFFFFD800  }
0x12d: {  	[spmem:s2] =	stream.indirect.scatter.add.f32 [tilespmem:s29], [sflag:$0x4], $0x80, s16, s6, $0xb8;
	[tilespmem:$0x1F800] =	vst v63  }
0x12e: {  	_ =	swait.ge [sflag:s30], $0x2800  }
0x12f: {  	[sflag:s30] =	ssyncset.done $0x0  }
0x130: {  	[sflag:s30] =	ssyncadd.s32 $0xFFFFD800  }
0x131: {  	v1 =	vld [tilespmem:s15+$0x3000];
	_ =	sdelay $0x7  }
0x132: {  	[tilespmem:v1+s31+$0x0] =	vst.idx.add.f32.msk $0xffff, v0  }
0x133: {  	v1 =	vld [tilespmem:s15+$0x3010];
	_ =	sdelay $0x7  }
0x134: {  	[tilespmem:v1+s31+$0x0] =	vst.idx.add.f32.msk $0xffff, v0  }
0x135: {  	v1 =	vld [tilespmem:s15+$0x3020];
	_ =	sdelay $0x7  }
0x136: {  	[tilespmem:v1+s31+$0x0] =	vst.idx.add.f32.msk $0xffff, v0  }
0x137: {  	v1 =	vld [tilespmem:s15+$0x3030];
	_ =	sdelay $0x7  }
0x138: {  	[tilespmem:v1+s31+$0x0] =	vst.idx.add.f32.msk $0xffff, v0  }
0x139: {  	v1 =	vld [tilespmem:s15+$0x3040];
	_ =	sdelay $0x7  }
0x13a: {  	s16 =	sadd.s32 $0x1100, s15;
	[tilespmem:v1+s31+$0x0] =	vst.idx.add.f32.msk $0xffff, v0  }
0x13b: {  	[tilespmem:s29], [sflag:$0x1] =	stream.indirect.gather [hbm4b:s1+s6], $0x80, s16, s6, $0xb8;
	[tilespmem:$0x1F800] =	vst v63  }
0x13c: {  	_ =	swait.ge [sflag:s9], $0x2800  }
0x13d: {  	[sflag:s9] =	ssyncset.done $0x0  }
0x13e: {  	s16 =	sadd.s32 $0x3080, s15;
	[sflag:s9] =	ssyncadd.s32 $0xFFFFD800  }
0x13f: {  	[spmem:s2] =	stream.indirect.scatter.add.f32 [tilespmem:s7], [sflag:$0x4], $0x80, s16, s6, $0xb8;
	[tilespmem:$0x1F800] =	vst v63  }
0x140: {  	_ =	swait.ge [sflag:s30], $0x2800  }
0x141: {  	[sflag:s30] =	ssyncset.done $0x0  }
0x142: {  	[sflag:s30] =	ssyncadd.s32 $0xFFFFD800  }
0x143: {  	v1 =	vld [tilespmem:s15+$0x3080];
	_ =	sdelay $0x7  }
0x144: {  	[tilespmem:v1+s31+$0x0] =	vst.idx.add.f32.msk $0xffff, v0  }
0x145: {  	v1 =	vld [tilespmem:s15+$0x3090];
	_ =	sdelay $0x7  }
0x146: {  	[tilespmem:v1+s31+$0x0] =	vst.idx.add.f32.msk $0xffff, v0  }
0x147: {  	v1 =	vld [tilespmem:s15+$0x30A0];
	_ =	sdelay $0x7  }
0x148: {  	[tilespmem:v1+s31+$0x0] =	vst.idx.add.f32.msk $0xffff, v0  }
0x149: {  	v1 =	vld [tilespmem:s15+$0x30B0];
	_ =	sdelay $0x7  }
0x14a: {  	[tilespmem:v1+s31+$0x0] =	vst.idx.add.f32.msk $0xffff, v0  }
0x14b: {  	v1 =	vld [tilespmem:s15+$0x30C0];
	_ =	sdelay $0x2  }
0x14c: {  	p0 =	sne.s32 s14, $0x2C00  }
.Ltmp3:
0x14d: {  	_ = 	snop;
	(pc) =	sbr.rel @p0 .LBB2_8-.Ltmp3, $2  }
0x14e: {  	_ =	sdelay $0x2  }
0x14f: {  	s14 =	sadd.s32 $0x400, s14;
	[tilespmem:v1+s31+$0x0] =	vst.idx.add.f32.msk $0xffff, v0  }
0x150: {  	_ =	swait.ge [sflag:s8], $0x2800  }
0x151: {  	[sflag:s8] =	ssyncset.done $0x0  }
0x152: {  	[sflag:s8] =	ssyncadd.s32 $0xFFFFD800  }
0x153: {  	[spmem:s2] =	stream.indirect.scatter.add.f32 [tilespmem:s29], [sflag:$0x4], $0x80, s12, s6, $0xb8;
	[tilespmem:$0x1F800] =	vst v63  }
0x154: {  	_ =	swait.ge [sflag:s30], $0x2800  }
0x155: {  	[sflag:s30] =	ssyncset.done $0x0  }
0x156: {  	[sflag:s30] =	ssyncadd.s32 $0xFFFFD800  }
0x157: {  	v1 =	vld [tilespmem:$0x3C00];
	_ =	sdelay $0x7  }
0x158: {  	[tilespmem:v1+s31+$0x0] =	vst.idx.add.f32.msk $0xffff, v0  }
0x159: {  	v1 =	vld [tilespmem:$0x3C10];
	_ =	sdelay $0x7  }
0x15a: {  	[tilespmem:v1+s31+$0x0] =	vst.idx.add.f32.msk $0xffff, v0  }
0x15b: {  	v1 =	vld [tilespmem:$0x3C20];
	_ =	sdelay $0x7  }
0x15c: {  	[tilespmem:v1+s31+$0x0] =	vst.idx.add.f32.msk $0xffff, v0  }
0x15d: {  	v1 =	vld [tilespmem:$0x3C30];
	_ =	sdelay $0x7  }
0x15e: {  	[tilespmem:v1+s31+$0x0] =	vst.idx.add.f32.msk $0xffff, v0  }
0x15f: {  	v1 =	vld [tilespmem:$0x3C40];
	_ =	sdelay $0x7  }
0x160: {  	[tilespmem:v1+s31+$0x0] =	vst.idx.add.f32.msk $0xffff, v0  }
0x161: {  	_ =	swait.ge [sflag:s11], $0xC80  }
0x162: {  	[sflag:s11] =	ssyncset.done $0x0  }
0x163: {  	[sflag:s11] =	ssyncadd.s32 $0xFFFFF380  }
0x164: {  	_ =	swait.ge [sflag:s11], $0xC80  }
0x165: {  	[sflag:s11] =	ssyncset.done $0x0  }
0x166: {  	s14 =	simm.s32 $0x0;
	[sflag:s11] =	ssyncadd.s32 $0xFFFFF380  }
0x167: {  	[tilespmem:s29], [sflag:$0x1] =	stream.indirect.gather [hbm4b:s1+s6], $0x80, s14, s6, $0xb8;
	[tilespmem:$0x1F800] =	vst v63  }
.LBB2_10:
0x168: {  	s15 =	sshra.s32 s14, $0x2  }
0x169: {  	s16 =	sadd.s32 $0x80, s15  }
0x16a: {  	[tilespmem:s7], [sflag:$0x2] =	stream.indirect.gather [hbm4b:s1+s6], $0x80, s16, s6, $0xb8;
	[tilespmem:$0x1F800] =	vst v63  }
0x16b: {  	_ =	swait.ge [sflag:s8], $0x2800  }
0x16c: {  	[sflag:s8] =	ssyncset.done $0x0  }
0x16d: {  	s16 =	sadd.s32 $0x2000, s15;
	[sflag:s8] =	ssyncadd.s32 $0xFFFFD800  }
0x16e: {  	[spmem:s2] =	stream.indirect.scatter.add.f32 [tilespmem:s29], [sflag:$0x4], $0x80, s16, s6, $0xb8;
	[tilespmem:$0x1F800] =	vst v63  }
0x16f: {  	_ =	swait.ge [sflag:s30], $0x2800  }
0x170: {  	[sflag:s30] =	ssyncset.done $0x0  }
0x171: {  	[sflag:s30] =	ssyncadd.s32 $0xFFFFD800  }
0x172: {  	v1 =	vld [tilespmem:s15+$0x2000];
	_ =	sdelay $0x7  }
0x173: {  	[tilespmem:v1+s31+$0x0] =	vst.idx.add.f32.msk $0xffff, v0  }
0x174: {  	v1 =	vld [tilespmem:s15+$0x2010];
	_ =	sdelay $0x7  }
0x175: {  	[tilespmem:v1+s31+$0x0] =	vst.idx.add.f32.msk $0xffff, v0  }
0x176: {  	v1 =	vld [tilespmem:s15+$0x2020];
	_ =	sdelay $0x7  }
0x177: {  	[tilespmem:v1+s31+$0x0] =	vst.idx.add.f32.msk $0xffff, v0  }
0x178: {  	v1 =	vld [tilespmem:s15+$0x2030];
	_ =	sdelay $0x7  }
0x179: {  	[tilespmem:v1+s31+$0x0] =	vst.idx.add.f32.msk $0xffff, v0  }
0x17a: {  	v1 =	vld [tilespmem:s15+$0x2040];
	_ =	sdelay $0x7  }
0x17b: {  	s16 =	sadd.s32 $0x100, s15;
	[tilespmem:v1+s31+$0x0] =	vst.idx.add.f32.msk $0xffff, v0  }
0x17c: {  	[tilespmem:s29], [sflag:$0x1] =	stream.indirect.gather [hbm4b:s1+s6], $0x80, s16, s6, $0xb8;
	[tilespmem:$0x1F800] =	vst v63  }
0x17d: {  	_ =	swait.ge [sflag:s9], $0x2800  }
0x17e: {  	[sflag:s9] =	ssyncset.done $0x0  }
0x17f: {  	s16 =	sadd.s32 $0x2080, s15;
	[sflag:s9] =	ssyncadd.s32 $0xFFFFD800  }
0x180: {  	[spmem:s2] =	stream.indirect.scatter.add.f32 [tilespmem:s7], [sflag:$0x4], $0x80, s16, s6, $0xb8;
	[tilespmem:$0x1F800] =	vst v63  }
0x181: {  	_ =	swait.ge [sflag:s30], $0x2800  }
0x182: {  	[sflag:s30] =	ssyncset.done $0x0  }
0x183: {  	[sflag:s30] =	ssyncadd.s32 $0xFFFFD800  }
0x184: {  	v1 =	vld [tilespmem:s15+$0x2080];
	_ =	sdelay $0x7  }
0x185: {  	[tilespmem:v1+s31+$0x0] =	vst.idx.add.f32.msk $0xffff, v0  }
0x186: {  	v1 =	vld [tilespmem:s15+$0x2090];
	_ =	sdelay $0x7  }
0x187: {  	[tilespmem:v1+s31+$0x0] =	vst.idx.add.f32.msk $0xffff, v0  }
0x188: {  	v1 =	vld [tilespmem:s15+$0x20A0];
	_ =	sdelay $0x7  }
0x189: {  	[tilespmem:v1+s31+$0x0] =	vst.idx.add.f32.msk $0xffff, v0  }
0x18a: {  	v1 =	vld [tilespmem:s15+$0x20B0];
	_ =	sdelay $0x7  }
0x18b: {  	[tilespmem:v1+s31+$0x0] =	vst.idx.add.f32.msk $0xffff, v0  }
0x18c: {  	v1 =	vld [tilespmem:s15+$0x20C0];
	_ =	sdelay $0x2  }
0x18d: {  	p0 =	sne.s32 s14, $0x2C00  }
.Ltmp4:
0x18e: {  	_ = 	snop;
	(pc) =	sbr.rel @p0 .LBB2_10-.Ltmp4, $2  }
0x18f: {  	_ =	sdelay $0x2  }
0x190: {  	s14 =	sadd.s32 $0x400, s14;
	[tilespmem:v1+s31+$0x0] =	vst.idx.add.f32.msk $0xffff, v0  }
0x191: {  	_ =	swait.ge [sflag:s8], $0x2800  }
0x192: {  	[sflag:s8] =	ssyncset.done $0x0  }
0x193: {  	[sflag:s8] =	ssyncadd.s32 $0xFFFFD800  }
0x194: {  	[spmem:s2] =	stream.indirect.scatter.add.f32 [tilespmem:s29], [sflag:$0x4], $0x80, s10, s6, $0xb8;
	[tilespmem:$0x1F800] =	vst v63  }
0x195: {  	_ =	swait.ge [sflag:s30], $0x2800  }
0x196: {  	[sflag:s30] =	ssyncset.done $0x0  }
0x197: {  	[sflag:s30] =	ssyncadd.s32 $0xFFFFD800  }
0x198: {  	v1 =	vld [tilespmem:$0x2C00];
	_ =	sdelay $0x7  }
0x199: {  	[tilespmem:v1+s31+$0x0] =	vst.idx.add.f32.msk $0xffff, v0  }
0x19a: {  	v1 =	vld [tilespmem:$0x2C10];
	_ =	sdelay $0x7  }
0x19b: {  	[tilespmem:v1+s31+$0x0] =	vst.idx.add.f32.msk $0xffff, v0  }
0x19c: {  	v1 =	vld [tilespmem:$0x2C20];
	_ =	sdelay $0x7  }
0x19d: {  	[tilespmem:v1+s31+$0x0] =	vst.idx.add.f32.msk $0xffff, v0  }
0x19e: {  	v1 =	vld [tilespmem:$0x2C30];
	_ =	sdelay $0x7  }
0x19f: {  	[tilespmem:v1+s31+$0x0] =	vst.idx.add.f32.msk $0xffff, v0  }
0x1a0: {  	v1 =	vld [tilespmem:$0x2C40];
	_ =	sdelay $0x7  }
0x1a1: {  	s14 =	simm.s32 $0x80;
	s15 =	simm.s32 $0x400;
	[tilespmem:v1+s31+$0x0] =	vst.idx.add.f32.msk $0xffff, v0  }
0x1a2: {  	[hbm4b:s17+s14] =	stream.strided.scatter [tilespmem:s31], [sflag:$0x4], $0x2800, s15, s14, $0x38;
	[tilespmem:$0x1F800] =	vst v63  }
0x1a3: {  	s16 =	sshrl.u32 s19, $0x3;
	_ =	swait.ge [sflag:s30], $0x2800  }
0x1a4: {  	s13 =	sadd.s32 $0x1, s13;
	s15 =	stileid.u32;
	[sflag:s30] =	ssyncset.done $0x0  }
0x1a5: {  	p0 =	sne.s32 s13, s20;
	s14 =	sshll.u32 s15, $0x6;
	[sflag:s30] =	ssyncadd.s32 $0xFFFFD800  }
.Ltmp5:
0x1a6: {  	s14 =	sor.u32 $0x1C04, s14;
	[bflag:$0x0] =	sbarrier.arrive $0xFFFF;
	(pc) =	sbr.rel @p0 .LBB2_1-.Ltmp5, $4  }
0x1a7: {  	[hbm:s18], [sflag:s14] =	dma.local [spmem:s16], $0x2800  }
0x1a8: {  	_ =	swait.ge [sflag:s30], $0x2800  }
0x1a9: {  	[sflag:s30] =	ssyncset.done $0x0  }
0x1aa: {  	[sflag:s30] =	ssyncadd.s32 $0xFFFFD800  }
0x1ab: {  	_ =	sfence.sel $0x180000  }
0x1ac: {  	[bflag:$0x0] =	sbarrier.arrive $0xFFFF  }
0x1ad: {  	_ =	strace $0x90000047  }
0x1ae: {  	s0 =	stileid.u32;
	[bflag:$0x2] =	sbarrier.arrive $0xFFFF  }
0x1af: {  	p0 =	sne.s32 s0, $0x0;
	s0 =	rddreg [dreg:$0x4]  }
0x1b0: {  	s0 =	sadd.s32 @!p0 $0x100000, s0  }
0x1b1: {  	[sflag:s0] =	ssyncadd.tile.s32 @!p0 $0x1;
	_ =	shalt  }
.Lfunc_end2:
_tile_overlayer_lowered:
.L_overlay_start_2:
0x1b2: {  	(tag) =	ssettag $0x2  }
0x1b3: {  	s0 =	rddreg [dreg:$0x0];
	s2 =	stileid.u32  }
0x1b4: {  	s1 =	rddreg [dreg:$0x1];
	p0 =	sne.s32 s2, $0x0  }
0x1b5: {  	s3 =	rddreg [dreg:$0x2];
	[bflag:$0x3] =	sbarrier.arrive $0xFFFF;
	s2 =	simm.s32 @!p0 $0x1C04  }
0x1b6: {  	[timem:s3], [sflag:s2] =	dma.local @!p0 [hbm:s0], s1  }
0x1b7: {  	s0 =	simm.s32 @!p0 $0x4  }
0x1b8: {  	_ =	swait.ge @!p0 [sflag:s0], s1  }
0x1b9: {  	s1 =	ssub.s32 @!p0 $0x0, s1;
	[sflag:s0] =	ssyncset.done @!p0 $0x0  }
0x1ba: {  	[sflag:s0] =	ssyncadd.s32 @!p0 s1  }
0x1bb: {  	[bflag:$0x3] =	sbarrier.arrive $0xFFFF  }
0x1bc: {  	_ =	shalt  }

// kernel: kernel.9.cloned.1.call-start
scs
__scs_entry_jumppad:
0x0: {  	(pc) =	sbr.rel $0x88, $3  }
0x1: {  	(tag) =	ssettag $0x0;
	lr =	simm.s32 $0x1  }
0x2: {  	[smem:$0x3F99] =	sst lr;
	_ =	strace $0xD0000000  }
0x3: {  	_ = 	snop  }
0x4: {  	_ = 	snop  }
0x5: {  	_ = 	snop  }
0x6: {  	_ = 	snop  }
0x7: {  	_ = 	snop  }
__scs_overlays_trampoline_lowered:
0x8: {  	[smem:$0x3FA8] =	sst s0  }
0x9: {  	[smem:$0x3FA9] =	sst s1  }
0xa: {  	[smem:$0x3FAA] =	sst s2  }
0xb: {  	[smem:$0x3FAB] =	sst s3  }
0xc: {  	[smem:$0x3FAC] =	sst s4  }
0xd: {  	[smem:$0x3FAD] =	sst s5  }
0xe: {  	[smem:$0x3FAE] =	sst s6  }
0xf: {  	[smem:$0x3FAF] =	sst s7  }
0x10: {  	[smem:$0x3FB0] =	sst s8  }
0x11: {  	[smem:$0x3FB1] =	sst s9;
	s0 =	simm.s32 @!p0 $0x0  }
0x12: {  	s1 =	sld [smem:$0x3F97];
	s0 =	simm.s32 @p0 $0x1  }
0x13: {  	[smem:$0x3FB2] =	sst s0;
	s0 =	simm.s32 @!p1 $0x0  }
0x14: {  	s2 =	sld [smem:$0x3F96];
	s0 =	simm.s32 @p1 $0x1  }
0x15: {  	[smem:$0x3FB3] =	sst s0;
	s0 =	simm.s32 @!p2 $0x0  }
0x16: {  	s3 =	sld [smem:$0x3FDB];
	s0 =	simm.s32 @p2 $0x1  }
0x17: {  	s4 =	simm.s32 $0x1BF5;
	[smem:$0x3FB5] =	sst s0  }
0x18: {  	s0 =	sld [smem:$0x3F98];
	_ =	swait.ge [sflag:s4], $0x0  }
0x19: {  	s7 =	sld [smem:$0x3F99]  }
0x1a: {  	s8 =	sadd.s32 $0xFFFFE003, lr  }
0x1b: {  	s9 =	sadd.s32 $0xFFFFFEF7, lr;
	s5 =	simm.s32 $0xFFFFFFFF;
	p2 =	slt.u32 s8, $0xFFFFF086  }
0x1c: {  	p1 =	slt.u32 s9, $0xF7A;
	s5 =	simm.s32 @!p2 $0x0  }
0x1d: {  	s5 =	simm.s32 @p1 $0x1;
	p0 =	seq.s32 s7, s2  }
0x1e: {  	s7 =	smul.u32 @!p0 $0xF7A, s2;
	p2 =	seq.s32 @!p0 s5, $0x0  }
0x1f: {  	s9 =	smul.u32 $0xF7A, s1;
	s8 =	simm.s32 @!p0 $0x1BF5;
	p2 =	por !p2, p0  }
0x20: {  	[sflag:s8] =	ssyncset.s32 @!p0 $0xFFFFF086;
	s6 =	sadd.s32 @!p0 s3, s7;
	s7 =	simm.s32 @!p0 $0x108  }
0x21: {  	s3 =	sadd.s32 s3, s9;
	s6 =	sadd.s32 @!p0 $0x88, s6;
	s7 =	simm.s32 @p2 $0x1082  }
0x22: {  	[simem:s7], [sflag:s8] =	dma.local @!p0 [hbm:s6], $0xF7A  }
0x23: {  	s9 =	sor.u32 $0xD0000000, s2;
	s6 =	simm.s32 $0x108;
	_ =	swait.ge @!p0 [sflag:s8], $0x0  }
0x24: {  	s3 =	sadd.s32 $0x88, s3;
	s6 =	simm.s32 @!p1 $0x1082;
	[sflag:s4] =	ssyncset.s32 $0xFFFFF086  }
0x25: {  	[simem:s6], [sflag:s4] =	dma.local [hbm:s3], $0xF7A  }
0x26: {  	[smem:$0x3F99] =	sst s1;
	(tag) =	ssettag s2;
	_ =	strace s9  }
0x27: {  	s1 =	sld [smem:$0x3FA9]  }
0x28: {  	s2 =	sld [smem:$0x3FAA]  }
0x29: {  	s4 =	sld [smem:$0x3FAC]  }
0x2a: {  	p0 =	seq.s32 s5, $0x0;
	s5 =	sld [smem:$0x3FAD]  }
0x2b: {  	s6 =	sld [smem:$0x3FAE]  }
0x2c: {  	s7 =	sld [smem:$0x3FAF]  }
0x2d: {  	s3 =	simm.s32 $0x108;
	s8 =	sld [smem:$0x3FB0]  }
0x2e: {  	s3 =	simm.s32 @!p0 $0x1082;
	s9 =	sld [smem:$0x3FB1]  }
0x2f: {  	lr =	sadd.s32 s0, s3;
	s0 =	sld [smem:$0x3FA8]  }
0x30: {  	s3 =	sld [smem:$0x3FAB]  }
0x31: {  	[smem:$0x3FB4] =	sst s10  }
0x32: {  	s10 =	sld [smem:$0x3FB2];
	_ =	sdelay $0x3  }
0x33: {  	p0 =	seq.s32 s10, $0x1;
	s10 =	sld [smem:$0x3FB4];
	_ =	sdelay $0x3  }
0x34: {  	[smem:$0x3FB4] =	sst s10  }
0x35: {  	s10 =	sld [smem:$0x3FB3];
	_ =	sdelay $0x3  }
0x36: {  	p1 =	seq.s32 s10, $0x1;
	s10 =	sld [smem:$0x3FB4];
	_ =	sdelay $0x3  }
0x37: {  	[smem:$0x3FB4] =	sst s10  }
0x38: {  	s10 =	sld [smem:$0x3FB5]  }
0x39: {  	_ = 	snop;
	(pc) =	sbr.ind lr, $3  }
0x3a: {  	_ = 	snop  }
0x3b: {  	_ = 	snop  }
0x3c: {  	p2 =	seq.s32 s10, $0x1;
	s10 =	sld [smem:$0x3FB4]  }
0x3d: {  	_ =	shalt  }
0x3e: {  	_ =	shalt  }
0x3f: {  	_ =	shalt  }
0x40: {  	_ =	shalt  }
0x41: {  	_ =	shalt  }
0x42: {  	_ =	shalt  }
0x43: {  	_ =	shalt  }
0x44: {  	_ =	shalt  }
0x45: {  	_ =	shalt  }
0x46: {  	_ =	shalt  }
0x47: {  	_ =	shalt  }
0x48: {  	_ =	shalt  }
0x49: {  	_ =	shalt  }
0x4a: {  	_ =	shalt  }
0x4b: {  	_ =	shalt  }
0x4c: {  	_ =	shalt  }
0x4d: {  	_ =	shalt  }
0x4e: {  	_ =	shalt  }
0x4f: {  	_ =	shalt  }
0x50: {  	_ =	shalt  }
0x51: {  	_ =	shalt  }
0x52: {  	_ =	shalt  }
0x53: {  	_ =	shalt  }
0x54: {  	_ =	shalt  }
0x55: {  	_ =	shalt  }
0x56: {  	_ =	shalt  }
0x57: {  	_ =	shalt  }
0x58: {  	_ =	shalt  }
0x59: {  	_ =	shalt  }
0x5a: {  	_ =	shalt  }
0x5b: {  	_ =	shalt  }
0x5c: {  	_ =	shalt  }
0x5d: {  	_ =	shalt  }
0x5e: {  	_ =	shalt  }
0x5f: {  	_ =	shalt  }
0x60: {  	_ =	shalt  }
0x61: {  	_ =	shalt  }
0x62: {  	_ =	shalt  }
0x63: {  	_ =	shalt  }
0x64: {  	_ =	shalt  }
0x65: {  	_ =	shalt  }
0x66: {  	_ =	shalt  }
0x67: {  	_ =	shalt  }
0x68: {  	_ =	shalt  }
0x69: {  	_ =	shalt  }
0x6a: {  	_ =	shalt  }
0x6b: {  	_ =	shalt  }
0x6c: {  	_ =	shalt  }
0x6d: {  	_ =	shalt  }
0x6e: {  	_ =	shalt  }
0x6f: {  	_ =	shalt  }
0x70: {  	_ =	shalt  }
0x71: {  	_ =	shalt  }
0x72: {  	_ =	shalt  }
0x73: {  	_ =	shalt  }
0x74: {  	_ =	shalt  }
0x75: {  	_ =	shalt  }
0x76: {  	_ =	shalt  }
0x77: {  	_ =	shalt  }
0x78: {  	_ =	shalt  }
0x79: {  	_ =	shalt  }
0x7a: {  	_ =	shalt  }
0x7b: {  	_ =	shalt  }
0x7c: {  	_ =	shalt  }
0x7d: {  	_ =	shalt  }
0x7e: {  	_ =	shalt  }
0x7f: {  	_ =	shalt  }
0x80: {  	_ =	shalt  }
0x81: {  	_ =	shalt  }
0x82: {  	_ =	shalt  }
0x83: {  	_ =	shalt  }
0x84: {  	_ =	shalt  }
0x85: {  	_ =	shalt  }
0x86: {  	_ =	shalt  }
0x87: {  	_ =	shalt  }
.Lfunc_end0:
.L_simem_size_0:
called_computation.1_lowered:
.L_overlay_start_0:
0x88: {  	s2 =	sld [smem:$0x3FD9]  }
0x89: {  	s3 =	sld [smem:$0x3FFE];
	_ =	sdelay $0x1  }
0x8a: {  	s1 =	srdreg.scid  }
0x8b: {  	s0 =	sand.u32 $0x1, s1  }
0x8c: {  	s17 =	sshll.u32 s0, $0xA;
	s2 =	sadd.s32 s3, s2  }
0x8d: {  	s2 =	sadd.s32 s2, s17  }
0x8e: {  	[smem:$0x3FC0] =	sst s2  }
0x8f: {  	_ = 	snop  }
0x90: {  	s2 =	sld [smem:$0x3FD0];
	(tm) =	ssettm $0x1  }
0x91: {  	s18 =	sld [smem:$0x3FFB];
	_ =	sdelay $0x3  }
0x92: {  	_ =	strace s18  }
0x93: {  	s3 =	sld [smem:$0x3FFC];
	_ =	sdelay $0x3  }
0x94: {  	_ =	strace s3  }
0x95: {  	s3 =	sld [smem:$0x3FFD];
	_ =	sdelay $0x3  }
0x96: {  	_ =	strace s3  }
0x97: {  	_ =	strace $0x8FFFFFFF  }
0x98: {  	s19 =	sld [smem:$0x3FDB];
	_ =	sdelay $0x1  }
0x99: {  	s4 =	simm.s32 $_scs_section_size  }
0x9a: {  	s5 =	simm.s32 $_size__tile_overlayer_lowered;
	s6 =	simm.s32 $_tile_overlayer_lowered  }
0x9b: {  	s22 =	simm.s32 $0x1BFF;
	s21 =	sshll.u32 s6, $0x1;
	s3 =	sadd.s32 s4, s19  }
0x9c: {  	s7 =	simm.s32 $0x0;
	s20 =	sshll.u32 s5, $0x1;
	s5 =	sadd.s32 s21, s3  }
0x9d: {  	[timem:s7], [sflag:s22] =	dma.local [hbm:s5], s20  }
0x9e: {  	_ =	swait.ge [sflag:s22], s20  }
0x9f: {  	s4 =	ssub.s32 $0x0, s20;
	[sflag:s22] =	ssyncset.done $0x0  }
0xa0: {  	[sflag:s22] =	ssyncadd.s32 s4;
	_ =	sdelay $0x1  }
0xa1: {  	s23 =	simm.s32 $0x1B8B  }
0xa2: {  	_ =	swait.ge [sflag:s23], $0x1  }
0xa3: {  	[sflag:s23] =	ssyncset.done $0x0  }
0xa4: {  	s25 =	simm.s32 $0x1B8E;
	s24 =	sld [smem:$0x3FFE];
	[sflag:s23] =	ssyncadd.s32 $0xFFFFFFFF  }
0xa5: {  	s26 =	simm.s32 $execute0_lowered;
	[smem:$0x3FD2] =	sst s25  }
0xa6: {  	s5 =	sshll.u32 s26, $0x1;
	_ =	strace $0x80000049;
	[dreg:$0x1] =	wrdreg $0xFFFFFFFF  }
0xa7: {  	s28 =	simm.s32 $_size_execute0_lowered;
	s3 =	sadd.s32 s3, s5;
	[dreg:$0x0] =	wrdreg $0x0  }
0xa8: {  	s5 =	sshll.u32 s28, $0x1;
	[dreg:$0x2] =	wrdreg s3  }
0xa9: {  	[dreg:$0x3] =	wrdreg s5  }
0xaa: {  	[dreg:$0x4] =	wrdreg $0xC0  }
0xab: {  	_ =	task [dreg:s7], $0x5FFFF  }
0xac: {  	[dreg:$0x1] =	wrdreg $0xFFFFFFFF  }
0xad: {  	[dreg:$0x0] =	wrdreg $0x60  }
0xae: {  	[dreg:$0x2] =	wrdreg s2  }
0xaf: {  	[dreg:$0x3] =	wrdreg s24  }
0xb0: {  	[dreg:$0x4] =	wrdreg $0x90000  }
0xb1: {  	[dreg:$0x5] =	wrdreg $0x9  }
0xb2: {  	_ =	task.clear_ibuf [dreg:s7], $0x6FFFF;
	_ =	strace $0x90000049  }
0xb3: {  	s29 =	simm.s32 $0x9;
	_ =	strace $0x8000004B  }
0xb4: {  	_ =	swait.ge [sflag:s29], $0x1  }
0xb5: {  	[sflag:s29] =	ssyncadd.s32 $0xFFFFFFFF  }
0xb6: {  	_ =	strace $0x9000004B  }
0xb7: {  	_ =	sfence  }
0xb8: {  	s30 =	sld [smem:$0x0];
	_ =	sdelay $0x2  }
0xb9: {  	s31 =	sshll.u32 s1, $0xD;
	s1 =	sshrl.u32 s1, $0x2  }
0xba: {  	s3 =	sand.u32 $0x4000, s31;
	s1 =	sadd.s32 s1, s30  }
0xbb: {  	s0 =	sor.u32 s3, s0;
	s1 =	sshll.u32 s1, $0x11  }
0xbc: {  	s0 =	sor.u32 s1, s0  }
0xbd: {  	s0 =	sadd.s32 $0x8F2B, s0  }
0xbe: {  	[sflag:s0] =	ssyncadd.remote.s32 $0x1  }
0xbf: {  	_ =	sfence.sel $0xFFFF  }
0xc0: {  	[dreg:$0x0] =	wrdreg $0xFFFFFFFF;
	(pc) =	sbr.abs _section_cstart, $3  }
0xc1: {  	[dreg:$0x1] =	wrdreg $0xFFFFFFFF  }
0xc2: {  	_ =	task.clear_ibuf [dreg:s7], $0x2FFFF;
	_ =	strace $0x9FFFFFFF  }
0xc3: {  	(tm) =	ssettm $0x7FFFFFFF  }
tec
execute0_lowered:
.L_overlay_start_1:
0x0: {  	(tag) =	ssettag $0x1  }
0x1: {  	s1 =	rddreg [dreg:$0x0]  }
0x2: {  	s0 =	rddreg [dreg:$0x1]  }
0x3: {  	s2 =	rddreg [dreg:$0x2];
	s4 =	simm.s32 $0x0  }
0x4: {  	s3 =	srdreg.scid;
	s10 =	stileid.u32;
	s28 =	simm.s32 $0x4  }
0x5: {  	s29 =	simm.s32 $0x2000;
	s30 =	simm.s32 $0x1000;
	s31 =	simm.s32 $0x3000  }
0x6: {  	[smem:$0x7FF] =	sst s4;
	s3 =	sand.u32 $0x1, s3;
	s7 =	smul.u32 $0x14000, s10  }
0x7: {  	s8 =	sadd.s32 $0x16400, s0;
	s9 =	sadd.s32 $0x2400, s0;
	s23 =	smul.u32 $0x50000, s10  }
0x8: {  	s11 =	sadd.s32 $0x2A400, s0;
	s5 =	smul.u32 $0x140000, s3;
	s6 =	sshll.u32 s3, $0x4  }
0x9: {  	_ =	strace $0x8000004A;
	[dreg:$0x4] =	wrdreg s11;
	s3 =	ssub.s32 $0x2, s3  }
0xa: {  	s11 =	simm.s32 $0x0;
	s6 =	sor.u32 s10, s6;
	s14 =	sshrl.u32 s3, $0x1  }
0xb: {  	s26 =	sshrl.u32 s23, $0x2;
	s6 =	smul.u32 $0x5000, s6;
	s5 =	sadd.s32 s7, s5  }
0xc: {  	s10 =	simm.s32 $0x3C00;
	s3 =	ssub.s32 s3, s14;
	s5 =	sshrl.u32 s5, $0x3  }
0xd: {  	s7 =	simm.s32 $0x2;
	s6 =	sshrl.u32 s6, $0x3;
	s0 =	sadd.s32 s5, s0  }
0xe: {  	s15 =	sadd.s32 s8, s6;
	s16 =	sadd.s32 s9, s6;
	s17 =	sadd.s32 $0x200, s6  }
0xf: {  	s18 =	sadd.s32 $0x400, s6;
	s22 =	sadd.s32 $0x600, s6;
	[dreg:$0x5] =	wrdreg s15  }
0x10: {  	s25 =	sadd.s32 $0x800, s6;
	s0 =	sadd.s32 $0x2B000, s0;
	[dreg:$0x6] =	wrdreg s16  }
0x11: {  	s19 =	sadd.s32 s8, s17;
	s5 =	sadd.s32 s9, s17;
	[dreg:$0xf] =	wrdreg s0  }
0x12: {  	s20 =	sadd.s32 s8, s18;
	s21 =	sadd.s32 s9, s18;
	[dreg:$0x7] =	wrdreg s19  }
0x13: {  	s24 =	sadd.s32 s8, s22;
	s6 =	sadd.s32 s8, s25;
	[dreg:$0x8] =	wrdreg s5  }
0x14: {  	s17 =	sadd.s32 s26, s2;
	s18 =	smax.u32 s3, $0x1;
	[dreg:$0x9] =	wrdreg s20  }
0x15: {  	s26 =	simm.s32 $0x4000;
	s0 =	simm.s32 $0x50;
	[dreg:$0xa] =	wrdreg s21  }
0x16: {  	s3 =	simm.s32 $0x6800;
	s8 =	simm.s32 $0x2C00;
	[dreg:$0xb] =	wrdreg s24  }
0x17: {  	s5 =	sadd.s32 s9, s22;
	[dreg:$0xd] =	wrdreg s6;
	s19 =	sadd.s32 $0x2800, s17  }
0x18: {  	s20 =	sadd.s32 $0x5000, s17;
	s21 =	sadd.s32 $0x7800, s17;
	s22 =	sadd.s32 $0xA000, s17  }
0x19: {  	s23 =	sadd.s32 $0xC800, s17;
	s24 =	sadd.s32 $0xF000, s17;
	s6 =	simm.s32 $0x5  }
0x1a: {  	[dreg:$0xc] =	wrdreg s5;
	s5 =	sadd.s32 s9, s25;
	s25 =	sadd.s32 $0x11800, s17  }
0x1b: {  	s9 =	simm.s32 $0x3;
	[dreg:$0xe] =	wrdreg s5;
	s5 =	simm.s32 $0x1  }
.LBB2_1:
0x1c: {  	s12 =	rddreg [dreg:$0x4]  }
0x1d: {  	[tilespmem:s26], [sflag:$0x4] =	stream.linear.gather [hbm4b:s12+s4], $0x2800, $0x38;
	[tilespmem:$0x1D000] =	vst v63  }
0x1e: {  	_ =	swait.ge [sflag:s28], $0x2800  }
0x1f: {  	[sflag:s28] =	ssyncset.done $0x0  }
0x20: {  	[sflag:s28] =	ssyncadd.s32 $0xFFFFD800  }
0x21: {  	[spmem:s17] =	stream.linear.scatter [tilespmem:s26], [sflag:$0x4], $0x2800, $0x38;
	[tilespmem:$0x1D000] =	vst v63  }
0x22: {  	_ =	swait.ge [sflag:s28], $0x2800  }
0x23: {  	[sflag:s28] =	ssyncset.done $0x0  }
0x24: {  	[sflag:s28] =	ssyncadd.s32 $0xFFFFD800  }
0x25: {  	[spmem:s19] =	stream.linear.scatter [tilespmem:s26], [sflag:$0x4], $0x2800, $0x38;
	[tilespmem:$0x1D000] =	vst v63  }
0x26: {  	_ =	swait.ge [sflag:s28], $0x2800  }
0x27: {  	[sflag:s28] =	ssyncset.done $0x0  }
0x28: {  	[sflag:s28] =	ssyncadd.s32 $0xFFFFD800  }
0x29: {  	[spmem:s20] =	stream.linear.scatter [tilespmem:s26], [sflag:$0x4], $0x2800, $0x38;
	[tilespmem:$0x1D000] =	vst v63  }
0x2a: {  	_ =	swait.ge [sflag:s28], $0x2800  }
0x2b: {  	[sflag:s28] =	ssyncset.done $0x0  }
0x2c: {  	[sflag:s28] =	ssyncadd.s32 $0xFFFFD800  }
0x2d: {  	[spmem:s21] =	stream.linear.scatter [tilespmem:s26], [sflag:$0x4], $0x2800, $0x38;
	[tilespmem:$0x1D000] =	vst v63  }
0x2e: {  	_ =	swait.ge [sflag:s28], $0x2800  }
0x2f: {  	[sflag:s28] =	ssyncset.done $0x0  }
0x30: {  	[sflag:s28] =	ssyncadd.s32 $0xFFFFD800  }
0x31: {  	[spmem:s22] =	stream.linear.scatter [tilespmem:s26], [sflag:$0x4], $0x2800, $0x38;
	[tilespmem:$0x1D000] =	vst v63  }
0x32: {  	_ =	swait.ge [sflag:s28], $0x2800  }
0x33: {  	[sflag:s28] =	ssyncset.done $0x0  }
0x34: {  	[sflag:s28] =	ssyncadd.s32 $0xFFFFD800  }
0x35: {  	[spmem:s23] =	stream.linear.scatter [tilespmem:s26], [sflag:$0x4], $0x2800, $0x38;
	[tilespmem:$0x1D000] =	vst v63  }
0x36: {  	_ =	swait.ge [sflag:s28], $0x2800  }
0x37: {  	[sflag:s28] =	ssyncset.done $0x0  }
0x38: {  	[sflag:s28] =	ssyncadd.s32 $0xFFFFD800  }
0x39: {  	[spmem:s24] =	stream.linear.scatter [tilespmem:s26], [sflag:$0x4], $0x2800, $0x38;
	[tilespmem:$0x1D000] =	vst v63  }
0x3a: {  	_ =	swait.ge [sflag:s28], $0x2800  }
0x3b: {  	[sflag:s28] =	ssyncset.done $0x0  }
0x3c: {  	[sflag:s28] =	ssyncadd.s32 $0xFFFFD800  }
0x3d: {  	[spmem:s25] =	stream.linear.scatter [tilespmem:s26], [sflag:$0x4], $0x2800, $0x38;
	[tilespmem:$0x1D000] =	vst v63  }
0x3e: {  	_ =	swait.ge [sflag:s28], $0x2800  }
0x3f: {  	[sflag:s28] =	ssyncset.done $0x0  }
0x40: {  	[sflag:s28] =	ssyncadd.s32 $0xFFFFD800  }
0x41: {  	[bflag:$0x0] =	sbarrier.arrive $0xFFFF  }
0x42: {  	s13 =	rddreg [dreg:$0x5]  }
0x43: {  	[tilespmem:s4], [sflag:$0x4] =	stream.linear.gather [hbm4b:s13+s4], $0xC80, $0x38;
	[tilespmem:$0x1D000] =	vst v63  }
0x44: {  	_ =	swait.ge [sflag:s28], $0xC80  }
0x45: {  	[sflag:s28] =	ssyncset.done $0x0  }
0x46: {  	s14 =	rddreg [dreg:$0x6];
	[sflag:s28] =	ssyncadd.s32 $0xFFFFF380  }
0x47: {  	[tilespmem:s29], [sflag:$0x4] =	stream.linear.gather [hbm4b:s14+s4], $0xC80, $0x38;
	[tilespmem:$0x1D000] =	vst v63  }
0x48: {  	_ =	swait.ge [sflag:s28], $0xC80  }
0x49: {  	[sflag:s28] =	ssyncset.done $0x0  }
0x4a: {  	s15 =	rddreg [dreg:$0x7];
	[sflag:s28] =	ssyncadd.s32 $0xFFFFF380  }
0x4b: {  	[tilespmem:s30], [sflag:$0x3] =	stream.linear.gather [hbm4b:s15+s4], $0xC80, $0x38;
	[tilespmem:$0x1D000] =	vst v63  }
0x4c: {  	s16 =	rddreg [dreg:$0x8]  }
0x4d: {  	[tilespmem:s31], [sflag:$0x3] =	stream.linear.gather [hbm4b:s16+s4], $0xC80, $0x38;
	[tilespmem:$0x1D000] =	vst v63  }
0x4e: {  	_ = 	snop  }
0x4f: {  	[tilespmem:s26], [sflag:$0x1] =	stream.indirect.gather [hbm4b:s1+s0], $0x80, s4, s0, $0xb8;
	[tilespmem:$0x1D000] =	vst v63  }
0x50: {  	s13 =	simm.s32 $0x80  }
0x51: {  	[tilespmem:s3], [sflag:$0x2] =	stream.indirect.gather [hbm4b:s1+s0], $0x80, s13, s0, $0xb8;
	[tilespmem:$0x1D000] =	vst v63  }
0x52: {  	_ =	swait.ge [sflag:s5], $0x2800  }
0x53: {  	[sflag:s5] =	ssyncset.done $0x0  }
0x54: {  	s14 =	simm.s32 $0x2000;
	[sflag:s5] =	ssyncadd.s32 $0xFFFFD800  }
0x55: {  	[spmem:s2] =	stream.indirect.scatter.add.f32 [tilespmem:s26], [sflag:$0x5], $0x80, s14, s0, $0xb8;
	[tilespmem:$0x1D000] =	vst v63  }
0x56: {  	_ =	swait.ge [sflag:s6], $0x2800  }
0x57: {  	[sflag:s6] =	ssyncset.done $0x0  }
0x58: {  	s15 =	simm.s32 $0x100;
	[sflag:s6] =	ssyncadd.s32 $0xFFFFD800  }
0x59: {  	[tilespmem:s26], [sflag:$0x1] =	stream.indirect.gather [hbm4b:s1+s0], $0x80, s15, s0, $0xb8;
	[tilespmem:$0x1D000] =	vst v63  }
0x5a: {  	_ =	swait.ge [sflag:s7], $0x2800  }
0x5b: {  	[sflag:s7] =	ssyncset.done $0x0  }
0x5c: {  	s16 =	simm.s32 $0x2080;
	[sflag:s7] =	ssyncadd.s32 $0xFFFFD800  }
0x5d: {  	[spmem:s2] =	stream.indirect.scatter.add.f32 [tilespmem:s3], [sflag:$0x4], $0x80, s16, s0, $0xb8;
	[tilespmem:$0x1D000] =	vst v63  }
0x5e: {  	_ =	swait.ge [sflag:s28], $0x2800  }
0x5f: {  	s12 =	simm.s32 $0x100;
	s13 =	simm.s32 $0x800;
	[sflag:s28] =	ssyncset.done $0x0  }
.LBB2_2:
0x60: {  	s14 =	sadd.s32 $0x80, s12  }
0x61: {  	[sflag:s28] =	ssyncadd.s32 $0xFFFFD800;
	s15 =	smov.u32 s13;
	s16 =	sadd.s32 $0x400, s13  }
0x62: {  	[tilespmem:s3], [sflag:$0x2] =	stream.indirect.gather [hbm4b:s1+s0], $0x80, s14, s0, $0xb8;
	[tilespmem:$0x1D000] =	vst v63  }
0x63: {  	p0 =	sne.s32 s13, $0x2C00;
	_ =	swait.ge [sflag:s5], $0x2800  }
0x64: {  	[sflag:s5] =	ssyncset.done $0x0  }
0x65: {  	s13 =	sadd.s32 $0x2000, s12;
	[sflag:s5] =	ssyncadd.s32 $0xFFFFD800  }
0x66: {  	[spmem:s2] =	stream.indirect.scatter.add.f32 [tilespmem:s26], [sflag:$0x5], $0x80, s13, s0, $0xb8;
	[tilespmem:$0x1D000] =	vst v63  }
0x67: {  	_ =	swait.ge [sflag:s6], $0x2800  }
0x68: {  	[sflag:s6] =	ssyncset.done $0x0  }
0x69: {  	s13 =	sadd.s32 $0x100, s12;
	[sflag:s6] =	ssyncadd.s32 $0xFFFFD800  }
0x6a: {  	[tilespmem:s26], [sflag:$0x1] =	stream.indirect.gather [hbm4b:s1+s0], $0x80, s13, s0, $0xb8;
	[tilespmem:$0x1D000] =	vst v63  }
0x6b: {  	_ =	swait.ge [sflag:s7], $0x2800  }
.Ltmp0:
0x6c: {  	[sflag:s7] =	ssyncset.done $0x0;
	(pc) =	sbr.rel @p0 .LBB2_2-.Ltmp0, $4  }
0x6d: {  	s12 =	sadd.s32 $0x2080, s12;
	[sflag:s7] =	ssyncadd.s32 $0xFFFFD800  }
0x6e: {  	[spmem:s2] =	stream.indirect.scatter.add.f32 [tilespmem:s3], [sflag:$0x4], $0x80, s12, s0, $0xb8;
	[tilespmem:$0x1D000] =	vst v63  }
0x6f: {  	_ =	swait.ge [sflag:s28], $0x2800  }
0x70: {  	s13 =	smov.u32 s16;
	s12 =	sshra.s32 s15, $0x2;
	[sflag:s28] =	ssyncset.done $0x0  }
0x71: {  	s13 =	sadd.s32 $0x80, s12;
	[sflag:s28] =	ssyncadd.s32 $0xFFFFD800  }
0x72: {  	[tilespmem:s3], [sflag:$0x2] =	stream.indirect.gather [hbm4b:s1+s0], $0x80, s13, s0, $0xb8;
	[tilespmem:$0x1D000] =	vst v63  }
0x73: {  	_ =	swait.ge [sflag:s5], $0x2800  }
0x74: {  	[sflag:s5] =	ssyncset.done $0x0  }
0x75: {  	s15 =	sadd.s32 $0x2000, s12;
	[sflag:s5] =	ssyncadd.s32 $0xFFFFD800  }
0x76: {  	[spmem:s2] =	stream.indirect.scatter.add.f32 [tilespmem:s26], [sflag:$0x5], $0x80, s15, s0, $0xb8;
	[tilespmem:$0x1D000] =	vst v63  }
0x77: {  	_ =	swait.ge [sflag:s6], $0x2800  }
0x78: {  	[sflag:s6] =	ssyncset.done $0x0  }
0x79: {  	s16 =	sadd.s32 $0x100, s12;
	[sflag:s6] =	ssyncadd.s32 $0xFFFFD800  }
0x7a: {  	[tilespmem:s26], [sflag:$0x1] =	stream.indirect.gather [hbm4b:s1+s0], $0x80, s16, s0, $0xb8;
	[tilespmem:$0x1D000] =	vst v63  }
0x7b: {  	_ =	swait.ge [sflag:s7], $0x2800  }
0x7c: {  	[sflag:s7] =	ssyncset.done $0x0  }
0x7d: {  	s14 =	sadd.s32 $0x2080, s12;
	[sflag:s7] =	ssyncadd.s32 $0xFFFFD800  }
0x7e: {  	[spmem:s2] =	stream.indirect.scatter.add.f32 [tilespmem:s3], [sflag:$0x4], $0x80, s14, s0, $0xb8;
	[tilespmem:$0x1D000] =	vst v63  }
0x7f: {  	_ =	swait.ge [sflag:s28], $0x2800  }
0x80: {  	[sflag:s28] =	ssyncset.done $0x0  }
0x81: {  	[sflag:s28] =	ssyncadd.s32 $0xFFFFD800  }
0x82: {  	_ =	swait.ge [sflag:s5], $0x2800  }
0x83: {  	[sflag:s5] =	ssyncset.done $0x0  }
0x84: {  	[sflag:s5] =	ssyncadd.s32 $0xFFFFD800  }
0x85: {  	[spmem:s2] =	stream.indirect.scatter.add.f32 [tilespmem:s26], [sflag:$0x5], $0x80, s8, s0, $0xb8;
	[tilespmem:$0x1D000] =	vst v63  }
0x86: {  	_ =	swait.ge [sflag:s6], $0x2800  }
0x87: {  	[sflag:s6] =	ssyncset.done $0x0  }
0x88: {  	[sflag:s6] =	ssyncadd.s32 $0xFFFFD800  }
0x89: {  	_ =	swait.ge [sflag:s9], $0xC80  }
0x8a: {  	[sflag:s9] =	ssyncset.done $0x0  }
0x8b: {  	[sflag:s9] =	ssyncadd.s32 $0xFFFFF380  }
0x8c: {  	_ =	swait.ge [sflag:s9], $0xC80  }
0x8d: {  	[sflag:s9] =	ssyncset.done $0x0  }
0x8e: {  	s15 =	rddreg [dreg:$0x9];
	[sflag:s9] =	ssyncadd.s32 $0xFFFFF380  }
0x8f: {  	[tilespmem:s4], [sflag:$0x3] =	stream.linear.gather [hbm4b:s15+s4], $0xC80, $0x38;
	[tilespmem:$0x1D000] =	vst v63  }
0x90: {  	s16 =	rddreg [dreg:$0xa]  }
0x91: {  	[tilespmem:s29], [sflag:$0x3] =	stream.linear.gather [hbm4b:s16+s4], $0xC80, $0x38;
	[tilespmem:$0x1D000] =	vst v63  }
0x92: {  	_ = 	snop  }
0x93: {  	[tilespmem:s26], [sflag:$0x1] =	stream.indirect.gather [hbm4b:s1+s0], $0x80, s30, s0, $0xb8;
	[tilespmem:$0x1D000] =	vst v63  }
0x94: {  	s13 =	simm.s32 $0x1080  }
0x95: {  	[tilespmem:s3], [sflag:$0x2] =	stream.indirect.gather [hbm4b:s1+s0], $0x80, s13, s0, $0xb8;
	[tilespmem:$0x1D000] =	vst v63  }
0x96: {  	_ =	swait.ge [sflag:s5], $0x2800  }
0x97: {  	[sflag:s5] =	ssyncset.done $0x0  }
0x98: {  	s14 =	simm.s32 $0x3000;
	[sflag:s5] =	ssyncadd.s32 $0xFFFFD800  }
0x99: {  	[spmem:s2] =	stream.indirect.scatter.add.f32 [tilespmem:s26], [sflag:$0x5], $0x80, s14, s0, $0xb8;
	[tilespmem:$0x1D000] =	vst v63  }
0x9a: {  	_ =	swait.ge [sflag:s6], $0x2800  }
0x9b: {  	[sflag:s6] =	ssyncset.done $0x0  }
0x9c: {  	s15 =	simm.s32 $0x1100;
	[sflag:s6] =	ssyncadd.s32 $0xFFFFD800  }
0x9d: {  	[tilespmem:s26], [sflag:$0x1] =	stream.indirect.gather [hbm4b:s1+s0], $0x80, s15, s0, $0xb8;
	[tilespmem:$0x1D000] =	vst v63  }
0x9e: {  	_ =	swait.ge [sflag:s7], $0x2800  }
0x9f: {  	[sflag:s7] =	ssyncset.done $0x0  }
0xa0: {  	s16 =	simm.s32 $0x3080;
	[sflag:s7] =	ssyncadd.s32 $0xFFFFD800  }
0xa1: {  	[spmem:s2] =	stream.indirect.scatter.add.f32 [tilespmem:s3], [sflag:$0x4], $0x80, s16, s0, $0xb8;
	[tilespmem:$0x1D000] =	vst v63  }
0xa2: {  	_ =	swait.ge [sflag:s28], $0x2800  }
0xa3: {  	s12 =	simm.s32 $0xFFFFF500;
	s13 =	simm.s32 $0xFFFFD800;
	[sflag:s28] =	ssyncset.done $0x0  }
.LBB2_4:
0xa4: {  	s14 =	sadd.s32 $0x1C80, s12  }
0xa5: {  	[sflag:s28] =	ssyncadd.s32 $0xFFFFD800;
	s15 =	smov.u32 s13;
	s16 =	sadd.s32 $0x400, s13  }
0xa6: {  	[tilespmem:s3], [sflag:$0x2] =	stream.indirect.gather [hbm4b:s1+s0], $0x80, s14, s0, $0xb8;
	[tilespmem:$0x1D000] =	vst v63  }
0xa7: {  	p0 =	sne.s32 s13, $0xFFFFFC00;
	_ =	swait.ge [sflag:s5], $0x2800  }
0xa8: {  	[sflag:s5] =	ssyncset.done $0x0  }
0xa9: {  	s13 =	sadd.s32 $0x3C00, s12;
	[sflag:s5] =	ssyncadd.s32 $0xFFFFD800  }
0xaa: {  	[spmem:s2] =	stream.indirect.scatter.add.f32 [tilespmem:s26], [sflag:$0x5], $0x80, s13, s0, $0xb8;
	[tilespmem:$0x1D000] =	vst v63  }
0xab: {  	_ =	swait.ge [sflag:s6], $0x2800  }
0xac: {  	[sflag:s6] =	ssyncset.done $0x0  }
0xad: {  	s13 =	sadd.s32 $0x1D00, s12;
	[sflag:s6] =	ssyncadd.s32 $0xFFFFD800  }
0xae: {  	[tilespmem:s26], [sflag:$0x1] =	stream.indirect.gather [hbm4b:s1+s0], $0x80, s13, s0, $0xb8;
	[tilespmem:$0x1D000] =	vst v63  }
0xaf: {  	_ =	swait.ge [sflag:s7], $0x2800  }
.Ltmp1:
0xb0: {  	[sflag:s7] =	ssyncset.done $0x0;
	(pc) =	sbr.rel @p0 .LBB2_4-.Ltmp1, $4  }
0xb1: {  	s12 =	sadd.s32 $0x3C80, s12;
	[sflag:s7] =	ssyncadd.s32 $0xFFFFD800  }
0xb2: {  	[spmem:s2] =	stream.indirect.scatter.add.f32 [tilespmem:s3], [sflag:$0x4], $0x80, s12, s0, $0xb8;
	[tilespmem:$0x1D000] =	vst v63  }
0xb3: {  	_ =	swait.ge [sflag:s28], $0x2800  }
0xb4: {  	s13 =	smov.u32 s16;
	s12 =	sshra.s32 s15, $0x2;
	[sflag:s28] =	ssyncset.done $0x0  }
0xb5: {  	s13 =	sadd.s32 $0x1C80, s12;
	[sflag:s28] =	ssyncadd.s32 $0xFFFFD800  }
0xb6: {  	[tilespmem:s3], [sflag:$0x2] =	stream.indirect.gather [hbm4b:s1+s0], $0x80, s13, s0, $0xb8;
	[tilespmem:$0x1D000] =	vst v63  }
0xb7: {  	_ =	swait.ge [sflag:s5], $0x2800  }
0xb8: {  	[sflag:s5] =	ssyncset.done $0x0  }
0xb9: {  	s15 =	sadd.s32 $0x3C00, s12;
	[sflag:s5] =	ssyncadd.s32 $0xFFFFD800  }
0xba: {  	[spmem:s2] =	stream.indirect.scatter.add.f32 [tilespmem:s26], [sflag:$0x5], $0x80, s15, s0, $0xb8;
	[tilespmem:$0x1D000] =	vst v63  }
0xbb: {  	_ =	swait.ge [sflag:s6], $0x2800  }
0xbc: {  	[sflag:s6] =	ssyncset.done $0x0  }
0xbd: {  	s16 =	sadd.s32 $0x1D00, s12;
	[sflag:s6] =	ssyncadd.s32 $0xFFFFD800  }
0xbe: {  	[tilespmem:s26], [sflag:$0x1] =	stream.indirect.gather [hbm4b:s1+s0], $0x80, s16, s0, $0xb8;
	[tilespmem:$0x1D000] =	vst v63  }
0xbf: {  	_ =	swait.ge [sflag:s7], $0x2800  }
0xc0: {  	[sflag:s7] =	ssyncset.done $0x0  }
0xc1: {  	s13 =	sadd.s32 $0x3C80, s12;
	[sflag:s7] =	ssyncadd.s32 $0xFFFFD800  }
0xc2: {  	[spmem:s2] =	stream.indirect.scatter.add.f32 [tilespmem:s3], [sflag:$0x4], $0x80, s13, s0, $0xb8;
	[tilespmem:$0x1D000] =	vst v63  }
0xc3: {  	_ =	swait.ge [sflag:s28], $0x2800  }
0xc4: {  	[sflag:s28] =	ssyncset.done $0x0  }
0xc5: {  	[sflag:s28] =	ssyncadd.s32 $0xFFFFD800  }
0xc6: {  	_ =	swait.ge [sflag:s5], $0x2800  }
0xc7: {  	[sflag:s5] =	ssyncset.done $0x0  }
0xc8: {  	[sflag:s5] =	ssyncadd.s32 $0xFFFFD800  }
0xc9: {  	[spmem:s2] =	stream.indirect.scatter.add.f32 [tilespmem:s26], [sflag:$0x5], $0x80, s10, s0, $0xb8;
	[tilespmem:$0x1D000] =	vst v63  }
0xca: {  	_ =	swait.ge [sflag:s6], $0x2800  }
0xcb: {  	[sflag:s6] =	ssyncset.done $0x0  }
0xcc: {  	[sflag:s6] =	ssyncadd.s32 $0xFFFFD800  }
0xcd: {  	_ =	swait.ge [sflag:s9], $0xC80  }
0xce: {  	[sflag:s9] =	ssyncset.done $0x0  }
0xcf: {  	[sflag:s9] =	ssyncadd.s32 $0xFFFFF380  }
0xd0: {  	_ =	swait.ge [sflag:s9], $0xC80  }
0xd1: {  	[sflag:s9] =	ssyncset.done $0x0  }
0xd2: {  	s14 =	simm.s32 $0x0;
	s15 =	rddreg [dreg:$0xb];
	[sflag:s9] =	ssyncadd.s32 $0xFFFFF380  }
0xd3: {  	[tilespmem:s30], [sflag:$0x3] =	stream.linear.gather [hbm4b:s15+s14], $0xC80, $0x38;
	[tilespmem:$0x1D000] =	vst v63  }
0xd4: {  	s16 =	rddreg [dreg:$0xc]  }
0xd5: {  	[tilespmem:s31], [sflag:$0x3] =	stream.linear.gather [hbm4b:s16+s14], $0xC80, $0x38;
	[tilespmem:$0x1D000] =	vst v63  }
0xd6: {  	_ = 	snop  }
0xd7: {  	[tilespmem:s26], [sflag:$0x1] =	stream.indirect.gather [hbm4b:s1+s0], $0x80, s14, s0, $0xb8;
	[tilespmem:$0x1D000] =	vst v63  }
0xd8: {  	s13 =	simm.s32 $0x80  }
0xd9: {  	[tilespmem:s3], [sflag:$0x2] =	stream.indirect.gather [hbm4b:s1+s0], $0x80, s13, s0, $0xb8;
	[tilespmem:$0x1D000] =	vst v63  }
0xda: {  	_ =	swait.ge [sflag:s5], $0x2800  }
0xdb: {  	[sflag:s5] =	ssyncset.done $0x0  }
0xdc: {  	s14 =	simm.s32 $0x2000;
	[sflag:s5] =	ssyncadd.s32 $0xFFFFD800  }
0xdd: {  	[spmem:s2] =	stream.indirect.scatter.add.f32 [tilespmem:s26], [sflag:$0x5], $0x80, s14, s0, $0xb8;
	[tilespmem:$0x1D000] =	vst v63  }
0xde: {  	_ =	swait.ge [sflag:s6], $0x2800  }
0xdf: {  	[sflag:s6] =	ssyncset.done $0x0  }
0xe0: {  	s15 =	simm.s32 $0x100;
	[sflag:s6] =	ssyncadd.s32 $0xFFFFD800  }
0xe1: {  	[tilespmem:s26], [sflag:$0x1] =	stream.indirect.gather [hbm4b:s1+s0], $0x80, s15, s0, $0xb8;
	[tilespmem:$0x1D000] =	vst v63  }
0xe2: {  	_ =	swait.ge [sflag:s7], $0x2800  }
0xe3: {  	[sflag:s7] =	ssyncset.done $0x0  }
0xe4: {  	s16 =	simm.s32 $0x2080;
	[sflag:s7] =	ssyncadd.s32 $0xFFFFD800  }
0xe5: {  	[spmem:s2] =	stream.indirect.scatter.add.f32 [tilespmem:s3], [sflag:$0x4], $0x80, s16, s0, $0xb8;
	[tilespmem:$0x1D000] =	vst v63  }
0xe6: {  	_ =	swait.ge [sflag:s28], $0x2800  }
0xe7: {  	s12 =	simm.s32 $0x100;
	s13 =	simm.s32 $0x800;
	[sflag:s28] =	ssyncset.done $0x0  }
.LBB2_6:
0xe8: {  	s14 =	sadd.s32 $0x80, s12  }
0xe9: {  	[sflag:s28] =	ssyncadd.s32 $0xFFFFD800;
	s15 =	smov.u32 s13;
	s16 =	sadd.s32 $0x400, s13  }
0xea: {  	[tilespmem:s3], [sflag:$0x2] =	stream.indirect.gather [hbm4b:s1+s0], $0x80, s14, s0, $0xb8;
	[tilespmem:$0x1D000] =	vst v63  }
0xeb: {  	p0 =	sne.s32 s13, $0x2C00;
	_ =	swait.ge [sflag:s5], $0x2800  }
0xec: {  	[sflag:s5] =	ssyncset.done $0x0  }
0xed: {  	s13 =	sadd.s32 $0x2000, s12;
	[sflag:s5] =	ssyncadd.s32 $0xFFFFD800  }
0xee: {  	[spmem:s2] =	stream.indirect.scatter.add.f32 [tilespmem:s26], [sflag:$0x5], $0x80, s13, s0, $0xb8;
	[tilespmem:$0x1D000] =	vst v63  }
0xef: {  	_ =	swait.ge [sflag:s6], $0x2800  }
0xf0: {  	[sflag:s6] =	ssyncset.done $0x0  }
0xf1: {  	s13 =	sadd.s32 $0x100, s12;
	[sflag:s6] =	ssyncadd.s32 $0xFFFFD800  }
0xf2: {  	[tilespmem:s26], [sflag:$0x1] =	stream.indirect.gather [hbm4b:s1+s0], $0x80, s13, s0, $0xb8;
	[tilespmem:$0x1D000] =	vst v63  }
0xf3: {  	_ =	swait.ge [sflag:s7], $0x2800  }
.Ltmp2:
0xf4: {  	[sflag:s7] =	ssyncset.done $0x0;
	(pc) =	sbr.rel @p0 .LBB2_6-.Ltmp2, $4  }
0xf5: {  	s12 =	sadd.s32 $0x2080, s12;
	[sflag:s7] =	ssyncadd.s32 $0xFFFFD800  }
0xf6: {  	[spmem:s2] =	stream.indirect.scatter.add.f32 [tilespmem:s3], [sflag:$0x4], $0x80, s12, s0, $0xb8;
	[tilespmem:$0x1D000] =	vst v63  }
0xf7: {  	_ =	swait.ge [sflag:s28], $0x2800  }
0xf8: {  	s13 =	smov.u32 s16;
	s12 =	sshra.s32 s15, $0x2;
	[sflag:s28] =	ssyncset.done $0x0  }
0xf9: {  	s13 =	sadd.s32 $0x80, s12;
	[sflag:s28] =	ssyncadd.s32 $0xFFFFD800  }
0xfa: {  	[tilespmem:s3], [sflag:$0x2] =	stream.indirect.gather [hbm4b:s1+s0], $0x80, s13, s0, $0xb8;
	[tilespmem:$0x1D000] =	vst v63  }
0xfb: {  	_ =	swait.ge [sflag:s5], $0x2800  }
0xfc: {  	[sflag:s5] =	ssyncset.done $0x0  }
0xfd: {  	s15 =	sadd.s32 $0x2000, s12;
	[sflag:s5] =	ssyncadd.s32 $0xFFFFD800  }
0xfe: {  	[spmem:s2] =	stream.indirect.scatter.add.f32 [tilespmem:s26], [sflag:$0x5], $0x80, s15, s0, $0xb8;
	[tilespmem:$0x1D000] =	vst v63  }
0xff: {  	_ =	swait.ge [sflag:s6], $0x2800  }
0x100: {  	[sflag:s6] =	ssyncset.done $0x0  }
0x101: {  	s16 =	sadd.s32 $0x100, s12;
	[sflag:s6] =	ssyncadd.s32 $0xFFFFD800  }
0x102: {  	[tilespmem:s26], [sflag:$0x1] =	stream.indirect.gather [hbm4b:s1+s0], $0x80, s16, s0, $0xb8;
	[tilespmem:$0x1D000] =	vst v63  }
0x103: {  	_ =	swait.ge [sflag:s7], $0x2800  }
0x104: {  	[sflag:s7] =	ssyncset.done $0x0  }
0x105: {  	s14 =	sadd.s32 $0x2080, s12;
	[sflag:s7] =	ssyncadd.s32 $0xFFFFD800  }
0x106: {  	[spmem:s2] =	stream.indirect.scatter.add.f32 [tilespmem:s3], [sflag:$0x4], $0x80, s14, s0, $0xb8;
	[tilespmem:$0x1D000] =	vst v63  }
0x107: {  	_ =	swait.ge [sflag:s28], $0x2800  }
0x108: {  	[sflag:s28] =	ssyncset.done $0x0  }
0x109: {  	[sflag:s28] =	ssyncadd.s32 $0xFFFFD800  }
0x10a: {  	_ =	swait.ge [sflag:s5], $0x2800  }
0x10b: {  	[sflag:s5] =	ssyncset.done $0x0  }
0x10c: {  	[sflag:s5] =	ssyncadd.s32 $0xFFFFD800  }
0x10d: {  	[spmem:s2] =	stream.indirect.scatter.add.f32 [tilespmem:s26], [sflag:$0x5], $0x80, s8, s0, $0xb8;
	[tilespmem:$0x1D000] =	vst v63  }
0x10e: {  	_ =	swait.ge [sflag:s6], $0x2800  }
0x10f: {  	[sflag:s6] =	ssyncset.done $0x0  }
0x110: {  	[sflag:s6] =	ssyncadd.s32 $0xFFFFD800  }
0x111: {  	_ =	swait.ge [sflag:s9], $0xC80  }
0x112: {  	[sflag:s9] =	ssyncset.done $0x0  }
0x113: {  	[sflag:s9] =	ssyncadd.s32 $0xFFFFF380  }
0x114: {  	_ =	swait.ge [sflag:s9], $0xC80  }
0x115: {  	[sflag:s9] =	ssyncset.done $0x0  }
0x116: {  	s15 =	rddreg [dreg:$0xd];
	[sflag:s9] =	ssyncadd.s32 $0xFFFFF380  }
0x117: {  	[tilespmem:s4], [sflag:$0x3] =	stream.linear.gather [hbm4b:s15+s4], $0xC80, $0x38;
	[tilespmem:$0x1D000] =	vst v63  }
0x118: {  	s16 =	rddreg [dreg:$0xe]  }
0x119: {  	[tilespmem:s29], [sflag:$0x3] =	stream.linear.gather [hbm4b:s16+s4], $0xC80, $0x38;
	[tilespmem:$0x1D000] =	vst v63  }
0x11a: {  	_ = 	snop  }
0x11b: {  	[tilespmem:s26], [sflag:$0x1] =	stream.indirect.gather [hbm4b:s1+s0], $0x80, s30, s0, $0xb8;
	[tilespmem:$0x1D000] =	vst v63  }
0x11c: {  	s13 =	simm.s32 $0x1080  }
0x11d: {  	[tilespmem:s3], [sflag:$0x2] =	stream.indirect.gather [hbm4b:s1+s0], $0x80, s13, s0, $0xb8;
	[tilespmem:$0x1D000] =	vst v63  }
0x11e: {  	_ =	swait.ge [sflag:s5], $0x2800  }
0x11f: {  	[sflag:s5] =	ssyncset.done $0x0  }
0x120: {  	s14 =	simm.s32 $0x3000;
	[sflag:s5] =	ssyncadd.s32 $0xFFFFD800  }
0x121: {  	[spmem:s2] =	stream.indirect.scatter.add.f32 [tilespmem:s26], [sflag:$0x5], $0x80, s14, s0, $0xb8;
	[tilespmem:$0x1D000] =	vst v63  }
0x122: {  	_ =	swait.ge [sflag:s6], $0x2800  }
0x123: {  	[sflag:s6] =	ssyncset.done $0x0  }
0x124: {  	s15 =	simm.s32 $0x1100;
	[sflag:s6] =	ssyncadd.s32 $0xFFFFD800  }
0x125: {  	[tilespmem:s26], [sflag:$0x1] =	stream.indirect.gather [hbm4b:s1+s0], $0x80, s15, s0, $0xb8;
	[tilespmem:$0x1D000] =	vst v63  }
0x126: {  	_ =	swait.ge [sflag:s7], $0x2800  }
0x127: {  	[sflag:s7] =	ssyncset.done $0x0  }
0x128: {  	s16 =	simm.s32 $0x3080;
	[sflag:s7] =	ssyncadd.s32 $0xFFFFD800  }
0x129: {  	[spmem:s2] =	stream.indirect.scatter.add.f32 [tilespmem:s3], [sflag:$0x4], $0x80, s16, s0, $0xb8;
	[tilespmem:$0x1D000] =	vst v63  }
0x12a: {  	_ =	swait.ge [sflag:s28], $0x2800  }
0x12b: {  	s12 =	simm.s32 $0xFFFFF500;
	s13 =	simm.s32 $0xFFFFD800;
	[sflag:s28] =	ssyncset.done $0x0  }
.LBB2_8:
0x12c: {  	s14 =	sadd.s32 $0x1C80, s12  }
0x12d: {  	[sflag:s28] =	ssyncadd.s32 $0xFFFFD800;
	s15 =	smov.u32 s13;
	s16 =	sadd.s32 $0x400, s13  }
0x12e: {  	[tilespmem:s3], [sflag:$0x2] =	stream.indirect.gather [hbm4b:s1+s0], $0x80, s14, s0, $0xb8;
	[tilespmem:$0x1D000] =	vst v63  }
0x12f: {  	p0 =	sne.s32 s13, $0xFFFFFC00;
	_ =	swait.ge [sflag:s5], $0x2800  }
0x130: {  	[sflag:s5] =	ssyncset.done $0x0  }
0x131: {  	s13 =	sadd.s32 $0x3C00, s12;
	[sflag:s5] =	ssyncadd.s32 $0xFFFFD800  }
0x132: {  	[spmem:s2] =	stream.indirect.scatter.add.f32 [tilespmem:s26], [sflag:$0x5], $0x80, s13, s0, $0xb8;
	[tilespmem:$0x1D000] =	vst v63  }
0x133: {  	_ =	swait.ge [sflag:s6], $0x2800  }
0x134: {  	[sflag:s6] =	ssyncset.done $0x0  }
0x135: {  	s13 =	sadd.s32 $0x1D00, s12;
	[sflag:s6] =	ssyncadd.s32 $0xFFFFD800  }
0x136: {  	[tilespmem:s26], [sflag:$0x1] =	stream.indirect.gather [hbm4b:s1+s0], $0x80, s13, s0, $0xb8;
	[tilespmem:$0x1D000] =	vst v63  }
0x137: {  	_ =	swait.ge [sflag:s7], $0x2800  }
.Ltmp3:
0x138: {  	[sflag:s7] =	ssyncset.done $0x0;
	(pc) =	sbr.rel @p0 .LBB2_8-.Ltmp3, $4  }
0x139: {  	s12 =	sadd.s32 $0x3C80, s12;
	[sflag:s7] =	ssyncadd.s32 $0xFFFFD800  }
0x13a: {  	[spmem:s2] =	stream.indirect.scatter.add.f32 [tilespmem:s3], [sflag:$0x4], $0x80, s12, s0, $0xb8;
	[tilespmem:$0x1D000] =	vst v63  }
0x13b: {  	_ =	swait.ge [sflag:s28], $0x2800  }
0x13c: {  	s13 =	smov.u32 s16;
	s12 =	sshra.s32 s15, $0x2;
	[sflag:s28] =	ssyncset.done $0x0  }
0x13d: {  	s13 =	sadd.s32 $0x1C80, s12;
	[sflag:s28] =	ssyncadd.s32 $0xFFFFD800  }
0x13e: {  	[tilespmem:s3], [sflag:$0x2] =	stream.indirect.gather [hbm4b:s1+s0], $0x80, s13, s0, $0xb8;
	[tilespmem:$0x1D000] =	vst v63  }
0x13f: {  	_ =	swait.ge [sflag:s5], $0x2800  }
0x140: {  	[sflag:s5] =	ssyncset.done $0x0  }
0x141: {  	s16 =	sadd.s32 $0x3C00, s12;
	[sflag:s5] =	ssyncadd.s32 $0xFFFFD800  }
0x142: {  	[spmem:s2] =	stream.indirect.scatter.add.f32 [tilespmem:s26], [sflag:$0x5], $0x80, s16, s0, $0xb8;
	[tilespmem:$0x1D000] =	vst v63  }
0x143: {  	_ =	swait.ge [sflag:s6], $0x2800  }
0x144: {  	[sflag:s6] =	ssyncset.done $0x0  }
0x145: {  	s14 =	sadd.s32 $0x1D00, s12;
	[sflag:s6] =	ssyncadd.s32 $0xFFFFD800  }
0x146: {  	[tilespmem:s26], [sflag:$0x1] =	stream.indirect.gather [hbm4b:s1+s0], $0x80, s14, s0, $0xb8;
	[tilespmem:$0x1D000] =	vst v63  }
0x147: {  	_ =	swait.ge [sflag:s7], $0x2800  }
0x148: {  	[sflag:s7] =	ssyncset.done $0x0  }
0x149: {  	s15 =	sadd.s32 $0x3C80, s12;
	[sflag:s7] =	ssyncadd.s32 $0xFFFFD800  }
0x14a: {  	[spmem:s2] =	stream.indirect.scatter.add.f32 [tilespmem:s3], [sflag:$0x4], $0x80, s15, s0, $0xb8;
	[tilespmem:$0x1D000] =	vst v63  }
0x14b: {  	_ =	swait.ge [sflag:s28], $0x2800  }
0x14c: {  	[sflag:s28] =	ssyncset.done $0x0  }
0x14d: {  	[sflag:s28] =	ssyncadd.s32 $0xFFFFD800  }
0x14e: {  	_ =	swait.ge [sflag:s5], $0x2800  }
0x14f: {  	[sflag:s5] =	ssyncset.done $0x0  }
0x150: {  	[sflag:s5] =	ssyncadd.s32 $0xFFFFD800  }
0x151: {  	[spmem:s2] =	stream.indirect.scatter.add.f32 [tilespmem:s26], [sflag:$0x5], $0x80, s10, s0, $0xb8;
	[tilespmem:$0x1D000] =	vst v63  }
0x152: {  	_ =	swait.ge [sflag:s6], $0x2800  }
0x153: {  	[sflag:s6] =	ssyncset.done $0x0  }
0x154: {  	[sflag:s6] =	ssyncadd.s32 $0xFFFFD800  }
0x155: {  	_ =	swait.ge [sflag:s9], $0xC80  }
0x156: {  	[sflag:s9] =	ssyncset.done $0x0  }
0x157: {  	[sflag:s9] =	ssyncadd.s32 $0xFFFFF380  }
0x158: {  	_ =	swait.ge [sflag:s9], $0xC80  }
0x159: {  	[sflag:s9] =	ssyncset.done $0x0  }
0x15a: {  	s16 =	simm.s32 $0x0;
	[sflag:s9] =	ssyncadd.s32 $0xFFFFF380  }
0x15b: {  	[tilespmem:s26], [sflag:$0x1] =	stream.indirect.gather [hbm4b:s1+s0], $0x80, s16, s0, $0xb8;
	[tilespmem:$0x1D000] =	vst v63  }
0x15c: {  	s13 =	simm.s32 $0x80  }
0x15d: {  	[tilespmem:s3], [sflag:$0x2] =	stream.indirect.gather [hbm4b:s1+s0], $0x80, s13, s0, $0xb8;
	[tilespmem:$0x1D000] =	vst v63  }
0x15e: {  	_ =	swait.ge [sflag:s5], $0x2800  }
0x15f: {  	[sflag:s5] =	ssyncset.done $0x0  }
0x160: {  	s14 =	simm.s32 $0x2000;
	[sflag:s5] =	ssyncadd.s32 $0xFFFFD800  }
0x161: {  	[spmem:s2] =	stream.indirect.scatter.add.f32 [tilespmem:s26], [sflag:$0x5], $0x80, s14, s0, $0xb8;
	[tilespmem:$0x1D000] =	vst v63  }
0x162: {  	_ =	swait.ge [sflag:s6], $0x2800  }
0x163: {  	[sflag:s6] =	ssyncset.done $0x0  }
0x164: {  	s15 =	simm.s32 $0x100;
	[sflag:s6] =	ssyncadd.s32 $0xFFFFD800  }
0x165: {  	[tilespmem:s26], [sflag:$0x1] =	stream.indirect.gather [hbm4b:s1+s0], $0x80, s15, s0, $0xb8;
	[tilespmem:$0x1D000] =	vst v63  }
0x166: {  	_ =	swait.ge [sflag:s7], $0x2800  }
0x167: {  	[sflag:s7] =	ssyncset.done $0x0  }
0x168: {  	s16 =	simm.s32 $0x2080;
	[sflag:s7] =	ssyncadd.s32 $0xFFFFD800  }
0x169: {  	[spmem:s2] =	stream.indirect.scatter.add.f32 [tilespmem:s3], [sflag:$0x4], $0x80, s16, s0, $0xb8;
	[tilespmem:$0x1D000] =	vst v63  }
0x16a: {  	_ =	swait.ge [sflag:s28], $0x2800  }
0x16b: {  	s12 =	simm.s32 $0x100;
	s13 =	simm.s32 $0x800;
	[sflag:s28] =	ssyncset.done $0x0  }
.LBB2_10:
0x16c: {  	s14 =	sadd.s32 $0x80, s12  }
0x16d: {  	[sflag:s28] =	ssyncadd.s32 $0xFFFFD800;
	s15 =	smov.u32 s13;
	s16 =	sadd.s32 $0x400, s13  }
0x16e: {  	[tilespmem:s3], [sflag:$0x2] =	stream.indirect.gather [hbm4b:s1+s0], $0x80, s14, s0, $0xb8;
	[tilespmem:$0x1D000] =	vst v63  }
0x16f: {  	p0 =	sne.s32 s13, $0x2C00;
	_ =	swait.ge [sflag:s5], $0x2800  }
0x170: {  	[sflag:s5] =	ssyncset.done $0x0  }
0x171: {  	s13 =	sadd.s32 $0x2000, s12;
	[sflag:s5] =	ssyncadd.s32 $0xFFFFD800  }
0x172: {  	[spmem:s2] =	stream.indirect.scatter.add.f32 [tilespmem:s26], [sflag:$0x5], $0x80, s13, s0, $0xb8;
	[tilespmem:$0x1D000] =	vst v63  }
0x173: {  	_ =	swait.ge [sflag:s6], $0x2800  }
0x174: {  	[sflag:s6] =	ssyncset.done $0x0  }
0x175: {  	s13 =	sadd.s32 $0x100, s12;
	[sflag:s6] =	ssyncadd.s32 $0xFFFFD800  }
0x176: {  	[tilespmem:s26], [sflag:$0x1] =	stream.indirect.gather [hbm4b:s1+s0], $0x80, s13, s0, $0xb8;
	[tilespmem:$0x1D000] =	vst v63  }
0x177: {  	_ =	swait.ge [sflag:s7], $0x2800  }
.Ltmp4:
0x178: {  	[sflag:s7] =	ssyncset.done $0x0;
	(pc) =	sbr.rel @p0 .LBB2_10-.Ltmp4, $4  }
0x179: {  	s12 =	sadd.s32 $0x2080, s12;
	[sflag:s7] =	ssyncadd.s32 $0xFFFFD800  }
0x17a: {  	[spmem:s2] =	stream.indirect.scatter.add.f32 [tilespmem:s3], [sflag:$0x4], $0x80, s12, s0, $0xb8;
	[tilespmem:$0x1D000] =	vst v63  }
0x17b: {  	_ =	swait.ge [sflag:s28], $0x2800  }
0x17c: {  	s13 =	smov.u32 s16;
	s12 =	sshra.s32 s15, $0x2;
	[sflag:s28] =	ssyncset.done $0x0  }
0x17d: {  	s13 =	sadd.s32 $0x80, s12;
	[sflag:s28] =	ssyncadd.s32 $0xFFFFD800  }
0x17e: {  	[tilespmem:s3], [sflag:$0x2] =	stream.indirect.gather [hbm4b:s1+s0], $0x80, s13, s0, $0xb8;
	[tilespmem:$0x1D000] =	vst v63  }
0x17f: {  	_ =	swait.ge [sflag:s5], $0x2800  }
0x180: {  	[sflag:s5] =	ssyncset.done $0x0  }
0x181: {  	s15 =	sadd.s32 $0x2000, s12;
	[sflag:s5] =	ssyncadd.s32 $0xFFFFD800  }
0x182: {  	[spmem:s2] =	stream.indirect.scatter.add.f32 [tilespmem:s26], [sflag:$0x5], $0x80, s15, s0, $0xb8;
	[tilespmem:$0x1D000] =	vst v63  }
0x183: {  	_ =	swait.ge [sflag:s6], $0x2800  }
0x184: {  	[sflag:s6] =	ssyncset.done $0x0  }
0x185: {  	s16 =	sadd.s32 $0x100, s12;
	[sflag:s6] =	ssyncadd.s32 $0xFFFFD800  }
0x186: {  	[tilespmem:s26], [sflag:$0x1] =	stream.indirect.gather [hbm4b:s1+s0], $0x80, s16, s0, $0xb8;
	[tilespmem:$0x1D000] =	vst v63  }
0x187: {  	_ =	swait.ge [sflag:s7], $0x2800  }
0x188: {  	[sflag:s7] =	ssyncset.done $0x0  }
0x189: {  	s14 =	sadd.s32 $0x2080, s12;
	[sflag:s7] =	ssyncadd.s32 $0xFFFFD800  }
0x18a: {  	[spmem:s2] =	stream.indirect.scatter.add.f32 [tilespmem:s3], [sflag:$0x4], $0x80, s14, s0, $0xb8;
	[tilespmem:$0x1D000] =	vst v63  }
0x18b: {  	_ =	swait.ge [sflag:s28], $0x2800  }
0x18c: {  	[sflag:s28] =	ssyncset.done $0x0  }
0x18d: {  	[sflag:s28] =	ssyncadd.s32 $0xFFFFD800  }
0x18e: {  	_ =	swait.ge [sflag:s5], $0x2800  }
0x18f: {  	[sflag:s5] =	ssyncset.done $0x0  }
0x190: {  	[sflag:s5] =	ssyncadd.s32 $0xFFFFD800  }
0x191: {  	[spmem:s2] =	stream.indirect.scatter.add.f32 [tilespmem:s26], [sflag:$0x5], $0x80, s8, s0, $0xb8;
	[tilespmem:$0x1D000] =	vst v63  }
0x192: {  	_ =	swait.ge [sflag:s6], $0x2800  }
0x193: {  	s15 =	stileid.u32;
	[sflag:s6] =	ssyncset.done $0x0  }
0x194: {  	s11 =	sadd.s32 $0x1, s11;
	s12 =	sshll.u32 s15, $0x6;
	[sflag:s6] =	ssyncadd.s32 $0xFFFFD800  }
0x195: {  	p0 =	sne.s32 s11, s18;
	s12 =	sor.u32 $0x1C04, s12;
	[bflag:$0x0] =	sbarrier.arrive $0xFFFF  }
.Ltmp5:
0x196: {  	s16 =	sshrl.u32 s17, $0x3;
	s14 =	rddreg [dreg:$0xf];
	(pc) =	sbr.rel @p0 .LBB2_1-.Ltmp5, $4  }
0x197: {  	[hbm:s14], [sflag:s12] =	dma.local [spmem:s16], $0x2800  }
0x198: {  	_ =	swait.ge [sflag:s28], $0x2800  }
0x199: {  	[sflag:s28] =	ssyncset.done $0x0  }
0x19a: {  	[sflag:s28] =	ssyncadd.s32 $0xFFFFD800  }
0x19b: {  	_ =	sfence.sel $0x180000  }
0x19c: {  	[bflag:$0x0] =	sbarrier.arrive $0xFFFF  }
0x19d: {  	_ =	strace $0x9000004A  }
0x19e: {  	s0 =	stileid.u32;
	[bflag:$0x2] =	sbarrier.arrive $0xFFFF  }
0x19f: {  	p0 =	sne.s32 s0, $0x0;
	s0 =	rddreg [dreg:$0x3]  }
0x1a0: {  	s0 =	sadd.s32 @!p0 $0x100000, s0  }
0x1a1: {  	[sflag:s0] =	ssyncadd.tile.s32 @!p0 $0x1;
	_ =	shalt  }
.Lfunc_end2:
_tile_overlayer_lowered:
.L_overlay_start_2:
0x1a2: {  	(tag) =	ssettag $0x2  }
0x1a3: {  	s0 =	rddreg [dreg:$0x0];
	s2 =	stileid.u32  }
0x1a4: {  	s1 =	rddreg [dreg:$0x1];
	p0 =	sne.s32 s2, $0x0  }
0x1a5: {  	s3 =	rddreg [dreg:$0x2];
	[bflag:$0x3] =	sbarrier.arrive $0xFFFF;
	s2 =	simm.s32 @!p0 $0x1C04  }
0x1a6: {  	[timem:s3], [sflag:s2] =	dma.local @!p0 [hbm:s0], s1  }
0x1a7: {  	s0 =	simm.s32 @!p0 $0x4  }
0x1a8: {  	_ =	swait.ge @!p0 [sflag:s0], s1  }
0x1a9: {  	s1 =	ssub.s32 @!p0 $0x0, s1;
	[sflag:s0] =	ssyncset.done @!p0 $0x0  }
0x1aa: {  	[sflag:s0] =	ssyncadd.s32 @!p0 s1  }
0x1ab: {  	[bflag:$0x3] =	sbarrier.arrive $0xFFFF  }
0x1ac: {  	_ =	shalt  }

</sc_bundles>
